<compile_context>
chip_gen: v7x
topology: tpu7x:2x2x1
jax: 0.10.2.dev20260603
libtpu: 0.0.44.dev20260713+nightly
codegen_flags: <defaults>
</compile_context>

<pallas_src>
import functools

import jax
import jax.numpy as jnp
from jax import lax
from jax.experimental import pallas as pl
from jax.experimental.pallas import tpu as pltpu
from jax.experimental.pallas import tpu_sc as plsc

NC = 2
NS = 16
NW = NC * NS
L = 16

CBA = 6

_SC_PARAMS = dict(
    compiler_params=pltpu.CompilerParams(
        needs_layout_passes=False, use_tc_tiling_on_sc=False),
)


def _sc_mesh():
    return plsc.VectorSubcoreMesh(core_axis_name="c", subcore_axis_name="s")


def _units(f):
    units = [(2 * i, 2) for i in range(f // 2)]
    if f % 2:
        units.append((f - 1, 1))
    return units


def _plan_passes(f):
    passes, cur, acc = [], [], 0
    for u in _units(f):
        if acc + u[1] > CBA:
            passes.append(cur)
            cur, acc = [], 0
        cur.append(u)
        acc += u[1]
    if cur:
        passes.append(cur)
    return passes


def _fill_iota(iota_v, nv):
    base = lax.iota(jnp.int32, L)
    for i in range(nv // L):
        iota_v[pl.ds(i * L, L)] = base + i * L
    if nv % L:
        iota_v[pl.ds(nv - L, L)] = base + (nv - L)


def _make_deg_kernel(n, e):
    ew = e // NW
    gw = ew // L
    nv = n // L

    @functools.partial(
        pl.kernel,
        out_type=[jax.ShapeDtypeStruct((nv, L), jnp.float32)] * NC,
        mesh=_sc_mesh(),
        scratch_types=[
            pltpu.VMEM((ew,), jnp.int32),
            pltpu.VMEM((nv, L), jnp.float32),
            pltpu.VMEM((nv,), jnp.int32),
            pltpu.VMEM_SHARED((nv, L), jnp.float32),
        ],
        **_SC_PARAMS,
    )
    def deg_kernel(ei_hbm, out0, out1, col_v, cnt_v, iota_v, shared):
        cid = lax.axis_index("c")
        sid = lax.axis_index("s")
        wid = sid * NC + cid
        base = wid * ew
        pltpu.sync_copy(ei_hbm.at[1, pl.ds(base, ew)], col_v)
        _fill_iota(iota_v, nv)

        zeros = jnp.zeros((L,), jnp.float32)

        @plsc.parallel_loop(0, nv)
        def _(i):
            cnt_v[i] = zeros

        @pl.when(sid == 0)
        def _():
            pltpu.sync_copy(cnt_v, shared)

        plsc.subcore_barrier()

        ones = jnp.ones((L,), jnp.float32)

        @plsc.parallel_loop(0, gw, unroll=4)
        def _(i):
            c = col_v[pl.ds(i * L, L)]
            plsc.addupdate_scatter(
                cnt_v, [jnp.right_shift(c, 4), jnp.bitwise_and(c, 15)], ones)

        pltpu.sync_copy(cnt_v, shared.at[iota_v], add=True)
        plsc.subcore_barrier()

        @pl.when(jnp.logical_and(sid == 0, cid == 0))
        def _():
            pltpu.sync_copy(shared, out0)

        @pl.when(jnp.logical_and(sid == 0, cid == 1))
        def _():
            pltpu.sync_copy(shared, out1)

    return deg_kernel


def _make_agg_kernel(n, e, f):
    ew = e // NW
    gw = ew // L
    nv = n // L
    passes = _plan_passes(f)
    ntab = len(_units(f))
    wtab = max(len(p) for p in passes)
    wacc = max(sum(u[1] for u in p) for p in passes)

    @functools.partial(
        pl.kernel,
        out_type=[jax.ShapeDtypeStruct((f * nv, L), jnp.float32)] * NC,
        mesh=_sc_mesh(),
        scratch_types=(
            [pltpu.VMEM((ew,), jnp.int32)] * 2
            + [pltpu.VMEM((nv,), jnp.int32)]
            + [pltpu.VMEM((n,), jnp.int32)] * wtab
            + [pltpu.VMEM((nv, L), jnp.float32)] * wacc
            + [pltpu.VMEM_SHARED((f, nv, L), jnp.float32)]
            + [pltpu.VMEM_SHARED((ntab, n), jnp.int32)]
        ),
        **_SC_PARAMS,
    )
    def agg_kernel(*refs):
        tab_hbms = refs[:ntab]
        ei_hbm, out0, out1 = refs[ntab:ntab + 3]
        row_v, col_v, iota_v = refs[ntab + 3:ntab + 6]
        tabs = refs[ntab + 6:ntab + 6 + wtab]
        accs = refs[ntab + 6 + wtab:ntab + 6 + wtab + wacc]
        shared = refs[ntab + 6 + wtab + wacc]
        stab = refs[ntab + 7 + wtab + wacc]

        cid = lax.axis_index("c")
        sid = lax.axis_index("s")
        wid = sid * NC + cid
        base = wid * ew
        pltpu.sync_copy(ei_hbm.at[0, pl.ds(base, ew)], row_v)
        pltpu.sync_copy(ei_hbm.at[1, pl.ds(base, ew)], col_v)
        _fill_iota(iota_v, nv)

        zeros = jnp.zeros((L,), jnp.float32)
        unit0 = 0
        for punits in passes:
            m = sum(u[1] for u in punits)
            feat0 = punits[0][0]

            @plsc.parallel_loop(0, nv)
            def _(i):
                for j in range(m):
                    accs[j][i] = zeros

            for t, (featu, _width) in enumerate(punits):
                @pl.when(sid == ((unit0 + t) % NS))
                def _():
                    pltpu.sync_copy(tab_hbms[unit0 + t], stab.at[unit0 + t])

            for j in range(m):
                @pl.when(sid == ((feat0 + j) % NS))
                def _():
                    pltpu.sync_copy(accs[j], shared.at[feat0 + j])

            plsc.subcore_barrier()

            for t in range(len(punits)):
                pltpu.sync_copy(stab.at[unit0 + t], tabs[t])

            @plsc.parallel_loop(0, gw, unroll=4)
            def _(i):
                r = row_v[pl.ds(i * L, L)]
                c = col_v[pl.ds(i * L, L)]
                chi = jnp.right_shift(c, 4)
                clo = jnp.bitwise_and(c, 15)
                j = 0
                for t, (featu, width) in enumerate(punits):
                    g = plsc.load_gather(tabs[t], [r])
                    if width == 2:
                        a, b = plsc.unpack(
                            plsc.bitcast(g, jnp.bfloat16),
                            format=plsc.PackFormat.INTERLEAVED,
                            preferred_element_type=jnp.float32)
                        plsc.addupdate_scatter(accs[j], [chi, clo], a)
                        plsc.addupdate_scatter(accs[j + 1], [chi, clo], b)
                    else:
                        plsc.addupdate_scatter(
                            accs[j], [chi, clo], plsc.bitcast(g, jnp.float32))
                    j += width

            for j in range(m):
                pltpu.sync_copy(accs[j], shared.at[feat0 + j].at[iota_v],
                                add=True)

            plsc.subcore_barrier()

            for j in range(m):
                feat = feat0 + j

                @pl.when(jnp.logical_and(sid == (feat % NS), cid == 0))
                def _():
                    pltpu.sync_copy(shared.at[feat],
                                    out0.at[pl.ds(feat * nv, nv)])

                @pl.when(jnp.logical_and(sid == (feat % NS), cid == 1))
                def _():
                    pltpu.sync_copy(shared.at[feat],
                                    out1.at[pl.ds(feat * nv, nv)])

            unit0 += len(punits)

    return agg_kernel


def _pack_cols(cols):
    outs = []
    for feat, width in _units(len(cols)):
        if width == 2:
            au = lax.convert_element_type(
                lax.bitcast_convert_type(
                    lax.convert_element_type(cols[feat], jnp.bfloat16),
                    jnp.uint16), jnp.uint32)
            bu = lax.convert_element_type(
                lax.bitcast_convert_type(
                    lax.convert_element_type(cols[feat + 1], jnp.bfloat16),
                    jnp.uint16), jnp.uint32)
            outs.append(lax.bitcast_convert_type(
                au | (bu << 16), jnp.int32))
        else:
            outs.append(lax.bitcast_convert_type(cols[feat], jnp.int32))
    return outs


def _make_tc1a(n, d, h):
    def body(x_ref, w1_ref, *outs):
        xwT = lax.dot_general(
            w1_ref[...], x_ref[...], (((0,), (1,)), ((), ())),
            preferred_element_type=jnp.float32)
        for feat in range(h):
            outs[feat][...] = xwT[feat]

    out_shape = [jax.ShapeDtypeStruct((n,), jnp.float32) for _ in range(h)]
    return pl.pallas_call(body, out_shape=out_shape)


def _make_tc1b(n, h):
    nt = len(_units(h))

    def body(*refs):
        deg0_ref, deg1_ref = refs[0:2]
        xw_cols = refs[2:2 + h]
        outs = refs[2 + h:]
        deg = deg0_ref[...] + deg1_ref[...] + 1.0
        dis = lax.rsqrt(deg)
        cols = [dis * xw_cols[feat][...] for feat in range(h)]
        for t, p in enumerate(_pack_cols(cols)):
            outs[t][...] = p
        for feat in range(h):
            outs[nt + feat][...] = cols[feat]
        outs[nt + h][...] = dis

    out_shape = ([jax.ShapeDtypeStruct((n,), jnp.int32) for _ in range(nt)]
                 + [jax.ShapeDtypeStruct((n,), jnp.float32)
                    for _ in range(h + 1)])
    return pl.pallas_call(body, out_shape=out_shape)


def _make_tc2(n, h, c):
    nt = len(_units(c))

    def body(*refs):
        p0_ref, p1_ref = refs[0:2]
        xw_cols = refs[2:2 + h]
        dis_ref, b1_ref, w2_ref = refs[2 + h:5 + h]
        outs = refs[5 + h:]
        dis = dis_ref[...]
        psum = jnp.stack([p0_ref[pl.ds(feat * n, n)]
                          + p1_ref[pl.ds(feat * n, n)]
                          + xw_cols[feat][...] for feat in range(h)])
        a1 = dis * psum + b1_ref[...]
        hmat = jnp.maximum(a1, 0.0)
        xw2T = jnp.dot(w2_ref[...].T, hmat,
                       preferred_element_type=jnp.float32)
        cols = [dis * xw2T[feat] for feat in range(c)]
        for t, p in enumerate(_pack_cols(cols)):
            outs[t][...] = p
        for feat in range(c):
            outs[nt + feat][...] = cols[feat]

    out_shape = ([jax.ShapeDtypeStruct((n,), jnp.int32) for _ in range(nt)]
                 + [jax.ShapeDtypeStruct((n,), jnp.float32)
                    for _ in range(c)])
    return pl.pallas_call(body, out_shape=out_shape)


def _make_tc3(n, c):
    def body(*refs):
        q0_ref, q1_ref = refs[0:2]
        xw_cols = refs[2:2 + c]
        dis_ref, b2_ref, out_ref = refs[2 + c:]
        dis = dis_ref[...]
        qsum = jnp.stack([q0_ref[pl.ds(feat * n, n)]
                          + q1_ref[pl.ds(feat * n, n)]
                          + xw_cols[feat][...] for feat in range(c)])
        a2 = dis * qsum + b2_ref[...]
        m = jnp.max(a2, axis=0, keepdims=True)
        s = a2 - m
        lse = jnp.log(jnp.sum(jnp.exp(s), axis=0, keepdims=True))
        out_ref[...] = s - lse

    return pl.pallas_call(
        body, out_shape=jax.ShapeDtypeStruct((c, n), jnp.float32))


def kernel(x, edge_index, W1, b1, W2, b2):
    n, d = x.shape
    e = edge_index.shape[1]
    h = W1.shape[1]
    c = W2.shape[1]
    nt1 = len(_units(h))
    nt2 = len(_units(c))

    ei = edge_index.astype(jnp.int32)
    b1c = b1.reshape(h, 1)
    b2c = b2.reshape(c, 1)

    raw1_cols = _make_tc1a(n, d, h)(x, W1)
    deg0, deg1 = _make_deg_kernel(n, e)(ei)

    tc1_outs = _make_tc1b(n, h)(
        deg0.reshape(n), deg1.reshape(n), *raw1_cols)
    tabs1 = tc1_outs[:nt1]
    xws1_cols = tc1_outs[nt1:nt1 + h]
    dis = tc1_outs[nt1 + h]

    p0, p1 = _make_agg_kernel(n, e, h)(*tabs1, ei)

    tc2_outs = _make_tc2(n, h, c)(
        p0.reshape(h * n), p1.reshape(h * n), *xws1_cols, dis, b1c, W2)
    tabs2 = tc2_outs[:nt2]
    xws2_cols = tc2_outs[nt2:]

    q0, q1 = _make_agg_kernel(n, e, c)(*tabs2, ei)

    outT = _make_tc3(n, c)(
        q0.reshape(c * n), q1.reshape(c * n), *xws2_cols, dis, b2c)
    return outT.T

# --- scband reference (transcript-rebuilt; emitter-appended) ---
"""Pipeline reference for scband-gcn-34368328302938 (READ-ONLY COPY).

The authoritative reference and input builder live on the scoring server;
editing this copy changes nothing except your own understanding.
"""

import jax, jax.numpy as jnp
import numpy as np

N = 10000
E = 320000
D = 128
H = 5
C = 8


def setup_inputs(seed: int = 0) -> dict:
    key = jax.random.key(seed)
    k1, k2, k3, k4 = jax.random.split(key, 4)
    x = jax.random.normal(k1, (N, D), dtype=jnp.float32)
    edge_index = jax.random.randint(k2, (2, E), 0, N, dtype=jnp.int64)
    W1 = jax.random.normal(k3, (D, H), dtype=jnp.float32) * (1.0 / np.sqrt(D))
    b1 = jnp.zeros((H,), dtype=jnp.float32)
    W2 = jax.random.normal(k4, (H, C), dtype=jnp.float32) * (1.0 / np.sqrt(H))
    b2 = jnp.zeros((C,), dtype=jnp.float32)
    return {"x": x, "edge_index": edge_index, "W1": W1, "b1": b1, "W2": W2, "b2": b2}


def _gcn_conv(x, edge_index, W, b):
    # Faithful GCNConv: add self-loops, symmetric deg normalization, linear transform, scatter-add aggregation
    n = x.shape[0]
    loop = jnp.arange(n, dtype=edge_index.dtype)
    row = jnp.concatenate([edge_index[0], loop])  # source nodes
    col = jnp.concatenate([edge_index[1], loop])  # destination nodes
    xw = x @ W
    edge_weight = jnp.ones(row.shape[0], dtype=xw.dtype)
    deg = jnp.zeros((n,), dtype=xw.dtype).at[col].add(edge_weight)
    deg_inv_sqrt = jnp.where(deg > 0, jax.lax.rsqrt(jnp.maximum(deg, 1e-12)), 0.0)
    norm = deg_inv_sqrt[row] * deg_inv_sqrt[col]
    msg = jnp.take(xw, row, axis=0) * norm[:, None]
    out = jnp.zeros((n, xw.shape[1]), dtype=xw.dtype).at[col].add(msg)
    return out + b


def reference(x, edge_index, W1, b1, W2, b2):
    h = _gcn_conv(x, edge_index, W1, b1)
    h = jax.nn.relu(h)
    # dropout is identity in eval mode (training=False)
    out = _gcn_conv(h, edge_index, W2, b2)
    return jax.nn.log_softmax(out, axis=1)

if __name__ == "__main__":
    import jax
    _d = setup_inputs()
    print(jax.jit(kernel)(*tuple(_d.values())))

</pallas_src>

<mosaic_0001>
#map = affine_map<(d0, d1) -> (0, 0)>
module attributes {stable_mosaic.version = 14 : i64} {
  func.func @deg_kernel(%arg0: i32, %arg1: i32, %arg2: memref<2x320000xi32, #tpu.memory_space<hbm>>, %arg3: memref<625x16xf32, #tpu.memory_space<hbm>>, %arg4: memref<625x16xf32, #tpu.memory_space<hbm>>, %arg5: memref<10000xi32, #tpu.memory_space<vmem>>, %arg6: memref<625x16xf32, #tpu.memory_space<vmem>>, %arg7: memref<625xi32, #tpu.memory_space<vmem>>, %arg8: memref<625x16xf32, #tpu.memory_space<vmem_shared>>) attributes {dimension_semantics = [#tpu.dimension_semantics<core_parallel>, #tpu.dimension_semantics<subcore_parallel>], iteration_bounds = array<i64: 2, 16>, scalar_prefetch = 0 : i64, scratch_operands = 4 : i64, tpu.core_type = #tpu.core_type<sc_vector_subcore>, window_params = [{transform_indices = #map}, {transform_indices = #map}, {transform_indices = #map}]} {
    %mul3A = arith.constant 2 : i32
    %mul3A_0 = arith.muli %arg1, %mul3A : i32
    %add3A = arith.addi %mul3A_0, %arg0 : i32
    %mul3A_1 = arith.constant 10000 : i32
    %mul3A_2 = arith.muli %add3A, %mul3A_1 : i32
    %run_scoped3A = arith.constant 1 : i32
    "tpu.region"() ({
      %run_scoped3A_228 = tpu.sem_alloc : memref<!tpu.dma_semaphore, #tpu.memory_space<semaphore_mem>>
      %dma_start3A = tpu.memref_slice %arg2[%run_scoped3A, %mul3A_2] : memref<2x320000xi32, #tpu.memory_space<hbm>> -> memref<1x10000xi32, #tpu.memory_space<hbm>>
      %dma_start3A_229 = tpu.memref_squeeze %dma_start3A : memref<1x10000xi32, #tpu.memory_space<hbm>> -> memref<10000xi32, #tpu.memory_space<hbm>>
      %dma_start3A_230 = tpu.memref_slice %arg2[%run_scoped3A, %mul3A_2] : memref<2x320000xi32, #tpu.memory_space<hbm>> -> memref<1x10000xi32, #tpu.memory_space<hbm>>
      %dma_start3A_231 = tpu.memref_squeeze %dma_start3A_230 : memref<1x10000xi32, #tpu.memory_space<hbm>> -> memref<10000xi32, #tpu.memory_space<hbm>>
      tpu.enqueue_dma source(%dma_start3A_231 : memref<10000xi32, #tpu.memory_space<hbm>>) target(%arg5 : memref<10000xi32, #tpu.memory_space<vmem>>) target_semaphore(%run_scoped3A_228 : memref<!tpu.dma_semaphore, #tpu.memory_space<semaphore_mem>>)
      %dma_wait3A = tpu.memref_slice %arg2[%run_scoped3A, %mul3A_2] : memref<2x320000xi32, #tpu.memory_space<hbm>> -> memref<1x10000xi32, #tpu.memory_space<hbm>>
      %dma_wait3A_232 = tpu.memref_squeeze %dma_wait3A : memref<1x10000xi32, #tpu.memory_space<hbm>> -> memref<10000xi32, #tpu.memory_space<hbm>>
      %dma_wait3A_233 = tpu.memref_slice %arg2[%run_scoped3A, %mul3A_2] : memref<2x320000xi32, #tpu.memory_space<hbm>> -> memref<1x10000xi32, #tpu.memory_space<hbm>>
      %dma_wait3A_234 = tpu.memref_squeeze %dma_wait3A_233 : memref<1x10000xi32, #tpu.memory_space<hbm>> -> memref<10000xi32, #tpu.memory_space<hbm>>
      tpu.wait_dma2 semaphore(%run_scoped3A_228 : memref<!tpu.dma_semaphore, #tpu.memory_space<semaphore_mem>>) src(%dma_wait3A_234 : memref<10000xi32, #tpu.memory_space<hbm>>) dst(%arg5 : memref<10000xi32, #tpu.memory_space<vmem>>)
      tpu.yield
    }) : () -> ()
    %iota3A = tpu.iota {dimensions = array<i32: 0>} : vector<16xi32>
    %add3A_3 = arith.constant 0 : i32
    %add3A_4 = vector.broadcast %add3A_3 : i32 to vector<16xi32>
    %add3A_5 = arith.addi %iota3A, %add3A_4 : vector<16xi32>
    %swap3A = arith.constant 0 : index
    %swap3A_6 = tpu.vector_load %arg7[%swap3A] {strides = array<i32>} : memref<625xi32, #tpu.memory_space<vmem>>, vector<16xi32>,
    tpu.vector_store %arg7[%swap3A], %add3A_5 {strides = array<i32>} : memref<625xi32, #tpu.memory_space<vmem>>, vector<16xi32>,
    %add3A_7 = arith.constant 16 : i32
    %add3A_8 = vector.broadcast %add3A_7 : i32 to vector<16xi32>
    %add3A_9 = arith.addi %iota3A, %add3A_8 : vector<16xi32>
    %swap3A_10 = arith.constant 16 : index
    %swap3A_11 = tpu.vector_load %arg7[%swap3A_10] {strides = array<i32>} : memref<625xi32, #tpu.memory_space<vmem>>, vector<16xi32>,
    tpu.vector_store %arg7[%swap3A_10], %add3A_9 {strides = array<i32>} : memref<625xi32, #tpu.memory_space<vmem>>, vector<16xi32>,
    %add3A_12 = arith.constant 32 : i32
    %add3A_13 = vector.broadcast %add3A_12 : i32 to vector<16xi32>
    %add3A_14 = arith.addi %iota3A, %add3A_13 : vector<16xi32>
    %swap3A_15 = arith.constant 32 : index
    %swap3A_16 = tpu.vector_load %arg7[%swap3A_15] {strides = array<i32>} : memref<625xi32, #tpu.memory_space<vmem>>, vector<16xi32>,
    tpu.vector_store %arg7[%swap3A_15], %add3A_14 {strides = array<i32>} : memref<625xi32, #tpu.memory_space<vmem>>, vector<16xi32>,
    %add3A_17 = arith.constant 48 : i32
    %add3A_18 = vector.broadcast %add3A_17 : i32 to vector<16xi32>
    %add3A_19 = arith.addi %iota3A, %add3A_18 : vector<16xi32>
    %swap3A_20 = arith.constant 48 : index
    %swap3A_21 = tpu.vector_load %arg7[%swap3A_20] {strides = array<i32>} : memref<625xi32, #tpu.memory_space<vmem>>, vector<16xi32>,
    tpu.vector_store %arg7[%swap3A_20], %add3A_19 {strides = array<i32>} : memref<625xi32, #tpu.memory_space<vmem>>, vector<16xi32>,
    %add3A_22 = arith.constant 64 : i32
    %add3A_23 = vector.broadcast %add3A_22 : i32 to vector<16xi32>
    %add3A_24 = arith.addi %iota3A, %add3A_23 : vector<16xi32>
    %swap3A_25 = arith.constant 64 : index
    %swap3A_26 = tpu.vector_load %arg7[%swap3A_25] {strides = array<i32>} : memref<625xi32, #tpu.memory_space<vmem>>, vector<16xi32>,
    tpu.vector_store %arg7[%swap3A_25], %add3A_24 {strides = array<i32>} : memref<625xi32, #tpu.memory_space<vmem>>, vector<16xi32>,
    %add3A_27 = arith.constant 80 : i32
    %add3A_28 = vector.broadcast %add3A_27 : i32 to vector<16xi32>
    %add3A_29 = arith.addi %iota3A, %add3A_28 : vector<16xi32>
    %swap3A_30 = arith.constant 80 : index
    %swap3A_31 = tpu.vector_load %arg7[%swap3A_30] {strides = array<i32>} : memref<625xi32, #tpu.memory_space<vmem>>, vector<16xi32>,
    tpu.vector_store %arg7[%swap3A_30], %add3A_29 {strides = array<i32>} : memref<625xi32, #tpu.memory_space<vmem>>, vector<16xi32>,
    %add3A_32 = arith.constant 96 : i32
    %add3A_33 = vector.broadcast %add3A_32 : i32 to vector<16xi32>
    %add3A_34 = arith.addi %iota3A, %add3A_33 : vector<16xi32>
    %swap3A_35 = arith.constant 96 : index
    %swap3A_36 = tpu.vector_load %arg7[%swap3A_35] {strides = array<i32>} : memref<625xi32, #tpu.memory_space<vmem>>, vector<16xi32>,
    tpu.vector_store %arg7[%swap3A_35], %add3A_34 {strides = array<i32>} : memref<625xi32, #tpu.memory_space<vmem>>, vector<16xi32>,
    %add3A_37 = arith.constant 112 : i32
    %add3A_38 = vector.broadcast %add3A_37 : i32 to vector<16xi32>
    %add3A_39 = arith.addi %iota3A, %add3A_38 : vector<16xi32>
    %swap3A_40 = arith.constant 112 : index
    %swap3A_41 = tpu.vector_load %arg7[%swap3A_40] {strides = array<i32>} : memref<625xi32, #tpu.memory_space<vmem>>, vector<16xi32>,
    tpu.vector_store %arg7[%swap3A_40], %add3A_39 {strides = array<i32>} : memref<625xi32, #tpu.memory_space<vmem>>, vector<16xi32>,
    %add3A_42 = arith.constant 128 : i32
    %add3A_43 = vector.broadcast %add3A_42 : i32 to vector<16xi32>
    %add3A_44 = arith.addi %iota3A, %add3A_43 : vector<16xi32>
    %swap3A_45 = arith.constant 128 : index
    %swap3A_46 = tpu.vector_load %arg7[%swap3A_45] {strides = array<i32>} : memref<625xi32, #tpu.memory_space<vmem>>, vector<16xi32>,
    tpu.vector_store %arg7[%swap3A_45], %add3A_44 {strides = array<i32>} : memref<625xi32, #tpu.memory_space<vmem>>, vector<16xi32>,
    %add3A_47 = arith.constant 144 : i32
    %add3A_48 = vector.broadcast %add3A_47 : i32 to vector<16xi32>
    %add3A_49 = arith.addi %iota3A, %add3A_48 : vector<16xi32>
    %swap3A_50 = arith.constant 144 : index
    %swap3A_51 = tpu.vector_load %arg7[%swap3A_50] {strides = array<i32>} : memref<625xi32, #tpu.memory_space<vmem>>, vector<16xi32>,
    tpu.vector_store %arg7[%swap3A_50], %add3A_49 {strides = array<i32>} : memref<625xi32, #tpu.memory_space<vmem>>, vector<16xi32>,
    %add3A_52 = arith.constant 160 : i32
    %add3A_53 = vector.broadcast %add3A_52 : i32 to vector<16xi32>
    %add3A_54 = arith.addi %iota3A, %add3A_53 : vector<16xi32>
    %swap3A_55 = arith.constant 160 : index
    %swap3A_56 = tpu.vector_load %arg7[%swap3A_55] {strides = array<i32>} : memref<625xi32, #tpu.memory_space<vmem>>, vector<16xi32>,
    tpu.vector_store %arg7[%swap3A_55], %add3A_54 {strides = array<i32>} : memref<625xi32, #tpu.memory_space<vmem>>, vector<16xi32>,
    %add3A_57 = arith.constant 176 : i32
    %add3A_58 = vector.broadcast %add3A_57 : i32 to vector<16xi32>
    %add3A_59 = arith.addi %iota3A, %add3A_58 : vector<16xi32>
    %swap3A_60 = arith.constant 176 : index
    %swap3A_61 = tpu.vector_load %arg7[%swap3A_60] {strides = array<i32>} : memref<625xi32, #tpu.memory_space<vmem>>, vector<16xi32>,
    tpu.vector_store %arg7[%swap3A_60], %add3A_59 {strides = array<i32>} : memref<625xi32, #tpu.memory_space<vmem>>, vector<16xi32>,
    %add3A_62 = arith.constant 192 : i32
    %add3A_63 = vector.broadcast %add3A_62 : i32 to vector<16xi32>
    %add3A_64 = arith.addi %iota3A, %add3A_63 : vector<16xi32>
    %swap3A_65 = arith.constant 192 : index
    %swap3A_66 = tpu.vector_load %arg7[%swap3A_65] {strides = array<i32>} : memref<625xi32, #tpu.memory_space<vmem>>, vector<16xi32>,
    tpu.vector_store %arg7[%swap3A_65], %add3A_64 {strides = array<i32>} : memref<625xi32, #tpu.memory_space<vmem>>, vector<16xi32>,
    %add3A_67 = arith.constant 208 : i32
    %add3A_68 = vector.broadcast %add3A_67 : i32 to vector<16xi32>
    %add3A_69 = arith.addi %iota3A, %add3A_68 : vector<16xi32>
    %swap3A_70 = arith.constant 208 : index
    %swap3A_71 = tpu.vector_load %arg7[%swap3A_70] {strides = array<i32>} : memref<625xi32, #tpu.memory_space<vmem>>, vector<16xi32>,
    tpu.vector_store %arg7[%swap3A_70], %add3A_69 {strides = array<i32>} : memref<625xi32, #tpu.memory_space<vmem>>, vector<16xi32>,
    %add3A_72 = arith.constant 224 : i32
    %add3A_73 = vector.broadcast %add3A_72 : i32 to vector<16xi32>
    %add3A_74 = arith.addi %iota3A, %add3A_73 : vector<16xi32>
    %swap3A_75 = arith.constant 224 : index
    %swap3A_76 = tpu.vector_load %arg7[%swap3A_75] {strides = array<i32>} : memref<625xi32, #tpu.memory_space<vmem>>, vector<16xi32>,
    tpu.vector_store %arg7[%swap3A_75], %add3A_74 {strides = array<i32>} : memref<625xi32, #tpu.memory_space<vmem>>, vector<16xi32>,
    %add3A_77 = arith.constant 240 : i32
    %add3A_78 = vector.broadcast %add3A_77 : i32 to vector<16xi32>
    %add3A_79 = arith.addi %iota3A, %add3A_78 : vector<16xi32>
    %swap3A_80 = arith.constant 240 : index
    %swap3A_81 = tpu.vector_load %arg7[%swap3A_80] {strides = array<i32>} : memref<625xi32, #tpu.memory_space<vmem>>, vector<16xi32>,
    tpu.vector_store %arg7[%swap3A_80], %add3A_79 {strides = array<i32>} : memref<625xi32, #tpu.memory_space<vmem>>, vector<16xi32>,
    %add3A_82 = arith.constant 256 : i32
    %add3A_83 = vector.broadcast %add3A_82 : i32 to vector<16xi32>
    %add3A_84 = arith.addi %iota3A, %add3A_83 : vector<16xi32>
    %swap3A_85 = arith.constant 256 : index
    %swap3A_86 = tpu.vector_load %arg7[%swap3A_85] {strides = array<i32>} : memref<625xi32, #tpu.memory_space<vmem>>, vector<16xi32>,
    tpu.vector_store %arg7[%swap3A_85], %add3A_84 {strides = array<i32>} : memref<625xi32, #tpu.memory_space<vmem>>, vector<16xi32>,
    %add3A_87 = arith.constant 272 : i32
    %add3A_88 = vector.broadcast %add3A_87 : i32 to vector<16xi32>
    %add3A_89 = arith.addi %iota3A, %add3A_88 : vector<16xi32>
    %swap3A_90 = arith.constant 272 : index
    %swap3A_91 = tpu.vector_load %arg7[%swap3A_90] {strides = array<i32>} : memref<625xi32, #tpu.memory_space<vmem>>, vector<16xi32>,
    tpu.vector_store %arg7[%swap3A_90], %add3A_89 {strides = array<i32>} : memref<625xi32, #tpu.memory_space<vmem>>, vector<16xi32>,
    %add3A_92 = arith.constant 288 : i32
    %add3A_93 = vector.broadcast %add3A_92 : i32 to vector<16xi32>
    %add3A_94 = arith.addi %iota3A, %add3A_93 : vector<16xi32>
    %swap3A_95 = arith.constant 288 : index
    %swap3A_96 = tpu.vector_load %arg7[%swap3A_95] {strides = array<i32>} : memref<625xi32, #tpu.memory_space<vmem>>, vector<16xi32>,
    tpu.vector_store %arg7[%swap3A_95], %add3A_94 {strides = array<i32>} : memref<625xi32, #tpu.memory_space<vmem>>, vector<16xi32>,
    %add3A_97 = arith.constant 304 : i32
    %add3A_98 = vector.broadcast %add3A_97 : i32 to vector<16xi32>
    %add3A_99 = arith.addi %iota3A, %add3A_98 : vector<16xi32>
    %swap3A_100 = arith.constant 304 : index
    %swap3A_101 = tpu.vector_load %arg7[%swap3A_100] {strides = array<i32>} : memref<625xi32, #tpu.memory_space<vmem>>, vector<16xi32>,
    tpu.vector_store %arg7[%swap3A_100], %add3A_99 {strides = array<i32>} : memref<625xi32, #tpu.memory_space<vmem>>, vector<16xi32>,
    %add3A_102 = arith.constant 320 : i32
    %add3A_103 = vector.broadcast %add3A_102 : i32 to vector<16xi32>
    %add3A_104 = arith.addi %iota3A, %add3A_103 : vector<16xi32>
    %swap3A_105 = arith.constant 320 : index
    %swap3A_106 = tpu.vector_load %arg7[%swap3A_105] {strides = array<i32>} : memref<625xi32, #tpu.memory_space<vmem>>, vector<16xi32>,
    tpu.vector_store %arg7[%swap3A_105], %add3A_104 {strides = array<i32>} : memref<625xi32, #tpu.memory_space<vmem>>, vector<16xi32>,
    %add3A_107 = arith.constant 336 : i32
    %add3A_108 = vector.broadcast %add3A_107 : i32 to vector<16xi32>
    %add3A_109 = arith.addi %iota3A, %add3A_108 : vector<16xi32>
    %swap3A_110 = arith.constant 336 : index
    %swap3A_111 = tpu.vector_load %arg7[%swap3A_110] {strides = array<i32>} : memref<625xi32, #tpu.memory_space<vmem>>, vector<16xi32>,
    tpu.vector_store %arg7[%swap3A_110], %add3A_109 {strides = array<i32>} : memref<625xi32, #tpu.memory_space<vmem>>, vector<16xi32>,
    %add3A_112 = arith.constant 352 : i32
    %add3A_113 = vector.broadcast %add3A_112 : i32 to vector<16xi32>
    %add3A_114 = arith.addi %iota3A, %add3A_113 : vector<16xi32>
    %swap3A_115 = arith.constant 352 : index
    %swap3A_116 = tpu.vector_load %arg7[%swap3A_115] {strides = array<i32>} : memref<625xi32, #tpu.memory_space<vmem>>, vector<16xi32>,
    tpu.vector_store %arg7[%swap3A_115], %add3A_114 {strides = array<i32>} : memref<625xi32, #tpu.memory_space<vmem>>, vector<16xi32>,
    %add3A_117 = arith.constant 368 : i32
    %add3A_118 = vector.broadcast %add3A_117 : i32 to vector<16xi32>
    %add3A_119 = arith.addi %iota3A, %add3A_118 : vector<16xi32>
    %swap3A_120 = arith.constant 368 : index
    %swap3A_121 = tpu.vector_load %arg7[%swap3A_120] {strides = array<i32>} : memref<625xi32, #tpu.memory_space<vmem>>, vector<16xi32>,
    tpu.vector_store %arg7[%swap3A_120], %add3A_119 {strides = array<i32>} : memref<625xi32, #tpu.memory_space<vmem>>, vector<16xi32>,
    %add3A_122 = arith.constant 384 : i32
    %add3A_123 = vector.broadcast %add3A_122 : i32 to vector<16xi32>
    %add3A_124 = arith.addi %iota3A, %add3A_123 : vector<16xi32>
    %swap3A_125 = arith.constant 384 : index
    %swap3A_126 = tpu.vector_load %arg7[%swap3A_125] {strides = array<i32>} : memref<625xi32, #tpu.memory_space<vmem>>, vector<16xi32>,
    tpu.vector_store %arg7[%swap3A_125], %add3A_124 {strides = array<i32>} : memref<625xi32, #tpu.memory_space<vmem>>, vector<16xi32>,
    %add3A_127 = arith.constant 400 : i32
    %add3A_128 = vector.broadcast %add3A_127 : i32 to vector<16xi32>
    %add3A_129 = arith.addi %iota3A, %add3A_128 : vector<16xi32>
    %swap3A_130 = arith.constant 400 : index
    %swap3A_131 = tpu.vector_load %arg7[%swap3A_130] {strides = array<i32>} : memref<625xi32, #tpu.memory_space<vmem>>, vector<16xi32>,
    tpu.vector_store %arg7[%swap3A_130], %add3A_129 {strides = array<i32>} : memref<625xi32, #tpu.memory_space<vmem>>, vector<16xi32>,
    %add3A_132 = arith.constant 416 : i32
    %add3A_133 = vector.broadcast %add3A_132 : i32 to vector<16xi32>
    %add3A_134 = arith.addi %iota3A, %add3A_133 : vector<16xi32>
    %swap3A_135 = arith.constant 416 : index
    %swap3A_136 = tpu.vector_load %arg7[%swap3A_135] {strides = array<i32>} : memref<625xi32, #tpu.memory_space<vmem>>, vector<16xi32>,
    tpu.vector_store %arg7[%swap3A_135], %add3A_134 {strides = array<i32>} : memref<625xi32, #tpu.memory_space<vmem>>, vector<16xi32>,
    %add3A_137 = arith.constant 432 : i32
    %add3A_138 = vector.broadcast %add3A_137 : i32 to vector<16xi32>
    %add3A_139 = arith.addi %iota3A, %add3A_138 : vector<16xi32>
    %swap3A_140 = arith.constant 432 : index
    %swap3A_141 = tpu.vector_load %arg7[%swap3A_140] {strides = array<i32>} : memref<625xi32, #tpu.memory_space<vmem>>, vector<16xi32>,
    tpu.vector_store %arg7[%swap3A_140], %add3A_139 {strides = array<i32>} : memref<625xi32, #tpu.memory_space<vmem>>, vector<16xi32>,
    %add3A_142 = arith.constant 448 : i32
    %add3A_143 = vector.broadcast %add3A_142 : i32 to vector<16xi32>
    %add3A_144 = arith.addi %iota3A, %add3A_143 : vector<16xi32>
    %swap3A_145 = arith.constant 448 : index
    %swap3A_146 = tpu.vector_load %arg7[%swap3A_145] {strides = array<i32>} : memref<625xi32, #tpu.memory_space<vmem>>, vector<16xi32>,
    tpu.vector_store %arg7[%swap3A_145], %add3A_144 {strides = array<i32>} : memref<625xi32, #tpu.memory_space<vmem>>, vector<16xi32>,
    %add3A_147 = arith.constant 464 : i32
    %add3A_148 = vector.broadcast %add3A_147 : i32 to vector<16xi32>
    %add3A_149 = arith.addi %iota3A, %add3A_148 : vector<16xi32>
    %swap3A_150 = arith.constant 464 : index
    %swap3A_151 = tpu.vector_load %arg7[%swap3A_150] {strides = array<i32>} : memref<625xi32, #tpu.memory_space<vmem>>, vector<16xi32>,
    tpu.vector_store %arg7[%swap3A_150], %add3A_149 {strides = array<i32>} : memref<625xi32, #tpu.memory_space<vmem>>, vector<16xi32>,
    %add3A_152 = arith.constant 480 : i32
    %add3A_153 = vector.broadcast %add3A_152 : i32 to vector<16xi32>
    %add3A_154 = arith.addi %iota3A, %add3A_153 : vector<16xi32>
    %swap3A_155 = arith.constant 480 : index
    %swap3A_156 = tpu.vector_load %arg7[%swap3A_155] {strides = array<i32>} : memref<625xi32, #tpu.memory_space<vmem>>, vector<16xi32>,
    tpu.vector_store %arg7[%swap3A_155], %add3A_154 {strides = array<i32>} : memref<625xi32, #tpu.memory_space<vmem>>, vector<16xi32>,
    %add3A_157 = arith.constant 496 : i32
    %add3A_158 = vector.broadcast %add3A_157 : i32 to vector<16xi32>
    %add3A_159 = arith.addi %iota3A, %add3A_158 : vector<16xi32>
    %swap3A_160 = arith.constant 496 : index
    %swap3A_161 = tpu.vector_load %arg7[%swap3A_160] {strides = array<i32>} : memref<625xi32, #tpu.memory_space<vmem>>, vector<16xi32>,
    tpu.vector_store %arg7[%swap3A_160], %add3A_159 {strides = array<i32>} : memref<625xi32, #tpu.memory_space<vmem>>, vector<16xi32>,
    %add3A_162 = arith.constant 512 : i32
    %add3A_163 = vector.broadcast %add3A_162 : i32 to vector<16xi32>
    %add3A_164 = arith.addi %iota3A, %add3A_163 : vector<16xi32>
    %swap3A_165 = arith.constant 512 : index
    %swap3A_166 = tpu.vector_load %arg7[%swap3A_165] {strides = array<i32>} : memref<625xi32, #tpu.memory_space<vmem>>, vector<16xi32>,
    tpu.vector_store %arg7[%swap3A_165], %add3A_164 {strides = array<i32>} : memref<625xi32, #tpu.memory_space<vmem>>, vector<16xi32>,
    %add3A_167 = arith.constant 528 : i32
    %add3A_168 = vector.broadcast %add3A_167 : i32 to vector<16xi32>
    %add3A_169 = arith.addi %iota3A, %add3A_168 : vector<16xi32>
    %swap3A_170 = arith.constant 528 : index
    %swap3A_171 = tpu.vector_load %arg7[%swap3A_170] {strides = array<i32>} : memref<625xi32, #tpu.memory_space<vmem>>, vector<16xi32>,
    tpu.vector_store %arg7[%swap3A_170], %add3A_169 {strides = array<i32>} : memref<625xi32, #tpu.memory_space<vmem>>, vector<16xi32>,
    %add3A_172 = arith.constant 544 : i32
    %add3A_173 = vector.broadcast %add3A_172 : i32 to vector<16xi32>
    %add3A_174 = arith.addi %iota3A, %add3A_173 : vector<16xi32>
    %swap3A_175 = arith.constant 544 : index
    %swap3A_176 = tpu.vector_load %arg7[%swap3A_175] {strides = array<i32>} : memref<625xi32, #tpu.memory_space<vmem>>, vector<16xi32>,
    tpu.vector_store %arg7[%swap3A_175], %add3A_174 {strides = array<i32>} : memref<625xi32, #tpu.memory_space<vmem>>, vector<16xi32>,
    %add3A_177 = arith.constant 560 : i32
    %add3A_178 = vector.broadcast %add3A_177 : i32 to vector<16xi32>
    %add3A_179 = arith.addi %iota3A, %add3A_178 : vector<16xi32>
    %swap3A_180 = arith.constant 560 : index
    %swap3A_181 = tpu.vector_load %arg7[%swap3A_180] {strides = array<i32>} : memref<625xi32, #tpu.memory_space<vmem>>, vector<16xi32>,
    tpu.vector_store %arg7[%swap3A_180], %add3A_179 {strides = array<i32>} : memref<625xi32, #tpu.memory_space<vmem>>, vector<16xi32>,
    %add3A_182 = arith.constant 576 : i32
    %add3A_183 = vector.broadcast %add3A_182 : i32 to vector<16xi32>
    %add3A_184 = arith.addi %iota3A, %add3A_183 : vector<16xi32>
    %swap3A_185 = arith.constant 576 : index
    %swap3A_186 = tpu.vector_load %arg7[%swap3A_185] {strides = array<i32>} : memref<625xi32, #tpu.memory_space<vmem>>, vector<16xi32>,
    tpu.vector_store %arg7[%swap3A_185], %add3A_184 {strides = array<i32>} : memref<625xi32, #tpu.memory_space<vmem>>, vector<16xi32>,
    %add3A_187 = arith.constant 592 : i32
    %add3A_188 = vector.broadcast %add3A_187 : i32 to vector<16xi32>
    %add3A_189 = arith.addi %iota3A, %add3A_188 : vector<16xi32>
    %swap3A_190 = arith.constant 592 : index
    %swap3A_191 = tpu.vector_load %arg7[%swap3A_190] {strides = array<i32>} : memref<625xi32, #tpu.memory_space<vmem>>, vector<16xi32>,
    tpu.vector_store %arg7[%swap3A_190], %add3A_189 {strides = array<i32>} : memref<625xi32, #tpu.memory_space<vmem>>, vector<16xi32>,
    %add3A_192 = arith.constant 608 : i32
    %add3A_193 = vector.broadcast %add3A_192 : i32 to vector<16xi32>
    %add3A_194 = arith.addi %iota3A, %add3A_193 : vector<16xi32>
    %swap3A_195 = arith.constant 608 : index
    %swap3A_196 = tpu.vector_load %arg7[%swap3A_195] {strides = array<i32>} : memref<625xi32, #tpu.memory_space<vmem>>, vector<16xi32>,
    tpu.vector_store %arg7[%swap3A_195], %add3A_194 {strides = array<i32>} : memref<625xi32, #tpu.memory_space<vmem>>, vector<16xi32>,
    %add3A_197 = arith.constant 609 : i32
    %add3A_198 = vector.broadcast %add3A_197 : i32 to vector<16xi32>
    %add3A_199 = arith.addi %iota3A, %add3A_198 : vector<16xi32>
    %swap3A_200 = arith.constant 609 : index
    %swap3A_201 = tpu.vector_load %arg7[%swap3A_200] {strides = array<i32>} : memref<625xi32, #tpu.memory_space<vmem>>, vector<16xi32>,
    tpu.vector_store %arg7[%swap3A_200], %add3A_199 {strides = array<i32>} : memref<625xi32, #tpu.memory_space<vmem>>, vector<16xi32>,
    %broadcast_in_dim3A = arith.constant 0.000000e+00 : f32
    %broadcast_in_dim3A_202 = vector.broadcast %broadcast_in_dim3A : f32 to vector<16xf32>
    %parallel_loop3A = arith.constant 0 : i32
    %parallel_loop3A_203 = arith.constant 625 : i32
    %parallel_loop3A_204 = arith.constant 1 : i32
    scf.for %parallel_loop3A_228 = %parallel_loop3A to %parallel_loop3A_203 step %parallel_loop3A_204  : i32 {
      %parallel_loop3A_229 = arith.index_cast %parallel_loop3A_228 : i32 to index
      %parallel_loop3A_230 = arith.constant 0 : index
      %parallel_loop3A_231 = tpu.vector_load %arg6[%parallel_loop3A_229, %parallel_loop3A_230] {strides = array<i32>} : memref<625x16xf32, #tpu.memory_space<vmem>>, vector<16xf32>,
      tpu.vector_store %arg6[%parallel_loop3A_229, %parallel_loop3A_230], %broadcast_in_dim3A_202 {strides = array<i32>} : memref<625x16xf32, #tpu.memory_space<vmem>>, vector<16xf32>,
    } {sc.loop_unroll_factor = 1 : i64, sc.parallel_access}
    %eq3A = arith.constant 0 : i32
    %eq3A_205 = arith.cmpi eq, %arg1, %eq3A : i32
    %convert_element_type3A = arith.extui %eq3A_205 : i1 to i32
    %cond3A = arith.constant 0 : i32
    %cond3A_206 = arith.cmpi ne, %convert_element_type3A, %cond3A : i32
    scf.if %cond3A_206 {
      "tpu.region"() ({
        %run_scoped3A_228 = tpu.sem_alloc : memref<!tpu.dma_semaphore, #tpu.memory_space<semaphore_mem>>
        tpu.enqueue_dma source(%arg6 : memref<625x16xf32, #tpu.memory_space<vmem>>) target(%arg8 : memref<625x16xf32, #tpu.memory_space<vmem_shared>>) target_semaphore(%run_scoped3A_228 : memref<!tpu.dma_semaphore, #tpu.memory_space<semaphore_mem>>)
        tpu.wait_dma2 semaphore(%run_scoped3A_228 : memref<!tpu.dma_semaphore, #tpu.memory_space<semaphore_mem>>) src(%arg6 : memref<625x16xf32, #tpu.memory_space<vmem>>) dst(%arg8 : memref<625x16xf32, #tpu.memory_space<vmem_shared>>)
        tpu.yield
      }) : () -> ()
    } else {
    }
    %barrier3A = arith.constant 0 : index
    tpu.barrier barrier_id(%barrier3A)
    %broadcast_in_dim3A_207 = arith.constant 1.000000e+00 : f32
    %broadcast_in_dim3A_208 = vector.broadcast %broadcast_in_dim3A_207 : f32 to vector<16xf32>
    %parallel_loop3A_209 = arith.constant 0 : i32
    %parallel_loop3A_210 = arith.constant 625 : i32
    %parallel_loop3A_211 = arith.constant 1 : i32
    scf.for %parallel_loop3A_228 = %parallel_loop3A_209 to %parallel_loop3A_210 step %parallel_loop3A_211  : i32 {
      %parallel_loop3A_229 = arith.constant 16 : i32
      %parallel_loop3A_230 = arith.muli %parallel_loop3A_228, %parallel_loop3A_229 : i32
      %parallel_loop3A_231 = arith.index_cast %parallel_loop3A_230 : i32 to index
      %parallel_loop3A_232 = tpu.vector_load %arg5[%parallel_loop3A_231] {strides = array<i32>} : memref<10000xi32, #tpu.memory_space<vmem>>, vector<16xi32>,
      %parallel_loop3A_233 = arith.constant 4 : i32
      %parallel_loop3A_234 = vector.broadcast %parallel_loop3A_233 : i32 to vector<16xi32>
      %parallel_loop3A_235 = arith.shrsi %parallel_loop3A_232, %parallel_loop3A_234 : vector<16xi32>
      %parallel_loop3A_236 = arith.constant 15 : i32
      %parallel_loop3A_237 = vector.broadcast %parallel_loop3A_236 : i32 to vector<16xi32>
      %parallel_loop3A_238 = arith.andi %parallel_loop3A_232, %parallel_loop3A_237 : vector<16xi32>
      tpu.vector_store_idx %arg6[%parallel_loop3A_235, %parallel_loop3A_238], %broadcast_in_dim3A_208 {add = true} : memref<625x16xf32, #tpu.memory_space<vmem>>[vector<16xi32>, vector<16xi32>], vector<16xf32>,
    } {sc.loop_unroll_factor = 4 : i64, sc.parallel_access}
    "tpu.region"() ({
      %run_scoped3A_228 = tpu.sem_alloc : memref<!tpu.dma_semaphore, #tpu.memory_space<semaphore_mem>>
      %dma_start3A = arith.constant 0 : i32
      %dma_start3A_229 = arith.constant 0 : i32
      %dma_start3A_230 = tpu.memref_slice %arg8[%dma_start3A, %dma_start3A_229] : memref<625x16xf32, #tpu.memory_space<vmem_shared>> -> memref<625x16xf32, #tpu.memory_space<vmem_shared>>
      tpu.enqueue_indirect_dma source(%arg6 : memref<625x16xf32, #tpu.memory_space<vmem>>) target(%dma_start3A_230 : memref<625x16xf32, #tpu.memory_space<vmem_shared>>) offsets(%arg7 : memref<625xi32, #tpu.memory_space<vmem>>) semaphore(%run_scoped3A_228 : memref<!tpu.dma_semaphore, #tpu.memory_space<semaphore_mem>>) {add = true}
      %dma_wait3A = arith.constant 0 : i32
      %dma_wait3A_231 = arith.constant 0 : i32
      %dma_wait3A_232 = tpu.memref_slice %arg8[%dma_wait3A, %dma_wait3A_231] : memref<625x16xf32, #tpu.memory_space<vmem_shared>> -> memref<625x16xf32, #tpu.memory_space<vmem_shared>>
      tpu.wait_indirect_dma semaphore(%run_scoped3A_228 : memref<!tpu.dma_semaphore, #tpu.memory_space<semaphore_mem>>) src(%arg6 : memref<625x16xf32, #tpu.memory_space<vmem>>) dst(%dma_wait3A_232 : memref<625x16xf32, #tpu.memory_space<vmem_shared>>)
      tpu.yield
    }) : () -> ()
    %barrier3A_212 = arith.constant 0 : index
    tpu.barrier barrier_id(%barrier3A_212)
    %eq3A_213 = arith.constant 0 : i32
    %eq3A_214 = arith.cmpi eq, %arg1, %eq3A_213 : i32
    %eq3A_215 = arith.constant 0 : i32
    %eq3A_216 = arith.cmpi eq, %arg0, %eq3A_215 : i32
    %and3A = arith.andi %eq3A_214, %eq3A_216 : i1
    %convert_element_type3A_217 = arith.extui %and3A : i1 to i32
    %cond3A_218 = arith.constant 0 : i32
    %cond3A_219 = arith.cmpi ne, %convert_element_type3A_217, %cond3A_218 : i32
    scf.if %cond3A_219 {
      "tpu.region"() ({
        %run_scoped3A_228 = tpu.sem_alloc : memref<!tpu.dma_semaphore, #tpu.memory_space<semaphore_mem>>
        tpu.enqueue_dma source(%arg8 : memref<625x16xf32, #tpu.memory_space<vmem_shared>>) target(%arg3 : memref<625x16xf32, #tpu.memory_space<hbm>>) target_semaphore(%run_scoped3A_228 : memref<!tpu.dma_semaphore, #tpu.memory_space<semaphore_mem>>)
        tpu.wait_dma2 semaphore(%run_scoped3A_228 : memref<!tpu.dma_semaphore, #tpu.memory_space<semaphore_mem>>) src(%arg8 : memref<625x16xf32, #tpu.memory_space<vmem_shared>>) dst(%arg3 : memref<625x16xf32, #tpu.memory_space<hbm>>)
        tpu.yield
      }) : () -> ()
    } else {
    }
    %eq3A_220 = arith.constant 0 : i32
    %eq3A_221 = arith.cmpi eq, %arg1, %eq3A_220 : i32
    %eq3A_222 = arith.constant 1 : i32
    %eq3A_223 = arith.cmpi eq, %arg0, %eq3A_222 : i32
    %and3A_224 = arith.andi %eq3A_221, %eq3A_223 : i1
    %convert_element_type3A_225 = arith.extui %and3A_224 : i1 to i32
    %cond3A_226 = arith.constant 0 : i32
    %cond3A_227 = arith.cmpi ne, %convert_element_type3A_225, %cond3A_226 : i32
    scf.if %cond3A_227 {
      "tpu.region"() ({
        %run_scoped3A_228 = tpu.sem_alloc : memref<!tpu.dma_semaphore, #tpu.memory_space<semaphore_mem>>
        tpu.enqueue_dma source(%arg8 : memref<625x16xf32, #tpu.memory_space<vmem_shared>>) target(%arg4 : memref<625x16xf32, #tpu.memory_space<hbm>>) target_semaphore(%run_scoped3A_228 : memref<!tpu.dma_semaphore, #tpu.memory_space<semaphore_mem>>)
        tpu.wait_dma2 semaphore(%run_scoped3A_228 : memref<!tpu.dma_semaphore, #tpu.memory_space<semaphore_mem>>) src(%arg8 : memref<625x16xf32, #tpu.memory_space<vmem_shared>>) dst(%arg4 : memref<625x16xf32, #tpu.memory_space<hbm>>)
        tpu.yield
      }) : () -> ()
    } else {
    }
    return
  }
}

#map = affine_map<(d0, d1) -> (0)>
#map1 = affine_map<(d0, d1) -> (0, 0)>
module attributes {stable_mosaic.version = 14 : i64} {
  func.func @agg_kernel(%arg0: i32, %arg1: i32, %arg2: memref<10000xi32, #tpu.memory_space<hbm>>, %arg3: memref<10000xi32, #tpu.memory_space<hbm>>, %arg4: memref<10000xi32, #tpu.memory_space<hbm>>, %arg5: memref<2x320000xi32, #tpu.memory_space<hbm>>, %arg6: memref<3125x16xf32, #tpu.memory_space<hbm>>, %arg7: memref<3125x16xf32, #tpu.memory_space<hbm>>, %arg8: memref<10000xi32, #tpu.memory_space<vmem>>, %arg9: memref<10000xi32, #tpu.memory_space<vmem>>, %arg10: memref<625xi32, #tpu.memory_space<vmem>>, %arg11: memref<10000xi32, #tpu.memory_space<vmem>>, %arg12: memref<10000xi32, #tpu.memory_space<vmem>>, %arg13: memref<10000xi32, #tpu.memory_space<vmem>>, %arg14: memref<625x16xf32, #tpu.memory_space<vmem>>, %arg15: memref<625x16xf32, #tpu.memory_space<vmem>>, %arg16: memref<625x16xf32, #tpu.memory_space<vmem>>, %arg17: memref<625x16xf32, #tpu.memory_space<vmem>>, %arg18: memref<625x16xf32, #tpu.memory_space<vmem>>, %arg19: memref<5x625x16xf32, #tpu.memory_space<vmem_shared>>, %arg20: memref<3x10000xi32, #tpu.memory_space<vmem_shared>>) attributes {dimension_semantics = [#tpu.dimension_semantics<core_parallel>, #tpu.dimension_semantics<subcore_parallel>], iteration_bounds = array<i64: 2, 16>, scalar_prefetch = 0 : i64, scratch_operands = 13 : i64, tpu.core_type = #tpu.core_type<sc_vector_subcore>, window_params = [{transform_indices = #map}, {transform_indices = #map}, {transform_indices = #map}, {transform_indices = #map1}, {transform_indices = #map1}, {transform_indices = #map1}]} {
    %mul3A = arith.constant 2 : i32
    %mul3A_0 = arith.muli %arg1, %mul3A : i32
    %add3A = arith.addi %mul3A_0, %arg0 : i32
    %mul3A_1 = arith.constant 10000 : i32
    %mul3A_2 = arith.muli %add3A, %mul3A_1 : i32
    %run_scoped3A = arith.constant 0 : i32
    "tpu.region"() ({
      %run_scoped3A_334 = tpu.sem_alloc : memref<!tpu.dma_semaphore, #tpu.memory_space<semaphore_mem>>
      %dma_start3A = tpu.memref_slice %arg5[%run_scoped3A, %mul3A_2] : memref<2x320000xi32, #tpu.memory_space<hbm>> -> memref<1x10000xi32, #tpu.memory_space<hbm>>
      %dma_start3A_335 = tpu.memref_squeeze %dma_start3A : memref<1x10000xi32, #tpu.memory_space<hbm>> -> memref<10000xi32, #tpu.memory_space<hbm>>
      %dma_start3A_336 = tpu.memref_slice %arg5[%run_scoped3A, %mul3A_2] : memref<2x320000xi32, #tpu.memory_space<hbm>> -> memref<1x10000xi32, #tpu.memory_space<hbm>>
      %dma_start3A_337 = tpu.memref_squeeze %dma_start3A_336 : memref<1x10000xi32, #tpu.memory_space<hbm>> -> memref<10000xi32, #tpu.memory_space<hbm>>
      tpu.enqueue_dma source(%dma_start3A_337 : memref<10000xi32, #tpu.memory_space<hbm>>) target(%arg8 : memref<10000xi32, #tpu.memory_space<vmem>>) target_semaphore(%run_scoped3A_334 : memref<!tpu.dma_semaphore, #tpu.memory_space<semaphore_mem>>)
      %dma_wait3A = tpu.memref_slice %arg5[%run_scoped3A, %mul3A_2] : memref<2x320000xi32, #tpu.memory_space<hbm>> -> memref<1x10000xi32, #tpu.memory_space<hbm>>
      %dma_wait3A_338 = tpu.memref_squeeze %dma_wait3A : memref<1x10000xi32, #tpu.memory_space<hbm>> -> memref<10000xi32, #tpu.memory_space<hbm>>
      %dma_wait3A_339 = tpu.memref_slice %arg5[%run_scoped3A, %mul3A_2] : memref<2x320000xi32, #tpu.memory_space<hbm>> -> memref<1x10000xi32, #tpu.memory_space<hbm>>
      %dma_wait3A_340 = tpu.memref_squeeze %dma_wait3A_339 : memref<1x10000xi32, #tpu.memory_space<hbm>> -> memref<10000xi32, #tpu.memory_space<hbm>>
      tpu.wait_dma2 semaphore(%run_scoped3A_334 : memref<!tpu.dma_semaphore, #tpu.memory_space<semaphore_mem>>) src(%dma_wait3A_340 : memref<10000xi32, #tpu.memory_space<hbm>>) dst(%arg8 : memref<10000xi32, #tpu.memory_space<vmem>>)
      tpu.yield
    }) : () -> ()
    %run_scoped3A_3 = arith.constant 1 : i32
    "tpu.region"() ({
      %run_scoped3A_334 = tpu.sem_alloc : memref<!tpu.dma_semaphore, #tpu.memory_space<semaphore_mem>>
      %dma_start3A = tpu.memref_slice %arg5[%run_scoped3A_3, %mul3A_2] : memref<2x320000xi32, #tpu.memory_space<hbm>> -> memref<1x10000xi32, #tpu.memory_space<hbm>>
      %dma_start3A_335 = tpu.memref_squeeze %dma_start3A : memref<1x10000xi32, #tpu.memory_space<hbm>> -> memref<10000xi32, #tpu.memory_space<hbm>>
      %dma_start3A_336 = tpu.memref_slice %arg5[%run_scoped3A_3, %mul3A_2] : memref<2x320000xi32, #tpu.memory_space<hbm>> -> memref<1x10000xi32, #tpu.memory_space<hbm>>
      %dma_start3A_337 = tpu.memref_squeeze %dma_start3A_336 : memref<1x10000xi32, #tpu.memory_space<hbm>> -> memref<10000xi32, #tpu.memory_space<hbm>>
      tpu.enqueue_dma source(%dma_start3A_337 : memref<10000xi32, #tpu.memory_space<hbm>>) target(%arg9 : memref<10000xi32, #tpu.memory_space<vmem>>) target_semaphore(%run_scoped3A_334 : memref<!tpu.dma_semaphore, #tpu.memory_space<semaphore_mem>>)
      %dma_wait3A = tpu.memref_slice %arg5[%run_scoped3A_3, %mul3A_2] : memref<2x320000xi32, #tpu.memory_space<hbm>> -> memref<1x10000xi32, #tpu.memory_space<hbm>>
      %dma_wait3A_338 = tpu.memref_squeeze %dma_wait3A : memref<1x10000xi32, #tpu.memory_space<hbm>> -> memref<10000xi32, #tpu.memory_space<hbm>>
      %dma_wait3A_339 = tpu.memref_slice %arg5[%run_scoped3A_3, %mul3A_2] : memref<2x320000xi32, #tpu.memory_space<hbm>> -> memref<1x10000xi32, #tpu.memory_space<hbm>>
      %dma_wait3A_340 = tpu.memref_squeeze %dma_wait3A_339 : memref<1x10000xi32, #tpu.memory_space<hbm>> -> memref<10000xi32, #tpu.memory_space<hbm>>
      tpu.wait_dma2 semaphore(%run_scoped3A_334 : memref<!tpu.dma_semaphore, #tpu.memory_space<semaphore_mem>>) src(%dma_wait3A_340 : memref<10000xi32, #tpu.memory_space<hbm>>) dst(%arg9 : memref<10000xi32, #tpu.memory_space<vmem>>)
      tpu.yield
    }) : () -> ()
    %iota3A = tpu.iota {dimensions = array<i32: 0>} : vector<16xi32>
    %add3A_4 = arith.constant 0 : i32
    %add3A_5 = vector.broadcast %add3A_4 : i32 to vector<16xi32>
    %add3A_6 = arith.addi %iota3A, %add3A_5 : vector<16xi32>
    %swap3A = arith.constant 0 : index
    %swap3A_7 = tpu.vector_load %arg10[%swap3A] {strides = array<i32>} : memref<625xi32, #tpu.memory_space<vmem>>, vector<16xi32>,
    tpu.vector_store %arg10[%swap3A], %add3A_6 {strides = array<i32>} : memref<625xi32, #tpu.memory_space<vmem>>, vector<16xi32>,
    %add3A_8 = arith.constant 16 : i32
    %add3A_9 = vector.broadcast %add3A_8 : i32 to vector<16xi32>
    %add3A_10 = arith.addi %iota3A, %add3A_9 : vector<16xi32>
    %swap3A_11 = arith.constant 16 : index
    %swap3A_12 = tpu.vector_load %arg10[%swap3A_11] {strides = array<i32>} : memref<625xi32, #tpu.memory_space<vmem>>, vector<16xi32>,
    tpu.vector_store %arg10[%swap3A_11], %add3A_10 {strides = array<i32>} : memref<625xi32, #tpu.memory_space<vmem>>, vector<16xi32>,
    %add3A_13 = arith.constant 32 : i32
    %add3A_14 = vector.broadcast %add3A_13 : i32 to vector<16xi32>
    %add3A_15 = arith.addi %iota3A, %add3A_14 : vector<16xi32>
    %swap3A_16 = arith.constant 32 : index
    %swap3A_17 = tpu.vector_load %arg10[%swap3A_16] {strides = array<i32>} : memref<625xi32, #tpu.memory_space<vmem>>, vector<16xi32>,
    tpu.vector_store %arg10[%swap3A_16], %add3A_15 {strides = array<i32>} : memref<625xi32, #tpu.memory_space<vmem>>, vector<16xi32>,
    %add3A_18 = arith.constant 48 : i32
    %add3A_19 = vector.broadcast %add3A_18 : i32 to vector<16xi32>
    %add3A_20 = arith.addi %iota3A, %add3A_19 : vector<16xi32>
    %swap3A_21 = arith.constant 48 : index
    %swap3A_22 = tpu.vector_load %arg10[%swap3A_21] {strides = array<i32>} : memref<625xi32, #tpu.memory_space<vmem>>, vector<16xi32>,
    tpu.vector_store %arg10[%swap3A_21], %add3A_20 {strides = array<i32>} : memref<625xi32, #tpu.memory_space<vmem>>, vector<16xi32>,
    %add3A_23 = arith.constant 64 : i32
    %add3A_24 = vector.broadcast %add3A_23 : i32 to vector<16xi32>
    %add3A_25 = arith.addi %iota3A, %add3A_24 : vector<16xi32>
    %swap3A_26 = arith.constant 64 : index
    %swap3A_27 = tpu.vector_load %arg10[%swap3A_26] {strides = array<i32>} : memref<625xi32, #tpu.memory_space<vmem>>, vector<16xi32>,
    tpu.vector_store %arg10[%swap3A_26], %add3A_25 {strides = array<i32>} : memref<625xi32, #tpu.memory_space<vmem>>, vector<16xi32>,
    %add3A_28 = arith.constant 80 : i32
    %add3A_29 = vector.broadcast %add3A_28 : i32 to vector<16xi32>
    %add3A_30 = arith.addi %iota3A, %add3A_29 : vector<16xi32>
    %swap3A_31 = arith.constant 80 : index
    %swap3A_32 = tpu.vector_load %arg10[%swap3A_31] {strides = array<i32>} : memref<625xi32, #tpu.memory_space<vmem>>, vector<16xi32>,
    tpu.vector_store %arg10[%swap3A_31], %add3A_30 {strides = array<i32>} : memref<625xi32, #tpu.memory_space<vmem>>, vector<16xi32>,
    %add3A_33 = arith.constant 96 : i32
    %add3A_34 = vector.broadcast %add3A_33 : i32 to vector<16xi32>
    %add3A_35 = arith.addi %iota3A, %add3A_34 : vector<16xi32>
    %swap3A_36 = arith.constant 96 : index
    %swap3A_37 = tpu.vector_load %arg10[%swap3A_36] {strides = array<i32>} : memref<625xi32, #tpu.memory_space<vmem>>, vector<16xi32>,
    tpu.vector_store %arg10[%swap3A_36], %add3A_35 {strides = array<i32>} : memref<625xi32, #tpu.memory_space<vmem>>, vector<16xi32>,
    %add3A_38 = arith.constant 112 : i32
    %add3A_39 = vector.broadcast %add3A_38 : i32 to vector<16xi32>
    %add3A_40 = arith.addi %iota3A, %add3A_39 : vector<16xi32>
    %swap3A_41 = arith.constant 112 : index
    %swap3A_42 = tpu.vector_load %arg10[%swap3A_41] {strides = array<i32>} : memref<625xi32, #tpu.memory_space<vmem>>, vector<16xi32>,
    tpu.vector_store %arg10[%swap3A_41], %add3A_40 {strides = array<i32>} : memref<625xi32, #tpu.memory_space<vmem>>, vector<16xi32>,
    %add3A_43 = arith.constant 128 : i32
    %add3A_44 = vector.broadcast %add3A_43 : i32 to vector<16xi32>
    %add3A_45 = arith.addi %iota3A, %add3A_44 : vector<16xi32>
    %swap3A_46 = arith.constant 128 : index
    %swap3A_47 = tpu.vector_load %arg10[%swap3A_46] {strides = array<i32>} : memref<625xi32, #tpu.memory_space<vmem>>, vector<16xi32>,
    tpu.vector_store %arg10[%swap3A_46], %add3A_45 {strides = array<i32>} : memref<625xi32, #tpu.memory_space<vmem>>, vector<16xi32>,
    %add3A_48 = arith.constant 144 : i32
    %add3A_49 = vector.broadcast %add3A_48 : i32 to vector<16xi32>
    %add3A_50 = arith.addi %iota3A, %add3A_49 : vector<16xi32>
    %swap3A_51 = arith.constant 144 : index
    %swap3A_52 = tpu.vector_load %arg10[%swap3A_51] {strides = array<i32>} : memref<625xi32, #tpu.memory_space<vmem>>, vector<16xi32>,
    tpu.vector_store %arg10[%swap3A_51], %add3A_50 {strides = array<i32>} : memref<625xi32, #tpu.memory_space<vmem>>, vector<16xi32>,
    %add3A_53 = arith.constant 160 : i32
    %add3A_54 = vector.broadcast %add3A_53 : i32 to vector<16xi32>
    %add3A_55 = arith.addi %iota3A, %add3A_54 : vector<16xi32>
    %swap3A_56 = arith.constant 160 : index
    %swap3A_57 = tpu.vector_load %arg10[%swap3A_56] {strides = array<i32>} : memref<625xi32, #tpu.memory_space<vmem>>, vector<16xi32>,
    tpu.vector_store %arg10[%swap3A_56], %add3A_55 {strides = array<i32>} : memref<625xi32, #tpu.memory_space<vmem>>, vector<16xi32>,
    %add3A_58 = arith.constant 176 : i32
    %add3A_59 = vector.broadcast %add3A_58 : i32 to vector<16xi32>
    %add3A_60 = arith.addi %iota3A, %add3A_59 : vector<16xi32>
    %swap3A_61 = arith.constant 176 : index
    %swap3A_62 = tpu.vector_load %arg10[%swap3A_61] {strides = array<i32>} : memref<625xi32, #tpu.memory_space<vmem>>, vector<16xi32>,
    tpu.vector_store %arg10[%swap3A_61], %add3A_60 {strides = array<i32>} : memref<625xi32, #tpu.memory_space<vmem>>, vector<16xi32>,
    %add3A_63 = arith.constant 192 : i32
    %add3A_64 = vector.broadcast %add3A_63 : i32 to vector<16xi32>
    %add3A_65 = arith.addi %iota3A, %add3A_64 : vector<16xi32>
    %swap3A_66 = arith.constant 192 : index
    %swap3A_67 = tpu.vector_load %arg10[%swap3A_66] {strides = array<i32>} : memref<625xi32, #tpu.memory_space<vmem>>, vector<16xi32>,
    tpu.vector_store %arg10[%swap3A_66], %add3A_65 {strides = array<i32>} : memref<625xi32, #tpu.memory_space<vmem>>, vector<16xi32>,
    %add3A_68 = arith.constant 208 : i32
    %add3A_69 = vector.broadcast %add3A_68 : i32 to vector<16xi32>
    %add3A_70 = arith.addi %iota3A, %add3A_69 : vector<16xi32>
    %swap3A_71 = arith.constant 208 : index
    %swap3A_72 = tpu.vector_load %arg10[%swap3A_71] {strides = array<i32>} : memref<625xi32, #tpu.memory_space<vmem>>, vector<16xi32>,
    tpu.vector_store %arg10[%swap3A_71], %add3A_70 {strides = array<i32>} : memref<625xi32, #tpu.memory_space<vmem>>, vector<16xi32>,
    %add3A_73 = arith.constant 224 : i32
    %add3A_74 = vector.broadcast %add3A_73 : i32 to vector<16xi32>
    %add3A_75 = arith.addi %iota3A, %add3A_74 : vector<16xi32>
    %swap3A_76 = arith.constant 224 : index
    %swap3A_77 = tpu.vector_load %arg10[%swap3A_76] {strides = array<i32>} : memref<625xi32, #tpu.memory_space<vmem>>, vector<16xi32>,
    tpu.vector_store %arg10[%swap3A_76], %add3A_75 {strides = array<i32>} : memref<625xi32, #tpu.memory_space<vmem>>, vector<16xi32>,
    %add3A_78 = arith.constant 240 : i32
    %add3A_79 = vector.broadcast %add3A_78 : i32 to vector<16xi32>
    %add3A_80 = arith.addi %iota3A, %add3A_79 : vector<16xi32>
    %swap3A_81 = arith.constant 240 : index
    %swap3A_82 = tpu.vector_load %arg10[%swap3A_81] {strides = array<i32>} : memref<625xi32, #tpu.memory_space<vmem>>, vector<16xi32>,
    tpu.vector_store %arg10[%swap3A_81], %add3A_80 {strides = array<i32>} : memref<625xi32, #tpu.memory_space<vmem>>, vector<16xi32>,
    %add3A_83 = arith.constant 256 : i32
    %add3A_84 = vector.broadcast %add3A_83 : i32 to vector<16xi32>
    %add3A_85 = arith.addi %iota3A, %add3A_84 : vector<16xi32>
    %swap3A_86 = arith.constant 256 : index
    %swap3A_87 = tpu.vector_load %arg10[%swap3A_86] {strides = array<i32>} : memref<625xi32, #tpu.memory_space<vmem>>, vector<16xi32>,
    tpu.vector_store %arg10[%swap3A_86], %add3A_85 {strides = array<i32>} : memref<625xi32, #tpu.memory_space<vmem>>, vector<16xi32>,
    %add3A_88 = arith.constant 272 : i32
    %add3A_89 = vector.broadcast %add3A_88 : i32 to vector<16xi32>
    %add3A_90 = arith.addi %iota3A, %add3A_89 : vector<16xi32>
    %swap3A_91 = arith.constant 272 : index
    %swap3A_92 = tpu.vector_load %arg10[%swap3A_91] {strides = array<i32>} : memref<625xi32, #tpu.memory_space<vmem>>, vector<16xi32>,
    tpu.vector_store %arg10[%swap3A_91], %add3A_90 {strides = array<i32>} : memref<625xi32, #tpu.memory_space<vmem>>, vector<16xi32>,
    %add3A_93 = arith.constant 288 : i32
    %add3A_94 = vector.broadcast %add3A_93 : i32 to vector<16xi32>
    %add3A_95 = arith.addi %iota3A, %add3A_94 : vector<16xi32>
    %swap3A_96 = arith.constant 288 : index
    %swap3A_97 = tpu.vector_load %arg10[%swap3A_96] {strides = array<i32>} : memref<625xi32, #tpu.memory_space<vmem>>, vector<16xi32>,
    tpu.vector_store %arg10[%swap3A_96], %add3A_95 {strides = array<i32>} : memref<625xi32, #tpu.memory_space<vmem>>, vector<16xi32>,
    %add3A_98 = arith.constant 304 : i32
    %add3A_99 = vector.broadcast %add3A_98 : i32 to vector<16xi32>
    %add3A_100 = arith.addi %iota3A, %add3A_99 : vector<16xi32>
    %swap3A_101 = arith.constant 304 : index
    %swap3A_102 = tpu.vector_load %arg10[%swap3A_101] {strides = array<i32>} : memref<625xi32, #tpu.memory_space<vmem>>, vector<16xi32>,
    tpu.vector_store %arg10[%swap3A_101], %add3A_100 {strides = array<i32>} : memref<625xi32, #tpu.memory_space<vmem>>, vector<16xi32>,
    %add3A_103 = arith.constant 320 : i32
    %add3A_104 = vector.broadcast %add3A_103 : i32 to vector<16xi32>
    %add3A_105 = arith.addi %iota3A, %add3A_104 : vector<16xi32>
    %swap3A_106 = arith.constant 320 : index
    %swap3A_107 = tpu.vector_load %arg10[%swap3A_106] {strides = array<i32>} : memref<625xi32, #tpu.memory_space<vmem>>, vector<16xi32>,
    tpu.vector_store %arg10[%swap3A_106], %add3A_105 {strides = array<i32>} : memref<625xi32, #tpu.memory_space<vmem>>, vector<16xi32>,
    %add3A_108 = arith.constant 336 : i32
    %add3A_109 = vector.broadcast %add3A_108 : i32 to vector<16xi32>
    %add3A_110 = arith.addi %iota3A, %add3A_109 : vector<16xi32>
    %swap3A_111 = arith.constant 336 : index
    %swap3A_112 = tpu.vector_load %arg10[%swap3A_111] {strides = array<i32>} : memref<625xi32, #tpu.memory_space<vmem>>, vector<16xi32>,
    tpu.vector_store %arg10[%swap3A_111], %add3A_110 {strides = array<i32>} : memref<625xi32, #tpu.memory_space<vmem>>, vector<16xi32>,
    %add3A_113 = arith.constant 352 : i32
    %add3A_114 = vector.broadcast %add3A_113 : i32 to vector<16xi32>
    %add3A_115 = arith.addi %iota3A, %add3A_114 : vector<16xi32>
    %swap3A_116 = arith.constant 352 : index
    %swap3A_117 = tpu.vector_load %arg10[%swap3A_116] {strides = array<i32>} : memref<625xi32, #tpu.memory_space<vmem>>, vector<16xi32>,
    tpu.vector_store %arg10[%swap3A_116], %add3A_115 {strides = array<i32>} : memref<625xi32, #tpu.memory_space<vmem>>, vector<16xi32>,
    %add3A_118 = arith.constant 368 : i32
    %add3A_119 = vector.broadcast %add3A_118 : i32 to vector<16xi32>
    %add3A_120 = arith.addi %iota3A, %add3A_119 : vector<16xi32>
    %swap3A_121 = arith.constant 368 : index
    %swap3A_122 = tpu.vector_load %arg10[%swap3A_121] {strides = array<i32>} : memref<625xi32, #tpu.memory_space<vmem>>, vector<16xi32>,
    tpu.vector_store %arg10[%swap3A_121], %add3A_120 {strides = array<i32>} : memref<625xi32, #tpu.memory_space<vmem>>, vector<16xi32>,
    %add3A_123 = arith.constant 384 : i32
    %add3A_124 = vector.broadcast %add3A_123 : i32 to vector<16xi32>
    %add3A_125 = arith.addi %iota3A, %add3A_124 : vector<16xi32>
    %swap3A_126 = arith.constant 384 : index
    %swap3A_127 = tpu.vector_load %arg10[%swap3A_126] {strides = array<i32>} : memref<625xi32, #tpu.memory_space<vmem>>, vector<16xi32>,
    tpu.vector_store %arg10[%swap3A_126], %add3A_125 {strides = array<i32>} : memref<625xi32, #tpu.memory_space<vmem>>, vector<16xi32>,
    %add3A_128 = arith.constant 400 : i32
    %add3A_129 = vector.broadcast %add3A_128 : i32 to vector<16xi32>
    %add3A_130 = arith.addi %iota3A, %add3A_129 : vector<16xi32>
    %swap3A_131 = arith.constant 400 : index
    %swap3A_132 = tpu.vector_load %arg10[%swap3A_131] {strides = array<i32>} : memref<625xi32, #tpu.memory_space<vmem>>, vector<16xi32>,
    tpu.vector_store %arg10[%swap3A_131], %add3A_130 {strides = array<i32>} : memref<625xi32, #tpu.memory_space<vmem>>, vector<16xi32>,
    %add3A_133 = arith.constant 416 : i32
    %add3A_134 = vector.broadcast %add3A_133 : i32 to vector<16xi32>
    %add3A_135 = arith.addi %iota3A, %add3A_134 : vector<16xi32>
    %swap3A_136 = arith.constant 416 : index
    %swap3A_137 = tpu.vector_load %arg10[%swap3A_136] {strides = array<i32>} : memref<625xi32, #tpu.memory_space<vmem>>, vector<16xi32>,
    tpu.vector_store %arg10[%swap3A_136], %add3A_135 {strides = array<i32>} : memref<625xi32, #tpu.memory_space<vmem>>, vector<16xi32>,
    %add3A_138 = arith.constant 432 : i32
    %add3A_139 = vector.broadcast %add3A_138 : i32 to vector<16xi32>
    %add3A_140 = arith.addi %iota3A, %add3A_139 : vector<16xi32>
    %swap3A_141 = arith.constant 432 : index
    %swap3A_142 = tpu.vector_load %arg10[%swap3A_141] {strides = array<i32>} : memref<625xi32, #tpu.memory_space<vmem>>, vector<16xi32>,
    tpu.vector_store %arg10[%swap3A_141], %add3A_140 {strides = array<i32>} : memref<625xi32, #tpu.memory_space<vmem>>, vector<16xi32>,
    %add3A_143 = arith.constant 448 : i32
    %add3A_144 = vector.broadcast %add3A_143 : i32 to vector<16xi32>
    %add3A_145 = arith.addi %iota3A, %add3A_144 : vector<16xi32>
    %swap3A_146 = arith.constant 448 : index
    %swap3A_147 = tpu.vector_load %arg10[%swap3A_146] {strides = array<i32>} : memref<625xi32, #tpu.memory_space<vmem>>, vector<16xi32>,
    tpu.vector_store %arg10[%swap3A_146], %add3A_145 {strides = array<i32>} : memref<625xi32, #tpu.memory_space<vmem>>, vector<16xi32>,
    %add3A_148 = arith.constant 464 : i32
    %add3A_149 = vector.broadcast %add3A_148 : i32 to vector<16xi32>
    %add3A_150 = arith.addi %iota3A, %add3A_149 : vector<16xi32>
    %swap3A_151 = arith.constant 464 : index
    %swap3A_152 = tpu.vector_load %arg10[%swap3A_151] {strides = array<i32>} : memref<625xi32, #tpu.memory_space<vmem>>, vector<16xi32>,
    tpu.vector_store %arg10[%swap3A_151], %add3A_150 {strides = array<i32>} : memref<625xi32, #tpu.memory_space<vmem>>, vector<16xi32>,
    %add3A_153 = arith.constant 480 : i32
    %add3A_154 = vector.broadcast %add3A_153 : i32 to vector<16xi32>
    %add3A_155 = arith.addi %iota3A, %add3A_154 : vector<16xi32>
    %swap3A_156 = arith.constant 480 : index
    %swap3A_157 = tpu.vector_load %arg10[%swap3A_156] {strides = array<i32>} : memref<625xi32, #tpu.memory_space<vmem>>, vector<16xi32>,
    tpu.vector_store %arg10[%swap3A_156], %add3A_155 {strides = array<i32>} : memref<625xi32, #tpu.memory_space<vmem>>, vector<16xi32>,
    %add3A_158 = arith.constant 496 : i32
    %add3A_159 = vector.broadcast %add3A_158 : i32 to vector<16xi32>
    %add3A_160 = arith.addi %iota3A, %add3A_159 : vector<16xi32>
    %swap3A_161 = arith.constant 496 : index
    %swap3A_162 = tpu.vector_load %arg10[%swap3A_161] {strides = array<i32>} : memref<625xi32, #tpu.memory_space<vmem>>, vector<16xi32>,
    tpu.vector_store %arg10[%swap3A_161], %add3A_160 {strides = array<i32>} : memref<625xi32, #tpu.memory_space<vmem>>, vector<16xi32>,
    %add3A_163 = arith.constant 512 : i32
    %add3A_164 = vector.broadcast %add3A_163 : i32 to vector<16xi32>
    %add3A_165 = arith.addi %iota3A, %add3A_164 : vector<16xi32>
    %swap3A_166 = arith.constant 512 : index
    %swap3A_167 = tpu.vector_load %arg10[%swap3A_166] {strides = array<i32>} : memref<625xi32, #tpu.memory_space<vmem>>, vector<16xi32>,
    tpu.vector_store %arg10[%swap3A_166], %add3A_165 {strides = array<i32>} : memref<625xi32, #tpu.memory_space<vmem>>, vector<16xi32>,
    %add3A_168 = arith.constant 528 : i32
    %add3A_169 = vector.broadcast %add3A_168 : i32 to vector<16xi32>
    %add3A_170 = arith.addi %iota3A, %add3A_169 : vector<16xi32>
    %swap3A_171 = arith.constant 528 : index
    %swap3A_172 = tpu.vector_load %arg10[%swap3A_171] {strides = array<i32>} : memref<625xi32, #tpu.memory_space<vmem>>, vector<16xi32>,
    tpu.vector_store %arg10[%swap3A_171], %add3A_170 {strides = array<i32>} : memref<625xi32, #tpu.memory_space<vmem>>, vector<16xi32>,
    %add3A_173 = arith.constant 544 : i32
    %add3A_174 = vector.broadcast %add3A_173 : i32 to vector<16xi32>
    %add3A_175 = arith.addi %iota3A, %add3A_174 : vector<16xi32>
    %swap3A_176 = arith.constant 544 : index
    %swap3A_177 = tpu.vector_load %arg10[%swap3A_176] {strides = array<i32>} : memref<625xi32, #tpu.memory_space<vmem>>, vector<16xi32>,
    tpu.vector_store %arg10[%swap3A_176], %add3A_175 {strides = array<i32>} : memref<625xi32, #tpu.memory_space<vmem>>, vector<16xi32>,
    %add3A_178 = arith.constant 560 : i32
    %add3A_179 = vector.broadcast %add3A_178 : i32 to vector<16xi32>
    %add3A_180 = arith.addi %iota3A, %add3A_179 : vector<16xi32>
    %swap3A_181 = arith.constant 560 : index
    %swap3A_182 = tpu.vector_load %arg10[%swap3A_181] {strides = array<i32>} : memref<625xi32, #tpu.memory_space<vmem>>, vector<16xi32>,
    tpu.vector_store %arg10[%swap3A_181], %add3A_180 {strides = array<i32>} : memref<625xi32, #tpu.memory_space<vmem>>, vector<16xi32>,
    %add3A_183 = arith.constant 576 : i32
    %add3A_184 = vector.broadcast %add3A_183 : i32 to vector<16xi32>
    %add3A_185 = arith.addi %iota3A, %add3A_184 : vector<16xi32>
    %swap3A_186 = arith.constant 576 : index
    %swap3A_187 = tpu.vector_load %arg10[%swap3A_186] {strides = array<i32>} : memref<625xi32, #tpu.memory_space<vmem>>, vector<16xi32>,
    tpu.vector_store %arg10[%swap3A_186], %add3A_185 {strides = array<i32>} : memref<625xi32, #tpu.memory_space<vmem>>, vector<16xi32>,
    %add3A_188 = arith.constant 592 : i32
    %add3A_189 = vector.broadcast %add3A_188 : i32 to vector<16xi32>
    %add3A_190 = arith.addi %iota3A, %add3A_189 : vector<16xi32>
    %swap3A_191 = arith.constant 592 : index
    %swap3A_192 = tpu.vector_load %arg10[%swap3A_191] {strides = array<i32>} : memref<625xi32, #tpu.memory_space<vmem>>, vector<16xi32>,
    tpu.vector_store %arg10[%swap3A_191], %add3A_190 {strides = array<i32>} : memref<625xi32, #tpu.memory_space<vmem>>, vector<16xi32>,
    %add3A_193 = arith.constant 608 : i32
    %add3A_194 = vector.broadcast %add3A_193 : i32 to vector<16xi32>
    %add3A_195 = arith.addi %iota3A, %add3A_194 : vector<16xi32>
    %swap3A_196 = arith.constant 608 : index
    %swap3A_197 = tpu.vector_load %arg10[%swap3A_196] {strides = array<i32>} : memref<625xi32, #tpu.memory_space<vmem>>, vector<16xi32>,
    tpu.vector_store %arg10[%swap3A_196], %add3A_195 {strides = array<i32>} : memref<625xi32, #tpu.memory_space<vmem>>, vector<16xi32>,
    %add3A_198 = arith.constant 609 : i32
    %add3A_199 = vector.broadcast %add3A_198 : i32 to vector<16xi32>
    %add3A_200 = arith.addi %iota3A, %add3A_199 : vector<16xi32>
    %swap3A_201 = arith.constant 609 : index
    %swap3A_202 = tpu.vector_load %arg10[%swap3A_201] {strides = array<i32>} : memref<625xi32, #tpu.memory_space<vmem>>, vector<16xi32>,
    tpu.vector_store %arg10[%swap3A_201], %add3A_200 {strides = array<i32>} : memref<625xi32, #tpu.memory_space<vmem>>, vector<16xi32>,
    %broadcast_in_dim3A = arith.constant 0.000000e+00 : f32
    %broadcast_in_dim3A_203 = vector.broadcast %broadcast_in_dim3A : f32 to vector<16xf32>
    %parallel_loop3A = arith.constant 0 : i32
    %parallel_loop3A_204 = arith.constant 625 : i32
    %parallel_loop3A_205 = arith.constant 1 : i32
    scf.for %parallel_loop3A_334 = %parallel_loop3A to %parallel_loop3A_204 step %parallel_loop3A_205  : i32 {
      %parallel_loop3A_335 = arith.index_cast %parallel_loop3A_334 : i32 to index
      %parallel_loop3A_336 = arith.constant 0 : index
      %parallel_loop3A_337 = tpu.vector_load %arg14[%parallel_loop3A_335, %parallel_loop3A_336] {strides = array<i32>} : memref<625x16xf32, #tpu.memory_space<vmem>>, vector<16xf32>,
      tpu.vector_store %arg14[%parallel_loop3A_335, %parallel_loop3A_336], %broadcast_in_dim3A_203 {strides = array<i32>} : memref<625x16xf32, #tpu.memory_space<vmem>>, vector<16xf32>,
      %parallel_loop3A_338 = arith.index_cast %parallel_loop3A_334 : i32 to index
      %parallel_loop3A_339 = arith.constant 0 : index
      %parallel_loop3A_340 = tpu.vector_load %arg15[%parallel_loop3A_338, %parallel_loop3A_339] {strides = array<i32>} : memref<625x16xf32, #tpu.memory_space<vmem>>, vector<16xf32>,
      tpu.vector_store %arg15[%parallel_loop3A_338, %parallel_loop3A_339], %broadcast_in_dim3A_203 {strides = array<i32>} : memref<625x16xf32, #tpu.memory_space<vmem>>, vector<16xf32>,
      %parallel_loop3A_341 = arith.index_cast %parallel_loop3A_334 : i32 to index
      %parallel_loop3A_342 = arith.constant 0 : index
      %parallel_loop3A_343 = tpu.vector_load %arg16[%parallel_loop3A_341, %parallel_loop3A_342] {strides = array<i32>} : memref<625x16xf32, #tpu.memory_space<vmem>>, vector<16xf32>,
      tpu.vector_store %arg16[%parallel_loop3A_341, %parallel_loop3A_342], %broadcast_in_dim3A_203 {strides = array<i32>} : memref<625x16xf32, #tpu.memory_space<vmem>>, vector<16xf32>,
      %parallel_loop3A_344 = arith.index_cast %parallel_loop3A_334 : i32 to index
      %parallel_loop3A_345 = arith.constant 0 : index
      %parallel_loop3A_346 = tpu.vector_load %arg17[%parallel_loop3A_344, %parallel_loop3A_345] {strides = array<i32>} : memref<625x16xf32, #tpu.memory_space<vmem>>, vector<16xf32>,
      tpu.vector_store %arg17[%parallel_loop3A_344, %parallel_loop3A_345], %broadcast_in_dim3A_203 {strides = array<i32>} : memref<625x16xf32, #tpu.memory_space<vmem>>, vector<16xf32>,
      %parallel_loop3A_347 = arith.index_cast %parallel_loop3A_334 : i32 to index
      %parallel_loop3A_348 = arith.constant 0 : index
      %parallel_loop3A_349 = tpu.vector_load %arg18[%parallel_loop3A_347, %parallel_loop3A_348] {strides = array<i32>} : memref<625x16xf32, #tpu.memory_space<vmem>>, vector<16xf32>,
      tpu.vector_store %arg18[%parallel_loop3A_347, %parallel_loop3A_348], %broadcast_in_dim3A_203 {strides = array<i32>} : memref<625x16xf32, #tpu.memory_space<vmem>>, vector<16xf32>,
    } {sc.loop_unroll_factor = 1 : i64, sc.parallel_access}
    %eq3A = arith.constant 0 : i32
    %eq3A_206 = arith.cmpi eq, %arg1, %eq3A : i32
    %convert_element_type3A = arith.extui %eq3A_206 : i1 to i32
    %cond3A = arith.constant 0 : i32
    %cond3A_207 = arith.cmpi ne, %convert_element_type3A, %cond3A : i32
    scf.if %cond3A_207 {
      %run_scoped3A_334 = arith.constant 0 : i32
      "tpu.region"() ({
        %run_scoped3A_335 = tpu.sem_alloc : memref<!tpu.dma_semaphore, #tpu.memory_space<semaphore_mem>>
        %dma_start3A = arith.constant 0 : i32
        %dma_start3A_336 = tpu.memref_slice %arg20[%run_scoped3A_334, %dma_start3A] : memref<3x10000xi32, #tpu.memory_space<vmem_shared>> -> memref<1x10000xi32, #tpu.memory_space<vmem_shared>>
        %dma_start3A_337 = tpu.memref_squeeze %dma_start3A_336 : memref<1x10000xi32, #tpu.memory_space<vmem_shared>> -> memref<10000xi32, #tpu.memory_space<vmem_shared>>
        tpu.enqueue_dma source(%arg2 : memref<10000xi32, #tpu.memory_space<hbm>>) target(%dma_start3A_337 : memref<10000xi32, #tpu.memory_space<vmem_shared>>) target_semaphore(%run_scoped3A_335 : memref<!tpu.dma_semaphore, #tpu.memory_space<semaphore_mem>>)
        %dma_wait3A = arith.constant 0 : i32
        %dma_wait3A_338 = tpu.memref_slice %arg20[%run_scoped3A_334, %dma_wait3A] : memref<3x10000xi32, #tpu.memory_space<vmem_shared>> -> memref<1x10000xi32, #tpu.memory_space<vmem_shared>>
        %dma_wait3A_339 = tpu.memref_squeeze %dma_wait3A_338 : memref<1x10000xi32, #tpu.memory_space<vmem_shared>> -> memref<10000xi32, #tpu.memory_space<vmem_shared>>
        tpu.wait_dma2 semaphore(%run_scoped3A_335 : memref<!tpu.dma_semaphore, #tpu.memory_space<semaphore_mem>>) src(%arg2 : memref<10000xi32, #tpu.memory_space<hbm>>) dst(%dma_wait3A_339 : memref<10000xi32, #tpu.memory_space<vmem_shared>>)
        tpu.yield
      }) : () -> ()
    } else {
    }
    %eq3A_208 = arith.constant 1 : i32
    %eq3A_209 = arith.cmpi eq, %arg1, %eq3A_208 : i32
    %convert_element_type3A_210 = arith.extui %eq3A_209 : i1 to i32
    %cond3A_211 = arith.constant 0 : i32
    %cond3A_212 = arith.cmpi ne, %convert_element_type3A_210, %cond3A_211 : i32
    scf.if %cond3A_212 {
      %run_scoped3A_334 = arith.constant 1 : i32
      "tpu.region"() ({
        %run_scoped3A_335 = tpu.sem_alloc : memref<!tpu.dma_semaphore, #tpu.memory_space<semaphore_mem>>
        %dma_start3A = arith.constant 0 : i32
        %dma_start3A_336 = tpu.memref_slice %arg20[%run_scoped3A_334, %dma_start3A] : memref<3x10000xi32, #tpu.memory_space<vmem_shared>> -> memref<1x10000xi32, #tpu.memory_space<vmem_shared>>
        %dma_start3A_337 = tpu.memref_squeeze %dma_start3A_336 : memref<1x10000xi32, #tpu.memory_space<vmem_shared>> -> memref<10000xi32, #tpu.memory_space<vmem_shared>>
        tpu.enqueue_dma source(%arg3 : memref<10000xi32, #tpu.memory_space<hbm>>) target(%dma_start3A_337 : memref<10000xi32, #tpu.memory_space<vmem_shared>>) target_semaphore(%run_scoped3A_335 : memref<!tpu.dma_semaphore, #tpu.memory_space<semaphore_mem>>)
        %dma_wait3A = arith.constant 0 : i32
        %dma_wait3A_338 = tpu.memref_slice %arg20[%run_scoped3A_334, %dma_wait3A] : memref<3x10000xi32, #tpu.memory_space<vmem_shared>> -> memref<1x10000xi32, #tpu.memory_space<vmem_shared>>
        %dma_wait3A_339 = tpu.memref_squeeze %dma_wait3A_338 : memref<1x10000xi32, #tpu.memory_space<vmem_shared>> -> memref<10000xi32, #tpu.memory_space<vmem_shared>>
        tpu.wait_dma2 semaphore(%run_scoped3A_335 : memref<!tpu.dma_semaphore, #tpu.memory_space<semaphore_mem>>) src(%arg3 : memref<10000xi32, #tpu.memory_space<hbm>>) dst(%dma_wait3A_339 : memref<10000xi32, #tpu.memory_space<vmem_shared>>)
        tpu.yield
      }) : () -> ()
    } else {
    }
    %eq3A_213 = arith.constant 2 : i32
    %eq3A_214 = arith.cmpi eq, %arg1, %eq3A_213 : i32
    %convert_element_type3A_215 = arith.extui %eq3A_214 : i1 to i32
    %cond3A_216 = arith.constant 0 : i32
    %cond3A_217 = arith.cmpi ne, %convert_element_type3A_215, %cond3A_216 : i32
    scf.if %cond3A_217 {
      %run_scoped3A_334 = arith.constant 2 : i32
      "tpu.region"() ({
        %run_scoped3A_335 = tpu.sem_alloc : memref<!tpu.dma_semaphore, #tpu.memory_space<semaphore_mem>>
        %dma_start3A = arith.constant 0 : i32
        %dma_start3A_336 = tpu.memref_slice %arg20[%run_scoped3A_334, %dma_start3A] : memref<3x10000xi32, #tpu.memory_space<vmem_shared>> -> memref<1x10000xi32, #tpu.memory_space<vmem_shared>>
        %dma_start3A_337 = tpu.memref_squeeze %dma_start3A_336 : memref<1x10000xi32, #tpu.memory_space<vmem_shared>> -> memref<10000xi32, #tpu.memory_space<vmem_shared>>
        tpu.enqueue_dma source(%arg4 : memref<10000xi32, #tpu.memory_space<hbm>>) target(%dma_start3A_337 : memref<10000xi32, #tpu.memory_space<vmem_shared>>) target_semaphore(%run_scoped3A_335 : memref<!tpu.dma_semaphore, #tpu.memory_space<semaphore_mem>>)
        %dma_wait3A = arith.constant 0 : i32
        %dma_wait3A_338 = tpu.memref_slice %arg20[%run_scoped3A_334, %dma_wait3A] : memref<3x10000xi32, #tpu.memory_space<vmem_shared>> -> memref<1x10000xi32, #tpu.memory_space<vmem_shared>>
        %dma_wait3A_339 = tpu.memref_squeeze %dma_wait3A_338 : memref<1x10000xi32, #tpu.memory_space<vmem_shared>> -> memref<10000xi32, #tpu.memory_space<vmem_shared>>
        tpu.wait_dma2 semaphore(%run_scoped3A_335 : memref<!tpu.dma_semaphore, #tpu.memory_space<semaphore_mem>>) src(%arg4 : memref<10000xi32, #tpu.memory_space<hbm>>) dst(%dma_wait3A_339 : memref<10000xi32, #tpu.memory_space<vmem_shared>>)
        tpu.yield
      }) : () -> ()
    } else {
    }
    %eq3A_218 = arith.constant 0 : i32
    %eq3A_219 = arith.cmpi eq, %arg1, %eq3A_218 : i32
    %convert_element_type3A_220 = arith.extui %eq3A_219 : i1 to i32
    %cond3A_221 = arith.constant 0 : i32
    %cond3A_222 = arith.cmpi ne, %convert_element_type3A_220, %cond3A_221 : i32
    scf.if %cond3A_222 {
      %run_scoped3A_334 = arith.constant 0 : i32
      "tpu.region"() ({
        %run_scoped3A_335 = tpu.sem_alloc : memref<!tpu.dma_semaphore, #tpu.memory_space<semaphore_mem>>
        %dma_start3A = arith.constant 0 : i32
        %dma_start3A_336 = arith.constant 0 : i32
        %dma_start3A_337 = tpu.memref_slice %arg19[%run_scoped3A_334, %dma_start3A, %dma_start3A_336] : memref<5x625x16xf32, #tpu.memory_space<vmem_shared>> -> memref<1x625x16xf32, #tpu.memory_space<vmem_shared>>
        %dma_start3A_338 = tpu.memref_squeeze %dma_start3A_337 : memref<1x625x16xf32, #tpu.memory_space<vmem_shared>> -> memref<625x16xf32, #tpu.memory_space<vmem_shared>>
        %dma_start3A_339 = arith.constant 0 : i32
        %dma_start3A_340 = arith.constant 0 : i32
        %dma_start3A_341 = tpu.memref_slice %arg19[%run_scoped3A_334, %dma_start3A_339, %dma_start3A_340] : memref<5x625x16xf32, #tpu.memory_space<vmem_shared>> -> memref<1x625x16xf32, #tpu.memory_space<vmem_shared>>
        %dma_start3A_342 = tpu.memref_squeeze %dma_start3A_341 : memref<1x625x16xf32, #tpu.memory_space<vmem_shared>> -> memref<625x16xf32, #tpu.memory_space<vmem_shared>>
        tpu.enqueue_dma source(%arg14 : memref<625x16xf32, #tpu.memory_space<vmem>>) target(%dma_start3A_342 : memref<625x16xf32, #tpu.memory_space<vmem_shared>>) target_semaphore(%run_scoped3A_335 : memref<!tpu.dma_semaphore, #tpu.memory_space<semaphore_mem>>)
        %dma_wait3A = arith.constant 0 : i32
        %dma_wait3A_343 = arith.constant 0 : i32
        %dma_wait3A_344 = tpu.memref_slice %arg19[%run_scoped3A_334, %dma_wait3A, %dma_wait3A_343] : memref<5x625x16xf32, #tpu.memory_space<vmem_shared>> -> memref<1x625x16xf32, #tpu.memory_space<vmem_shared>>
        %dma_wait3A_345 = tpu.memref_squeeze %dma_wait3A_344 : memref<1x625x16xf32, #tpu.memory_space<vmem_shared>> -> memref<625x16xf32, #tpu.memory_space<vmem_shared>>
        %dma_wait3A_346 = arith.constant 0 : i32
        %dma_wait3A_347 = arith.constant 0 : i32
        %dma_wait3A_348 = tpu.memref_slice %arg19[%run_scoped3A_334, %dma_wait3A_346, %dma_wait3A_347] : memref<5x625x16xf32, #tpu.memory_space<vmem_shared>> -> memref<1x625x16xf32, #tpu.memory_space<vmem_shared>>
        %dma_wait3A_349 = tpu.memref_squeeze %dma_wait3A_348 : memref<1x625x16xf32, #tpu.memory_space<vmem_shared>> -> memref<625x16xf32, #tpu.memory_space<vmem_shared>>
        tpu.wait_dma2 semaphore(%run_scoped3A_335 : memref<!tpu.dma_semaphore, #tpu.memory_space<semaphore_mem>>) src(%arg14 : memref<625x16xf32, #tpu.memory_space<vmem>>) dst(%dma_wait3A_349 : memref<625x16xf32, #tpu.memory_space<vmem_shared>>)
        tpu.yield
      }) : () -> ()
    } else {
    }
    %eq3A_223 = arith.constant 1 : i32
    %eq3A_224 = arith.cmpi eq, %arg1, %eq3A_223 : i32
    %convert_element_type3A_225 = arith.extui %eq3A_224 : i1 to i32
    %cond3A_226 = arith.constant 0 : i32
    %cond3A_227 = arith.cmpi ne, %convert_element_type3A_225, %cond3A_226 : i32
    scf.if %cond3A_227 {
      %run_scoped3A_334 = arith.constant 1 : i32
      "tpu.region"() ({
        %run_scoped3A_335 = tpu.sem_alloc : memref<!tpu.dma_semaphore, #tpu.memory_space<semaphore_mem>>
        %dma_start3A = arith.constant 0 : i32
        %dma_start3A_336 = arith.constant 0 : i32
        %dma_start3A_337 = tpu.memref_slice %arg19[%run_scoped3A_334, %dma_start3A, %dma_start3A_336] : memref<5x625x16xf32, #tpu.memory_space<vmem_shared>> -> memref<1x625x16xf32, #tpu.memory_space<vmem_shared>>
        %dma_start3A_338 = tpu.memref_squeeze %dma_start3A_337 : memref<1x625x16xf32, #tpu.memory_space<vmem_shared>> -> memref<625x16xf32, #tpu.memory_space<vmem_shared>>
        %dma_start3A_339 = arith.constant 0 : i32
        %dma_start3A_340 = arith.constant 0 : i32
        %dma_start3A_341 = tpu.memref_slice %arg19[%run_scoped3A_334, %dma_start3A_339, %dma_start3A_340] : memref<5x625x16xf32, #tpu.memory_space<vmem_shared>> -> memref<1x625x16xf32, #tpu.memory_space<vmem_shared>>
        %dma_start3A_342 = tpu.memref_squeeze %dma_start3A_341 : memref<1x625x16xf32, #tpu.memory_space<vmem_shared>> -> memref<625x16xf32, #tpu.memory_space<vmem_shared>>
        tpu.enqueue_dma source(%arg15 : memref<625x16xf32, #tpu.memory_space<vmem>>) target(%dma_start3A_342 : memref<625x16xf32, #tpu.memory_space<vmem_shared>>) target_semaphore(%run_scoped3A_335 : memref<!tpu.dma_semaphore, #tpu.memory_space<semaphore_mem>>)
        %dma_wait3A = arith.constant 0 : i32
        %dma_wait3A_343 = arith.constant 0 : i32
        %dma_wait3A_344 = tpu.memref_slice %arg19[%run_scoped3A_334, %dma_wait3A, %dma_wait3A_343] : memref<5x625x16xf32, #tpu.memory_space<vmem_shared>> -> memref<1x625x16xf32, #tpu.memory_space<vmem_shared>>
        %dma_wait3A_345 = tpu.memref_squeeze %dma_wait3A_344 : memref<1x625x16xf32, #tpu.memory_space<vmem_shared>> -> memref<625x16xf32, #tpu.memory_space<vmem_shared>>
        %dma_wait3A_346 = arith.constant 0 : i32
        %dma_wait3A_347 = arith.constant 0 : i32
        %dma_wait3A_348 = tpu.memref_slice %arg19[%run_scoped3A_334, %dma_wait3A_346, %dma_wait3A_347] : memref<5x625x16xf32, #tpu.memory_space<vmem_shared>> -> memref<1x625x16xf32, #tpu.memory_space<vmem_shared>>
        %dma_wait3A_349 = tpu.memref_squeeze %dma_wait3A_348 : memref<1x625x16xf32, #tpu.memory_space<vmem_shared>> -> memref<625x16xf32, #tpu.memory_space<vmem_shared>>
        tpu.wait_dma2 semaphore(%run_scoped3A_335 : memref<!tpu.dma_semaphore, #tpu.memory_space<semaphore_mem>>) src(%arg15 : memref<625x16xf32, #tpu.memory_space<vmem>>) dst(%dma_wait3A_349 : memref<625x16xf32, #tpu.memory_space<vmem_shared>>)
        tpu.yield
      }) : () -> ()
    } else {
    }
    %eq3A_228 = arith.constant 2 : i32
    %eq3A_229 = arith.cmpi eq, %arg1, %eq3A_228 : i32
    %convert_element_type3A_230 = arith.extui %eq3A_229 : i1 to i32
    %cond3A_231 = arith.constant 0 : i32
    %cond3A_232 = arith.cmpi ne, %convert_element_type3A_230, %cond3A_231 : i32
    scf.if %cond3A_232 {
      %run_scoped3A_334 = arith.constant 2 : i32
      "tpu.region"() ({
        %run_scoped3A_335 = tpu.sem_alloc : memref<!tpu.dma_semaphore, #tpu.memory_space<semaphore_mem>>
        %dma_start3A = arith.constant 0 : i32
        %dma_start3A_336 = arith.constant 0 : i32
        %dma_start3A_337 = tpu.memref_slice %arg19[%run_scoped3A_334, %dma_start3A, %dma_start3A_336] : memref<5x625x16xf32, #tpu.memory_space<vmem_shared>> -> memref<1x625x16xf32, #tpu.memory_space<vmem_shared>>
        %dma_start3A_338 = tpu.memref_squeeze %dma_start3A_337 : memref<1x625x16xf32, #tpu.memory_space<vmem_shared>> -> memref<625x16xf32, #tpu.memory_space<vmem_shared>>
        %dma_start3A_339 = arith.constant 0 : i32
        %dma_start3A_340 = arith.constant 0 : i32
        %dma_start3A_341 = tpu.memref_slice %arg19[%run_scoped3A_334, %dma_start3A_339, %dma_start3A_340] : memref<5x625x16xf32, #tpu.memory_space<vmem_shared>> -> memref<1x625x16xf32, #tpu.memory_space<vmem_shared>>
        %dma_start3A_342 = tpu.memref_squeeze %dma_start3A_341 : memref<1x625x16xf32, #tpu.memory_space<vmem_shared>> -> memref<625x16xf32, #tpu.memory_space<vmem_shared>>
        tpu.enqueue_dma source(%arg16 : memref<625x16xf32, #tpu.memory_space<vmem>>) target(%dma_start3A_342 : memref<625x16xf32, #tpu.memory_space<vmem_shared>>) target_semaphore(%run_scoped3A_335 : memref<!tpu.dma_semaphore, #tpu.memory_space<semaphore_mem>>)
        %dma_wait3A = arith.constant 0 : i32
        %dma_wait3A_343 = arith.constant 0 : i32
        %dma_wait3A_344 = tpu.memref_slice %arg19[%run_scoped3A_334, %dma_wait3A, %dma_wait3A_343] : memref<5x625x16xf32, #tpu.memory_space<vmem_shared>> -> memref<1x625x16xf32, #tpu.memory_space<vmem_shared>>
        %dma_wait3A_345 = tpu.memref_squeeze %dma_wait3A_344 : memref<1x625x16xf32, #tpu.memory_space<vmem_shared>> -> memref<625x16xf32, #tpu.memory_space<vmem_shared>>
        %dma_wait3A_346 = arith.constant 0 : i32
        %dma_wait3A_347 = arith.constant 0 : i32
        %dma_wait3A_348 = tpu.memref_slice %arg19[%run_scoped3A_334, %dma_wait3A_346, %dma_wait3A_347] : memref<5x625x16xf32, #tpu.memory_space<vmem_shared>> -> memref<1x625x16xf32, #tpu.memory_space<vmem_shared>>
        %dma_wait3A_349 = tpu.memref_squeeze %dma_wait3A_348 : memref<1x625x16xf32, #tpu.memory_space<vmem_shared>> -> memref<625x16xf32, #tpu.memory_space<vmem_shared>>
        tpu.wait_dma2 semaphore(%run_scoped3A_335 : memref<!tpu.dma_semaphore, #tpu.memory_space<semaphore_mem>>) src(%arg16 : memref<625x16xf32, #tpu.memory_space<vmem>>) dst(%dma_wait3A_349 : memref<625x16xf32, #tpu.memory_space<vmem_shared>>)
        tpu.yield
      }) : () -> ()
    } else {
    }
    %eq3A_233 = arith.constant 3 : i32
    %eq3A_234 = arith.cmpi eq, %arg1, %eq3A_233 : i32
    %convert_element_type3A_235 = arith.extui %eq3A_234 : i1 to i32
    %cond3A_236 = arith.constant 0 : i32
    %cond3A_237 = arith.cmpi ne, %convert_element_type3A_235, %cond3A_236 : i32
    scf.if %cond3A_237 {
      %run_scoped3A_334 = arith.constant 3 : i32
      "tpu.region"() ({
        %run_scoped3A_335 = tpu.sem_alloc : memref<!tpu.dma_semaphore, #tpu.memory_space<semaphore_mem>>
        %dma_start3A = arith.constant 0 : i32
        %dma_start3A_336 = arith.constant 0 : i32
        %dma_start3A_337 = tpu.memref_slice %arg19[%run_scoped3A_334, %dma_start3A, %dma_start3A_336] : memref<5x625x16xf32, #tpu.memory_space<vmem_shared>> -> memref<1x625x16xf32, #tpu.memory_space<vmem_shared>>
        %dma_start3A_338 = tpu.memref_squeeze %dma_start3A_337 : memref<1x625x16xf32, #tpu.memory_space<vmem_shared>> -> memref<625x16xf32, #tpu.memory_space<vmem_shared>>
        %dma_start3A_339 = arith.constant 0 : i32
        %dma_start3A_340 = arith.constant 0 : i32
        %dma_start3A_341 = tpu.memref_slice %arg19[%run_scoped3A_334, %dma_start3A_339, %dma_start3A_340] : memref<5x625x16xf32, #tpu.memory_space<vmem_shared>> -> memref<1x625x16xf32, #tpu.memory_space<vmem_shared>>
        %dma_start3A_342 = tpu.memref_squeeze %dma_start3A_341 : memref<1x625x16xf32, #tpu.memory_space<vmem_shared>> -> memref<625x16xf32, #tpu.memory_space<vmem_shared>>
        tpu.enqueue_dma source(%arg17 : memref<625x16xf32, #tpu.memory_space<vmem>>) target(%dma_start3A_342 : memref<625x16xf32, #tpu.memory_space<vmem_shared>>) target_semaphore(%run_scoped3A_335 : memref<!tpu.dma_semaphore, #tpu.memory_space<semaphore_mem>>)
        %dma_wait3A = arith.constant 0 : i32
        %dma_wait3A_343 = arith.constant 0 : i32
        %dma_wait3A_344 = tpu.memref_slice %arg19[%run_scoped3A_334, %dma_wait3A, %dma_wait3A_343] : memref<5x625x16xf32, #tpu.memory_space<vmem_shared>> -> memref<1x625x16xf32, #tpu.memory_space<vmem_shared>>
        %dma_wait3A_345 = tpu.memref_squeeze %dma_wait3A_344 : memref<1x625x16xf32, #tpu.memory_space<vmem_shared>> -> memref<625x16xf32, #tpu.memory_space<vmem_shared>>
        %dma_wait3A_346 = arith.constant 0 : i32
        %dma_wait3A_347 = arith.constant 0 : i32
        %dma_wait3A_348 = tpu.memref_slice %arg19[%run_scoped3A_334, %dma_wait3A_346, %dma_wait3A_347] : memref<5x625x16xf32, #tpu.memory_space<vmem_shared>> -> memref<1x625x16xf32, #tpu.memory_space<vmem_shared>>
        %dma_wait3A_349 = tpu.memref_squeeze %dma_wait3A_348 : memref<1x625x16xf32, #tpu.memory_space<vmem_shared>> -> memref<625x16xf32, #tpu.memory_space<vmem_shared>>
        tpu.wait_dma2 semaphore(%run_scoped3A_335 : memref<!tpu.dma_semaphore, #tpu.memory_space<semaphore_mem>>) src(%arg17 : memref<625x16xf32, #tpu.memory_space<vmem>>) dst(%dma_wait3A_349 : memref<625x16xf32, #tpu.memory_space<vmem_shared>>)
        tpu.yield
      }) : () -> ()
    } else {
    }
    %eq3A_238 = arith.constant 4 : i32
    %eq3A_239 = arith.cmpi eq, %arg1, %eq3A_238 : i32
    %convert_element_type3A_240 = arith.extui %eq3A_239 : i1 to i32
    %cond3A_241 = arith.constant 0 : i32
    %cond3A_242 = arith.cmpi ne, %convert_element_type3A_240, %cond3A_241 : i32
    scf.if %cond3A_242 {
      %run_scoped3A_334 = arith.constant 4 : i32
      "tpu.region"() ({
        %run_scoped3A_335 = tpu.sem_alloc : memref<!tpu.dma_semaphore, #tpu.memory_space<semaphore_mem>>
        %dma_start3A = arith.constant 0 : i32
        %dma_start3A_336 = arith.constant 0 : i32
        %dma_start3A_337 = tpu.memref_slice %arg19[%run_scoped3A_334, %dma_start3A, %dma_start3A_336] : memref<5x625x16xf32, #tpu.memory_space<vmem_shared>> -> memref<1x625x16xf32, #tpu.memory_space<vmem_shared>>
        %dma_start3A_338 = tpu.memref_squeeze %dma_start3A_337 : memref<1x625x16xf32, #tpu.memory_space<vmem_shared>> -> memref<625x16xf32, #tpu.memory_space<vmem_shared>>
        %dma_start3A_339 = arith.constant 0 : i32
        %dma_start3A_340 = arith.constant 0 : i32
        %dma_start3A_341 = tpu.memref_slice %arg19[%run_scoped3A_334, %dma_start3A_339, %dma_start3A_340] : memref<5x625x16xf32, #tpu.memory_space<vmem_shared>> -> memref<1x625x16xf32, #tpu.memory_space<vmem_shared>>
        %dma_start3A_342 = tpu.memref_squeeze %dma_start3A_341 : memref<1x625x16xf32, #tpu.memory_space<vmem_shared>> -> memref<625x16xf32, #tpu.memory_space<vmem_shared>>
        tpu.enqueue_dma source(%arg18 : memref<625x16xf32, #tpu.memory_space<vmem>>) target(%dma_start3A_342 : memref<625x16xf32, #tpu.memory_space<vmem_shared>>) target_semaphore(%run_scoped3A_335 : memref<!tpu.dma_semaphore, #tpu.memory_space<semaphore_mem>>)
        %dma_wait3A = arith.constant 0 : i32
        %dma_wait3A_343 = arith.constant 0 : i32
        %dma_wait3A_344 = tpu.memref_slice %arg19[%run_scoped3A_334, %dma_wait3A, %dma_wait3A_343] : memref<5x625x16xf32, #tpu.memory_space<vmem_shared>> -> memref<1x625x16xf32, #tpu.memory_space<vmem_shared>>
        %dma_wait3A_345 = tpu.memref_squeeze %dma_wait3A_344 : memref<1x625x16xf32, #tpu.memory_space<vmem_shared>> -> memref<625x16xf32, #tpu.memory_space<vmem_shared>>
        %dma_wait3A_346 = arith.constant 0 : i32
        %dma_wait3A_347 = arith.constant 0 : i32
        %dma_wait3A_348 = tpu.memref_slice %arg19[%run_scoped3A_334, %dma_wait3A_346, %dma_wait3A_347] : memref<5x625x16xf32, #tpu.memory_space<vmem_shared>> -> memref<1x625x16xf32, #tpu.memory_space<vmem_shared>>
        %dma_wait3A_349 = tpu.memref_squeeze %dma_wait3A_348 : memref<1x625x16xf32, #tpu.memory_space<vmem_shared>> -> memref<625x16xf32, #tpu.memory_space<vmem_shared>>
        tpu.wait_dma2 semaphore(%run_scoped3A_335 : memref<!tpu.dma_semaphore, #tpu.memory_space<semaphore_mem>>) src(%arg18 : memref<625x16xf32, #tpu.memory_space<vmem>>) dst(%dma_wait3A_349 : memref<625x16xf32, #tpu.memory_space<vmem_shared>>)
        tpu.yield
      }) : () -> ()
    } else {
    }
    %barrier3A = arith.constant 0 : index
    tpu.barrier barrier_id(%barrier3A)
    %run_scoped3A_243 = arith.constant 0 : i32
    "tpu.region"() ({
      %run_scoped3A_334 = tpu.sem_alloc : memref<!tpu.dma_semaphore, #tpu.memory_space<semaphore_mem>>
      %dma_start3A = arith.constant 0 : i32
      %dma_start3A_335 = tpu.memref_slice %arg20[%run_scoped3A_243, %dma_start3A] : memref<3x10000xi32, #tpu.memory_space<vmem_shared>> -> memref<1x10000xi32, #tpu.memory_space<vmem_shared>>
      %dma_start3A_336 = tpu.memref_squeeze %dma_start3A_335 : memref<1x10000xi32, #tpu.memory_space<vmem_shared>> -> memref<10000xi32, #tpu.memory_space<vmem_shared>>
      %dma_start3A_337 = arith.constant 0 : i32
      %dma_start3A_338 = tpu.memref_slice %arg20[%run_scoped3A_243, %dma_start3A_337] : memref<3x10000xi32, #tpu.memory_space<vmem_shared>> -> memref<1x10000xi32, #tpu.memory_space<vmem_shared>>
      %dma_start3A_339 = tpu.memref_squeeze %dma_start3A_338 : memref<1x10000xi32, #tpu.memory_space<vmem_shared>> -> memref<10000xi32, #tpu.memory_space<vmem_shared>>
      tpu.enqueue_dma source(%dma_start3A_339 : memref<10000xi32, #tpu.memory_space<vmem_shared>>) target(%arg11 : memref<10000xi32, #tpu.memory_space<vmem>>) target_semaphore(%run_scoped3A_334 : memref<!tpu.dma_semaphore, #tpu.memory_space<semaphore_mem>>)
      %dma_wait3A = arith.constant 0 : i32
      %dma_wait3A_340 = tpu.memref_slice %arg20[%run_scoped3A_243, %dma_wait3A] : memref<3x10000xi32, #tpu.memory_space<vmem_shared>> -> memref<1x10000xi32, #tpu.memory_space<vmem_shared>>
      %dma_wait3A_341 = tpu.memref_squeeze %dma_wait3A_340 : memref<1x10000xi32, #tpu.memory_space<vmem_shared>> -> memref<10000xi32, #tpu.memory_space<vmem_shared>>
      %dma_wait3A_342 = arith.constant 0 : i32
      %dma_wait3A_343 = tpu.memref_slice %arg20[%run_scoped3A_243, %dma_wait3A_342] : memref<3x10000xi32, #tpu.memory_space<vmem_shared>> -> memref<1x10000xi32, #tpu.memory_space<vmem_shared>>
      %dma_wait3A_344 = tpu.memref_squeeze %dma_wait3A_343 : memref<1x10000xi32, #tpu.memory_space<vmem_shared>> -> memref<10000xi32, #tpu.memory_space<vmem_shared>>
      tpu.wait_dma2 semaphore(%run_scoped3A_334 : memref<!tpu.dma_semaphore, #tpu.memory_space<semaphore_mem>>) src(%dma_wait3A_344 : memref<10000xi32, #tpu.memory_space<vmem_shared>>) dst(%arg11 : memref<10000xi32, #tpu.memory_space<vmem>>)
      tpu.yield
    }) : () -> ()
    %run_scoped3A_244 = arith.constant 1 : i32
    "tpu.region"() ({
      %run_scoped3A_334 = tpu.sem_alloc : memref<!tpu.dma_semaphore, #tpu.memory_space<semaphore_mem>>
      %dma_start3A = arith.constant 0 : i32
      %dma_start3A_335 = tpu.memref_slice %arg20[%run_scoped3A_244, %dma_start3A] : memref<3x10000xi32, #tpu.memory_space<vmem_shared>> -> memref<1x10000xi32, #tpu.memory_space<vmem_shared>>
      %dma_start3A_336 = tpu.memref_squeeze %dma_start3A_335 : memref<1x10000xi32, #tpu.memory_space<vmem_shared>> -> memref<10000xi32, #tpu.memory_space<vmem_shared>>
      %dma_start3A_337 = arith.constant 0 : i32
      %dma_start3A_338 = tpu.memref_slice %arg20[%run_scoped3A_244, %dma_start3A_337] : memref<3x10000xi32, #tpu.memory_space<vmem_shared>> -> memref<1x10000xi32, #tpu.memory_space<vmem_shared>>
      %dma_start3A_339 = tpu.memref_squeeze %dma_start3A_338 : memref<1x10000xi32, #tpu.memory_space<vmem_shared>> -> memref<10000xi32, #tpu.memory_space<vmem_shared>>
      tpu.enqueue_dma source(%dma_start3A_339 : memref<10000xi32, #tpu.memory_space<vmem_shared>>) target(%arg12 : memref<10000xi32, #tpu.memory_space<vmem>>) target_semaphore(%run_scoped3A_334 : memref<!tpu.dma_semaphore, #tpu.memory_space<semaphore_mem>>)
      %dma_wait3A = arith.constant 0 : i32
      %dma_wait3A_340 = tpu.memref_slice %arg20[%run_scoped3A_244, %dma_wait3A] : memref<3x10000xi32, #tpu.memory_space<vmem_shared>> -> memref<1x10000xi32, #tpu.memory_space<vmem_shared>>
      %dma_wait3A_341 = tpu.memref_squeeze %dma_wait3A_340 : memref<1x10000xi32, #tpu.memory_space<vmem_shared>> -> memref<10000xi32, #tpu.memory_space<vmem_shared>>
      %dma_wait3A_342 = arith.constant 0 : i32
      %dma_wait3A_343 = tpu.memref_slice %arg20[%run_scoped3A_244, %dma_wait3A_342] : memref<3x10000xi32, #tpu.memory_space<vmem_shared>> -> memref<1x10000xi32, #tpu.memory_space<vmem_shared>>
      %dma_wait3A_344 = tpu.memref_squeeze %dma_wait3A_343 : memref<1x10000xi32, #tpu.memory_space<vmem_shared>> -> memref<10000xi32, #tpu.memory_space<vmem_shared>>
      tpu.wait_dma2 semaphore(%run_scoped3A_334 : memref<!tpu.dma_semaphore, #tpu.memory_space<semaphore_mem>>) src(%dma_wait3A_344 : memref<10000xi32, #tpu.memory_space<vmem_shared>>) dst(%arg12 : memref<10000xi32, #tpu.memory_space<vmem>>)
      tpu.yield
    }) : () -> ()
    %run_scoped3A_245 = arith.constant 2 : i32
    "tpu.region"() ({
      %run_scoped3A_334 = tpu.sem_alloc : memref<!tpu.dma_semaphore, #tpu.memory_space<semaphore_mem>>
      %dma_start3A = arith.constant 0 : i32
      %dma_start3A_335 = tpu.memref_slice %arg20[%run_scoped3A_245, %dma_start3A] : memref<3x10000xi32, #tpu.memory_space<vmem_shared>> -> memref<1x10000xi32, #tpu.memory_space<vmem_shared>>
      %dma_start3A_336 = tpu.memref_squeeze %dma_start3A_335 : memref<1x10000xi32, #tpu.memory_space<vmem_shared>> -> memref<10000xi32, #tpu.memory_space<vmem_shared>>
      %dma_start3A_337 = arith.constant 0 : i32
      %dma_start3A_338 = tpu.memref_slice %arg20[%run_scoped3A_245, %dma_start3A_337] : memref<3x10000xi32, #tpu.memory_space<vmem_shared>> -> memref<1x10000xi32, #tpu.memory_space<vmem_shared>>
      %dma_start3A_339 = tpu.memref_squeeze %dma_start3A_338 : memref<1x10000xi32, #tpu.memory_space<vmem_shared>> -> memref<10000xi32, #tpu.memory_space<vmem_shared>>
      tpu.enqueue_dma source(%dma_start3A_339 : memref<10000xi32, #tpu.memory_space<vmem_shared>>) target(%arg13 : memref<10000xi32, #tpu.memory_space<vmem>>) target_semaphore(%run_scoped3A_334 : memref<!tpu.dma_semaphore, #tpu.memory_space<semaphore_mem>>)
      %dma_wait3A = arith.constant 0 : i32
      %dma_wait3A_340 = tpu.memref_slice %arg20[%run_scoped3A_245, %dma_wait3A] : memref<3x10000xi32, #tpu.memory_space<vmem_shared>> -> memref<1x10000xi32, #tpu.memory_space<vmem_shared>>
      %dma_wait3A_341 = tpu.memref_squeeze %dma_wait3A_340 : memref<1x10000xi32, #tpu.memory_space<vmem_shared>> -> memref<10000xi32, #tpu.memory_space<vmem_shared>>
      %dma_wait3A_342 = arith.constant 0 : i32
      %dma_wait3A_343 = tpu.memref_slice %arg20[%run_scoped3A_245, %dma_wait3A_342] : memref<3x10000xi32, #tpu.memory_space<vmem_shared>> -> memref<1x10000xi32, #tpu.memory_space<vmem_shared>>
      %dma_wait3A_344 = tpu.memref_squeeze %dma_wait3A_343 : memref<1x10000xi32, #tpu.memory_space<vmem_shared>> -> memref<10000xi32, #tpu.memory_space<vmem_shared>>
      tpu.wait_dma2 semaphore(%run_scoped3A_334 : memref<!tpu.dma_semaphore, #tpu.memory_space<semaphore_mem>>) src(%dma_wait3A_344 : memref<10000xi32, #tpu.memory_space<vmem_shared>>) dst(%arg13 : memref<10000xi32, #tpu.memory_space<vmem>>)
      tpu.yield
    }) : () -> ()
    %parallel_loop3A_246 = arith.constant 0 : i32
    %parallel_loop3A_247 = arith.constant 625 : i32
    %parallel_loop3A_248 = arith.constant 1 : i32
    scf.for %parallel_loop3A_334 = %parallel_loop3A_246 to %parallel_loop3A_247 step %parallel_loop3A_248  : i32 {
      %parallel_loop3A_335 = arith.constant 16 : i32
      %parallel_loop3A_336 = arith.muli %parallel_loop3A_334, %parallel_loop3A_335 : i32
      %parallel_loop3A_337 = arith.index_cast %parallel_loop3A_336 : i32 to index
      %parallel_loop3A_338 = tpu.vector_load %arg8[%parallel_loop3A_337] {strides = array<i32>} : memref<10000xi32, #tpu.memory_space<vmem>>, vector<16xi32>,
      %parallel_loop3A_339 = arith.constant 16 : i32
      %parallel_loop3A_340 = arith.muli %parallel_loop3A_334, %parallel_loop3A_339 : i32
      %parallel_loop3A_341 = arith.index_cast %parallel_loop3A_340 : i32 to index
      %parallel_loop3A_342 = tpu.vector_load %arg9[%parallel_loop3A_341] {strides = array<i32>} : memref<10000xi32, #tpu.memory_space<vmem>>, vector<16xi32>,
      %parallel_loop3A_343 = arith.constant 4 : i32
      %parallel_loop3A_344 = vector.broadcast %parallel_loop3A_343 : i32 to vector<16xi32>
      %parallel_loop3A_345 = arith.shrsi %parallel_loop3A_342, %parallel_loop3A_344 : vector<16xi32>
      %parallel_loop3A_346 = arith.constant 15 : i32
      %parallel_loop3A_347 = vector.broadcast %parallel_loop3A_346 : i32 to vector<16xi32>
      %parallel_loop3A_348 = arith.andi %parallel_loop3A_342, %parallel_loop3A_347 : vector<16xi32>
      %parallel_loop3A_349 = tpu.vector_load_idx %arg11[%parallel_loop3A_338] : memref<10000xi32, #tpu.memory_space<vmem>>[vector<16xi32>], vector<16xi32>,
      %parallel_loop3A_350 = vector.bitcast %parallel_loop3A_349 : vector<16xi32> to vector<32xbf16>
      %parallel_loop3A_351 = tpu.unpack_subelements %parallel_loop3A_350, 0 {pack_format = #tpu.pack_format<interleaved>} : vector<32xbf16> -> vector<16xf32>
      %parallel_loop3A_352 = tpu.unpack_subelements %parallel_loop3A_350, 1 {pack_format = #tpu.pack_format<interleaved>} : vector<32xbf16> -> vector<16xf32>
      tpu.vector_store_idx %arg14[%parallel_loop3A_345, %parallel_loop3A_348], %parallel_loop3A_351 {add = true} : memref<625x16xf32, #tpu.memory_space<vmem>>[vector<16xi32>, vector<16xi32>], vector<16xf32>,
      tpu.vector_store_idx %arg15[%parallel_loop3A_345, %parallel_loop3A_348], %parallel_loop3A_352 {add = true} : memref<625x16xf32, #tpu.memory_space<vmem>>[vector<16xi32>, vector<16xi32>], vector<16xf32>,
      %parallel_loop3A_353 = tpu.vector_load_idx %arg12[%parallel_loop3A_338] : memref<10000xi32, #tpu.memory_space<vmem>>[vector<16xi32>], vector<16xi32>,
      %parallel_loop3A_354 = vector.bitcast %parallel_loop3A_353 : vector<16xi32> to vector<32xbf16>
      %parallel_loop3A_355 = tpu.unpack_subelements %parallel_loop3A_354, 0 {pack_format = #tpu.pack_format<interleaved>} : vector<32xbf16> -> vector<16xf32>
      %parallel_loop3A_356 = tpu.unpack_subelements %parallel_loop3A_354, 1 {pack_format = #tpu.pack_format<interleaved>} : vector<32xbf16> -> vector<16xf32>
      tpu.vector_store_idx %arg16[%parallel_loop3A_345, %parallel_loop3A_348], %parallel_loop3A_355 {add = true} : memref<625x16xf32, #tpu.memory_space<vmem>>[vector<16xi32>, vector<16xi32>], vector<16xf32>,
      tpu.vector_store_idx %arg17[%parallel_loop3A_345, %parallel_loop3A_348], %parallel_loop3A_356 {add = true} : memref<625x16xf32, #tpu.memory_space<vmem>>[vector<16xi32>, vector<16xi32>], vector<16xf32>,
      %parallel_loop3A_357 = tpu.vector_load_idx %arg13[%parallel_loop3A_338] : memref<10000xi32, #tpu.memory_space<vmem>>[vector<16xi32>], vector<16xi32>,
      %parallel_loop3A_358 = vector.bitcast %parallel_loop3A_357 : vector<16xi32> to vector<16xf32>
      tpu.vector_store_idx %arg18[%parallel_loop3A_345, %parallel_loop3A_348], %parallel_loop3A_358 {add = true} : memref<625x16xf32, #tpu.memory_space<vmem>>[vector<16xi32>, vector<16xi32>], vector<16xf32>,
    } {sc.loop_unroll_factor = 4 : i64, sc.parallel_access}
    %run_scoped3A_249 = arith.constant 0 : i32
    "tpu.region"() ({
      %run_scoped3A_334 = tpu.sem_alloc : memref<!tpu.dma_semaphore, #tpu.memory_space<semaphore_mem>>
      %dma_start3A = arith.constant 0 : i32
      %dma_start3A_335 = arith.constant 0 : i32
      %dma_start3A_336 = tpu.memref_slice %arg19[%run_scoped3A_249, %dma_start3A, %dma_start3A_335] : memref<5x625x16xf32, #tpu.memory_space<vmem_shared>> -> memref<1x625x16xf32, #tpu.memory_space<vmem_shared>>
      %dma_start3A_337 = tpu.memref_squeeze %dma_start3A_336 : memref<1x625x16xf32, #tpu.memory_space<vmem_shared>> -> memref<625x16xf32, #tpu.memory_space<vmem_shared>>
      %dma_start3A_338 = arith.constant 0 : i32
      %dma_start3A_339 = arith.constant 0 : i32
      %dma_start3A_340 = tpu.memref_slice %dma_start3A_337[%dma_start3A_338, %dma_start3A_339] : memref<625x16xf32, #tpu.memory_space<vmem_shared>> -> memref<625x16xf32, #tpu.memory_space<vmem_shared>>
      tpu.enqueue_indirect_dma source(%arg14 : memref<625x16xf32, #tpu.memory_space<vmem>>) target(%dma_start3A_340 : memref<625x16xf32, #tpu.memory_space<vmem_shared>>) offsets(%arg10 : memref<625xi32, #tpu.memory_space<vmem>>) semaphore(%run_scoped3A_334 : memref<!tpu.dma_semaphore, #tpu.memory_space<semaphore_mem>>) {add = true}
      %dma_wait3A = arith.constant 0 : i32
      %dma_wait3A_341 = arith.constant 0 : i32
      %dma_wait3A_342 = tpu.memref_slice %arg19[%run_scoped3A_249, %dma_wait3A, %dma_wait3A_341] : memref<5x625x16xf32, #tpu.memory_space<vmem_shared>> -> memref<1x625x16xf32, #tpu.memory_space<vmem_shared>>
      %dma_wait3A_343 = tpu.memref_squeeze %dma_wait3A_342 : memref<1x625x16xf32, #tpu.memory_space<vmem_shared>> -> memref<625x16xf32, #tpu.memory_space<vmem_shared>>
      %dma_wait3A_344 = arith.constant 0 : i32
      %dma_wait3A_345 = arith.constant 0 : i32
      %dma_wait3A_346 = tpu.memref_slice %dma_wait3A_343[%dma_wait3A_344, %dma_wait3A_345] : memref<625x16xf32, #tpu.memory_space<vmem_shared>> -> memref<625x16xf32, #tpu.memory_space<vmem_shared>>
      tpu.wait_indirect_dma semaphore(%run_scoped3A_334 : memref<!tpu.dma_semaphore, #tpu.memory_space<semaphore_mem>>) src(%arg14 : memref<625x16xf32, #tpu.memory_space<vmem>>) dst(%dma_wait3A_346 : memref<625x16xf32, #tpu.memory_space<vmem_shared>>)
      tpu.yield
    }) : () -> ()
    %run_scoped3A_250 = arith.constant 1 : i32
    "tpu.region"() ({
      %run_scoped3A_334 = tpu.sem_alloc : memref<!tpu.dma_semaphore, #tpu.memory_space<semaphore_mem>>
      %dma_start3A = arith.constant 0 : i32
      %dma_start3A_335 = arith.constant 0 : i32
      %dma_start3A_336 = tpu.memref_slice %arg19[%run_scoped3A_250, %dma_start3A, %dma_start3A_335] : memref<5x625x16xf32, #tpu.memory_space<vmem_shared>> -> memref<1x625x16xf32, #tpu.memory_space<vmem_shared>>
      %dma_start3A_337 = tpu.memref_squeeze %dma_start3A_336 : memref<1x625x16xf32, #tpu.memory_space<vmem_shared>> -> memref<625x16xf32, #tpu.memory_space<vmem_shared>>
      %dma_start3A_338 = arith.constant 0 : i32
      %dma_start3A_339 = arith.constant 0 : i32
      %dma_start3A_340 = tpu.memref_slice %dma_start3A_337[%dma_start3A_338, %dma_start3A_339] : memref<625x16xf32, #tpu.memory_space<vmem_shared>> -> memref<625x16xf32, #tpu.memory_space<vmem_shared>>
      tpu.enqueue_indirect_dma source(%arg15 : memref<625x16xf32, #tpu.memory_space<vmem>>) target(%dma_start3A_340 : memref<625x16xf32, #tpu.memory_space<vmem_shared>>) offsets(%arg10 : memref<625xi32, #tpu.memory_space<vmem>>) semaphore(%run_scoped3A_334 : memref<!tpu.dma_semaphore, #tpu.memory_space<semaphore_mem>>) {add = true}
      %dma_wait3A = arith.constant 0 : i32
      %dma_wait3A_341 = arith.constant 0 : i32
      %dma_wait3A_342 = tpu.memref_slice %arg19[%run_scoped3A_250, %dma_wait3A, %dma_wait3A_341] : memref<5x625x16xf32, #tpu.memory_space<vmem_shared>> -> memref<1x625x16xf32, #tpu.memory_space<vmem_shared>>
      %dma_wait3A_343 = tpu.memref_squeeze %dma_wait3A_342 : memref<1x625x16xf32, #tpu.memory_space<vmem_shared>> -> memref<625x16xf32, #tpu.memory_space<vmem_shared>>
      %dma_wait3A_344 = arith.constant 0 : i32
      %dma_wait3A_345 = arith.constant 0 : i32
      %dma_wait3A_346 = tpu.memref_slice %dma_wait3A_343[%dma_wait3A_344, %dma_wait3A_345] : memref<625x16xf32, #tpu.memory_space<vmem_shared>> -> memref<625x16xf32, #tpu.memory_space<vmem_shared>>
      tpu.wait_indirect_dma semaphore(%run_scoped3A_334 : memref<!tpu.dma_semaphore, #tpu.memory_space<semaphore_mem>>) src(%arg15 : memref<625x16xf32, #tpu.memory_space<vmem>>) dst(%dma_wait3A_346 : memref<625x16xf32, #tpu.memory_space<vmem_shared>>)
      tpu.yield
    }) : () -> ()
    %run_scoped3A_251 = arith.constant 2 : i32
    "tpu.region"() ({
      %run_scoped3A_334 = tpu.sem_alloc : memref<!tpu.dma_semaphore, #tpu.memory_space<semaphore_mem>>
      %dma_start3A = arith.constant 0 : i32
      %dma_start3A_335 = arith.constant 0 : i32
      %dma_start3A_336 = tpu.memref_slice %arg19[%run_scoped3A_251, %dma_start3A, %dma_start3A_335] : memref<5x625x16xf32, #tpu.memory_space<vmem_shared>> -> memref<1x625x16xf32, #tpu.memory_space<vmem_shared>>
      %dma_start3A_337 = tpu.memref_squeeze %dma_start3A_336 : memref<1x625x16xf32, #tpu.memory_space<vmem_shared>> -> memref<625x16xf32, #tpu.memory_space<vmem_shared>>
      %dma_start3A_338 = arith.constant 0 : i32
      %dma_start3A_339 = arith.constant 0 : i32
      %dma_start3A_340 = tpu.memref_slice %dma_start3A_337[%dma_start3A_338, %dma_start3A_339] : memref<625x16xf32, #tpu.memory_space<vmem_shared>> -> memref<625x16xf32, #tpu.memory_space<vmem_shared>>
      tpu.enqueue_indirect_dma source(%arg16 : memref<625x16xf32, #tpu.memory_space<vmem>>) target(%dma_start3A_340 : memref<625x16xf32, #tpu.memory_space<vmem_shared>>) offsets(%arg10 : memref<625xi32, #tpu.memory_space<vmem>>) semaphore(%run_scoped3A_334 : memref<!tpu.dma_semaphore, #tpu.memory_space<semaphore_mem>>) {add = true}
      %dma_wait3A = arith.constant 0 : i32
      %dma_wait3A_341 = arith.constant 0 : i32
      %dma_wait3A_342 = tpu.memref_slice %arg19[%run_scoped3A_251, %dma_wait3A, %dma_wait3A_341] : memref<5x625x16xf32, #tpu.memory_space<vmem_shared>> -> memref<1x625x16xf32, #tpu.memory_space<vmem_shared>>
      %dma_wait3A_343 = tpu.memref_squeeze %dma_wait3A_342 : memref<1x625x16xf32, #tpu.memory_space<vmem_shared>> -> memref<625x16xf32, #tpu.memory_space<vmem_shared>>
      %dma_wait3A_344 = arith.constant 0 : i32
      %dma_wait3A_345 = arith.constant 0 : i32
      %dma_wait3A_346 = tpu.memref_slice %dma_wait3A_343[%dma_wait3A_344, %dma_wait3A_345] : memref<625x16xf32, #tpu.memory_space<vmem_shared>> -> memref<625x16xf32, #tpu.memory_space<vmem_shared>>
      tpu.wait_indirect_dma semaphore(%run_scoped3A_334 : memref<!tpu.dma_semaphore, #tpu.memory_space<semaphore_mem>>) src(%arg16 : memref<625x16xf32, #tpu.memory_space<vmem>>) dst(%dma_wait3A_346 : memref<625x16xf32, #tpu.memory_space<vmem_shared>>)
      tpu.yield
    }) : () -> ()
    %run_scoped3A_252 = arith.constant 3 : i32
    "tpu.region"() ({
      %run_scoped3A_334 = tpu.sem_alloc : memref<!tpu.dma_semaphore, #tpu.memory_space<semaphore_mem>>
      %dma_start3A = arith.constant 0 : i32
      %dma_start3A_335 = arith.constant 0 : i32
      %dma_start3A_336 = tpu.memref_slice %arg19[%run_scoped3A_252, %dma_start3A, %dma_start3A_335] : memref<5x625x16xf32, #tpu.memory_space<vmem_shared>> -> memref<1x625x16xf32, #tpu.memory_space<vmem_shared>>
      %dma_start3A_337 = tpu.memref_squeeze %dma_start3A_336 : memref<1x625x16xf32, #tpu.memory_space<vmem_shared>> -> memref<625x16xf32, #tpu.memory_space<vmem_shared>>
      %dma_start3A_338 = arith.constant 0 : i32
      %dma_start3A_339 = arith.constant 0 : i32
      %dma_start3A_340 = tpu.memref_slice %dma_start3A_337[%dma_start3A_338, %dma_start3A_339] : memref<625x16xf32, #tpu.memory_space<vmem_shared>> -> memref<625x16xf32, #tpu.memory_space<vmem_shared>>
      tpu.enqueue_indirect_dma source(%arg17 : memref<625x16xf32, #tpu.memory_space<vmem>>) target(%dma_start3A_340 : memref<625x16xf32, #tpu.memory_space<vmem_shared>>) offsets(%arg10 : memref<625xi32, #tpu.memory_space<vmem>>) semaphore(%run_scoped3A_334 : memref<!tpu.dma_semaphore, #tpu.memory_space<semaphore_mem>>) {add = true}
      %dma_wait3A = arith.constant 0 : i32
      %dma_wait3A_341 = arith.constant 0 : i32
      %dma_wait3A_342 = tpu.memref_slice %arg19[%run_scoped3A_252, %dma_wait3A, %dma_wait3A_341] : memref<5x625x16xf32, #tpu.memory_space<vmem_shared>> -> memref<1x625x16xf32, #tpu.memory_space<vmem_shared>>
      %dma_wait3A_343 = tpu.memref_squeeze %dma_wait3A_342 : memref<1x625x16xf32, #tpu.memory_space<vmem_shared>> -> memref<625x16xf32, #tpu.memory_space<vmem_shared>>
      %dma_wait3A_344 = arith.constant 0 : i32
      %dma_wait3A_345 = arith.constant 0 : i32
      %dma_wait3A_346 = tpu.memref_slice %dma_wait3A_343[%dma_wait3A_344, %dma_wait3A_345] : memref<625x16xf32, #tpu.memory_space<vmem_shared>> -> memref<625x16xf32, #tpu.memory_space<vmem_shared>>
      tpu.wait_indirect_dma semaphore(%run_scoped3A_334 : memref<!tpu.dma_semaphore, #tpu.memory_space<semaphore_mem>>) src(%arg17 : memref<625x16xf32, #tpu.memory_space<vmem>>) dst(%dma_wait3A_346 : memref<625x16xf32, #tpu.memory_space<vmem_shared>>)
      tpu.yield
    }) : () -> ()
    %run_scoped3A_253 = arith.constant 4 : i32
    "tpu.region"() ({
      %run_scoped3A_334 = tpu.sem_alloc : memref<!tpu.dma_semaphore, #tpu.memory_space<semaphore_mem>>
      %dma_start3A = arith.constant 0 : i32
      %dma_start3A_335 = arith.constant 0 : i32
      %dma_start3A_336 = tpu.memref_slice %arg19[%run_scoped3A_253, %dma_start3A, %dma_start3A_335] : memref<5x625x16xf32, #tpu.memory_space<vmem_shared>> -> memref<1x625x16xf32, #tpu.memory_space<vmem_shared>>
      %dma_start3A_337 = tpu.memref_squeeze %dma_start3A_336 : memref<1x625x16xf32, #tpu.memory_space<vmem_shared>> -> memref<625x16xf32, #tpu.memory_space<vmem_shared>>
      %dma_start3A_338 = arith.constant 0 : i32
      %dma_start3A_339 = arith.constant 0 : i32
      %dma_start3A_340 = tpu.memref_slice %dma_start3A_337[%dma_start3A_338, %dma_start3A_339] : memref<625x16xf32, #tpu.memory_space<vmem_shared>> -> memref<625x16xf32, #tpu.memory_space<vmem_shared>>
      tpu.enqueue_indirect_dma source(%arg18 : memref<625x16xf32, #tpu.memory_space<vmem>>) target(%dma_start3A_340 : memref<625x16xf32, #tpu.memory_space<vmem_shared>>) offsets(%arg10 : memref<625xi32, #tpu.memory_space<vmem>>) semaphore(%run_scoped3A_334 : memref<!tpu.dma_semaphore, #tpu.memory_space<semaphore_mem>>) {add = true}
      %dma_wait3A = arith.constant 0 : i32
      %dma_wait3A_341 = arith.constant 0 : i32
      %dma_wait3A_342 = tpu.memref_slice %arg19[%run_scoped3A_253, %dma_wait3A, %dma_wait3A_341] : memref<5x625x16xf32, #tpu.memory_space<vmem_shared>> -> memref<1x625x16xf32, #tpu.memory_space<vmem_shared>>
      %dma_wait3A_343 = tpu.memref_squeeze %dma_wait3A_342 : memref<1x625x16xf32, #tpu.memory_space<vmem_shared>> -> memref<625x16xf32, #tpu.memory_space<vmem_shared>>
      %dma_wait3A_344 = arith.constant 0 : i32
      %dma_wait3A_345 = arith.constant 0 : i32
      %dma_wait3A_346 = tpu.memref_slice %dma_wait3A_343[%dma_wait3A_344, %dma_wait3A_345] : memref<625x16xf32, #tpu.memory_space<vmem_shared>> -> memref<625x16xf32, #tpu.memory_space<vmem_shared>>
      tpu.wait_indirect_dma semaphore(%run_scoped3A_334 : memref<!tpu.dma_semaphore, #tpu.memory_space<semaphore_mem>>) src(%arg18 : memref<625x16xf32, #tpu.memory_space<vmem>>) dst(%dma_wait3A_346 : memref<625x16xf32, #tpu.memory_space<vmem_shared>>)
      tpu.yield
    }) : () -> ()
    %barrier3A_254 = arith.constant 0 : index
    tpu.barrier barrier_id(%barrier3A_254)
    %eq3A_255 = arith.constant 0 : i32
    %eq3A_256 = arith.cmpi eq, %arg1, %eq3A_255 : i32
    %eq3A_257 = arith.constant 0 : i32
    %eq3A_258 = arith.cmpi eq, %arg0, %eq3A_257 : i32
    %and3A = arith.andi %eq3A_256, %eq3A_258 : i1
    %convert_element_type3A_259 = arith.extui %and3A : i1 to i32
    %cond3A_260 = arith.constant 0 : i32
    %cond3A_261 = arith.cmpi ne, %convert_element_type3A_259, %cond3A_260 : i32
    scf.if %cond3A_261 {
      %run_scoped3A_334 = arith.constant 0 : i32
      "tpu.region"() ({
        %run_scoped3A_335 = tpu.sem_alloc : memref<!tpu.dma_semaphore, #tpu.memory_space<semaphore_mem>>
        %dma_start3A = arith.constant 0 : i32
        %dma_start3A_336 = arith.constant 0 : i32
        %dma_start3A_337 = tpu.memref_slice %arg6[%dma_start3A, %dma_start3A_336] : memref<3125x16xf32, #tpu.memory_space<hbm>> -> memref<625x16xf32, #tpu.memory_space<hbm>>
        %dma_start3A_338 = arith.constant 0 : i32
        %dma_start3A_339 = arith.constant 0 : i32
        %dma_start3A_340 = tpu.memref_slice %arg19[%run_scoped3A_334, %dma_start3A_338, %dma_start3A_339] : memref<5x625x16xf32, #tpu.memory_space<vmem_shared>> -> memref<1x625x16xf32, #tpu.memory_space<vmem_shared>>
        %dma_start3A_341 = tpu.memref_squeeze %dma_start3A_340 : memref<1x625x16xf32, #tpu.memory_space<vmem_shared>> -> memref<625x16xf32, #tpu.memory_space<vmem_shared>>
        tpu.enqueue_dma source(%dma_start3A_341 : memref<625x16xf32, #tpu.memory_space<vmem_shared>>) target(%dma_start3A_337 : memref<625x16xf32, #tpu.memory_space<hbm>>) target_semaphore(%run_scoped3A_335 : memref<!tpu.dma_semaphore, #tpu.memory_space<semaphore_mem>>)
        %dma_wait3A = arith.constant 0 : i32
        %dma_wait3A_342 = arith.constant 0 : i32
        %dma_wait3A_343 = tpu.memref_slice %arg6[%dma_wait3A, %dma_wait3A_342] : memref<3125x16xf32, #tpu.memory_space<hbm>> -> memref<625x16xf32, #tpu.memory_space<hbm>>
        %dma_wait3A_344 = arith.constant 0 : i32
        %dma_wait3A_345 = arith.constant 0 : i32
        %dma_wait3A_346 = tpu.memref_slice %arg19[%run_scoped3A_334, %dma_wait3A_344, %dma_wait3A_345] : memref<5x625x16xf32, #tpu.memory_space<vmem_shared>> -> memref<1x625x16xf32, #tpu.memory_space<vmem_shared>>
        %dma_wait3A_347 = tpu.memref_squeeze %dma_wait3A_346 : memref<1x625x16xf32, #tpu.memory_space<vmem_shared>> -> memref<625x16xf32, #tpu.memory_space<vmem_shared>>
        tpu.wait_dma2 semaphore(%run_scoped3A_335 : memref<!tpu.dma_semaphore, #tpu.memory_space<semaphore_mem>>) src(%dma_wait3A_347 : memref<625x16xf32, #tpu.memory_space<vmem_shared>>) dst(%dma_wait3A_343 : memref<625x16xf32, #tpu.memory_space<hbm>>)
        tpu.yield
      }) : () -> ()
    } else {
    }
    %eq3A_262 = arith.constant 0 : i32
    %eq3A_263 = arith.cmpi eq, %arg1, %eq3A_262 : i32
    %eq3A_264 = arith.constant 1 : i32
    %eq3A_265 = arith.cmpi eq, %arg0, %eq3A_264 : i32
    %and3A_266 = arith.andi %eq3A_263, %eq3A_265 : i1
    %convert_element_type3A_267 = arith.extui %and3A_266 : i1 to i32
    %cond3A_268 = arith.constant 0 : i32
    %cond3A_269 = arith.cmpi ne, %convert_element_type3A_267, %cond3A_268 : i32
    scf.if %cond3A_269 {
      %run_scoped3A_334 = arith.constant 0 : i32
      "tpu.region"() ({
        %run_scoped3A_335 = tpu.sem_alloc : memref<!tpu.dma_semaphore, #tpu.memory_space<semaphore_mem>>
        %dma_start3A = arith.constant 0 : i32
        %dma_start3A_336 = arith.constant 0 : i32
        %dma_start3A_337 = tpu.memref_slice %arg7[%dma_start3A, %dma_start3A_336] : memref<3125x16xf32, #tpu.memory_space<hbm>> -> memref<625x16xf32, #tpu.memory_space<hbm>>
        %dma_start3A_338 = arith.constant 0 : i32
        %dma_start3A_339 = arith.constant 0 : i32
        %dma_start3A_340 = tpu.memref_slice %arg19[%run_scoped3A_334, %dma_start3A_338, %dma_start3A_339] : memref<5x625x16xf32, #tpu.memory_space<vmem_shared>> -> memref<1x625x16xf32, #tpu.memory_space<vmem_shared>>
        %dma_start3A_341 = tpu.memref_squeeze %dma_start3A_340 : memref<1x625x16xf32, #tpu.memory_space<vmem_shared>> -> memref<625x16xf32, #tpu.memory_space<vmem_shared>>
        tpu.enqueue_dma source(%dma_start3A_341 : memref<625x16xf32, #tpu.memory_space<vmem_shared>>) target(%dma_start3A_337 : memref<625x16xf32, #tpu.memory_space<hbm>>) target_semaphore(%run_scoped3A_335 : memref<!tpu.dma_semaphore, #tpu.memory_space<semaphore_mem>>)
        %dma_wait3A = arith.constant 0 : i32
        %dma_wait3A_342 = arith.constant 0 : i32
        %dma_wait3A_343 = tpu.memref_slice %arg7[%dma_wait3A, %dma_wait3A_342] : memref<3125x16xf32, #tpu.memory_space<hbm>> -> memref<625x16xf32, #tpu.memory_space<hbm>>
        %dma_wait3A_344 = arith.constant 0 : i32
        %dma_wait3A_345 = arith.constant 0 : i32
        %dma_wait3A_346 = tpu.memref_slice %arg19[%run_scoped3A_334, %dma_wait3A_344, %dma_wait3A_345] : memref<5x625x16xf32, #tpu.memory_space<vmem_shared>> -> memref<1x625x16xf32, #tpu.memory_space<vmem_shared>>
        %dma_wait3A_347 = tpu.memref_squeeze %dma_wait3A_346 : memref<1x625x16xf32, #tpu.memory_space<vmem_shared>> -> memref<625x16xf32, #tpu.memory_space<vmem_shared>>
        tpu.wait_dma2 semaphore(%run_scoped3A_335 : memref<!tpu.dma_semaphore, #tpu.memory_space<semaphore_mem>>) src(%dma_wait3A_347 : memref<625x16xf32, #tpu.memory_space<vmem_shared>>) dst(%dma_wait3A_343 : memref<625x16xf32, #tpu.memory_space<hbm>>)
        tpu.yield
      }) : () -> ()
    } else {
    }
    %eq3A_270 = arith.constant 1 : i32
    %eq3A_271 = arith.cmpi eq, %arg1, %eq3A_270 : i32
    %eq3A_272 = arith.constant 0 : i32
    %eq3A_273 = arith.cmpi eq, %arg0, %eq3A_272 : i32
    %and3A_274 = arith.andi %eq3A_271, %eq3A_273 : i1
    %convert_element_type3A_275 = arith.extui %and3A_274 : i1 to i32
    %cond3A_276 = arith.constant 0 : i32
    %cond3A_277 = arith.cmpi ne, %convert_element_type3A_275, %cond3A_276 : i32
    scf.if %cond3A_277 {
      %run_scoped3A_334 = arith.constant 1 : i32
      "tpu.region"() ({
        %run_scoped3A_335 = tpu.sem_alloc : memref<!tpu.dma_semaphore, #tpu.memory_space<semaphore_mem>>
        %dma_start3A = arith.constant 625 : i32
        %dma_start3A_336 = arith.constant 0 : i32
        %dma_start3A_337 = tpu.memref_slice %arg6[%dma_start3A, %dma_start3A_336] : memref<3125x16xf32, #tpu.memory_space<hbm>> -> memref<625x16xf32, #tpu.memory_space<hbm>>
        %dma_start3A_338 = arith.constant 0 : i32
        %dma_start3A_339 = arith.constant 0 : i32
        %dma_start3A_340 = tpu.memref_slice %arg19[%run_scoped3A_334, %dma_start3A_338, %dma_start3A_339] : memref<5x625x16xf32, #tpu.memory_space<vmem_shared>> -> memref<1x625x16xf32, #tpu.memory_space<vmem_shared>>
        %dma_start3A_341 = tpu.memref_squeeze %dma_start3A_340 : memref<1x625x16xf32, #tpu.memory_space<vmem_shared>> -> memref<625x16xf32, #tpu.memory_space<vmem_shared>>
        tpu.enqueue_dma source(%dma_start3A_341 : memref<625x16xf32, #tpu.memory_space<vmem_shared>>) target(%dma_start3A_337 : memref<625x16xf32, #tpu.memory_space<hbm>>) target_semaphore(%run_scoped3A_335 : memref<!tpu.dma_semaphore, #tpu.memory_space<semaphore_mem>>)
        %dma_wait3A = arith.constant 625 : i32
        %dma_wait3A_342 = arith.constant 0 : i32
        %dma_wait3A_343 = tpu.memref_slice %arg6[%dma_wait3A, %dma_wait3A_342] : memref<3125x16xf32, #tpu.memory_space<hbm>> -> memref<625x16xf32, #tpu.memory_space<hbm>>
        %dma_wait3A_344 = arith.constant 0 : i32
        %dma_wait3A_345 = arith.constant 0 : i32
        %dma_wait3A_346 = tpu.memref_slice %arg19[%run_scoped3A_334, %dma_wait3A_344, %dma_wait3A_345] : memref<5x625x16xf32, #tpu.memory_space<vmem_shared>> -> memref<1x625x16xf32, #tpu.memory_space<vmem_shared>>
        %dma_wait3A_347 = tpu.memref_squeeze %dma_wait3A_346 : memref<1x625x16xf32, #tpu.memory_space<vmem_shared>> -> memref<625x16xf32, #tpu.memory_space<vmem_shared>>
        tpu.wait_dma2 semaphore(%run_scoped3A_335 : memref<!tpu.dma_semaphore, #tpu.memory_space<semaphore_mem>>) src(%dma_wait3A_347 : memref<625x16xf32, #tpu.memory_space<vmem_shared>>) dst(%dma_wait3A_343 : memref<625x16xf32, #tpu.memory_space<hbm>>)
        tpu.yield
      }) : () -> ()
    } else {
    }
    %eq3A_278 = arith.constant 1 : i32
    %eq3A_279 = arith.cmpi eq, %arg1, %eq3A_278 : i32
    %eq3A_280 = arith.constant 1 : i32
    %eq3A_281 = arith.cmpi eq, %arg0, %eq3A_280 : i32
    %and3A_282 = arith.andi %eq3A_279, %eq3A_281 : i1
    %convert_element_type3A_283 = arith.extui %and3A_282 : i1 to i32
    %cond3A_284 = arith.constant 0 : i32
    %cond3A_285 = arith.cmpi ne, %convert_element_type3A_283, %cond3A_284 : i32
    scf.if %cond3A_285 {
      %run_scoped3A_334 = arith.constant 1 : i32
      "tpu.region"() ({
        %run_scoped3A_335 = tpu.sem_alloc : memref<!tpu.dma_semaphore, #tpu.memory_space<semaphore_mem>>
        %dma_start3A = arith.constant 625 : i32
        %dma_start3A_336 = arith.constant 0 : i32
        %dma_start3A_337 = tpu.memref_slice %arg7[%dma_start3A, %dma_start3A_336] : memref<3125x16xf32, #tpu.memory_space<hbm>> -> memref<625x16xf32, #tpu.memory_space<hbm>>
        %dma_start3A_338 = arith.constant 0 : i32
        %dma_start3A_339 = arith.constant 0 : i32
        %dma_start3A_340 = tpu.memref_slice %arg19[%run_scoped3A_334, %dma_start3A_338, %dma_start3A_339] : memref<5x625x16xf32, #tpu.memory_space<vmem_shared>> -> memref<1x625x16xf32, #tpu.memory_space<vmem_shared>>
        %dma_start3A_341 = tpu.memref_squeeze %dma_start3A_340 : memref<1x625x16xf32, #tpu.memory_space<vmem_shared>> -> memref<625x16xf32, #tpu.memory_space<vmem_shared>>
        tpu.enqueue_dma source(%dma_start3A_341 : memref<625x16xf32, #tpu.memory_space<vmem_shared>>) target(%dma_start3A_337 : memref<625x16xf32, #tpu.memory_space<hbm>>) target_semaphore(%run_scoped3A_335 : memref<!tpu.dma_semaphore, #tpu.memory_space<semaphore_mem>>)
        %dma_wait3A = arith.constant 625 : i32
        %dma_wait3A_342 = arith.constant 0 : i32
        %dma_wait3A_343 = tpu.memref_slice %arg7[%dma_wait3A, %dma_wait3A_342] : memref<3125x16xf32, #tpu.memory_space<hbm>> -> memref<625x16xf32, #tpu.memory_space<hbm>>
        %dma_wait3A_344 = arith.constant 0 : i32
        %dma_wait3A_345 = arith.constant 0 : i32
        %dma_wait3A_346 = tpu.memref_slice %arg19[%run_scoped3A_334, %dma_wait3A_344, %dma_wait3A_345] : memref<5x625x16xf32, #tpu.memory_space<vmem_shared>> -> memref<1x625x16xf32, #tpu.memory_space<vmem_shared>>
        %dma_wait3A_347 = tpu.memref_squeeze %dma_wait3A_346 : memref<1x625x16xf32, #tpu.memory_space<vmem_shared>> -> memref<625x16xf32, #tpu.memory_space<vmem_shared>>
        tpu.wait_dma2 semaphore(%run_scoped3A_335 : memref<!tpu.dma_semaphore, #tpu.memory_space<semaphore_mem>>) src(%dma_wait3A_347 : memref<625x16xf32, #tpu.memory_space<vmem_shared>>) dst(%dma_wait3A_343 : memref<625x16xf32, #tpu.memory_space<hbm>>)
        tpu.yield
      }) : () -> ()
    } else {
    }
    %eq3A_286 = arith.constant 2 : i32
    %eq3A_287 = arith.cmpi eq, %arg1, %eq3A_286 : i32
    %eq3A_288 = arith.constant 0 : i32
    %eq3A_289 = arith.cmpi eq, %arg0, %eq3A_288 : i32
    %and3A_290 = arith.andi %eq3A_287, %eq3A_289 : i1
    %convert_element_type3A_291 = arith.extui %and3A_290 : i1 to i32
    %cond3A_292 = arith.constant 0 : i32
    %cond3A_293 = arith.cmpi ne, %convert_element_type3A_291, %cond3A_292 : i32
    scf.if %cond3A_293 {
      %run_scoped3A_334 = arith.constant 2 : i32
      "tpu.region"() ({
        %run_scoped3A_335 = tpu.sem_alloc : memref<!tpu.dma_semaphore, #tpu.memory_space<semaphore_mem>>
        %dma_start3A = arith.constant 1250 : i32
        %dma_start3A_336 = arith.constant 0 : i32
        %dma_start3A_337 = tpu.memref_slice %arg6[%dma_start3A, %dma_start3A_336] : memref<3125x16xf32, #tpu.memory_space<hbm>> -> memref<625x16xf32, #tpu.memory_space<hbm>>
        %dma_start3A_338 = arith.constant 0 : i32
        %dma_start3A_339 = arith.constant 0 : i32
        %dma_start3A_340 = tpu.memref_slice %arg19[%run_scoped3A_334, %dma_start3A_338, %dma_start3A_339] : memref<5x625x16xf32, #tpu.memory_space<vmem_shared>> -> memref<1x625x16xf32, #tpu.memory_space<vmem_shared>>
        %dma_start3A_341 = tpu.memref_squeeze %dma_start3A_340 : memref<1x625x16xf32, #tpu.memory_space<vmem_shared>> -> memref<625x16xf32, #tpu.memory_space<vmem_shared>>
        tpu.enqueue_dma source(%dma_start3A_341 : memref<625x16xf32, #tpu.memory_space<vmem_shared>>) target(%dma_start3A_337 : memref<625x16xf32, #tpu.memory_space<hbm>>) target_semaphore(%run_scoped3A_335 : memref<!tpu.dma_semaphore, #tpu.memory_space<semaphore_mem>>)
        %dma_wait3A = arith.constant 1250 : i32
        %dma_wait3A_342 = arith.constant 0 : i32
        %dma_wait3A_343 = tpu.memref_slice %arg6[%dma_wait3A, %dma_wait3A_342] : memref<3125x16xf32, #tpu.memory_space<hbm>> -> memref<625x16xf32, #tpu.memory_space<hbm>>
        %dma_wait3A_344 = arith.constant 0 : i32
        %dma_wait3A_345 = arith.constant 0 : i32
        %dma_wait3A_346 = tpu.memref_slice %arg19[%run_scoped3A_334, %dma_wait3A_344, %dma_wait3A_345] : memref<5x625x16xf32, #tpu.memory_space<vmem_shared>> -> memref<1x625x16xf32, #tpu.memory_space<vmem_shared>>
        %dma_wait3A_347 = tpu.memref_squeeze %dma_wait3A_346 : memref<1x625x16xf32, #tpu.memory_space<vmem_shared>> -> memref<625x16xf32, #tpu.memory_space<vmem_shared>>
        tpu.wait_dma2 semaphore(%run_scoped3A_335 : memref<!tpu.dma_semaphore, #tpu.memory_space<semaphore_mem>>) src(%dma_wait3A_347 : memref<625x16xf32, #tpu.memory_space<vmem_shared>>) dst(%dma_wait3A_343 : memref<625x16xf32, #tpu.memory_space<hbm>>)
        tpu.yield
      }) : () -> ()
    } else {
    }
    %eq3A_294 = arith.constant 2 : i32
    %eq3A_295 = arith.cmpi eq, %arg1, %eq3A_294 : i32
    %eq3A_296 = arith.constant 1 : i32
    %eq3A_297 = arith.cmpi eq, %arg0, %eq3A_296 : i32
    %and3A_298 = arith.andi %eq3A_295, %eq3A_297 : i1
    %convert_element_type3A_299 = arith.extui %and3A_298 : i1 to i32
    %cond3A_300 = arith.constant 0 : i32
    %cond3A_301 = arith.cmpi ne, %convert_element_type3A_299, %cond3A_300 : i32
    scf.if %cond3A_301 {
      %run_scoped3A_334 = arith.constant 2 : i32
      "tpu.region"() ({
        %run_scoped3A_335 = tpu.sem_alloc : memref<!tpu.dma_semaphore, #tpu.memory_space<semaphore_mem>>
        %dma_start3A = arith.constant 1250 : i32
        %dma_start3A_336 = arith.constant 0 : i32
        %dma_start3A_337 = tpu.memref_slice %arg7[%dma_start3A, %dma_start3A_336] : memref<3125x16xf32, #tpu.memory_space<hbm>> -> memref<625x16xf32, #tpu.memory_space<hbm>>
        %dma_start3A_338 = arith.constant 0 : i32
        %dma_start3A_339 = arith.constant 0 : i32
        %dma_start3A_340 = tpu.memref_slice %arg19[%run_scoped3A_334, %dma_start3A_338, %dma_start3A_339] : memref<5x625x16xf32, #tpu.memory_space<vmem_shared>> -> memref<1x625x16xf32, #tpu.memory_space<vmem_shared>>
        %dma_start3A_341 = tpu.memref_squeeze %dma_start3A_340 : memref<1x625x16xf32, #tpu.memory_space<vmem_shared>> -> memref<625x16xf32, #tpu.memory_space<vmem_shared>>
        tpu.enqueue_dma source(%dma_start3A_341 : memref<625x16xf32, #tpu.memory_space<vmem_shared>>) target(%dma_start3A_337 : memref<625x16xf32, #tpu.memory_space<hbm>>) target_semaphore(%run_scoped3A_335 : memref<!tpu.dma_semaphore, #tpu.memory_space<semaphore_mem>>)
        %dma_wait3A = arith.constant 1250 : i32
        %dma_wait3A_342 = arith.constant 0 : i32
        %dma_wait3A_343 = tpu.memref_slice %arg7[%dma_wait3A, %dma_wait3A_342] : memref<3125x16xf32, #tpu.memory_space<hbm>> -> memref<625x16xf32, #tpu.memory_space<hbm>>
        %dma_wait3A_344 = arith.constant 0 : i32
        %dma_wait3A_345 = arith.constant 0 : i32
        %dma_wait3A_346 = tpu.memref_slice %arg19[%run_scoped3A_334, %dma_wait3A_344, %dma_wait3A_345] : memref<5x625x16xf32, #tpu.memory_space<vmem_shared>> -> memref<1x625x16xf32, #tpu.memory_space<vmem_shared>>
        %dma_wait3A_347 = tpu.memref_squeeze %dma_wait3A_346 : memref<1x625x16xf32, #tpu.memory_space<vmem_shared>> -> memref<625x16xf32, #tpu.memory_space<vmem_shared>>
        tpu.wait_dma2 semaphore(%run_scoped3A_335 : memref<!tpu.dma_semaphore, #tpu.memory_space<semaphore_mem>>) src(%dma_wait3A_347 : memref<625x16xf32, #tpu.memory_space<vmem_shared>>) dst(%dma_wait3A_343 : memref<625x16xf32, #tpu.memory_space<hbm>>)
        tpu.yield
      }) : () -> ()
    } else {
    }
    %eq3A_302 = arith.constant 3 : i32
    %eq3A_303 = arith.cmpi eq, %arg1, %eq3A_302 : i32
    %eq3A_304 = arith.constant 0 : i32
    %eq3A_305 = arith.cmpi eq, %arg0, %eq3A_304 : i32
    %and3A_306 = arith.andi %eq3A_303, %eq3A_305 : i1
    %convert_element_type3A_307 = arith.extui %and3A_306 : i1 to i32
    %cond3A_308 = arith.constant 0 : i32
    %cond3A_309 = arith.cmpi ne, %convert_element_type3A_307, %cond3A_308 : i32
    scf.if %cond3A_309 {
      %run_scoped3A_334 = arith.constant 3 : i32
      "tpu.region"() ({
        %run_scoped3A_335 = tpu.sem_alloc : memref<!tpu.dma_semaphore, #tpu.memory_space<semaphore_mem>>
        %dma_start3A = arith.constant 1875 : i32
        %dma_start3A_336 = arith.constant 0 : i32
        %dma_start3A_337 = tpu.memref_slice %arg6[%dma_start3A, %dma_start3A_336] : memref<3125x16xf32, #tpu.memory_space<hbm>> -> memref<625x16xf32, #tpu.memory_space<hbm>>
        %dma_start3A_338 = arith.constant 0 : i32
        %dma_start3A_339 = arith.constant 0 : i32
        %dma_start3A_340 = tpu.memref_slice %arg19[%run_scoped3A_334, %dma_start3A_338, %dma_start3A_339] : memref<5x625x16xf32, #tpu.memory_space<vmem_shared>> -> memref<1x625x16xf32, #tpu.memory_space<vmem_shared>>
        %dma_start3A_341 = tpu.memref_squeeze %dma_start3A_340 : memref<1x625x16xf32, #tpu.memory_space<vmem_shared>> -> memref<625x16xf32, #tpu.memory_space<vmem_shared>>
        tpu.enqueue_dma source(%dma_start3A_341 : memref<625x16xf32, #tpu.memory_space<vmem_shared>>) target(%dma_start3A_337 : memref<625x16xf32, #tpu.memory_space<hbm>>) target_semaphore(%run_scoped3A_335 : memref<!tpu.dma_semaphore, #tpu.memory_space<semaphore_mem>>)
        %dma_wait3A = arith.constant 1875 : i32
        %dma_wait3A_342 = arith.constant 0 : i32
        %dma_wait3A_343 = tpu.memref_slice %arg6[%dma_wait3A, %dma_wait3A_342] : memref<3125x16xf32, #tpu.memory_space<hbm>> -> memref<625x16xf32, #tpu.memory_space<hbm>>
        %dma_wait3A_344 = arith.constant 0 : i32
        %dma_wait3A_345 = arith.constant 0 : i32
        %dma_wait3A_346 = tpu.memref_slice %arg19[%run_scoped3A_334, %dma_wait3A_344, %dma_wait3A_345] : memref<5x625x16xf32, #tpu.memory_space<vmem_shared>> -> memref<1x625x16xf32, #tpu.memory_space<vmem_shared>>
        %dma_wait3A_347 = tpu.memref_squeeze %dma_wait3A_346 : memref<1x625x16xf32, #tpu.memory_space<vmem_shared>> -> memref<625x16xf32, #tpu.memory_space<vmem_shared>>
        tpu.wait_dma2 semaphore(%run_scoped3A_335 : memref<!tpu.dma_semaphore, #tpu.memory_space<semaphore_mem>>) src(%dma_wait3A_347 : memref<625x16xf32, #tpu.memory_space<vmem_shared>>) dst(%dma_wait3A_343 : memref<625x16xf32, #tpu.memory_space<hbm>>)
        tpu.yield
      }) : () -> ()
    } else {
    }
    %eq3A_310 = arith.constant 3 : i32
    %eq3A_311 = arith.cmpi eq, %arg1, %eq3A_310 : i32
    %eq3A_312 = arith.constant 1 : i32
    %eq3A_313 = arith.cmpi eq, %arg0, %eq3A_312 : i32
    %and3A_314 = arith.andi %eq3A_311, %eq3A_313 : i1
    %convert_element_type3A_315 = arith.extui %and3A_314 : i1 to i32
    %cond3A_316 = arith.constant 0 : i32
    %cond3A_317 = arith.cmpi ne, %convert_element_type3A_315, %cond3A_316 : i32
    scf.if %cond3A_317 {
      %run_scoped3A_334 = arith.constant 3 : i32
      "tpu.region"() ({
        %run_scoped3A_335 = tpu.sem_alloc : memref<!tpu.dma_semaphore, #tpu.memory_space<semaphore_mem>>
        %dma_start3A = arith.constant 1875 : i32
        %dma_start3A_336 = arith.constant 0 : i32
        %dma_start3A_337 = tpu.memref_slice %arg7[%dma_start3A, %dma_start3A_336] : memref<3125x16xf32, #tpu.memory_space<hbm>> -> memref<625x16xf32, #tpu.memory_space<hbm>>
        %dma_start3A_338 = arith.constant 0 : i32
        %dma_start3A_339 = arith.constant 0 : i32
        %dma_start3A_340 = tpu.memref_slice %arg19[%run_scoped3A_334, %dma_start3A_338, %dma_start3A_339] : memref<5x625x16xf32, #tpu.memory_space<vmem_shared>> -> memref<1x625x16xf32, #tpu.memory_space<vmem_shared>>
        %dma_start3A_341 = tpu.memref_squeeze %dma_start3A_340 : memref<1x625x16xf32, #tpu.memory_space<vmem_shared>> -> memref<625x16xf32, #tpu.memory_space<vmem_shared>>
        tpu.enqueue_dma source(%dma_start3A_341 : memref<625x16xf32, #tpu.memory_space<vmem_shared>>) target(%dma_start3A_337 : memref<625x16xf32, #tpu.memory_space<hbm>>) target_semaphore(%run_scoped3A_335 : memref<!tpu.dma_semaphore, #tpu.memory_space<semaphore_mem>>)
        %dma_wait3A = arith.constant 1875 : i32
        %dma_wait3A_342 = arith.constant 0 : i32
        %dma_wait3A_343 = tpu.memref_slice %arg7[%dma_wait3A, %dma_wait3A_342] : memref<3125x16xf32, #tpu.memory_space<hbm>> -> memref<625x16xf32, #tpu.memory_space<hbm>>
        %dma_wait3A_344 = arith.constant 0 : i32
        %dma_wait3A_345 = arith.constant 0 : i32
        %dma_wait3A_346 = tpu.memref_slice %arg19[%run_scoped3A_334, %dma_wait3A_344, %dma_wait3A_345] : memref<5x625x16xf32, #tpu.memory_space<vmem_shared>> -> memref<1x625x16xf32, #tpu.memory_space<vmem_shared>>
        %dma_wait3A_347 = tpu.memref_squeeze %dma_wait3A_346 : memref<1x625x16xf32, #tpu.memory_space<vmem_shared>> -> memref<625x16xf32, #tpu.memory_space<vmem_shared>>
        tpu.wait_dma2 semaphore(%run_scoped3A_335 : memref<!tpu.dma_semaphore, #tpu.memory_space<semaphore_mem>>) src(%dma_wait3A_347 : memref<625x16xf32, #tpu.memory_space<vmem_shared>>) dst(%dma_wait3A_343 : memref<625x16xf32, #tpu.memory_space<hbm>>)
        tpu.yield
      }) : () -> ()
    } else {
    }
    %eq3A_318 = arith.constant 4 : i32
    %eq3A_319 = arith.cmpi eq, %arg1, %eq3A_318 : i32
    %eq3A_320 = arith.constant 0 : i32
    %eq3A_321 = arith.cmpi eq, %arg0, %eq3A_320 : i32
    %and3A_322 = arith.andi %eq3A_319, %eq3A_321 : i1
    %convert_element_type3A_323 = arith.extui %and3A_322 : i1 to i32
    %cond3A_324 = arith.constant 0 : i32
    %cond3A_325 = arith.cmpi ne, %convert_element_type3A_323, %cond3A_324 : i32
    scf.if %cond3A_325 {
      %run_scoped3A_334 = arith.constant 4 : i32
      "tpu.region"() ({
        %run_scoped3A_335 = tpu.sem_alloc : memref<!tpu.dma_semaphore, #tpu.memory_space<semaphore_mem>>
        %dma_start3A = arith.constant 2500 : i32
        %dma_start3A_336 = arith.constant 0 : i32
        %dma_start3A_337 = tpu.memref_slice %arg6[%dma_start3A, %dma_start3A_336] : memref<3125x16xf32, #tpu.memory_space<hbm>> -> memref<625x16xf32, #tpu.memory_space<hbm>>
        %dma_start3A_338 = arith.constant 0 : i32
        %dma_start3A_339 = arith.constant 0 : i32
        %dma_start3A_340 = tpu.memref_slice %arg19[%run_scoped3A_334, %dma_start3A_338, %dma_start3A_339] : memref<5x625x16xf32, #tpu.memory_space<vmem_shared>> -> memref<1x625x16xf32, #tpu.memory_space<vmem_shared>>
        %dma_start3A_341 = tpu.memref_squeeze %dma_start3A_340 : memref<1x625x16xf32, #tpu.memory_space<vmem_shared>> -> memref<625x16xf32, #tpu.memory_space<vmem_shared>>
        tpu.enqueue_dma source(%dma_start3A_341 : memref<625x16xf32, #tpu.memory_space<vmem_shared>>) target(%dma_start3A_337 : memref<625x16xf32, #tpu.memory_space<hbm>>) target_semaphore(%run_scoped3A_335 : memref<!tpu.dma_semaphore, #tpu.memory_space<semaphore_mem>>)
        %dma_wait3A = arith.constant 2500 : i32
        %dma_wait3A_342 = arith.constant 0 : i32
        %dma_wait3A_343 = tpu.memref_slice %arg6[%dma_wait3A, %dma_wait3A_342] : memref<3125x16xf32, #tpu.memory_space<hbm>> -> memref<625x16xf32, #tpu.memory_space<hbm>>
        %dma_wait3A_344 = arith.constant 0 : i32
        %dma_wait3A_345 = arith.constant 0 : i32
        %dma_wait3A_346 = tpu.memref_slice %arg19[%run_scoped3A_334, %dma_wait3A_344, %dma_wait3A_345] : memref<5x625x16xf32, #tpu.memory_space<vmem_shared>> -> memref<1x625x16xf32, #tpu.memory_space<vmem_shared>>
        %dma_wait3A_347 = tpu.memref_squeeze %dma_wait3A_346 : memref<1x625x16xf32, #tpu.memory_space<vmem_shared>> -> memref<625x16xf32, #tpu.memory_space<vmem_shared>>
        tpu.wait_dma2 semaphore(%run_scoped3A_335 : memref<!tpu.dma_semaphore, #tpu.memory_space<semaphore_mem>>) src(%dma_wait3A_347 : memref<625x16xf32, #tpu.memory_space<vmem_shared>>) dst(%dma_wait3A_343 : memref<625x16xf32, #tpu.memory_space<hbm>>)
        tpu.yield
      }) : () -> ()
    } else {
    }
    %eq3A_326 = arith.constant 4 : i32
    %eq3A_327 = arith.cmpi eq, %arg1, %eq3A_326 : i32
    %eq3A_328 = arith.constant 1 : i32
    %eq3A_329 = arith.cmpi eq, %arg0, %eq3A_328 : i32
    %and3A_330 = arith.andi %eq3A_327, %eq3A_329 : i1
    %convert_element_type3A_331 = arith.extui %and3A_330 : i1 to i32
    %cond3A_332 = arith.constant 0 : i32
    %cond3A_333 = arith.cmpi ne, %convert_element_type3A_331, %cond3A_332 : i32
    scf.if %cond3A_333 {
      %run_scoped3A_334 = arith.constant 4 : i32
      "tpu.region"() ({
        %run_scoped3A_335 = tpu.sem_alloc : memref<!tpu.dma_semaphore, #tpu.memory_space<semaphore_mem>>
        %dma_start3A = arith.constant 2500 : i32
        %dma_start3A_336 = arith.constant 0 : i32
        %dma_start3A_337 = tpu.memref_slice %arg7[%dma_start3A, %dma_start3A_336] : memref<3125x16xf32, #tpu.memory_space<hbm>> -> memref<625x16xf32, #tpu.memory_space<hbm>>
        %dma_start3A_338 = arith.constant 0 : i32
        %dma_start3A_339 = arith.constant 0 : i32
        %dma_start3A_340 = tpu.memref_slice %arg19[%run_scoped3A_334, %dma_start3A_338, %dma_start3A_339] : memref<5x625x16xf32, #tpu.memory_space<vmem_shared>> -> memref<1x625x16xf32, #tpu.memory_space<vmem_shared>>
        %dma_start3A_341 = tpu.memref_squeeze %dma_start3A_340 : memref<1x625x16xf32, #tpu.memory_space<vmem_shared>> -> memref<625x16xf32, #tpu.memory_space<vmem_shared>>
        tpu.enqueue_dma source(%dma_start3A_341 : memref<625x16xf32, #tpu.memory_space<vmem_shared>>) target(%dma_start3A_337 : memref<625x16xf32, #tpu.memory_space<hbm>>) target_semaphore(%run_scoped3A_335 : memref<!tpu.dma_semaphore, #tpu.memory_space<semaphore_mem>>)
        %dma_wait3A = arith.constant 2500 : i32
        %dma_wait3A_342 = arith.constant 0 : i32
        %dma_wait3A_343 = tpu.memref_slice %arg7[%dma_wait3A, %dma_wait3A_342] : memref<3125x16xf32, #tpu.memory_space<hbm>> -> memref<625x16xf32, #tpu.memory_space<hbm>>
        %dma_wait3A_344 = arith.constant 0 : i32
        %dma_wait3A_345 = arith.constant 0 : i32
        %dma_wait3A_346 = tpu.memref_slice %arg19[%run_scoped3A_334, %dma_wait3A_344, %dma_wait3A_345] : memref<5x625x16xf32, #tpu.memory_space<vmem_shared>> -> memref<1x625x16xf32, #tpu.memory_space<vmem_shared>>
        %dma_wait3A_347 = tpu.memref_squeeze %dma_wait3A_346 : memref<1x625x16xf32, #tpu.memory_space<vmem_shared>> -> memref<625x16xf32, #tpu.memory_space<vmem_shared>>
        tpu.wait_dma2 semaphore(%run_scoped3A_335 : memref<!tpu.dma_semaphore, #tpu.memory_space<semaphore_mem>>) src(%dma_wait3A_347 : memref<625x16xf32, #tpu.memory_space<vmem_shared>>) dst(%dma_wait3A_343 : memref<625x16xf32, #tpu.memory_space<hbm>>)
        tpu.yield
      }) : () -> ()
    } else {
    }
    return
  }
}

#map = affine_map<(d0, d1) -> (0)>
#map1 = affine_map<(d0, d1) -> (0, 0)>
module attributes {stable_mosaic.version = 14 : i64} {
  func.func @agg_kernel(%arg0: i32, %arg1: i32, %arg2: memref<10000xi32, #tpu.memory_space<hbm>>, %arg3: memref<10000xi32, #tpu.memory_space<hbm>>, %arg4: memref<10000xi32, #tpu.memory_space<hbm>>, %arg5: memref<10000xi32, #tpu.memory_space<hbm>>, %arg6: memref<2x320000xi32, #tpu.memory_space<hbm>>, %arg7: memref<5000x16xf32, #tpu.memory_space<hbm>>, %arg8: memref<5000x16xf32, #tpu.memory_space<hbm>>, %arg9: memref<10000xi32, #tpu.memory_space<vmem>>, %arg10: memref<10000xi32, #tpu.memory_space<vmem>>, %arg11: memref<625xi32, #tpu.memory_space<vmem>>, %arg12: memref<10000xi32, #tpu.memory_space<vmem>>, %arg13: memref<10000xi32, #tpu.memory_space<vmem>>, %arg14: memref<10000xi32, #tpu.memory_space<vmem>>, %arg15: memref<625x16xf32, #tpu.memory_space<vmem>>, %arg16: memref<625x16xf32, #tpu.memory_space<vmem>>, %arg17: memref<625x16xf32, #tpu.memory_space<vmem>>, %arg18: memref<625x16xf32, #tpu.memory_space<vmem>>, %arg19: memref<625x16xf32, #tpu.memory_space<vmem>>, %arg20: memref<625x16xf32, #tpu.memory_space<vmem>>, %arg21: memref<8x625x16xf32, #tpu.memory_space<vmem_shared>>, %arg22: memref<4x10000xi32, #tpu.memory_space<vmem_shared>>) attributes {dimension_semantics = [#tpu.dimension_semantics<core_parallel>, #tpu.dimension_semantics<subcore_parallel>], iteration_bounds = array<i64: 2, 16>, scalar_prefetch = 0 : i64, scratch_operands = 14 : i64, tpu.core_type = #tpu.core_type<sc_vector_subcore>, window_params = [{transform_indices = #map}, {transform_indices = #map}, {transform_indices = #map}, {transform_indices = #map}, {transform_indices = #map1}, {transform_indices = #map1}, {transform_indices = #map1}]} {
    %mul3A = arith.constant 2 : i32
    %mul3A_0 = arith.muli %arg1, %mul3A : i32
    %add3A = arith.addi %mul3A_0, %arg0 : i32
    %mul3A_1 = arith.constant 10000 : i32
    %mul3A_2 = arith.muli %add3A, %mul3A_1 : i32
    %run_scoped3A = arith.constant 0 : i32
    "tpu.region"() ({
      %run_scoped3A_414 = tpu.sem_alloc : memref<!tpu.dma_semaphore, #tpu.memory_space<semaphore_mem>>
      %dma_start3A = tpu.memref_slice %arg6[%run_scoped3A, %mul3A_2] : memref<2x320000xi32, #tpu.memory_space<hbm>> -> memref<1x10000xi32, #tpu.memory_space<hbm>>
      %dma_start3A_415 = tpu.memref_squeeze %dma_start3A : memref<1x10000xi32, #tpu.memory_space<hbm>> -> memref<10000xi32, #tpu.memory_space<hbm>>
      %dma_start3A_416 = tpu.memref_slice %arg6[%run_scoped3A, %mul3A_2] : memref<2x320000xi32, #tpu.memory_space<hbm>> -> memref<1x10000xi32, #tpu.memory_space<hbm>>
      %dma_start3A_417 = tpu.memref_squeeze %dma_start3A_416 : memref<1x10000xi32, #tpu.memory_space<hbm>> -> memref<10000xi32, #tpu.memory_space<hbm>>
      tpu.enqueue_dma source(%dma_start3A_417 : memref<10000xi32, #tpu.memory_space<hbm>>) target(%arg9 : memref<10000xi32, #tpu.memory_space<vmem>>) target_semaphore(%run_scoped3A_414 : memref<!tpu.dma_semaphore, #tpu.memory_space<semaphore_mem>>)
      %dma_wait3A = tpu.memref_slice %arg6[%run_scoped3A, %mul3A_2] : memref<2x320000xi32, #tpu.memory_space<hbm>> -> memref<1x10000xi32, #tpu.memory_space<hbm>>
      %dma_wait3A_418 = tpu.memref_squeeze %dma_wait3A : memref<1x10000xi32, #tpu.memory_space<hbm>> -> memref<10000xi32, #tpu.memory_space<hbm>>
      %dma_wait3A_419 = tpu.memref_slice %arg6[%run_scoped3A, %mul3A_2] : memref<2x320000xi32, #tpu.memory_space<hbm>> -> memref<1x10000xi32, #tpu.memory_space<hbm>>
      %dma_wait3A_420 = tpu.memref_squeeze %dma_wait3A_419 : memref<1x10000xi32, #tpu.memory_space<hbm>> -> memref<10000xi32, #tpu.memory_space<hbm>>
      tpu.wait_dma2 semaphore(%run_scoped3A_414 : memref<!tpu.dma_semaphore, #tpu.memory_space<semaphore_mem>>) src(%dma_wait3A_420 : memref<10000xi32, #tpu.memory_space<hbm>>) dst(%arg9 : memref<10000xi32, #tpu.memory_space<vmem>>)
      tpu.yield
    }) : () -> ()
    %run_scoped3A_3 = arith.constant 1 : i32
    "tpu.region"() ({
      %run_scoped3A_414 = tpu.sem_alloc : memref<!tpu.dma_semaphore, #tpu.memory_space<semaphore_mem>>
      %dma_start3A = tpu.memref_slice %arg6[%run_scoped3A_3, %mul3A_2] : memref<2x320000xi32, #tpu.memory_space<hbm>> -> memref<1x10000xi32, #tpu.memory_space<hbm>>
      %dma_start3A_415 = tpu.memref_squeeze %dma_start3A : memref<1x10000xi32, #tpu.memory_space<hbm>> -> memref<10000xi32, #tpu.memory_space<hbm>>
      %dma_start3A_416 = tpu.memref_slice %arg6[%run_scoped3A_3, %mul3A_2] : memref<2x320000xi32, #tpu.memory_space<hbm>> -> memref<1x10000xi32, #tpu.memory_space<hbm>>
      %dma_start3A_417 = tpu.memref_squeeze %dma_start3A_416 : memref<1x10000xi32, #tpu.memory_space<hbm>> -> memref<10000xi32, #tpu.memory_space<hbm>>
      tpu.enqueue_dma source(%dma_start3A_417 : memref<10000xi32, #tpu.memory_space<hbm>>) target(%arg10 : memref<10000xi32, #tpu.memory_space<vmem>>) target_semaphore(%run_scoped3A_414 : memref<!tpu.dma_semaphore, #tpu.memory_space<semaphore_mem>>)
      %dma_wait3A = tpu.memref_slice %arg6[%run_scoped3A_3, %mul3A_2] : memref<2x320000xi32, #tpu.memory_space<hbm>> -> memref<1x10000xi32, #tpu.memory_space<hbm>>
      %dma_wait3A_418 = tpu.memref_squeeze %dma_wait3A : memref<1x10000xi32, #tpu.memory_space<hbm>> -> memref<10000xi32, #tpu.memory_space<hbm>>
      %dma_wait3A_419 = tpu.memref_slice %arg6[%run_scoped3A_3, %mul3A_2] : memref<2x320000xi32, #tpu.memory_space<hbm>> -> memref<1x10000xi32, #tpu.memory_space<hbm>>
      %dma_wait3A_420 = tpu.memref_squeeze %dma_wait3A_419 : memref<1x10000xi32, #tpu.memory_space<hbm>> -> memref<10000xi32, #tpu.memory_space<hbm>>
      tpu.wait_dma2 semaphore(%run_scoped3A_414 : memref<!tpu.dma_semaphore, #tpu.memory_space<semaphore_mem>>) src(%dma_wait3A_420 : memref<10000xi32, #tpu.memory_space<hbm>>) dst(%arg10 : memref<10000xi32, #tpu.memory_space<vmem>>)
      tpu.yield
    }) : () -> ()
    %iota3A = tpu.iota {dimensions = array<i32: 0>} : vector<16xi32>
    %add3A_4 = arith.constant 0 : i32
    %add3A_5 = vector.broadcast %add3A_4 : i32 to vector<16xi32>
    %add3A_6 = arith.addi %iota3A, %add3A_5 : vector<16xi32>
    %swap3A = arith.constant 0 : index
    %swap3A_7 = tpu.vector_load %arg11[%swap3A] {strides = array<i32>} : memref<625xi32, #tpu.memory_space<vmem>>, vector<16xi32>,
    tpu.vector_store %arg11[%swap3A], %add3A_6 {strides = array<i32>} : memref<625xi32, #tpu.memory_space<vmem>>, vector<16xi32>,
    %add3A_8 = arith.constant 16 : i32
    %add3A_9 = vector.broadcast %add3A_8 : i32 to vector<16xi32>
    %add3A_10 = arith.addi %iota3A, %add3A_9 : vector<16xi32>
    %swap3A_11 = arith.constant 16 : index
    %swap3A_12 = tpu.vector_load %arg11[%swap3A_11] {strides = array<i32>} : memref<625xi32, #tpu.memory_space<vmem>>, vector<16xi32>,
    tpu.vector_store %arg11[%swap3A_11], %add3A_10 {strides = array<i32>} : memref<625xi32, #tpu.memory_space<vmem>>, vector<16xi32>,
    %add3A_13 = arith.constant 32 : i32
    %add3A_14 = vector.broadcast %add3A_13 : i32 to vector<16xi32>
    %add3A_15 = arith.addi %iota3A, %add3A_14 : vector<16xi32>
    %swap3A_16 = arith.constant 32 : index
    %swap3A_17 = tpu.vector_load %arg11[%swap3A_16] {strides = array<i32>} : memref<625xi32, #tpu.memory_space<vmem>>, vector<16xi32>,
    tpu.vector_store %arg11[%swap3A_16], %add3A_15 {strides = array<i32>} : memref<625xi32, #tpu.memory_space<vmem>>, vector<16xi32>,
    %add3A_18 = arith.constant 48 : i32
    %add3A_19 = vector.broadcast %add3A_18 : i32 to vector<16xi32>
    %add3A_20 = arith.addi %iota3A, %add3A_19 : vector<16xi32>
    %swap3A_21 = arith.constant 48 : index
    %swap3A_22 = tpu.vector_load %arg11[%swap3A_21] {strides = array<i32>} : memref<625xi32, #tpu.memory_space<vmem>>, vector<16xi32>,
    tpu.vector_store %arg11[%swap3A_21], %add3A_20 {strides = array<i32>} : memref<625xi32, #tpu.memory_space<vmem>>, vector<16xi32>,
    %add3A_23 = arith.constant 64 : i32
    %add3A_24 = vector.broadcast %add3A_23 : i32 to vector<16xi32>
    %add3A_25 = arith.addi %iota3A, %add3A_24 : vector<16xi32>
    %swap3A_26 = arith.constant 64 : index
    %swap3A_27 = tpu.vector_load %arg11[%swap3A_26] {strides = array<i32>} : memref<625xi32, #tpu.memory_space<vmem>>, vector<16xi32>,
    tpu.vector_store %arg11[%swap3A_26], %add3A_25 {strides = array<i32>} : memref<625xi32, #tpu.memory_space<vmem>>, vector<16xi32>,
    %add3A_28 = arith.constant 80 : i32
    %add3A_29 = vector.broadcast %add3A_28 : i32 to vector<16xi32>
    %add3A_30 = arith.addi %iota3A, %add3A_29 : vector<16xi32>
    %swap3A_31 = arith.constant 80 : index
    %swap3A_32 = tpu.vector_load %arg11[%swap3A_31] {strides = array<i32>} : memref<625xi32, #tpu.memory_space<vmem>>, vector<16xi32>,
    tpu.vector_store %arg11[%swap3A_31], %add3A_30 {strides = array<i32>} : memref<625xi32, #tpu.memory_space<vmem>>, vector<16xi32>,
    %add3A_33 = arith.constant 96 : i32
    %add3A_34 = vector.broadcast %add3A_33 : i32 to vector<16xi32>
    %add3A_35 = arith.addi %iota3A, %add3A_34 : vector<16xi32>
    %swap3A_36 = arith.constant 96 : index
    %swap3A_37 = tpu.vector_load %arg11[%swap3A_36] {strides = array<i32>} : memref<625xi32, #tpu.memory_space<vmem>>, vector<16xi32>,
    tpu.vector_store %arg11[%swap3A_36], %add3A_35 {strides = array<i32>} : memref<625xi32, #tpu.memory_space<vmem>>, vector<16xi32>,
    %add3A_38 = arith.constant 112 : i32
    %add3A_39 = vector.broadcast %add3A_38 : i32 to vector<16xi32>
    %add3A_40 = arith.addi %iota3A, %add3A_39 : vector<16xi32>
    %swap3A_41 = arith.constant 112 : index
    %swap3A_42 = tpu.vector_load %arg11[%swap3A_41] {strides = array<i32>} : memref<625xi32, #tpu.memory_space<vmem>>, vector<16xi32>,
    tpu.vector_store %arg11[%swap3A_41], %add3A_40 {strides = array<i32>} : memref<625xi32, #tpu.memory_space<vmem>>, vector<16xi32>,
    %add3A_43 = arith.constant 128 : i32
    %add3A_44 = vector.broadcast %add3A_43 : i32 to vector<16xi32>
    %add3A_45 = arith.addi %iota3A, %add3A_44 : vector<16xi32>
    %swap3A_46 = arith.constant 128 : index
    %swap3A_47 = tpu.vector_load %arg11[%swap3A_46] {strides = array<i32>} : memref<625xi32, #tpu.memory_space<vmem>>, vector<16xi32>,
    tpu.vector_store %arg11[%swap3A_46], %add3A_45 {strides = array<i32>} : memref<625xi32, #tpu.memory_space<vmem>>, vector<16xi32>,
    %add3A_48 = arith.constant 144 : i32
    %add3A_49 = vector.broadcast %add3A_48 : i32 to vector<16xi32>
    %add3A_50 = arith.addi %iota3A, %add3A_49 : vector<16xi32>
    %swap3A_51 = arith.constant 144 : index
    %swap3A_52 = tpu.vector_load %arg11[%swap3A_51] {strides = array<i32>} : memref<625xi32, #tpu.memory_space<vmem>>, vector<16xi32>,
    tpu.vector_store %arg11[%swap3A_51], %add3A_50 {strides = array<i32>} : memref<625xi32, #tpu.memory_space<vmem>>, vector<16xi32>,
    %add3A_53 = arith.constant 160 : i32
    %add3A_54 = vector.broadcast %add3A_53 : i32 to vector<16xi32>
    %add3A_55 = arith.addi %iota3A, %add3A_54 : vector<16xi32>
    %swap3A_56 = arith.constant 160 : index
    %swap3A_57 = tpu.vector_load %arg11[%swap3A_56] {strides = array<i32>} : memref<625xi32, #tpu.memory_space<vmem>>, vector<16xi32>,
    tpu.vector_store %arg11[%swap3A_56], %add3A_55 {strides = array<i32>} : memref<625xi32, #tpu.memory_space<vmem>>, vector<16xi32>,
    %add3A_58 = arith.constant 176 : i32
    %add3A_59 = vector.broadcast %add3A_58 : i32 to vector<16xi32>
    %add3A_60 = arith.addi %iota3A, %add3A_59 : vector<16xi32>
    %swap3A_61 = arith.constant 176 : index
    %swap3A_62 = tpu.vector_load %arg11[%swap3A_61] {strides = array<i32>} : memref<625xi32, #tpu.memory_space<vmem>>, vector<16xi32>,
    tpu.vector_store %arg11[%swap3A_61], %add3A_60 {strides = array<i32>} : memref<625xi32, #tpu.memory_space<vmem>>, vector<16xi32>,
    %add3A_63 = arith.constant 192 : i32
    %add3A_64 = vector.broadcast %add3A_63 : i32 to vector<16xi32>
    %add3A_65 = arith.addi %iota3A, %add3A_64 : vector<16xi32>
    %swap3A_66 = arith.constant 192 : index
    %swap3A_67 = tpu.vector_load %arg11[%swap3A_66] {strides = array<i32>} : memref<625xi32, #tpu.memory_space<vmem>>, vector<16xi32>,
    tpu.vector_store %arg11[%swap3A_66], %add3A_65 {strides = array<i32>} : memref<625xi32, #tpu.memory_space<vmem>>, vector<16xi32>,
    %add3A_68 = arith.constant 208 : i32
    %add3A_69 = vector.broadcast %add3A_68 : i32 to vector<16xi32>
    %add3A_70 = arith.addi %iota3A, %add3A_69 : vector<16xi32>
    %swap3A_71 = arith.constant 208 : index
    %swap3A_72 = tpu.vector_load %arg11[%swap3A_71] {strides = array<i32>} : memref<625xi32, #tpu.memory_space<vmem>>, vector<16xi32>,
    tpu.vector_store %arg11[%swap3A_71], %add3A_70 {strides = array<i32>} : memref<625xi32, #tpu.memory_space<vmem>>, vector<16xi32>,
    %add3A_73 = arith.constant 224 : i32
    %add3A_74 = vector.broadcast %add3A_73 : i32 to vector<16xi32>
    %add3A_75 = arith.addi %iota3A, %add3A_74 : vector<16xi32>
    %swap3A_76 = arith.constant 224 : index
    %swap3A_77 = tpu.vector_load %arg11[%swap3A_76] {strides = array<i32>} : memref<625xi32, #tpu.memory_space<vmem>>, vector<16xi32>,
    tpu.vector_store %arg11[%swap3A_76], %add3A_75 {strides = array<i32>} : memref<625xi32, #tpu.memory_space<vmem>>, vector<16xi32>,
    %add3A_78 = arith.constant 240 : i32
    %add3A_79 = vector.broadcast %add3A_78 : i32 to vector<16xi32>
    %add3A_80 = arith.addi %iota3A, %add3A_79 : vector<16xi32>
    %swap3A_81 = arith.constant 240 : index
    %swap3A_82 = tpu.vector_load %arg11[%swap3A_81] {strides = array<i32>} : memref<625xi32, #tpu.memory_space<vmem>>, vector<16xi32>,
    tpu.vector_store %arg11[%swap3A_81], %add3A_80 {strides = array<i32>} : memref<625xi32, #tpu.memory_space<vmem>>, vector<16xi32>,
    %add3A_83 = arith.constant 256 : i32
    %add3A_84 = vector.broadcast %add3A_83 : i32 to vector<16xi32>
    %add3A_85 = arith.addi %iota3A, %add3A_84 : vector<16xi32>
    %swap3A_86 = arith.constant 256 : index
    %swap3A_87 = tpu.vector_load %arg11[%swap3A_86] {strides = array<i32>} : memref<625xi32, #tpu.memory_space<vmem>>, vector<16xi32>,
    tpu.vector_store %arg11[%swap3A_86], %add3A_85 {strides = array<i32>} : memref<625xi32, #tpu.memory_space<vmem>>, vector<16xi32>,
    %add3A_88 = arith.constant 272 : i32
    %add3A_89 = vector.broadcast %add3A_88 : i32 to vector<16xi32>
    %add3A_90 = arith.addi %iota3A, %add3A_89 : vector<16xi32>
    %swap3A_91 = arith.constant 272 : index
    %swap3A_92 = tpu.vector_load %arg11[%swap3A_91] {strides = array<i32>} : memref<625xi32, #tpu.memory_space<vmem>>, vector<16xi32>,
    tpu.vector_store %arg11[%swap3A_91], %add3A_90 {strides = array<i32>} : memref<625xi32, #tpu.memory_space<vmem>>, vector<16xi32>,
    %add3A_93 = arith.constant 288 : i32
    %add3A_94 = vector.broadcast %add3A_93 : i32 to vector<16xi32>
    %add3A_95 = arith.addi %iota3A, %add3A_94 : vector<16xi32>
    %swap3A_96 = arith.constant 288 : index
    %swap3A_97 = tpu.vector_load %arg11[%swap3A_96] {strides = array<i32>} : memref<625xi32, #tpu.memory_space<vmem>>, vector<16xi32>,
    tpu.vector_store %arg11[%swap3A_96], %add3A_95 {strides = array<i32>} : memref<625xi32, #tpu.memory_space<vmem>>, vector<16xi32>,
    %add3A_98 = arith.constant 304 : i32
    %add3A_99 = vector.broadcast %add3A_98 : i32 to vector<16xi32>
    %add3A_100 = arith.addi %iota3A, %add3A_99 : vector<16xi32>
    %swap3A_101 = arith.constant 304 : index
    %swap3A_102 = tpu.vector_load %arg11[%swap3A_101] {strides = array<i32>} : memref<625xi32, #tpu.memory_space<vmem>>, vector<16xi32>,
    tpu.vector_store %arg11[%swap3A_101], %add3A_100 {strides = array<i32>} : memref<625xi32, #tpu.memory_space<vmem>>, vector<16xi32>,
    %add3A_103 = arith.constant 320 : i32
    %add3A_104 = vector.broadcast %add3A_103 : i32 to vector<16xi32>
    %add3A_105 = arith.addi %iota3A, %add3A_104 : vector<16xi32>
    %swap3A_106 = arith.constant 320 : index
    %swap3A_107 = tpu.vector_load %arg11[%swap3A_106] {strides = array<i32>} : memref<625xi32, #tpu.memory_space<vmem>>, vector<16xi32>,
    tpu.vector_store %arg11[%swap3A_106], %add3A_105 {strides = array<i32>} : memref<625xi32, #tpu.memory_space<vmem>>, vector<16xi32>,
    %add3A_108 = arith.constant 336 : i32
    %add3A_109 = vector.broadcast %add3A_108 : i32 to vector<16xi32>
    %add3A_110 = arith.addi %iota3A, %add3A_109 : vector<16xi32>
    %swap3A_111 = arith.constant 336 : index
    %swap3A_112 = tpu.vector_load %arg11[%swap3A_111] {strides = array<i32>} : memref<625xi32, #tpu.memory_space<vmem>>, vector<16xi32>,
    tpu.vector_store %arg11[%swap3A_111], %add3A_110 {strides = array<i32>} : memref<625xi32, #tpu.memory_space<vmem>>, vector<16xi32>,
    %add3A_113 = arith.constant 352 : i32
    %add3A_114 = vector.broadcast %add3A_113 : i32 to vector<16xi32>
    %add3A_115 = arith.addi %iota3A, %add3A_114 : vector<16xi32>
    %swap3A_116 = arith.constant 352 : index
    %swap3A_117 = tpu.vector_load %arg11[%swap3A_116] {strides = array<i32>} : memref<625xi32, #tpu.memory_space<vmem>>, vector<16xi32>,
    tpu.vector_store %arg11[%swap3A_116], %add3A_115 {strides = array<i32>} : memref<625xi32, #tpu.memory_space<vmem>>, vector<16xi32>,
    %add3A_118 = arith.constant 368 : i32
    %add3A_119 = vector.broadcast %add3A_118 : i32 to vector<16xi32>
    %add3A_120 = arith.addi %iota3A, %add3A_119 : vector<16xi32>
    %swap3A_121 = arith.constant 368 : index
    %swap3A_122 = tpu.vector_load %arg11[%swap3A_121] {strides = array<i32>} : memref<625xi32, #tpu.memory_space<vmem>>, vector<16xi32>,
    tpu.vector_store %arg11[%swap3A_121], %add3A_120 {strides = array<i32>} : memref<625xi32, #tpu.memory_space<vmem>>, vector<16xi32>,
    %add3A_123 = arith.constant 384 : i32
    %add3A_124 = vector.broadcast %add3A_123 : i32 to vector<16xi32>
    %add3A_125 = arith.addi %iota3A, %add3A_124 : vector<16xi32>
    %swap3A_126 = arith.constant 384 : index
    %swap3A_127 = tpu.vector_load %arg11[%swap3A_126] {strides = array<i32>} : memref<625xi32, #tpu.memory_space<vmem>>, vector<16xi32>,
    tpu.vector_store %arg11[%swap3A_126], %add3A_125 {strides = array<i32>} : memref<625xi32, #tpu.memory_space<vmem>>, vector<16xi32>,
    %add3A_128 = arith.constant 400 : i32
    %add3A_129 = vector.broadcast %add3A_128 : i32 to vector<16xi32>
    %add3A_130 = arith.addi %iota3A, %add3A_129 : vector<16xi32>
    %swap3A_131 = arith.constant 400 : index
    %swap3A_132 = tpu.vector_load %arg11[%swap3A_131] {strides = array<i32>} : memref<625xi32, #tpu.memory_space<vmem>>, vector<16xi32>,
    tpu.vector_store %arg11[%swap3A_131], %add3A_130 {strides = array<i32>} : memref<625xi32, #tpu.memory_space<vmem>>, vector<16xi32>,
    %add3A_133 = arith.constant 416 : i32
    %add3A_134 = vector.broadcast %add3A_133 : i32 to vector<16xi32>
    %add3A_135 = arith.addi %iota3A, %add3A_134 : vector<16xi32>
    %swap3A_136 = arith.constant 416 : index
    %swap3A_137 = tpu.vector_load %arg11[%swap3A_136] {strides = array<i32>} : memref<625xi32, #tpu.memory_space<vmem>>, vector<16xi32>,
    tpu.vector_store %arg11[%swap3A_136], %add3A_135 {strides = array<i32>} : memref<625xi32, #tpu.memory_space<vmem>>, vector<16xi32>,
    %add3A_138 = arith.constant 432 : i32
    %add3A_139 = vector.broadcast %add3A_138 : i32 to vector<16xi32>
    %add3A_140 = arith.addi %iota3A, %add3A_139 : vector<16xi32>
    %swap3A_141 = arith.constant 432 : index
    %swap3A_142 = tpu.vector_load %arg11[%swap3A_141] {strides = array<i32>} : memref<625xi32, #tpu.memory_space<vmem>>, vector<16xi32>,
    tpu.vector_store %arg11[%swap3A_141], %add3A_140 {strides = array<i32>} : memref<625xi32, #tpu.memory_space<vmem>>, vector<16xi32>,
    %add3A_143 = arith.constant 448 : i32
    %add3A_144 = vector.broadcast %add3A_143 : i32 to vector<16xi32>
    %add3A_145 = arith.addi %iota3A, %add3A_144 : vector<16xi32>
    %swap3A_146 = arith.constant 448 : index
    %swap3A_147 = tpu.vector_load %arg11[%swap3A_146] {strides = array<i32>} : memref<625xi32, #tpu.memory_space<vmem>>, vector<16xi32>,
    tpu.vector_store %arg11[%swap3A_146], %add3A_145 {strides = array<i32>} : memref<625xi32, #tpu.memory_space<vmem>>, vector<16xi32>,
    %add3A_148 = arith.constant 464 : i32
    %add3A_149 = vector.broadcast %add3A_148 : i32 to vector<16xi32>
    %add3A_150 = arith.addi %iota3A, %add3A_149 : vector<16xi32>
    %swap3A_151 = arith.constant 464 : index
    %swap3A_152 = tpu.vector_load %arg11[%swap3A_151] {strides = array<i32>} : memref<625xi32, #tpu.memory_space<vmem>>, vector<16xi32>,
    tpu.vector_store %arg11[%swap3A_151], %add3A_150 {strides = array<i32>} : memref<625xi32, #tpu.memory_space<vmem>>, vector<16xi32>,
    %add3A_153 = arith.constant 480 : i32
    %add3A_154 = vector.broadcast %add3A_153 : i32 to vector<16xi32>
    %add3A_155 = arith.addi %iota3A, %add3A_154 : vector<16xi32>
    %swap3A_156 = arith.constant 480 : index
    %swap3A_157 = tpu.vector_load %arg11[%swap3A_156] {strides = array<i32>} : memref<625xi32, #tpu.memory_space<vmem>>, vector<16xi32>,
    tpu.vector_store %arg11[%swap3A_156], %add3A_155 {strides = array<i32>} : memref<625xi32, #tpu.memory_space<vmem>>, vector<16xi32>,
    %add3A_158 = arith.constant 496 : i32
    %add3A_159 = vector.broadcast %add3A_158 : i32 to vector<16xi32>
    %add3A_160 = arith.addi %iota3A, %add3A_159 : vector<16xi32>
    %swap3A_161 = arith.constant 496 : index
    %swap3A_162 = tpu.vector_load %arg11[%swap3A_161] {strides = array<i32>} : memref<625xi32, #tpu.memory_space<vmem>>, vector<16xi32>,
    tpu.vector_store %arg11[%swap3A_161], %add3A_160 {strides = array<i32>} : memref<625xi32, #tpu.memory_space<vmem>>, vector<16xi32>,
    %add3A_163 = arith.constant 512 : i32
    %add3A_164 = vector.broadcast %add3A_163 : i32 to vector<16xi32>
    %add3A_165 = arith.addi %iota3A, %add3A_164 : vector<16xi32>
    %swap3A_166 = arith.constant 512 : index
    %swap3A_167 = tpu.vector_load %arg11[%swap3A_166] {strides = array<i32>} : memref<625xi32, #tpu.memory_space<vmem>>, vector<16xi32>,
    tpu.vector_store %arg11[%swap3A_166], %add3A_165 {strides = array<i32>} : memref<625xi32, #tpu.memory_space<vmem>>, vector<16xi32>,
    %add3A_168 = arith.constant 528 : i32
    %add3A_169 = vector.broadcast %add3A_168 : i32 to vector<16xi32>
    %add3A_170 = arith.addi %iota3A, %add3A_169 : vector<16xi32>
    %swap3A_171 = arith.constant 528 : index
    %swap3A_172 = tpu.vector_load %arg11[%swap3A_171] {strides = array<i32>} : memref<625xi32, #tpu.memory_space<vmem>>, vector<16xi32>,
    tpu.vector_store %arg11[%swap3A_171], %add3A_170 {strides = array<i32>} : memref<625xi32, #tpu.memory_space<vmem>>, vector<16xi32>,
    %add3A_173 = arith.constant 544 : i32
    %add3A_174 = vector.broadcast %add3A_173 : i32 to vector<16xi32>
    %add3A_175 = arith.addi %iota3A, %add3A_174 : vector<16xi32>
    %swap3A_176 = arith.constant 544 : index
    %swap3A_177 = tpu.vector_load %arg11[%swap3A_176] {strides = array<i32>} : memref<625xi32, #tpu.memory_space<vmem>>, vector<16xi32>,
    tpu.vector_store %arg11[%swap3A_176], %add3A_175 {strides = array<i32>} : memref<625xi32, #tpu.memory_space<vmem>>, vector<16xi32>,
    %add3A_178 = arith.constant 560 : i32
    %add3A_179 = vector.broadcast %add3A_178 : i32 to vector<16xi32>
    %add3A_180 = arith.addi %iota3A, %add3A_179 : vector<16xi32>
    %swap3A_181 = arith.constant 560 : index
    %swap3A_182 = tpu.vector_load %arg11[%swap3A_181] {strides = array<i32>} : memref<625xi32, #tpu.memory_space<vmem>>, vector<16xi32>,
    tpu.vector_store %arg11[%swap3A_181], %add3A_180 {strides = array<i32>} : memref<625xi32, #tpu.memory_space<vmem>>, vector<16xi32>,
    %add3A_183 = arith.constant 576 : i32
    %add3A_184 = vector.broadcast %add3A_183 : i32 to vector<16xi32>
    %add3A_185 = arith.addi %iota3A, %add3A_184 : vector<16xi32>
    %swap3A_186 = arith.constant 576 : index
    %swap3A_187 = tpu.vector_load %arg11[%swap3A_186] {strides = array<i32>} : memref<625xi32, #tpu.memory_space<vmem>>, vector<16xi32>,
    tpu.vector_store %arg11[%swap3A_186], %add3A_185 {strides = array<i32>} : memref<625xi32, #tpu.memory_space<vmem>>, vector<16xi32>,
    %add3A_188 = arith.constant 592 : i32
    %add3A_189 = vector.broadcast %add3A_188 : i32 to vector<16xi32>
    %add3A_190 = arith.addi %iota3A, %add3A_189 : vector<16xi32>
    %swap3A_191 = arith.constant 592 : index
    %swap3A_192 = tpu.vector_load %arg11[%swap3A_191] {strides = array<i32>} : memref<625xi32, #tpu.memory_space<vmem>>, vector<16xi32>,
    tpu.vector_store %arg11[%swap3A_191], %add3A_190 {strides = array<i32>} : memref<625xi32, #tpu.memory_space<vmem>>, vector<16xi32>,
    %add3A_193 = arith.constant 608 : i32
    %add3A_194 = vector.broadcast %add3A_193 : i32 to vector<16xi32>
    %add3A_195 = arith.addi %iota3A, %add3A_194 : vector<16xi32>
    %swap3A_196 = arith.constant 608 : index
    %swap3A_197 = tpu.vector_load %arg11[%swap3A_196] {strides = array<i32>} : memref<625xi32, #tpu.memory_space<vmem>>, vector<16xi32>,
    tpu.vector_store %arg11[%swap3A_196], %add3A_195 {strides = array<i32>} : memref<625xi32, #tpu.memory_space<vmem>>, vector<16xi32>,
    %add3A_198 = arith.constant 609 : i32
    %add3A_199 = vector.broadcast %add3A_198 : i32 to vector<16xi32>
    %add3A_200 = arith.addi %iota3A, %add3A_199 : vector<16xi32>
    %swap3A_201 = arith.constant 609 : index
    %swap3A_202 = tpu.vector_load %arg11[%swap3A_201] {strides = array<i32>} : memref<625xi32, #tpu.memory_space<vmem>>, vector<16xi32>,
    tpu.vector_store %arg11[%swap3A_201], %add3A_200 {strides = array<i32>} : memref<625xi32, #tpu.memory_space<vmem>>, vector<16xi32>,
    %broadcast_in_dim3A = arith.constant 0.000000e+00 : f32
    %broadcast_in_dim3A_203 = vector.broadcast %broadcast_in_dim3A : f32 to vector<16xf32>
    %parallel_loop3A = arith.constant 0 : i32
    %parallel_loop3A_204 = arith.constant 625 : i32
    %parallel_loop3A_205 = arith.constant 1 : i32
    scf.for %parallel_loop3A_414 = %parallel_loop3A to %parallel_loop3A_204 step %parallel_loop3A_205  : i32 {
      %parallel_loop3A_415 = arith.index_cast %parallel_loop3A_414 : i32 to index
      %parallel_loop3A_416 = arith.constant 0 : index
      %parallel_loop3A_417 = tpu.vector_load %arg15[%parallel_loop3A_415, %parallel_loop3A_416] {strides = array<i32>} : memref<625x16xf32, #tpu.memory_space<vmem>>, vector<16xf32>,
      tpu.vector_store %arg15[%parallel_loop3A_415, %parallel_loop3A_416], %broadcast_in_dim3A_203 {strides = array<i32>} : memref<625x16xf32, #tpu.memory_space<vmem>>, vector<16xf32>,
      %parallel_loop3A_418 = arith.index_cast %parallel_loop3A_414 : i32 to index
      %parallel_loop3A_419 = arith.constant 0 : index
      %parallel_loop3A_420 = tpu.vector_load %arg16[%parallel_loop3A_418, %parallel_loop3A_419] {strides = array<i32>} : memref<625x16xf32, #tpu.memory_space<vmem>>, vector<16xf32>,
      tpu.vector_store %arg16[%parallel_loop3A_418, %parallel_loop3A_419], %broadcast_in_dim3A_203 {strides = array<i32>} : memref<625x16xf32, #tpu.memory_space<vmem>>, vector<16xf32>,
      %parallel_loop3A_421 = arith.index_cast %parallel_loop3A_414 : i32 to index
      %parallel_loop3A_422 = arith.constant 0 : index
      %parallel_loop3A_423 = tpu.vector_load %arg17[%parallel_loop3A_421, %parallel_loop3A_422] {strides = array<i32>} : memref<625x16xf32, #tpu.memory_space<vmem>>, vector<16xf32>,
      tpu.vector_store %arg17[%parallel_loop3A_421, %parallel_loop3A_422], %broadcast_in_dim3A_203 {strides = array<i32>} : memref<625x16xf32, #tpu.memory_space<vmem>>, vector<16xf32>,
      %parallel_loop3A_424 = arith.index_cast %parallel_loop3A_414 : i32 to index
      %parallel_loop3A_425 = arith.constant 0 : index
      %parallel_loop3A_426 = tpu.vector_load %arg18[%parallel_loop3A_424, %parallel_loop3A_425] {strides = array<i32>} : memref<625x16xf32, #tpu.memory_space<vmem>>, vector<16xf32>,
      tpu.vector_store %arg18[%parallel_loop3A_424, %parallel_loop3A_425], %broadcast_in_dim3A_203 {strides = array<i32>} : memref<625x16xf32, #tpu.memory_space<vmem>>, vector<16xf32>,
      %parallel_loop3A_427 = arith.index_cast %parallel_loop3A_414 : i32 to index
      %parallel_loop3A_428 = arith.constant 0 : index
      %parallel_loop3A_429 = tpu.vector_load %arg19[%parallel_loop3A_427, %parallel_loop3A_428] {strides = array<i32>} : memref<625x16xf32, #tpu.memory_space<vmem>>, vector<16xf32>,
      tpu.vector_store %arg19[%parallel_loop3A_427, %parallel_loop3A_428], %broadcast_in_dim3A_203 {strides = array<i32>} : memref<625x16xf32, #tpu.memory_space<vmem>>, vector<16xf32>,
      %parallel_loop3A_430 = arith.index_cast %parallel_loop3A_414 : i32 to index
      %parallel_loop3A_431 = arith.constant 0 : index
      %parallel_loop3A_432 = tpu.vector_load %arg20[%parallel_loop3A_430, %parallel_loop3A_431] {strides = array<i32>} : memref<625x16xf32, #tpu.memory_space<vmem>>, vector<16xf32>,
      tpu.vector_store %arg20[%parallel_loop3A_430, %parallel_loop3A_431], %broadcast_in_dim3A_203 {strides = array<i32>} : memref<625x16xf32, #tpu.memory_space<vmem>>, vector<16xf32>,
    } {sc.loop_unroll_factor = 1 : i64, sc.parallel_access}
    %eq3A = arith.constant 0 : i32
    %eq3A_206 = arith.cmpi eq, %arg1, %eq3A : i32
    %convert_element_type3A = arith.extui %eq3A_206 : i1 to i32
    %cond3A = arith.constant 0 : i32
    %cond3A_207 = arith.cmpi ne, %convert_element_type3A, %cond3A : i32
    scf.if %cond3A_207 {
      %run_scoped3A_414 = arith.constant 0 : i32
      "tpu.region"() ({
        %run_scoped3A_415 = tpu.sem_alloc : memref<!tpu.dma_semaphore, #tpu.memory_space<semaphore_mem>>
        %dma_start3A = arith.constant 0 : i32
        %dma_start3A_416 = tpu.memref_slice %arg22[%run_scoped3A_414, %dma_start3A] : memref<4x10000xi32, #tpu.memory_space<vmem_shared>> -> memref<1x10000xi32, #tpu.memory_space<vmem_shared>>
        %dma_start3A_417 = tpu.memref_squeeze %dma_start3A_416 : memref<1x10000xi32, #tpu.memory_space<vmem_shared>> -> memref<10000xi32, #tpu.memory_space<vmem_shared>>
        tpu.enqueue_dma source(%arg2 : memref<10000xi32, #tpu.memory_space<hbm>>) target(%dma_start3A_417 : memref<10000xi32, #tpu.memory_space<vmem_shared>>) target_semaphore(%run_scoped3A_415 : memref<!tpu.dma_semaphore, #tpu.memory_space<semaphore_mem>>)
        %dma_wait3A = arith.constant 0 : i32
        %dma_wait3A_418 = tpu.memref_slice %arg22[%run_scoped3A_414, %dma_wait3A] : memref<4x10000xi32, #tpu.memory_space<vmem_shared>> -> memref<1x10000xi32, #tpu.memory_space<vmem_shared>>
        %dma_wait3A_419 = tpu.memref_squeeze %dma_wait3A_418 : memref<1x10000xi32, #tpu.memory_space<vmem_shared>> -> memref<10000xi32, #tpu.memory_space<vmem_shared>>
        tpu.wait_dma2 semaphore(%run_scoped3A_415 : memref<!tpu.dma_semaphore, #tpu.memory_space<semaphore_mem>>) src(%arg2 : memref<10000xi32, #tpu.memory_space<hbm>>) dst(%dma_wait3A_419 : memref<10000xi32, #tpu.memory_space<vmem_shared>>)
        tpu.yield
      }) : () -> ()
    } else {
    }
    %eq3A_208 = arith.constant 1 : i32
    %eq3A_209 = arith.cmpi eq, %arg1, %eq3A_208 : i32
    %convert_element_type3A_210 = arith.extui %eq3A_209 : i1 to i32
    %cond3A_211 = arith.constant 0 : i32
    %cond3A_212 = arith.cmpi ne, %convert_element_type3A_210, %cond3A_211 : i32
    scf.if %cond3A_212 {
      %run_scoped3A_414 = arith.constant 1 : i32
      "tpu.region"() ({
        %run_scoped3A_415 = tpu.sem_alloc : memref<!tpu.dma_semaphore, #tpu.memory_space<semaphore_mem>>
        %dma_start3A = arith.constant 0 : i32
        %dma_start3A_416 = tpu.memref_slice %arg22[%run_scoped3A_414, %dma_start3A] : memref<4x10000xi32, #tpu.memory_space<vmem_shared>> -> memref<1x10000xi32, #tpu.memory_space<vmem_shared>>
        %dma_start3A_417 = tpu.memref_squeeze %dma_start3A_416 : memref<1x10000xi32, #tpu.memory_space<vmem_shared>> -> memref<10000xi32, #tpu.memory_space<vmem_shared>>
        tpu.enqueue_dma source(%arg3 : memref<10000xi32, #tpu.memory_space<hbm>>) target(%dma_start3A_417 : memref<10000xi32, #tpu.memory_space<vmem_shared>>) target_semaphore(%run_scoped3A_415 : memref<!tpu.dma_semaphore, #tpu.memory_space<semaphore_mem>>)
        %dma_wait3A = arith.constant 0 : i32
        %dma_wait3A_418 = tpu.memref_slice %arg22[%run_scoped3A_414, %dma_wait3A] : memref<4x10000xi32, #tpu.memory_space<vmem_shared>> -> memref<1x10000xi32, #tpu.memory_space<vmem_shared>>
        %dma_wait3A_419 = tpu.memref_squeeze %dma_wait3A_418 : memref<1x10000xi32, #tpu.memory_space<vmem_shared>> -> memref<10000xi32, #tpu.memory_space<vmem_shared>>
        tpu.wait_dma2 semaphore(%run_scoped3A_415 : memref<!tpu.dma_semaphore, #tpu.memory_space<semaphore_mem>>) src(%arg3 : memref<10000xi32, #tpu.memory_space<hbm>>) dst(%dma_wait3A_419 : memref<10000xi32, #tpu.memory_space<vmem_shared>>)
        tpu.yield
      }) : () -> ()
    } else {
    }
    %eq3A_213 = arith.constant 2 : i32
    %eq3A_214 = arith.cmpi eq, %arg1, %eq3A_213 : i32
    %convert_element_type3A_215 = arith.extui %eq3A_214 : i1 to i32
    %cond3A_216 = arith.constant 0 : i32
    %cond3A_217 = arith.cmpi ne, %convert_element_type3A_215, %cond3A_216 : i32
    scf.if %cond3A_217 {
      %run_scoped3A_414 = arith.constant 2 : i32
      "tpu.region"() ({
        %run_scoped3A_415 = tpu.sem_alloc : memref<!tpu.dma_semaphore, #tpu.memory_space<semaphore_mem>>
        %dma_start3A = arith.constant 0 : i32
        %dma_start3A_416 = tpu.memref_slice %arg22[%run_scoped3A_414, %dma_start3A] : memref<4x10000xi32, #tpu.memory_space<vmem_shared>> -> memref<1x10000xi32, #tpu.memory_space<vmem_shared>>
        %dma_start3A_417 = tpu.memref_squeeze %dma_start3A_416 : memref<1x10000xi32, #tpu.memory_space<vmem_shared>> -> memref<10000xi32, #tpu.memory_space<vmem_shared>>
        tpu.enqueue_dma source(%arg4 : memref<10000xi32, #tpu.memory_space<hbm>>) target(%dma_start3A_417 : memref<10000xi32, #tpu.memory_space<vmem_shared>>) target_semaphore(%run_scoped3A_415 : memref<!tpu.dma_semaphore, #tpu.memory_space<semaphore_mem>>)
        %dma_wait3A = arith.constant 0 : i32
        %dma_wait3A_418 = tpu.memref_slice %arg22[%run_scoped3A_414, %dma_wait3A] : memref<4x10000xi32, #tpu.memory_space<vmem_shared>> -> memref<1x10000xi32, #tpu.memory_space<vmem_shared>>
        %dma_wait3A_419 = tpu.memref_squeeze %dma_wait3A_418 : memref<1x10000xi32, #tpu.memory_space<vmem_shared>> -> memref<10000xi32, #tpu.memory_space<vmem_shared>>
        tpu.wait_dma2 semaphore(%run_scoped3A_415 : memref<!tpu.dma_semaphore, #tpu.memory_space<semaphore_mem>>) src(%arg4 : memref<10000xi32, #tpu.memory_space<hbm>>) dst(%dma_wait3A_419 : memref<10000xi32, #tpu.memory_space<vmem_shared>>)
        tpu.yield
      }) : () -> ()
    } else {
    }
    %eq3A_218 = arith.constant 0 : i32
    %eq3A_219 = arith.cmpi eq, %arg1, %eq3A_218 : i32
    %convert_element_type3A_220 = arith.extui %eq3A_219 : i1 to i32
    %cond3A_221 = arith.constant 0 : i32
    %cond3A_222 = arith.cmpi ne, %convert_element_type3A_220, %cond3A_221 : i32
    scf.if %cond3A_222 {
      %run_scoped3A_414 = arith.constant 0 : i32
      "tpu.region"() ({
        %run_scoped3A_415 = tpu.sem_alloc : memref<!tpu.dma_semaphore, #tpu.memory_space<semaphore_mem>>
        %dma_start3A = arith.constant 0 : i32
        %dma_start3A_416 = arith.constant 0 : i32
        %dma_start3A_417 = tpu.memref_slice %arg21[%run_scoped3A_414, %dma_start3A, %dma_start3A_416] : memref<8x625x16xf32, #tpu.memory_space<vmem_shared>> -> memref<1x625x16xf32, #tpu.memory_space<vmem_shared>>
        %dma_start3A_418 = tpu.memref_squeeze %dma_start3A_417 : memref<1x625x16xf32, #tpu.memory_space<vmem_shared>> -> memref<625x16xf32, #tpu.memory_space<vmem_shared>>
        %dma_start3A_419 = arith.constant 0 : i32
        %dma_start3A_420 = arith.constant 0 : i32
        %dma_start3A_421 = tpu.memref_slice %arg21[%run_scoped3A_414, %dma_start3A_419, %dma_start3A_420] : memref<8x625x16xf32, #tpu.memory_space<vmem_shared>> -> memref<1x625x16xf32, #tpu.memory_space<vmem_shared>>
        %dma_start3A_422 = tpu.memref_squeeze %dma_start3A_421 : memref<1x625x16xf32, #tpu.memory_space<vmem_shared>> -> memref<625x16xf32, #tpu.memory_space<vmem_shared>>
        tpu.enqueue_dma source(%arg15 : memref<625x16xf32, #tpu.memory_space<vmem>>) target(%dma_start3A_422 : memref<625x16xf32, #tpu.memory_space<vmem_shared>>) target_semaphore(%run_scoped3A_415 : memref<!tpu.dma_semaphore, #tpu.memory_space<semaphore_mem>>)
        %dma_wait3A = arith.constant 0 : i32
        %dma_wait3A_423 = arith.constant 0 : i32
        %dma_wait3A_424 = tpu.memref_slice %arg21[%run_scoped3A_414, %dma_wait3A, %dma_wait3A_423] : memref<8x625x16xf32, #tpu.memory_space<vmem_shared>> -> memref<1x625x16xf32, #tpu.memory_space<vmem_shared>>
        %dma_wait3A_425 = tpu.memref_squeeze %dma_wait3A_424 : memref<1x625x16xf32, #tpu.memory_space<vmem_shared>> -> memref<625x16xf32, #tpu.memory_space<vmem_shared>>
        %dma_wait3A_426 = arith.constant 0 : i32
        %dma_wait3A_427 = arith.constant 0 : i32
        %dma_wait3A_428 = tpu.memref_slice %arg21[%run_scoped3A_414, %dma_wait3A_426, %dma_wait3A_427] : memref<8x625x16xf32, #tpu.memory_space<vmem_shared>> -> memref<1x625x16xf32, #tpu.memory_space<vmem_shared>>
        %dma_wait3A_429 = tpu.memref_squeeze %dma_wait3A_428 : memref<1x625x16xf32, #tpu.memory_space<vmem_shared>> -> memref<625x16xf32, #tpu.memory_space<vmem_shared>>
        tpu.wait_dma2 semaphore(%run_scoped3A_415 : memref<!tpu.dma_semaphore, #tpu.memory_space<semaphore_mem>>) src(%arg15 : memref<625x16xf32, #tpu.memory_space<vmem>>) dst(%dma_wait3A_429 : memref<625x16xf32, #tpu.memory_space<vmem_shared>>)
        tpu.yield
      }) : () -> ()
    } else {
    }
    %eq3A_223 = arith.constant 1 : i32
    %eq3A_224 = arith.cmpi eq, %arg1, %eq3A_223 : i32
    %convert_element_type3A_225 = arith.extui %eq3A_224 : i1 to i32
    %cond3A_226 = arith.constant 0 : i32
    %cond3A_227 = arith.cmpi ne, %convert_element_type3A_225, %cond3A_226 : i32
    scf.if %cond3A_227 {
      %run_scoped3A_414 = arith.constant 1 : i32
      "tpu.region"() ({
        %run_scoped3A_415 = tpu.sem_alloc : memref<!tpu.dma_semaphore, #tpu.memory_space<semaphore_mem>>
        %dma_start3A = arith.constant 0 : i32
        %dma_start3A_416 = arith.constant 0 : i32
        %dma_start3A_417 = tpu.memref_slice %arg21[%run_scoped3A_414, %dma_start3A, %dma_start3A_416] : memref<8x625x16xf32, #tpu.memory_space<vmem_shared>> -> memref<1x625x16xf32, #tpu.memory_space<vmem_shared>>
        %dma_start3A_418 = tpu.memref_squeeze %dma_start3A_417 : memref<1x625x16xf32, #tpu.memory_space<vmem_shared>> -> memref<625x16xf32, #tpu.memory_space<vmem_shared>>
        %dma_start3A_419 = arith.constant 0 : i32
        %dma_start3A_420 = arith.constant 0 : i32
        %dma_start3A_421 = tpu.memref_slice %arg21[%run_scoped3A_414, %dma_start3A_419, %dma_start3A_420] : memref<8x625x16xf32, #tpu.memory_space<vmem_shared>> -> memref<1x625x16xf32, #tpu.memory_space<vmem_shared>>
        %dma_start3A_422 = tpu.memref_squeeze %dma_start3A_421 : memref<1x625x16xf32, #tpu.memory_space<vmem_shared>> -> memref<625x16xf32, #tpu.memory_space<vmem_shared>>
        tpu.enqueue_dma source(%arg16 : memref<625x16xf32, #tpu.memory_space<vmem>>) target(%dma_start3A_422 : memref<625x16xf32, #tpu.memory_space<vmem_shared>>) target_semaphore(%run_scoped3A_415 : memref<!tpu.dma_semaphore, #tpu.memory_space<semaphore_mem>>)
        %dma_wait3A = arith.constant 0 : i32
        %dma_wait3A_423 = arith.constant 0 : i32
        %dma_wait3A_424 = tpu.memref_slice %arg21[%run_scoped3A_414, %dma_wait3A, %dma_wait3A_423] : memref<8x625x16xf32, #tpu.memory_space<vmem_shared>> -> memref<1x625x16xf32, #tpu.memory_space<vmem_shared>>
        %dma_wait3A_425 = tpu.memref_squeeze %dma_wait3A_424 : memref<1x625x16xf32, #tpu.memory_space<vmem_shared>> -> memref<625x16xf32, #tpu.memory_space<vmem_shared>>
        %dma_wait3A_426 = arith.constant 0 : i32
        %dma_wait3A_427 = arith.constant 0 : i32
        %dma_wait3A_428 = tpu.memref_slice %arg21[%run_scoped3A_414, %dma_wait3A_426, %dma_wait3A_427] : memref<8x625x16xf32, #tpu.memory_space<vmem_shared>> -> memref<1x625x16xf32, #tpu.memory_space<vmem_shared>>
        %dma_wait3A_429 = tpu.memref_squeeze %dma_wait3A_428 : memref<1x625x16xf32, #tpu.memory_space<vmem_shared>> -> memref<625x16xf32, #tpu.memory_space<vmem_shared>>
        tpu.wait_dma2 semaphore(%run_scoped3A_415 : memref<!tpu.dma_semaphore, #tpu.memory_space<semaphore_mem>>) src(%arg16 : memref<625x16xf32, #tpu.memory_space<vmem>>) dst(%dma_wait3A_429 : memref<625x16xf32, #tpu.memory_space<vmem_shared>>)
        tpu.yield
      }) : () -> ()
    } else {
    }
    %eq3A_228 = arith.constant 2 : i32
    %eq3A_229 = arith.cmpi eq, %arg1, %eq3A_228 : i32
    %convert_element_type3A_230 = arith.extui %eq3A_229 : i1 to i32
    %cond3A_231 = arith.constant 0 : i32
    %cond3A_232 = arith.cmpi ne, %convert_element_type3A_230, %cond3A_231 : i32
    scf.if %cond3A_232 {
      %run_scoped3A_414 = arith.constant 2 : i32
      "tpu.region"() ({
        %run_scoped3A_415 = tpu.sem_alloc : memref<!tpu.dma_semaphore, #tpu.memory_space<semaphore_mem>>
        %dma_start3A = arith.constant 0 : i32
        %dma_start3A_416 = arith.constant 0 : i32
        %dma_start3A_417 = tpu.memref_slice %arg21[%run_scoped3A_414, %dma_start3A, %dma_start3A_416] : memref<8x625x16xf32, #tpu.memory_space<vmem_shared>> -> memref<1x625x16xf32, #tpu.memory_space<vmem_shared>>
        %dma_start3A_418 = tpu.memref_squeeze %dma_start3A_417 : memref<1x625x16xf32, #tpu.memory_space<vmem_shared>> -> memref<625x16xf32, #tpu.memory_space<vmem_shared>>
        %dma_start3A_419 = arith.constant 0 : i32
        %dma_start3A_420 = arith.constant 0 : i32
        %dma_start3A_421 = tpu.memref_slice %arg21[%run_scoped3A_414, %dma_start3A_419, %dma_start3A_420] : memref<8x625x16xf32, #tpu.memory_space<vmem_shared>> -> memref<1x625x16xf32, #tpu.memory_space<vmem_shared>>
        %dma_start3A_422 = tpu.memref_squeeze %dma_start3A_421 : memref<1x625x16xf32, #tpu.memory_space<vmem_shared>> -> memref<625x16xf32, #tpu.memory_space<vmem_shared>>
        tpu.enqueue_dma source(%arg17 : memref<625x16xf32, #tpu.memory_space<vmem>>) target(%dma_start3A_422 : memref<625x16xf32, #tpu.memory_space<vmem_shared>>) target_semaphore(%run_scoped3A_415 : memref<!tpu.dma_semaphore, #tpu.memory_space<semaphore_mem>>)
        %dma_wait3A = arith.constant 0 : i32
        %dma_wait3A_423 = arith.constant 0 : i32
        %dma_wait3A_424 = tpu.memref_slice %arg21[%run_scoped3A_414, %dma_wait3A, %dma_wait3A_423] : memref<8x625x16xf32, #tpu.memory_space<vmem_shared>> -> memref<1x625x16xf32, #tpu.memory_space<vmem_shared>>
        %dma_wait3A_425 = tpu.memref_squeeze %dma_wait3A_424 : memref<1x625x16xf32, #tpu.memory_space<vmem_shared>> -> memref<625x16xf32, #tpu.memory_space<vmem_shared>>
        %dma_wait3A_426 = arith.constant 0 : i32
        %dma_wait3A_427 = arith.constant 0 : i32
        %dma_wait3A_428 = tpu.memref_slice %arg21[%run_scoped3A_414, %dma_wait3A_426, %dma_wait3A_427] : memref<8x625x16xf32, #tpu.memory_space<vmem_shared>> -> memref<1x625x16xf32, #tpu.memory_space<vmem_shared>>
        %dma_wait3A_429 = tpu.memref_squeeze %dma_wait3A_428 : memref<1x625x16xf32, #tpu.memory_space<vmem_shared>> -> memref<625x16xf32, #tpu.memory_space<vmem_shared>>
        tpu.wait_dma2 semaphore(%run_scoped3A_415 : memref<!tpu.dma_semaphore, #tpu.memory_space<semaphore_mem>>) src(%arg17 : memref<625x16xf32, #tpu.memory_space<vmem>>) dst(%dma_wait3A_429 : memref<625x16xf32, #tpu.memory_space<vmem_shared>>)
        tpu.yield
      }) : () -> ()
    } else {
    }
    %eq3A_233 = arith.constant 3 : i32
    %eq3A_234 = arith.cmpi eq, %arg1, %eq3A_233 : i32
    %convert_element_type3A_235 = arith.extui %eq3A_234 : i1 to i32
    %cond3A_236 = arith.constant 0 : i32
    %cond3A_237 = arith.cmpi ne, %convert_element_type3A_235, %cond3A_236 : i32
    scf.if %cond3A_237 {
      %run_scoped3A_414 = arith.constant 3 : i32
      "tpu.region"() ({
        %run_scoped3A_415 = tpu.sem_alloc : memref<!tpu.dma_semaphore, #tpu.memory_space<semaphore_mem>>
        %dma_start3A = arith.constant 0 : i32
        %dma_start3A_416 = arith.constant 0 : i32
        %dma_start3A_417 = tpu.memref_slice %arg21[%run_scoped3A_414, %dma_start3A, %dma_start3A_416] : memref<8x625x16xf32, #tpu.memory_space<vmem_shared>> -> memref<1x625x16xf32, #tpu.memory_space<vmem_shared>>
        %dma_start3A_418 = tpu.memref_squeeze %dma_start3A_417 : memref<1x625x16xf32, #tpu.memory_space<vmem_shared>> -> memref<625x16xf32, #tpu.memory_space<vmem_shared>>
        %dma_start3A_419 = arith.constant 0 : i32
        %dma_start3A_420 = arith.constant 0 : i32
        %dma_start3A_421 = tpu.memref_slice %arg21[%run_scoped3A_414, %dma_start3A_419, %dma_start3A_420] : memref<8x625x16xf32, #tpu.memory_space<vmem_shared>> -> memref<1x625x16xf32, #tpu.memory_space<vmem_shared>>
        %dma_start3A_422 = tpu.memref_squeeze %dma_start3A_421 : memref<1x625x16xf32, #tpu.memory_space<vmem_shared>> -> memref<625x16xf32, #tpu.memory_space<vmem_shared>>
        tpu.enqueue_dma source(%arg18 : memref<625x16xf32, #tpu.memory_space<vmem>>) target(%dma_start3A_422 : memref<625x16xf32, #tpu.memory_space<vmem_shared>>) target_semaphore(%run_scoped3A_415 : memref<!tpu.dma_semaphore, #tpu.memory_space<semaphore_mem>>)
        %dma_wait3A = arith.constant 0 : i32
        %dma_wait3A_423 = arith.constant 0 : i32
        %dma_wait3A_424 = tpu.memref_slice %arg21[%run_scoped3A_414, %dma_wait3A, %dma_wait3A_423] : memref<8x625x16xf32, #tpu.memory_space<vmem_shared>> -> memref<1x625x16xf32, #tpu.memory_space<vmem_shared>>
        %dma_wait3A_425 = tpu.memref_squeeze %dma_wait3A_424 : memref<1x625x16xf32, #tpu.memory_space<vmem_shared>> -> memref<625x16xf32, #tpu.memory_space<vmem_shared>>
        %dma_wait3A_426 = arith.constant 0 : i32
        %dma_wait3A_427 = arith.constant 0 : i32
        %dma_wait3A_428 = tpu.memref_slice %arg21[%run_scoped3A_414, %dma_wait3A_426, %dma_wait3A_427] : memref<8x625x16xf32, #tpu.memory_space<vmem_shared>> -> memref<1x625x16xf32, #tpu.memory_space<vmem_shared>>
        %dma_wait3A_429 = tpu.memref_squeeze %dma_wait3A_428 : memref<1x625x16xf32, #tpu.memory_space<vmem_shared>> -> memref<625x16xf32, #tpu.memory_space<vmem_shared>>
        tpu.wait_dma2 semaphore(%run_scoped3A_415 : memref<!tpu.dma_semaphore, #tpu.memory_space<semaphore_mem>>) src(%arg18 : memref<625x16xf32, #tpu.memory_space<vmem>>) dst(%dma_wait3A_429 : memref<625x16xf32, #tpu.memory_space<vmem_shared>>)
        tpu.yield
      }) : () -> ()
    } else {
    }
    %eq3A_238 = arith.constant 4 : i32
    %eq3A_239 = arith.cmpi eq, %arg1, %eq3A_238 : i32
    %convert_element_type3A_240 = arith.extui %eq3A_239 : i1 to i32
    %cond3A_241 = arith.constant 0 : i32
    %cond3A_242 = arith.cmpi ne, %convert_element_type3A_240, %cond3A_241 : i32
    scf.if %cond3A_242 {
      %run_scoped3A_414 = arith.constant 4 : i32
      "tpu.region"() ({
        %run_scoped3A_415 = tpu.sem_alloc : memref<!tpu.dma_semaphore, #tpu.memory_space<semaphore_mem>>
        %dma_start3A = arith.constant 0 : i32
        %dma_start3A_416 = arith.constant 0 : i32
        %dma_start3A_417 = tpu.memref_slice %arg21[%run_scoped3A_414, %dma_start3A, %dma_start3A_416] : memref<8x625x16xf32, #tpu.memory_space<vmem_shared>> -> memref<1x625x16xf32, #tpu.memory_space<vmem_shared>>
        %dma_start3A_418 = tpu.memref_squeeze %dma_start3A_417 : memref<1x625x16xf32, #tpu.memory_space<vmem_shared>> -> memref<625x16xf32, #tpu.memory_space<vmem_shared>>
        %dma_start3A_419 = arith.constant 0 : i32
        %dma_start3A_420 = arith.constant 0 : i32
        %dma_start3A_421 = tpu.memref_slice %arg21[%run_scoped3A_414, %dma_start3A_419, %dma_start3A_420] : memref<8x625x16xf32, #tpu.memory_space<vmem_shared>> -> memref<1x625x16xf32, #tpu.memory_space<vmem_shared>>
        %dma_start3A_422 = tpu.memref_squeeze %dma_start3A_421 : memref<1x625x16xf32, #tpu.memory_space<vmem_shared>> -> memref<625x16xf32, #tpu.memory_space<vmem_shared>>
        tpu.enqueue_dma source(%arg19 : memref<625x16xf32, #tpu.memory_space<vmem>>) target(%dma_start3A_422 : memref<625x16xf32, #tpu.memory_space<vmem_shared>>) target_semaphore(%run_scoped3A_415 : memref<!tpu.dma_semaphore, #tpu.memory_space<semaphore_mem>>)
        %dma_wait3A = arith.constant 0 : i32
        %dma_wait3A_423 = arith.constant 0 : i32
        %dma_wait3A_424 = tpu.memref_slice %arg21[%run_scoped3A_414, %dma_wait3A, %dma_wait3A_423] : memref<8x625x16xf32, #tpu.memory_space<vmem_shared>> -> memref<1x625x16xf32, #tpu.memory_space<vmem_shared>>
        %dma_wait3A_425 = tpu.memref_squeeze %dma_wait3A_424 : memref<1x625x16xf32, #tpu.memory_space<vmem_shared>> -> memref<625x16xf32, #tpu.memory_space<vmem_shared>>
        %dma_wait3A_426 = arith.constant 0 : i32
        %dma_wait3A_427 = arith.constant 0 : i32
        %dma_wait3A_428 = tpu.memref_slice %arg21[%run_scoped3A_414, %dma_wait3A_426, %dma_wait3A_427] : memref<8x625x16xf32, #tpu.memory_space<vmem_shared>> -> memref<1x625x16xf32, #tpu.memory_space<vmem_shared>>
        %dma_wait3A_429 = tpu.memref_squeeze %dma_wait3A_428 : memref<1x625x16xf32, #tpu.memory_space<vmem_shared>> -> memref<625x16xf32, #tpu.memory_space<vmem_shared>>
        tpu.wait_dma2 semaphore(%run_scoped3A_415 : memref<!tpu.dma_semaphore, #tpu.memory_space<semaphore_mem>>) src(%arg19 : memref<625x16xf32, #tpu.memory_space<vmem>>) dst(%dma_wait3A_429 : memref<625x16xf32, #tpu.memory_space<vmem_shared>>)
        tpu.yield
      }) : () -> ()
    } else {
    }
    %eq3A_243 = arith.constant 5 : i32
    %eq3A_244 = arith.cmpi eq, %arg1, %eq3A_243 : i32
    %convert_element_type3A_245 = arith.extui %eq3A_244 : i1 to i32
    %cond3A_246 = arith.constant 0 : i32
    %cond3A_247 = arith.cmpi ne, %convert_element_type3A_245, %cond3A_246 : i32
    scf.if %cond3A_247 {
      %run_scoped3A_414 = arith.constant 5 : i32
      "tpu.region"() ({
        %run_scoped3A_415 = tpu.sem_alloc : memref<!tpu.dma_semaphore, #tpu.memory_space<semaphore_mem>>
        %dma_start3A = arith.constant 0 : i32
        %dma_start3A_416 = arith.constant 0 : i32
        %dma_start3A_417 = tpu.memref_slice %arg21[%run_scoped3A_414, %dma_start3A, %dma_start3A_416] : memref<8x625x16xf32, #tpu.memory_space<vmem_shared>> -> memref<1x625x16xf32, #tpu.memory_space<vmem_shared>>
        %dma_start3A_418 = tpu.memref_squeeze %dma_start3A_417 : memref<1x625x16xf32, #tpu.memory_space<vmem_shared>> -> memref<625x16xf32, #tpu.memory_space<vmem_shared>>
        %dma_start3A_419 = arith.constant 0 : i32
        %dma_start3A_420 = arith.constant 0 : i32
        %dma_start3A_421 = tpu.memref_slice %arg21[%run_scoped3A_414, %dma_start3A_419, %dma_start3A_420] : memref<8x625x16xf32, #tpu.memory_space<vmem_shared>> -> memref<1x625x16xf32, #tpu.memory_space<vmem_shared>>
        %dma_start3A_422 = tpu.memref_squeeze %dma_start3A_421 : memref<1x625x16xf32, #tpu.memory_space<vmem_shared>> -> memref<625x16xf32, #tpu.memory_space<vmem_shared>>
        tpu.enqueue_dma source(%arg20 : memref<625x16xf32, #tpu.memory_space<vmem>>) target(%dma_start3A_422 : memref<625x16xf32, #tpu.memory_space<vmem_shared>>) target_semaphore(%run_scoped3A_415 : memref<!tpu.dma_semaphore, #tpu.memory_space<semaphore_mem>>)
        %dma_wait3A = arith.constant 0 : i32
        %dma_wait3A_423 = arith.constant 0 : i32
        %dma_wait3A_424 = tpu.memref_slice %arg21[%run_scoped3A_414, %dma_wait3A, %dma_wait3A_423] : memref<8x625x16xf32, #tpu.memory_space<vmem_shared>> -> memref<1x625x16xf32, #tpu.memory_space<vmem_shared>>
        %dma_wait3A_425 = tpu.memref_squeeze %dma_wait3A_424 : memref<1x625x16xf32, #tpu.memory_space<vmem_shared>> -> memref<625x16xf32, #tpu.memory_space<vmem_shared>>
        %dma_wait3A_426 = arith.constant 0 : i32
        %dma_wait3A_427 = arith.constant 0 : i32
        %dma_wait3A_428 = tpu.memref_slice %arg21[%run_scoped3A_414, %dma_wait3A_426, %dma_wait3A_427] : memref<8x625x16xf32, #tpu.memory_space<vmem_shared>> -> memref<1x625x16xf32, #tpu.memory_space<vmem_shared>>
        %dma_wait3A_429 = tpu.memref_squeeze %dma_wait3A_428 : memref<1x625x16xf32, #tpu.memory_space<vmem_shared>> -> memref<625x16xf32, #tpu.memory_space<vmem_shared>>
        tpu.wait_dma2 semaphore(%run_scoped3A_415 : memref<!tpu.dma_semaphore, #tpu.memory_space<semaphore_mem>>) src(%arg20 : memref<625x16xf32, #tpu.memory_space<vmem>>) dst(%dma_wait3A_429 : memref<625x16xf32, #tpu.memory_space<vmem_shared>>)
        tpu.yield
      }) : () -> ()
    } else {
    }
    %barrier3A = arith.constant 0 : index
    tpu.barrier barrier_id(%barrier3A)
    %run_scoped3A_248 = arith.constant 0 : i32
    "tpu.region"() ({
      %run_scoped3A_414 = tpu.sem_alloc : memref<!tpu.dma_semaphore, #tpu.memory_space<semaphore_mem>>
      %dma_start3A = arith.constant 0 : i32
      %dma_start3A_415 = tpu.memref_slice %arg22[%run_scoped3A_248, %dma_start3A] : memref<4x10000xi32, #tpu.memory_space<vmem_shared>> -> memref<1x10000xi32, #tpu.memory_space<vmem_shared>>
      %dma_start3A_416 = tpu.memref_squeeze %dma_start3A_415 : memref<1x10000xi32, #tpu.memory_space<vmem_shared>> -> memref<10000xi32, #tpu.memory_space<vmem_shared>>
      %dma_start3A_417 = arith.constant 0 : i32
      %dma_start3A_418 = tpu.memref_slice %arg22[%run_scoped3A_248, %dma_start3A_417] : memref<4x10000xi32, #tpu.memory_space<vmem_shared>> -> memref<1x10000xi32, #tpu.memory_space<vmem_shared>>
      %dma_start3A_419 = tpu.memref_squeeze %dma_start3A_418 : memref<1x10000xi32, #tpu.memory_space<vmem_shared>> -> memref<10000xi32, #tpu.memory_space<vmem_shared>>
      tpu.enqueue_dma source(%dma_start3A_419 : memref<10000xi32, #tpu.memory_space<vmem_shared>>) target(%arg12 : memref<10000xi32, #tpu.memory_space<vmem>>) target_semaphore(%run_scoped3A_414 : memref<!tpu.dma_semaphore, #tpu.memory_space<semaphore_mem>>)
      %dma_wait3A = arith.constant 0 : i32
      %dma_wait3A_420 = tpu.memref_slice %arg22[%run_scoped3A_248, %dma_wait3A] : memref<4x10000xi32, #tpu.memory_space<vmem_shared>> -> memref<1x10000xi32, #tpu.memory_space<vmem_shared>>
      %dma_wait3A_421 = tpu.memref_squeeze %dma_wait3A_420 : memref<1x10000xi32, #tpu.memory_space<vmem_shared>> -> memref<10000xi32, #tpu.memory_space<vmem_shared>>
      %dma_wait3A_422 = arith.constant 0 : i32
      %dma_wait3A_423 = tpu.memref_slice %arg22[%run_scoped3A_248, %dma_wait3A_422] : memref<4x10000xi32, #tpu.memory_space<vmem_shared>> -> memref<1x10000xi32, #tpu.memory_space<vmem_shared>>
      %dma_wait3A_424 = tpu.memref_squeeze %dma_wait3A_423 : memref<1x10000xi32, #tpu.memory_space<vmem_shared>> -> memref<10000xi32, #tpu.memory_space<vmem_shared>>
      tpu.wait_dma2 semaphore(%run_scoped3A_414 : memref<!tpu.dma_semaphore, #tpu.memory_space<semaphore_mem>>) src(%dma_wait3A_424 : memref<10000xi32, #tpu.memory_space<vmem_shared>>) dst(%arg12 : memref<10000xi32, #tpu.memory_space<vmem>>)
      tpu.yield
    }) : () -> ()
    %run_scoped3A_249 = arith.constant 1 : i32
    "tpu.region"() ({
      %run_scoped3A_414 = tpu.sem_alloc : memref<!tpu.dma_semaphore, #tpu.memory_space<semaphore_mem>>
      %dma_start3A = arith.constant 0 : i32
      %dma_start3A_415 = tpu.memref_slice %arg22[%run_scoped3A_249, %dma_start3A] : memref<4x10000xi32, #tpu.memory_space<vmem_shared>> -> memref<1x10000xi32, #tpu.memory_space<vmem_shared>>
      %dma_start3A_416 = tpu.memref_squeeze %dma_start3A_415 : memref<1x10000xi32, #tpu.memory_space<vmem_shared>> -> memref<10000xi32, #tpu.memory_space<vmem_shared>>
      %dma_start3A_417 = arith.constant 0 : i32
      %dma_start3A_418 = tpu.memref_slice %arg22[%run_scoped3A_249, %dma_start3A_417] : memref<4x10000xi32, #tpu.memory_space<vmem_shared>> -> memref<1x10000xi32, #tpu.memory_space<vmem_shared>>
      %dma_start3A_419 = tpu.memref_squeeze %dma_start3A_418 : memref<1x10000xi32, #tpu.memory_space<vmem_shared>> -> memref<10000xi32, #tpu.memory_space<vmem_shared>>
      tpu.enqueue_dma source(%dma_start3A_419 : memref<10000xi32, #tpu.memory_space<vmem_shared>>) target(%arg13 : memref<10000xi32, #tpu.memory_space<vmem>>) target_semaphore(%run_scoped3A_414 : memref<!tpu.dma_semaphore, #tpu.memory_space<semaphore_mem>>)
      %dma_wait3A = arith.constant 0 : i32
      %dma_wait3A_420 = tpu.memref_slice %arg22[%run_scoped3A_249, %dma_wait3A] : memref<4x10000xi32, #tpu.memory_space<vmem_shared>> -> memref<1x10000xi32, #tpu.memory_space<vmem_shared>>
      %dma_wait3A_421 = tpu.memref_squeeze %dma_wait3A_420 : memref<1x10000xi32, #tpu.memory_space<vmem_shared>> -> memref<10000xi32, #tpu.memory_space<vmem_shared>>
      %dma_wait3A_422 = arith.constant 0 : i32
      %dma_wait3A_423 = tpu.memref_slice %arg22[%run_scoped3A_249, %dma_wait3A_422] : memref<4x10000xi32, #tpu.memory_space<vmem_shared>> -> memref<1x10000xi32, #tpu.memory_space<vmem_shared>>
      %dma_wait3A_424 = tpu.memref_squeeze %dma_wait3A_423 : memref<1x10000xi32, #tpu.memory_space<vmem_shared>> -> memref<10000xi32, #tpu.memory_space<vmem_shared>>
      tpu.wait_dma2 semaphore(%run_scoped3A_414 : memref<!tpu.dma_semaphore, #tpu.memory_space<semaphore_mem>>) src(%dma_wait3A_424 : memref<10000xi32, #tpu.memory_space<vmem_shared>>) dst(%arg13 : memref<10000xi32, #tpu.memory_space<vmem>>)
      tpu.yield
    }) : () -> ()
    %run_scoped3A_250 = arith.constant 2 : i32
    "tpu.region"() ({
      %run_scoped3A_414 = tpu.sem_alloc : memref<!tpu.dma_semaphore, #tpu.memory_space<semaphore_mem>>
      %dma_start3A = arith.constant 0 : i32
      %dma_start3A_415 = tpu.memref_slice %arg22[%run_scoped3A_250, %dma_start3A] : memref<4x10000xi32, #tpu.memory_space<vmem_shared>> -> memref<1x10000xi32, #tpu.memory_space<vmem_shared>>
      %dma_start3A_416 = tpu.memref_squeeze %dma_start3A_415 : memref<1x10000xi32, #tpu.memory_space<vmem_shared>> -> memref<10000xi32, #tpu.memory_space<vmem_shared>>
      %dma_start3A_417 = arith.constant 0 : i32
      %dma_start3A_418 = tpu.memref_slice %arg22[%run_scoped3A_250, %dma_start3A_417] : memref<4x10000xi32, #tpu.memory_space<vmem_shared>> -> memref<1x10000xi32, #tpu.memory_space<vmem_shared>>
      %dma_start3A_419 = tpu.memref_squeeze %dma_start3A_418 : memref<1x10000xi32, #tpu.memory_space<vmem_shared>> -> memref<10000xi32, #tpu.memory_space<vmem_shared>>
      tpu.enqueue_dma source(%dma_start3A_419 : memref<10000xi32, #tpu.memory_space<vmem_shared>>) target(%arg14 : memref<10000xi32, #tpu.memory_space<vmem>>) target_semaphore(%run_scoped3A_414 : memref<!tpu.dma_semaphore, #tpu.memory_space<semaphore_mem>>)
      %dma_wait3A = arith.constant 0 : i32
      %dma_wait3A_420 = tpu.memref_slice %arg22[%run_scoped3A_250, %dma_wait3A] : memref<4x10000xi32, #tpu.memory_space<vmem_shared>> -> memref<1x10000xi32, #tpu.memory_space<vmem_shared>>
      %dma_wait3A_421 = tpu.memref_squeeze %dma_wait3A_420 : memref<1x10000xi32, #tpu.memory_space<vmem_shared>> -> memref<10000xi32, #tpu.memory_space<vmem_shared>>
      %dma_wait3A_422 = arith.constant 0 : i32
      %dma_wait3A_423 = tpu.memref_slice %arg22[%run_scoped3A_250, %dma_wait3A_422] : memref<4x10000xi32, #tpu.memory_space<vmem_shared>> -> memref<1x10000xi32, #tpu.memory_space<vmem_shared>>
      %dma_wait3A_424 = tpu.memref_squeeze %dma_wait3A_423 : memref<1x10000xi32, #tpu.memory_space<vmem_shared>> -> memref<10000xi32, #tpu.memory_space<vmem_shared>>
      tpu.wait_dma2 semaphore(%run_scoped3A_414 : memref<!tpu.dma_semaphore, #tpu.memory_space<semaphore_mem>>) src(%dma_wait3A_424 : memref<10000xi32, #tpu.memory_space<vmem_shared>>) dst(%arg14 : memref<10000xi32, #tpu.memory_space<vmem>>)
      tpu.yield
    }) : () -> ()
    %parallel_loop3A_251 = arith.constant 0 : i32
    %parallel_loop3A_252 = arith.constant 625 : i32
    %parallel_loop3A_253 = arith.constant 1 : i32
    scf.for %parallel_loop3A_414 = %parallel_loop3A_251 to %parallel_loop3A_252 step %parallel_loop3A_253  : i32 {
      %parallel_loop3A_415 = arith.constant 16 : i32
      %parallel_loop3A_416 = arith.muli %parallel_loop3A_414, %parallel_loop3A_415 : i32
      %parallel_loop3A_417 = arith.index_cast %parallel_loop3A_416 : i32 to index
      %parallel_loop3A_418 = tpu.vector_load %arg9[%parallel_loop3A_417] {strides = array<i32>} : memref<10000xi32, #tpu.memory_space<vmem>>, vector<16xi32>,
      %parallel_loop3A_419 = arith.constant 16 : i32
      %parallel_loop3A_420 = arith.muli %parallel_loop3A_414, %parallel_loop3A_419 : i32
      %parallel_loop3A_421 = arith.index_cast %parallel_loop3A_420 : i32 to index
      %parallel_loop3A_422 = tpu.vector_load %arg10[%parallel_loop3A_421] {strides = array<i32>} : memref<10000xi32, #tpu.memory_space<vmem>>, vector<16xi32>,
      %parallel_loop3A_423 = arith.constant 4 : i32
      %parallel_loop3A_424 = vector.broadcast %parallel_loop3A_423 : i32 to vector<16xi32>
      %parallel_loop3A_425 = arith.shrsi %parallel_loop3A_422, %parallel_loop3A_424 : vector<16xi32>
      %parallel_loop3A_426 = arith.constant 15 : i32
      %parallel_loop3A_427 = vector.broadcast %parallel_loop3A_426 : i32 to vector<16xi32>
      %parallel_loop3A_428 = arith.andi %parallel_loop3A_422, %parallel_loop3A_427 : vector<16xi32>
      %parallel_loop3A_429 = tpu.vector_load_idx %arg12[%parallel_loop3A_418] : memref<10000xi32, #tpu.memory_space<vmem>>[vector<16xi32>], vector<16xi32>,
      %parallel_loop3A_430 = vector.bitcast %parallel_loop3A_429 : vector<16xi32> to vector<32xbf16>
      %parallel_loop3A_431 = tpu.unpack_subelements %parallel_loop3A_430, 0 {pack_format = #tpu.pack_format<interleaved>} : vector<32xbf16> -> vector<16xf32>
      %parallel_loop3A_432 = tpu.unpack_subelements %parallel_loop3A_430, 1 {pack_format = #tpu.pack_format<interleaved>} : vector<32xbf16> -> vector<16xf32>
      tpu.vector_store_idx %arg15[%parallel_loop3A_425, %parallel_loop3A_428], %parallel_loop3A_431 {add = true} : memref<625x16xf32, #tpu.memory_space<vmem>>[vector<16xi32>, vector<16xi32>], vector<16xf32>,
      tpu.vector_store_idx %arg16[%parallel_loop3A_425, %parallel_loop3A_428], %parallel_loop3A_432 {add = true} : memref<625x16xf32, #tpu.memory_space<vmem>>[vector<16xi32>, vector<16xi32>], vector<16xf32>,
      %parallel_loop3A_433 = tpu.vector_load_idx %arg13[%parallel_loop3A_418] : memref<10000xi32, #tpu.memory_space<vmem>>[vector<16xi32>], vector<16xi32>,
      %parallel_loop3A_434 = vector.bitcast %parallel_loop3A_433 : vector<16xi32> to vector<32xbf16>
      %parallel_loop3A_435 = tpu.unpack_subelements %parallel_loop3A_434, 0 {pack_format = #tpu.pack_format<interleaved>} : vector<32xbf16> -> vector<16xf32>
      %parallel_loop3A_436 = tpu.unpack_subelements %parallel_loop3A_434, 1 {pack_format = #tpu.pack_format<interleaved>} : vector<32xbf16> -> vector<16xf32>
      tpu.vector_store_idx %arg17[%parallel_loop3A_425, %parallel_loop3A_428], %parallel_loop3A_435 {add = true} : memref<625x16xf32, #tpu.memory_space<vmem>>[vector<16xi32>, vector<16xi32>], vector<16xf32>,
      tpu.vector_store_idx %arg18[%parallel_loop3A_425, %parallel_loop3A_428], %parallel_loop3A_436 {add = true} : memref<625x16xf32, #tpu.memory_space<vmem>>[vector<16xi32>, vector<16xi32>], vector<16xf32>,
      %parallel_loop3A_437 = tpu.vector_load_idx %arg14[%parallel_loop3A_418] : memref<10000xi32, #tpu.memory_space<vmem>>[vector<16xi32>], vector<16xi32>,
      %parallel_loop3A_438 = vector.bitcast %parallel_loop3A_437 : vector<16xi32> to vector<32xbf16>
      %parallel_loop3A_439 = tpu.unpack_subelements %parallel_loop3A_438, 0 {pack_format = #tpu.pack_format<interleaved>} : vector<32xbf16> -> vector<16xf32>
      %parallel_loop3A_440 = tpu.unpack_subelements %parallel_loop3A_438, 1 {pack_format = #tpu.pack_format<interleaved>} : vector<32xbf16> -> vector<16xf32>
      tpu.vector_store_idx %arg19[%parallel_loop3A_425, %parallel_loop3A_428], %parallel_loop3A_439 {add = true} : memref<625x16xf32, #tpu.memory_space<vmem>>[vector<16xi32>, vector<16xi32>], vector<16xf32>,
      tpu.vector_store_idx %arg20[%parallel_loop3A_425, %parallel_loop3A_428], %parallel_loop3A_440 {add = true} : memref<625x16xf32, #tpu.memory_space<vmem>>[vector<16xi32>, vector<16xi32>], vector<16xf32>,
    } {sc.loop_unroll_factor = 4 : i64, sc.parallel_access}
    %run_scoped3A_254 = arith.constant 0 : i32
    "tpu.region"() ({
      %run_scoped3A_414 = tpu.sem_alloc : memref<!tpu.dma_semaphore, #tpu.memory_space<semaphore_mem>>
      %dma_start3A = arith.constant 0 : i32
      %dma_start3A_415 = arith.constant 0 : i32
      %dma_start3A_416 = tpu.memref_slice %arg21[%run_scoped3A_254, %dma_start3A, %dma_start3A_415] : memref<8x625x16xf32, #tpu.memory_space<vmem_shared>> -> memref<1x625x16xf32, #tpu.memory_space<vmem_shared>>
      %dma_start3A_417 = tpu.memref_squeeze %dma_start3A_416 : memref<1x625x16xf32, #tpu.memory_space<vmem_shared>> -> memref<625x16xf32, #tpu.memory_space<vmem_shared>>
      %dma_start3A_418 = arith.constant 0 : i32
      %dma_start3A_419 = arith.constant 0 : i32
      %dma_start3A_420 = tpu.memref_slice %dma_start3A_417[%dma_start3A_418, %dma_start3A_419] : memref<625x16xf32, #tpu.memory_space<vmem_shared>> -> memref<625x16xf32, #tpu.memory_space<vmem_shared>>
      tpu.enqueue_indirect_dma source(%arg15 : memref<625x16xf32, #tpu.memory_space<vmem>>) target(%dma_start3A_420 : memref<625x16xf32, #tpu.memory_space<vmem_shared>>) offsets(%arg11 : memref<625xi32, #tpu.memory_space<vmem>>) semaphore(%run_scoped3A_414 : memref<!tpu.dma_semaphore, #tpu.memory_space<semaphore_mem>>) {add = true}
      %dma_wait3A = arith.constant 0 : i32
      %dma_wait3A_421 = arith.constant 0 : i32
      %dma_wait3A_422 = tpu.memref_slice %arg21[%run_scoped3A_254, %dma_wait3A, %dma_wait3A_421] : memref<8x625x16xf32, #tpu.memory_space<vmem_shared>> -> memref<1x625x16xf32, #tpu.memory_space<vmem_shared>>
      %dma_wait3A_423 = tpu.memref_squeeze %dma_wait3A_422 : memref<1x625x16xf32, #tpu.memory_space<vmem_shared>> -> memref<625x16xf32, #tpu.memory_space<vmem_shared>>
      %dma_wait3A_424 = arith.constant 0 : i32
      %dma_wait3A_425 = arith.constant 0 : i32
      %dma_wait3A_426 = tpu.memref_slice %dma_wait3A_423[%dma_wait3A_424, %dma_wait3A_425] : memref<625x16xf32, #tpu.memory_space<vmem_shared>> -> memref<625x16xf32, #tpu.memory_space<vmem_shared>>
      tpu.wait_indirect_dma semaphore(%run_scoped3A_414 : memref<!tpu.dma_semaphore, #tpu.memory_space<semaphore_mem>>) src(%arg15 : memref<625x16xf32, #tpu.memory_space<vmem>>) dst(%dma_wait3A_426 : memref<625x16xf32, #tpu.memory_space<vmem_shared>>)
      tpu.yield
    }) : () -> ()
    %run_scoped3A_255 = arith.constant 1 : i32
    "tpu.region"() ({
      %run_scoped3A_414 = tpu.sem_alloc : memref<!tpu.dma_semaphore, #tpu.memory_space<semaphore_mem>>
      %dma_start3A = arith.constant 0 : i32
      %dma_start3A_415 = arith.constant 0 : i32
      %dma_start3A_416 = tpu.memref_slice %arg21[%run_scoped3A_255, %dma_start3A, %dma_start3A_415] : memref<8x625x16xf32, #tpu.memory_space<vmem_shared>> -> memref<1x625x16xf32, #tpu.memory_space<vmem_shared>>
      %dma_start3A_417 = tpu.memref_squeeze %dma_start3A_416 : memref<1x625x16xf32, #tpu.memory_space<vmem_shared>> -> memref<625x16xf32, #tpu.memory_space<vmem_shared>>
      %dma_start3A_418 = arith.constant 0 : i32
      %dma_start3A_419 = arith.constant 0 : i32
      %dma_start3A_420 = tpu.memref_slice %dma_start3A_417[%dma_start3A_418, %dma_start3A_419] : memref<625x16xf32, #tpu.memory_space<vmem_shared>> -> memref<625x16xf32, #tpu.memory_space<vmem_shared>>
      tpu.enqueue_indirect_dma source(%arg16 : memref<625x16xf32, #tpu.memory_space<vmem>>) target(%dma_start3A_420 : memref<625x16xf32, #tpu.memory_space<vmem_shared>>) offsets(%arg11 : memref<625xi32, #tpu.memory_space<vmem>>) semaphore(%run_scoped3A_414 : memref<!tpu.dma_semaphore, #tpu.memory_space<semaphore_mem>>) {add = true}
      %dma_wait3A = arith.constant 0 : i32
      %dma_wait3A_421 = arith.constant 0 : i32
      %dma_wait3A_422 = tpu.memref_slice %arg21[%run_scoped3A_255, %dma_wait3A, %dma_wait3A_421] : memref<8x625x16xf32, #tpu.memory_space<vmem_shared>> -> memref<1x625x16xf32, #tpu.memory_space<vmem_shared>>
      %dma_wait3A_423 = tpu.memref_squeeze %dma_wait3A_422 : memref<1x625x16xf32, #tpu.memory_space<vmem_shared>> -> memref<625x16xf32, #tpu.memory_space<vmem_shared>>
      %dma_wait3A_424 = arith.constant 0 : i32
      %dma_wait3A_425 = arith.constant 0 : i32
      %dma_wait3A_426 = tpu.memref_slice %dma_wait3A_423[%dma_wait3A_424, %dma_wait3A_425] : memref<625x16xf32, #tpu.memory_space<vmem_shared>> -> memref<625x16xf32, #tpu.memory_space<vmem_shared>>
      tpu.wait_indirect_dma semaphore(%run_scoped3A_414 : memref<!tpu.dma_semaphore, #tpu.memory_space<semaphore_mem>>) src(%arg16 : memref<625x16xf32, #tpu.memory_space<vmem>>) dst(%dma_wait3A_426 : memref<625x16xf32, #tpu.memory_space<vmem_shared>>)
      tpu.yield
    }) : () -> ()
    %run_scoped3A_256 = arith.constant 2 : i32
    "tpu.region"() ({
      %run_scoped3A_414 = tpu.sem_alloc : memref<!tpu.dma_semaphore, #tpu.memory_space<semaphore_mem>>
      %dma_start3A = arith.constant 0 : i32
      %dma_start3A_415 = arith.constant 0 : i32
      %dma_start3A_416 = tpu.memref_slice %arg21[%run_scoped3A_256, %dma_start3A, %dma_start3A_415] : memref<8x625x16xf32, #tpu.memory_space<vmem_shared>> -> memref<1x625x16xf32, #tpu.memory_space<vmem_shared>>
      %dma_start3A_417 = tpu.memref_squeeze %dma_start3A_416 : memref<1x625x16xf32, #tpu.memory_space<vmem_shared>> -> memref<625x16xf32, #tpu.memory_space<vmem_shared>>
      %dma_start3A_418 = arith.constant 0 : i32
      %dma_start3A_419 = arith.constant 0 : i32
      %dma_start3A_420 = tpu.memref_slice %dma_start3A_417[%dma_start3A_418, %dma_start3A_419] : memref<625x16xf32, #tpu.memory_space<vmem_shared>> -> memref<625x16xf32, #tpu.memory_space<vmem_shared>>
      tpu.enqueue_indirect_dma source(%arg17 : memref<625x16xf32, #tpu.memory_space<vmem>>) target(%dma_start3A_420 : memref<625x16xf32, #tpu.memory_space<vmem_shared>>) offsets(%arg11 : memref<625xi32, #tpu.memory_space<vmem>>) semaphore(%run_scoped3A_414 : memref<!tpu.dma_semaphore, #tpu.memory_space<semaphore_mem>>) {add = true}
      %dma_wait3A = arith.constant 0 : i32
      %dma_wait3A_421 = arith.constant 0 : i32
      %dma_wait3A_422 = tpu.memref_slice %arg21[%run_scoped3A_256, %dma_wait3A, %dma_wait3A_421] : memref<8x625x16xf32, #tpu.memory_space<vmem_shared>> -> memref<1x625x16xf32, #tpu.memory_space<vmem_shared>>
      %dma_wait3A_423 = tpu.memref_squeeze %dma_wait3A_422 : memref<1x625x16xf32, #tpu.memory_space<vmem_shared>> -> memref<625x16xf32, #tpu.memory_space<vmem_shared>>
      %dma_wait3A_424 = arith.constant 0 : i32
      %dma_wait3A_425 = arith.constant 0 : i32
      %dma_wait3A_426 = tpu.memref_slice %dma_wait3A_423[%dma_wait3A_424, %dma_wait3A_425] : memref<625x16xf32, #tpu.memory_space<vmem_shared>> -> memref<625x16xf32, #tpu.memory_space<vmem_shared>>
      tpu.wait_indirect_dma semaphore(%run_scoped3A_414 : memref<!tpu.dma_semaphore, #tpu.memory_space<semaphore_mem>>) src(%arg17 : memref<625x16xf32, #tpu.memory_space<vmem>>) dst(%dma_wait3A_426 : memref<625x16xf32, #tpu.memory_space<vmem_shared>>)
      tpu.yield
    }) : () -> ()
    %run_scoped3A_257 = arith.constant 3 : i32
    "tpu.region"() ({
      %run_scoped3A_414 = tpu.sem_alloc : memref<!tpu.dma_semaphore, #tpu.memory_space<semaphore_mem>>
      %dma_start3A = arith.constant 0 : i32
      %dma_start3A_415 = arith.constant 0 : i32
      %dma_start3A_416 = tpu.memref_slice %arg21[%run_scoped3A_257, %dma_start3A, %dma_start3A_415] : memref<8x625x16xf32, #tpu.memory_space<vmem_shared>> -> memref<1x625x16xf32, #tpu.memory_space<vmem_shared>>
      %dma_start3A_417 = tpu.memref_squeeze %dma_start3A_416 : memref<1x625x16xf32, #tpu.memory_space<vmem_shared>> -> memref<625x16xf32, #tpu.memory_space<vmem_shared>>
      %dma_start3A_418 = arith.constant 0 : i32
      %dma_start3A_419 = arith.constant 0 : i32
      %dma_start3A_420 = tpu.memref_slice %dma_start3A_417[%dma_start3A_418, %dma_start3A_419] : memref<625x16xf32, #tpu.memory_space<vmem_shared>> -> memref<625x16xf32, #tpu.memory_space<vmem_shared>>
      tpu.enqueue_indirect_dma source(%arg18 : memref<625x16xf32, #tpu.memory_space<vmem>>) target(%dma_start3A_420 : memref<625x16xf32, #tpu.memory_space<vmem_shared>>) offsets(%arg11 : memref<625xi32, #tpu.memory_space<vmem>>) semaphore(%run_scoped3A_414 : memref<!tpu.dma_semaphore, #tpu.memory_space<semaphore_mem>>) {add = true}
      %dma_wait3A = arith.constant 0 : i32
      %dma_wait3A_421 = arith.constant 0 : i32
      %dma_wait3A_422 = tpu.memref_slice %arg21[%run_scoped3A_257, %dma_wait3A, %dma_wait3A_421] : memref<8x625x16xf32, #tpu.memory_space<vmem_shared>> -> memref<1x625x16xf32, #tpu.memory_space<vmem_shared>>
      %dma_wait3A_423 = tpu.memref_squeeze %dma_wait3A_422 : memref<1x625x16xf32, #tpu.memory_space<vmem_shared>> -> memref<625x16xf32, #tpu.memory_space<vmem_shared>>
      %dma_wait3A_424 = arith.constant 0 : i32
      %dma_wait3A_425 = arith.constant 0 : i32
      %dma_wait3A_426 = tpu.memref_slice %dma_wait3A_423[%dma_wait3A_424, %dma_wait3A_425] : memref<625x16xf32, #tpu.memory_space<vmem_shared>> -> memref<625x16xf32, #tpu.memory_space<vmem_shared>>
      tpu.wait_indirect_dma semaphore(%run_scoped3A_414 : memref<!tpu.dma_semaphore, #tpu.memory_space<semaphore_mem>>) src(%arg18 : memref<625x16xf32, #tpu.memory_space<vmem>>) dst(%dma_wait3A_426 : memref<625x16xf32, #tpu.memory_space<vmem_shared>>)
      tpu.yield
    }) : () -> ()
    %run_scoped3A_258 = arith.constant 4 : i32
    "tpu.region"() ({
      %run_scoped3A_414 = tpu.sem_alloc : memref<!tpu.dma_semaphore, #tpu.memory_space<semaphore_mem>>
      %dma_start3A = arith.constant 0 : i32
      %dma_start3A_415 = arith.constant 0 : i32
      %dma_start3A_416 = tpu.memref_slice %arg21[%run_scoped3A_258, %dma_start3A, %dma_start3A_415] : memref<8x625x16xf32, #tpu.memory_space<vmem_shared>> -> memref<1x625x16xf32, #tpu.memory_space<vmem_shared>>
      %dma_start3A_417 = tpu.memref_squeeze %dma_start3A_416 : memref<1x625x16xf32, #tpu.memory_space<vmem_shared>> -> memref<625x16xf32, #tpu.memory_space<vmem_shared>>
      %dma_start3A_418 = arith.constant 0 : i32
      %dma_start3A_419 = arith.constant 0 : i32
      %dma_start3A_420 = tpu.memref_slice %dma_start3A_417[%dma_start3A_418, %dma_start3A_419] : memref<625x16xf32, #tpu.memory_space<vmem_shared>> -> memref<625x16xf32, #tpu.memory_space<vmem_shared>>
      tpu.enqueue_indirect_dma source(%arg19 : memref<625x16xf32, #tpu.memory_space<vmem>>) target(%dma_start3A_420 : memref<625x16xf32, #tpu.memory_space<vmem_shared>>) offsets(%arg11 : memref<625xi32, #tpu.memory_space<vmem>>) semaphore(%run_scoped3A_414 : memref<!tpu.dma_semaphore, #tpu.memory_space<semaphore_mem>>) {add = true}
      %dma_wait3A = arith.constant 0 : i32
      %dma_wait3A_421 = arith.constant 0 : i32
      %dma_wait3A_422 = tpu.memref_slice %arg21[%run_scoped3A_258, %dma_wait3A, %dma_wait3A_421] : memref<8x625x16xf32, #tpu.memory_space<vmem_shared>> -> memref<1x625x16xf32, #tpu.memory_space<vmem_shared>>
      %dma_wait3A_423 = tpu.memref_squeeze %dma_wait3A_422 : memref<1x625x16xf32, #tpu.memory_space<vmem_shared>> -> memref<625x16xf32, #tpu.memory_space<vmem_shared>>
      %dma_wait3A_424 = arith.constant 0 : i32
      %dma_wait3A_425 = arith.constant 0 : i32
      %dma_wait3A_426 = tpu.memref_slice %dma_wait3A_423[%dma_wait3A_424, %dma_wait3A_425] : memref<625x16xf32, #tpu.memory_space<vmem_shared>> -> memref<625x16xf32, #tpu.memory_space<vmem_shared>>
      tpu.wait_indirect_dma semaphore(%run_scoped3A_414 : memref<!tpu.dma_semaphore, #tpu.memory_space<semaphore_mem>>) src(%arg19 : memref<625x16xf32, #tpu.memory_space<vmem>>) dst(%dma_wait3A_426 : memref<625x16xf32, #tpu.memory_space<vmem_shared>>)
      tpu.yield
    }) : () -> ()
    %run_scoped3A_259 = arith.constant 5 : i32
    "tpu.region"() ({
      %run_scoped3A_414 = tpu.sem_alloc : memref<!tpu.dma_semaphore, #tpu.memory_space<semaphore_mem>>
      %dma_start3A = arith.constant 0 : i32
      %dma_start3A_415 = arith.constant 0 : i32
      %dma_start3A_416 = tpu.memref_slice %arg21[%run_scoped3A_259, %dma_start3A, %dma_start3A_415] : memref<8x625x16xf32, #tpu.memory_space<vmem_shared>> -> memref<1x625x16xf32, #tpu.memory_space<vmem_shared>>
      %dma_start3A_417 = tpu.memref_squeeze %dma_start3A_416 : memref<1x625x16xf32, #tpu.memory_space<vmem_shared>> -> memref<625x16xf32, #tpu.memory_space<vmem_shared>>
      %dma_start3A_418 = arith.constant 0 : i32
      %dma_start3A_419 = arith.constant 0 : i32
      %dma_start3A_420 = tpu.memref_slice %dma_start3A_417[%dma_start3A_418, %dma_start3A_419] : memref<625x16xf32, #tpu.memory_space<vmem_shared>> -> memref<625x16xf32, #tpu.memory_space<vmem_shared>>
      tpu.enqueue_indirect_dma source(%arg20 : memref<625x16xf32, #tpu.memory_space<vmem>>) target(%dma_start3A_420 : memref<625x16xf32, #tpu.memory_space<vmem_shared>>) offsets(%arg11 : memref<625xi32, #tpu.memory_space<vmem>>) semaphore(%run_scoped3A_414 : memref<!tpu.dma_semaphore, #tpu.memory_space<semaphore_mem>>) {add = true}
      %dma_wait3A = arith.constant 0 : i32
      %dma_wait3A_421 = arith.constant 0 : i32
      %dma_wait3A_422 = tpu.memref_slice %arg21[%run_scoped3A_259, %dma_wait3A, %dma_wait3A_421] : memref<8x625x16xf32, #tpu.memory_space<vmem_shared>> -> memref<1x625x16xf32, #tpu.memory_space<vmem_shared>>
      %dma_wait3A_423 = tpu.memref_squeeze %dma_wait3A_422 : memref<1x625x16xf32, #tpu.memory_space<vmem_shared>> -> memref<625x16xf32, #tpu.memory_space<vmem_shared>>
      %dma_wait3A_424 = arith.constant 0 : i32
      %dma_wait3A_425 = arith.constant 0 : i32
      %dma_wait3A_426 = tpu.memref_slice %dma_wait3A_423[%dma_wait3A_424, %dma_wait3A_425] : memref<625x16xf32, #tpu.memory_space<vmem_shared>> -> memref<625x16xf32, #tpu.memory_space<vmem_shared>>
      tpu.wait_indirect_dma semaphore(%run_scoped3A_414 : memref<!tpu.dma_semaphore, #tpu.memory_space<semaphore_mem>>) src(%arg20 : memref<625x16xf32, #tpu.memory_space<vmem>>) dst(%dma_wait3A_426 : memref<625x16xf32, #tpu.memory_space<vmem_shared>>)
      tpu.yield
    }) : () -> ()
    %barrier3A_260 = arith.constant 0 : index
    tpu.barrier barrier_id(%barrier3A_260)
    %eq3A_261 = arith.constant 0 : i32
    %eq3A_262 = arith.cmpi eq, %arg1, %eq3A_261 : i32
    %eq3A_263 = arith.constant 0 : i32
    %eq3A_264 = arith.cmpi eq, %arg0, %eq3A_263 : i32
    %and3A = arith.andi %eq3A_262, %eq3A_264 : i1
    %convert_element_type3A_265 = arith.extui %and3A : i1 to i32
    %cond3A_266 = arith.constant 0 : i32
    %cond3A_267 = arith.cmpi ne, %convert_element_type3A_265, %cond3A_266 : i32
    scf.if %cond3A_267 {
      %run_scoped3A_414 = arith.constant 0 : i32
      "tpu.region"() ({
        %run_scoped3A_415 = tpu.sem_alloc : memref<!tpu.dma_semaphore, #tpu.memory_space<semaphore_mem>>
        %dma_start3A = arith.constant 0 : i32
        %dma_start3A_416 = arith.constant 0 : i32
        %dma_start3A_417 = tpu.memref_slice %arg7[%dma_start3A, %dma_start3A_416] : memref<5000x16xf32, #tpu.memory_space<hbm>> -> memref<625x16xf32, #tpu.memory_space<hbm>>
        %dma_start3A_418 = arith.constant 0 : i32
        %dma_start3A_419 = arith.constant 0 : i32
        %dma_start3A_420 = tpu.memref_slice %arg21[%run_scoped3A_414, %dma_start3A_418, %dma_start3A_419] : memref<8x625x16xf32, #tpu.memory_space<vmem_shared>> -> memref<1x625x16xf32, #tpu.memory_space<vmem_shared>>
        %dma_start3A_421 = tpu.memref_squeeze %dma_start3A_420 : memref<1x625x16xf32, #tpu.memory_space<vmem_shared>> -> memref<625x16xf32, #tpu.memory_space<vmem_shared>>
        tpu.enqueue_dma source(%dma_start3A_421 : memref<625x16xf32, #tpu.memory_space<vmem_shared>>) target(%dma_start3A_417 : memref<625x16xf32, #tpu.memory_space<hbm>>) target_semaphore(%run_scoped3A_415 : memref<!tpu.dma_semaphore, #tpu.memory_space<semaphore_mem>>)
        %dma_wait3A = arith.constant 0 : i32
        %dma_wait3A_422 = arith.constant 0 : i32
        %dma_wait3A_423 = tpu.memref_slice %arg7[%dma_wait3A, %dma_wait3A_422] : memref<5000x16xf32, #tpu.memory_space<hbm>> -> memref<625x16xf32, #tpu.memory_space<hbm>>
        %dma_wait3A_424 = arith.constant 0 : i32
        %dma_wait3A_425 = arith.constant 0 : i32
        %dma_wait3A_426 = tpu.memref_slice %arg21[%run_scoped3A_414, %dma_wait3A_424, %dma_wait3A_425] : memref<8x625x16xf32, #tpu.memory_space<vmem_shared>> -> memref<1x625x16xf32, #tpu.memory_space<vmem_shared>>
        %dma_wait3A_427 = tpu.memref_squeeze %dma_wait3A_426 : memref<1x625x16xf32, #tpu.memory_space<vmem_shared>> -> memref<625x16xf32, #tpu.memory_space<vmem_shared>>
        tpu.wait_dma2 semaphore(%run_scoped3A_415 : memref<!tpu.dma_semaphore, #tpu.memory_space<semaphore_mem>>) src(%dma_wait3A_427 : memref<625x16xf32, #tpu.memory_space<vmem_shared>>) dst(%dma_wait3A_423 : memref<625x16xf32, #tpu.memory_space<hbm>>)
        tpu.yield
      }) : () -> ()
    } else {
    }
    %eq3A_268 = arith.constant 0 : i32
    %eq3A_269 = arith.cmpi eq, %arg1, %eq3A_268 : i32
    %eq3A_270 = arith.constant 1 : i32
    %eq3A_271 = arith.cmpi eq, %arg0, %eq3A_270 : i32
    %and3A_272 = arith.andi %eq3A_269, %eq3A_271 : i1
    %convert_element_type3A_273 = arith.extui %and3A_272 : i1 to i32
    %cond3A_274 = arith.constant 0 : i32
    %cond3A_275 = arith.cmpi ne, %convert_element_type3A_273, %cond3A_274 : i32
    scf.if %cond3A_275 {
      %run_scoped3A_414 = arith.constant 0 : i32
      "tpu.region"() ({
        %run_scoped3A_415 = tpu.sem_alloc : memref<!tpu.dma_semaphore, #tpu.memory_space<semaphore_mem>>
        %dma_start3A = arith.constant 0 : i32
        %dma_start3A_416 = arith.constant 0 : i32
        %dma_start3A_417 = tpu.memref_slice %arg8[%dma_start3A, %dma_start3A_416] : memref<5000x16xf32, #tpu.memory_space<hbm>> -> memref<625x16xf32, #tpu.memory_space<hbm>>
        %dma_start3A_418 = arith.constant 0 : i32
        %dma_start3A_419 = arith.constant 0 : i32
        %dma_start3A_420 = tpu.memref_slice %arg21[%run_scoped3A_414, %dma_start3A_418, %dma_start3A_419] : memref<8x625x16xf32, #tpu.memory_space<vmem_shared>> -> memref<1x625x16xf32, #tpu.memory_space<vmem_shared>>
        %dma_start3A_421 = tpu.memref_squeeze %dma_start3A_420 : memref<1x625x16xf32, #tpu.memory_space<vmem_shared>> -> memref<625x16xf32, #tpu.memory_space<vmem_shared>>
        tpu.enqueue_dma source(%dma_start3A_421 : memref<625x16xf32, #tpu.memory_space<vmem_shared>>) target(%dma_start3A_417 : memref<625x16xf32, #tpu.memory_space<hbm>>) target_semaphore(%run_scoped3A_415 : memref<!tpu.dma_semaphore, #tpu.memory_space<semaphore_mem>>)
        %dma_wait3A = arith.constant 0 : i32
        %dma_wait3A_422 = arith.constant 0 : i32
        %dma_wait3A_423 = tpu.memref_slice %arg8[%dma_wait3A, %dma_wait3A_422] : memref<5000x16xf32, #tpu.memory_space<hbm>> -> memref<625x16xf32, #tpu.memory_space<hbm>>
        %dma_wait3A_424 = arith.constant 0 : i32
        %dma_wait3A_425 = arith.constant 0 : i32
        %dma_wait3A_426 = tpu.memref_slice %arg21[%run_scoped3A_414, %dma_wait3A_424, %dma_wait3A_425] : memref<8x625x16xf32, #tpu.memory_space<vmem_shared>> -> memref<1x625x16xf32, #tpu.memory_space<vmem_shared>>
        %dma_wait3A_427 = tpu.memref_squeeze %dma_wait3A_426 : memref<1x625x16xf32, #tpu.memory_space<vmem_shared>> -> memref<625x16xf32, #tpu.memory_space<vmem_shared>>
        tpu.wait_dma2 semaphore(%run_scoped3A_415 : memref<!tpu.dma_semaphore, #tpu.memory_space<semaphore_mem>>) src(%dma_wait3A_427 : memref<625x16xf32, #tpu.memory_space<vmem_shared>>) dst(%dma_wait3A_423 : memref<625x16xf32, #tpu.memory_space<hbm>>)
        tpu.yield
      }) : () -> ()
    } else {
    }
    %eq3A_276 = arith.constant 1 : i32
    %eq3A_277 = arith.cmpi eq, %arg1, %eq3A_276 : i32
    %eq3A_278 = arith.constant 0 : i32
    %eq3A_279 = arith.cmpi eq, %arg0, %eq3A_278 : i32
    %and3A_280 = arith.andi %eq3A_277, %eq3A_279 : i1
    %convert_element_type3A_281 = arith.extui %and3A_280 : i1 to i32
    %cond3A_282 = arith.constant 0 : i32
    %cond3A_283 = arith.cmpi ne, %convert_element_type3A_281, %cond3A_282 : i32
    scf.if %cond3A_283 {
      %run_scoped3A_414 = arith.constant 1 : i32
      "tpu.region"() ({
        %run_scoped3A_415 = tpu.sem_alloc : memref<!tpu.dma_semaphore, #tpu.memory_space<semaphore_mem>>
        %dma_start3A = arith.constant 625 : i32
        %dma_start3A_416 = arith.constant 0 : i32
        %dma_start3A_417 = tpu.memref_slice %arg7[%dma_start3A, %dma_start3A_416] : memref<5000x16xf32, #tpu.memory_space<hbm>> -> memref<625x16xf32, #tpu.memory_space<hbm>>
        %dma_start3A_418 = arith.constant 0 : i32
        %dma_start3A_419 = arith.constant 0 : i32
        %dma_start3A_420 = tpu.memref_slice %arg21[%run_scoped3A_414, %dma_start3A_418, %dma_start3A_419] : memref<8x625x16xf32, #tpu.memory_space<vmem_shared>> -> memref<1x625x16xf32, #tpu.memory_space<vmem_shared>>
        %dma_start3A_421 = tpu.memref_squeeze %dma_start3A_420 : memref<1x625x16xf32, #tpu.memory_space<vmem_shared>> -> memref<625x16xf32, #tpu.memory_space<vmem_shared>>
        tpu.enqueue_dma source(%dma_start3A_421 : memref<625x16xf32, #tpu.memory_space<vmem_shared>>) target(%dma_start3A_417 : memref<625x16xf32, #tpu.memory_space<hbm>>) target_semaphore(%run_scoped3A_415 : memref<!tpu.dma_semaphore, #tpu.memory_space<semaphore_mem>>)
        %dma_wait3A = arith.constant 625 : i32
        %dma_wait3A_422 = arith.constant 0 : i32
        %dma_wait3A_423 = tpu.memref_slice %arg7[%dma_wait3A, %dma_wait3A_422] : memref<5000x16xf32, #tpu.memory_space<hbm>> -> memref<625x16xf32, #tpu.memory_space<hbm>>
        %dma_wait3A_424 = arith.constant 0 : i32
        %dma_wait3A_425 = arith.constant 0 : i32
        %dma_wait3A_426 = tpu.memref_slice %arg21[%run_scoped3A_414, %dma_wait3A_424, %dma_wait3A_425] : memref<8x625x16xf32, #tpu.memory_space<vmem_shared>> -> memref<1x625x16xf32, #tpu.memory_space<vmem_shared>>
        %dma_wait3A_427 = tpu.memref_squeeze %dma_wait3A_426 : memref<1x625x16xf32, #tpu.memory_space<vmem_shared>> -> memref<625x16xf32, #tpu.memory_space<vmem_shared>>
        tpu.wait_dma2 semaphore(%run_scoped3A_415 : memref<!tpu.dma_semaphore, #tpu.memory_space<semaphore_mem>>) src(%dma_wait3A_427 : memref<625x16xf32, #tpu.memory_space<vmem_shared>>) dst(%dma_wait3A_423 : memref<625x16xf32, #tpu.memory_space<hbm>>)
        tpu.yield
      }) : () -> ()
    } else {
    }
    %eq3A_284 = arith.constant 1 : i32
    %eq3A_285 = arith.cmpi eq, %arg1, %eq3A_284 : i32
    %eq3A_286 = arith.constant 1 : i32
    %eq3A_287 = arith.cmpi eq, %arg0, %eq3A_286 : i32
    %and3A_288 = arith.andi %eq3A_285, %eq3A_287 : i1
    %convert_element_type3A_289 = arith.extui %and3A_288 : i1 to i32
    %cond3A_290 = arith.constant 0 : i32
    %cond3A_291 = arith.cmpi ne, %convert_element_type3A_289, %cond3A_290 : i32
    scf.if %cond3A_291 {
      %run_scoped3A_414 = arith.constant 1 : i32
      "tpu.region"() ({
        %run_scoped3A_415 = tpu.sem_alloc : memref<!tpu.dma_semaphore, #tpu.memory_space<semaphore_mem>>
        %dma_start3A = arith.constant 625 : i32
        %dma_start3A_416 = arith.constant 0 : i32
        %dma_start3A_417 = tpu.memref_slice %arg8[%dma_start3A, %dma_start3A_416] : memref<5000x16xf32, #tpu.memory_space<hbm>> -> memref<625x16xf32, #tpu.memory_space<hbm>>
        %dma_start3A_418 = arith.constant 0 : i32
        %dma_start3A_419 = arith.constant 0 : i32
        %dma_start3A_420 = tpu.memref_slice %arg21[%run_scoped3A_414, %dma_start3A_418, %dma_start3A_419] : memref<8x625x16xf32, #tpu.memory_space<vmem_shared>> -> memref<1x625x16xf32, #tpu.memory_space<vmem_shared>>
        %dma_start3A_421 = tpu.memref_squeeze %dma_start3A_420 : memref<1x625x16xf32, #tpu.memory_space<vmem_shared>> -> memref<625x16xf32, #tpu.memory_space<vmem_shared>>
        tpu.enqueue_dma source(%dma_start3A_421 : memref<625x16xf32, #tpu.memory_space<vmem_shared>>) target(%dma_start3A_417 : memref<625x16xf32, #tpu.memory_space<hbm>>) target_semaphore(%run_scoped3A_415 : memref<!tpu.dma_semaphore, #tpu.memory_space<semaphore_mem>>)
        %dma_wait3A = arith.constant 625 : i32
        %dma_wait3A_422 = arith.constant 0 : i32
        %dma_wait3A_423 = tpu.memref_slice %arg8[%dma_wait3A, %dma_wait3A_422] : memref<5000x16xf32, #tpu.memory_space<hbm>> -> memref<625x16xf32, #tpu.memory_space<hbm>>
        %dma_wait3A_424 = arith.constant 0 : i32
        %dma_wait3A_425 = arith.constant 0 : i32
        %dma_wait3A_426 = tpu.memref_slice %arg21[%run_scoped3A_414, %dma_wait3A_424, %dma_wait3A_425] : memref<8x625x16xf32, #tpu.memory_space<vmem_shared>> -> memref<1x625x16xf32, #tpu.memory_space<vmem_shared>>
        %dma_wait3A_427 = tpu.memref_squeeze %dma_wait3A_426 : memref<1x625x16xf32, #tpu.memory_space<vmem_shared>> -> memref<625x16xf32, #tpu.memory_space<vmem_shared>>
        tpu.wait_dma2 semaphore(%run_scoped3A_415 : memref<!tpu.dma_semaphore, #tpu.memory_space<semaphore_mem>>) src(%dma_wait3A_427 : memref<625x16xf32, #tpu.memory_space<vmem_shared>>) dst(%dma_wait3A_423 : memref<625x16xf32, #tpu.memory_space<hbm>>)
        tpu.yield
      }) : () -> ()
    } else {
    }
    %eq3A_292 = arith.constant 2 : i32
    %eq3A_293 = arith.cmpi eq, %arg1, %eq3A_292 : i32
    %eq3A_294 = arith.constant 0 : i32
    %eq3A_295 = arith.cmpi eq, %arg0, %eq3A_294 : i32
    %and3A_296 = arith.andi %eq3A_293, %eq3A_295 : i1
    %convert_element_type3A_297 = arith.extui %and3A_296 : i1 to i32
    %cond3A_298 = arith.constant 0 : i32
    %cond3A_299 = arith.cmpi ne, %convert_element_type3A_297, %cond3A_298 : i32
    scf.if %cond3A_299 {
      %run_scoped3A_414 = arith.constant 2 : i32
      "tpu.region"() ({
        %run_scoped3A_415 = tpu.sem_alloc : memref<!tpu.dma_semaphore, #tpu.memory_space<semaphore_mem>>
        %dma_start3A = arith.constant 1250 : i32
        %dma_start3A_416 = arith.constant 0 : i32
        %dma_start3A_417 = tpu.memref_slice %arg7[%dma_start3A, %dma_start3A_416] : memref<5000x16xf32, #tpu.memory_space<hbm>> -> memref<625x16xf32, #tpu.memory_space<hbm>>
        %dma_start3A_418 = arith.constant 0 : i32
        %dma_start3A_419 = arith.constant 0 : i32
        %dma_start3A_420 = tpu.memref_slice %arg21[%run_scoped3A_414, %dma_start3A_418, %dma_start3A_419] : memref<8x625x16xf32, #tpu.memory_space<vmem_shared>> -> memref<1x625x16xf32, #tpu.memory_space<vmem_shared>>
        %dma_start3A_421 = tpu.memref_squeeze %dma_start3A_420 : memref<1x625x16xf32, #tpu.memory_space<vmem_shared>> -> memref<625x16xf32, #tpu.memory_space<vmem_shared>>
        tpu.enqueue_dma source(%dma_start3A_421 : memref<625x16xf32, #tpu.memory_space<vmem_shared>>) target(%dma_start3A_417 : memref<625x16xf32, #tpu.memory_space<hbm>>) target_semaphore(%run_scoped3A_415 : memref<!tpu.dma_semaphore, #tpu.memory_space<semaphore_mem>>)
        %dma_wait3A = arith.constant 1250 : i32
        %dma_wait3A_422 = arith.constant 0 : i32
        %dma_wait3A_423 = tpu.memref_slice %arg7[%dma_wait3A, %dma_wait3A_422] : memref<5000x16xf32, #tpu.memory_space<hbm>> -> memref<625x16xf32, #tpu.memory_space<hbm>>
        %dma_wait3A_424 = arith.constant 0 : i32
        %dma_wait3A_425 = arith.constant 0 : i32
        %dma_wait3A_426 = tpu.memref_slice %arg21[%run_scoped3A_414, %dma_wait3A_424, %dma_wait3A_425] : memref<8x625x16xf32, #tpu.memory_space<vmem_shared>> -> memref<1x625x16xf32, #tpu.memory_space<vmem_shared>>
        %dma_wait3A_427 = tpu.memref_squeeze %dma_wait3A_426 : memref<1x625x16xf32, #tpu.memory_space<vmem_shared>> -> memref<625x16xf32, #tpu.memory_space<vmem_shared>>
        tpu.wait_dma2 semaphore(%run_scoped3A_415 : memref<!tpu.dma_semaphore, #tpu.memory_space<semaphore_mem>>) src(%dma_wait3A_427 : memref<625x16xf32, #tpu.memory_space<vmem_shared>>) dst(%dma_wait3A_423 : memref<625x16xf32, #tpu.memory_space<hbm>>)
        tpu.yield
      }) : () -> ()
    } else {
    }
    %eq3A_300 = arith.constant 2 : i32
    %eq3A_301 = arith.cmpi eq, %arg1, %eq3A_300 : i32
    %eq3A_302 = arith.constant 1 : i32
    %eq3A_303 = arith.cmpi eq, %arg0, %eq3A_302 : i32
    %and3A_304 = arith.andi %eq3A_301, %eq3A_303 : i1
    %convert_element_type3A_305 = arith.extui %and3A_304 : i1 to i32
    %cond3A_306 = arith.constant 0 : i32
    %cond3A_307 = arith.cmpi ne, %convert_element_type3A_305, %cond3A_306 : i32
    scf.if %cond3A_307 {
      %run_scoped3A_414 = arith.constant 2 : i32
      "tpu.region"() ({
        %run_scoped3A_415 = tpu.sem_alloc : memref<!tpu.dma_semaphore, #tpu.memory_space<semaphore_mem>>
        %dma_start3A = arith.constant 1250 : i32
        %dma_start3A_416 = arith.constant 0 : i32
        %dma_start3A_417 = tpu.memref_slice %arg8[%dma_start3A, %dma_start3A_416] : memref<5000x16xf32, #tpu.memory_space<hbm>> -> memref<625x16xf32, #tpu.memory_space<hbm>>
        %dma_start3A_418 = arith.constant 0 : i32
        %dma_start3A_419 = arith.constant 0 : i32
        %dma_start3A_420 = tpu.memref_slice %arg21[%run_scoped3A_414, %dma_start3A_418, %dma_start3A_419] : memref<8x625x16xf32, #tpu.memory_space<vmem_shared>> -> memref<1x625x16xf32, #tpu.memory_space<vmem_shared>>
        %dma_start3A_421 = tpu.memref_squeeze %dma_start3A_420 : memref<1x625x16xf32, #tpu.memory_space<vmem_shared>> -> memref<625x16xf32, #tpu.memory_space<vmem_shared>>
        tpu.enqueue_dma source(%dma_start3A_421 : memref<625x16xf32, #tpu.memory_space<vmem_shared>>) target(%dma_start3A_417 : memref<625x16xf32, #tpu.memory_space<hbm>>) target_semaphore(%run_scoped3A_415 : memref<!tpu.dma_semaphore, #tpu.memory_space<semaphore_mem>>)
        %dma_wait3A = arith.constant 1250 : i32
        %dma_wait3A_422 = arith.constant 0 : i32
        %dma_wait3A_423 = tpu.memref_slice %arg8[%dma_wait3A, %dma_wait3A_422] : memref<5000x16xf32, #tpu.memory_space<hbm>> -> memref<625x16xf32, #tpu.memory_space<hbm>>
        %dma_wait3A_424 = arith.constant 0 : i32
        %dma_wait3A_425 = arith.constant 0 : i32
        %dma_wait3A_426 = tpu.memref_slice %arg21[%run_scoped3A_414, %dma_wait3A_424, %dma_wait3A_425] : memref<8x625x16xf32, #tpu.memory_space<vmem_shared>> -> memref<1x625x16xf32, #tpu.memory_space<vmem_shared>>
        %dma_wait3A_427 = tpu.memref_squeeze %dma_wait3A_426 : memref<1x625x16xf32, #tpu.memory_space<vmem_shared>> -> memref<625x16xf32, #tpu.memory_space<vmem_shared>>
        tpu.wait_dma2 semaphore(%run_scoped3A_415 : memref<!tpu.dma_semaphore, #tpu.memory_space<semaphore_mem>>) src(%dma_wait3A_427 : memref<625x16xf32, #tpu.memory_space<vmem_shared>>) dst(%dma_wait3A_423 : memref<625x16xf32, #tpu.memory_space<hbm>>)
        tpu.yield
      }) : () -> ()
    } else {
    }
    %eq3A_308 = arith.constant 3 : i32
    %eq3A_309 = arith.cmpi eq, %arg1, %eq3A_308 : i32
    %eq3A_310 = arith.constant 0 : i32
    %eq3A_311 = arith.cmpi eq, %arg0, %eq3A_310 : i32
    %and3A_312 = arith.andi %eq3A_309, %eq3A_311 : i1
    %convert_element_type3A_313 = arith.extui %and3A_312 : i1 to i32
    %cond3A_314 = arith.constant 0 : i32
    %cond3A_315 = arith.cmpi ne, %convert_element_type3A_313, %cond3A_314 : i32
    scf.if %cond3A_315 {
      %run_scoped3A_414 = arith.constant 3 : i32
      "tpu.region"() ({
        %run_scoped3A_415 = tpu.sem_alloc : memref<!tpu.dma_semaphore, #tpu.memory_space<semaphore_mem>>
        %dma_start3A = arith.constant 1875 : i32
        %dma_start3A_416 = arith.constant 0 : i32
        %dma_start3A_417 = tpu.memref_slice %arg7[%dma_start3A, %dma_start3A_416] : memref<5000x16xf32, #tpu.memory_space<hbm>> -> memref<625x16xf32, #tpu.memory_space<hbm>>
        %dma_start3A_418 = arith.constant 0 : i32
        %dma_start3A_419 = arith.constant 0 : i32
        %dma_start3A_420 = tpu.memref_slice %arg21[%run_scoped3A_414, %dma_start3A_418, %dma_start3A_419] : memref<8x625x16xf32, #tpu.memory_space<vmem_shared>> -> memref<1x625x16xf32, #tpu.memory_space<vmem_shared>>
        %dma_start3A_421 = tpu.memref_squeeze %dma_start3A_420 : memref<1x625x16xf32, #tpu.memory_space<vmem_shared>> -> memref<625x16xf32, #tpu.memory_space<vmem_shared>>
        tpu.enqueue_dma source(%dma_start3A_421 : memref<625x16xf32, #tpu.memory_space<vmem_shared>>) target(%dma_start3A_417 : memref<625x16xf32, #tpu.memory_space<hbm>>) target_semaphore(%run_scoped3A_415 : memref<!tpu.dma_semaphore, #tpu.memory_space<semaphore_mem>>)
        %dma_wait3A = arith.constant 1875 : i32
        %dma_wait3A_422 = arith.constant 0 : i32
        %dma_wait3A_423 = tpu.memref_slice %arg7[%dma_wait3A, %dma_wait3A_422] : memref<5000x16xf32, #tpu.memory_space<hbm>> -> memref<625x16xf32, #tpu.memory_space<hbm>>
        %dma_wait3A_424 = arith.constant 0 : i32
        %dma_wait3A_425 = arith.constant 0 : i32
        %dma_wait3A_426 = tpu.memref_slice %arg21[%run_scoped3A_414, %dma_wait3A_424, %dma_wait3A_425] : memref<8x625x16xf32, #tpu.memory_space<vmem_shared>> -> memref<1x625x16xf32, #tpu.memory_space<vmem_shared>>
        %dma_wait3A_427 = tpu.memref_squeeze %dma_wait3A_426 : memref<1x625x16xf32, #tpu.memory_space<vmem_shared>> -> memref<625x16xf32, #tpu.memory_space<vmem_shared>>
        tpu.wait_dma2 semaphore(%run_scoped3A_415 : memref<!tpu.dma_semaphore, #tpu.memory_space<semaphore_mem>>) src(%dma_wait3A_427 : memref<625x16xf32, #tpu.memory_space<vmem_shared>>) dst(%dma_wait3A_423 : memref<625x16xf32, #tpu.memory_space<hbm>>)
        tpu.yield
      }) : () -> ()
    } else {
    }
    %eq3A_316 = arith.constant 3 : i32
    %eq3A_317 = arith.cmpi eq, %arg1, %eq3A_316 : i32
    %eq3A_318 = arith.constant 1 : i32
    %eq3A_319 = arith.cmpi eq, %arg0, %eq3A_318 : i32
    %and3A_320 = arith.andi %eq3A_317, %eq3A_319 : i1
    %convert_element_type3A_321 = arith.extui %and3A_320 : i1 to i32
    %cond3A_322 = arith.constant 0 : i32
    %cond3A_323 = arith.cmpi ne, %convert_element_type3A_321, %cond3A_322 : i32
    scf.if %cond3A_323 {
      %run_scoped3A_414 = arith.constant 3 : i32
      "tpu.region"() ({
        %run_scoped3A_415 = tpu.sem_alloc : memref<!tpu.dma_semaphore, #tpu.memory_space<semaphore_mem>>
        %dma_start3A = arith.constant 1875 : i32
        %dma_start3A_416 = arith.constant 0 : i32
        %dma_start3A_417 = tpu.memref_slice %arg8[%dma_start3A, %dma_start3A_416] : memref<5000x16xf32, #tpu.memory_space<hbm>> -> memref<625x16xf32, #tpu.memory_space<hbm>>
        %dma_start3A_418 = arith.constant 0 : i32
        %dma_start3A_419 = arith.constant 0 : i32
        %dma_start3A_420 = tpu.memref_slice %arg21[%run_scoped3A_414, %dma_start3A_418, %dma_start3A_419] : memref<8x625x16xf32, #tpu.memory_space<vmem_shared>> -> memref<1x625x16xf32, #tpu.memory_space<vmem_shared>>
        %dma_start3A_421 = tpu.memref_squeeze %dma_start3A_420 : memref<1x625x16xf32, #tpu.memory_space<vmem_shared>> -> memref<625x16xf32, #tpu.memory_space<vmem_shared>>
        tpu.enqueue_dma source(%dma_start3A_421 : memref<625x16xf32, #tpu.memory_space<vmem_shared>>) target(%dma_start3A_417 : memref<625x16xf32, #tpu.memory_space<hbm>>) target_semaphore(%run_scoped3A_415 : memref<!tpu.dma_semaphore, #tpu.memory_space<semaphore_mem>>)
        %dma_wait3A = arith.constant 1875 : i32
        %dma_wait3A_422 = arith.constant 0 : i32
        %dma_wait3A_423 = tpu.memref_slice %arg8[%dma_wait3A, %dma_wait3A_422] : memref<5000x16xf32, #tpu.memory_space<hbm>> -> memref<625x16xf32, #tpu.memory_space<hbm>>
        %dma_wait3A_424 = arith.constant 0 : i32
        %dma_wait3A_425 = arith.constant 0 : i32
        %dma_wait3A_426 = tpu.memref_slice %arg21[%run_scoped3A_414, %dma_wait3A_424, %dma_wait3A_425] : memref<8x625x16xf32, #tpu.memory_space<vmem_shared>> -> memref<1x625x16xf32, #tpu.memory_space<vmem_shared>>
        %dma_wait3A_427 = tpu.memref_squeeze %dma_wait3A_426 : memref<1x625x16xf32, #tpu.memory_space<vmem_shared>> -> memref<625x16xf32, #tpu.memory_space<vmem_shared>>
        tpu.wait_dma2 semaphore(%run_scoped3A_415 : memref<!tpu.dma_semaphore, #tpu.memory_space<semaphore_mem>>) src(%dma_wait3A_427 : memref<625x16xf32, #tpu.memory_space<vmem_shared>>) dst(%dma_wait3A_423 : memref<625x16xf32, #tpu.memory_space<hbm>>)
        tpu.yield
      }) : () -> ()
    } else {
    }
    %eq3A_324 = arith.constant 4 : i32
    %eq3A_325 = arith.cmpi eq, %arg1, %eq3A_324 : i32
    %eq3A_326 = arith.constant 0 : i32
    %eq3A_327 = arith.cmpi eq, %arg0, %eq3A_326 : i32
    %and3A_328 = arith.andi %eq3A_325, %eq3A_327 : i1
    %convert_element_type3A_329 = arith.extui %and3A_328 : i1 to i32
    %cond3A_330 = arith.constant 0 : i32
    %cond3A_331 = arith.cmpi ne, %convert_element_type3A_329, %cond3A_330 : i32
    scf.if %cond3A_331 {
      %run_scoped3A_414 = arith.constant 4 : i32
      "tpu.region"() ({
        %run_scoped3A_415 = tpu.sem_alloc : memref<!tpu.dma_semaphore, #tpu.memory_space<semaphore_mem>>
        %dma_start3A = arith.constant 2500 : i32
        %dma_start3A_416 = arith.constant 0 : i32
        %dma_start3A_417 = tpu.memref_slice %arg7[%dma_start3A, %dma_start3A_416] : memref<5000x16xf32, #tpu.memory_space<hbm>> -> memref<625x16xf32, #tpu.memory_space<hbm>>
        %dma_start3A_418 = arith.constant 0 : i32
        %dma_start3A_419 = arith.constant 0 : i32
        %dma_start3A_420 = tpu.memref_slice %arg21[%run_scoped3A_414, %dma_start3A_418, %dma_start3A_419] : memref<8x625x16xf32, #tpu.memory_space<vmem_shared>> -> memref<1x625x16xf32, #tpu.memory_space<vmem_shared>>
        %dma_start3A_421 = tpu.memref_squeeze %dma_start3A_420 : memref<1x625x16xf32, #tpu.memory_space<vmem_shared>> -> memref<625x16xf32, #tpu.memory_space<vmem_shared>>
        tpu.enqueue_dma source(%dma_start3A_421 : memref<625x16xf32, #tpu.memory_space<vmem_shared>>) target(%dma_start3A_417 : memref<625x16xf32, #tpu.memory_space<hbm>>) target_semaphore(%run_scoped3A_415 : memref<!tpu.dma_semaphore, #tpu.memory_space<semaphore_mem>>)
        %dma_wait3A = arith.constant 2500 : i32
        %dma_wait3A_422 = arith.constant 0 : i32
        %dma_wait3A_423 = tpu.memref_slice %arg7[%dma_wait3A, %dma_wait3A_422] : memref<5000x16xf32, #tpu.memory_space<hbm>> -> memref<625x16xf32, #tpu.memory_space<hbm>>
        %dma_wait3A_424 = arith.constant 0 : i32
        %dma_wait3A_425 = arith.constant 0 : i32
        %dma_wait3A_426 = tpu.memref_slice %arg21[%run_scoped3A_414, %dma_wait3A_424, %dma_wait3A_425] : memref<8x625x16xf32, #tpu.memory_space<vmem_shared>> -> memref<1x625x16xf32, #tpu.memory_space<vmem_shared>>
        %dma_wait3A_427 = tpu.memref_squeeze %dma_wait3A_426 : memref<1x625x16xf32, #tpu.memory_space<vmem_shared>> -> memref<625x16xf32, #tpu.memory_space<vmem_shared>>
        tpu.wait_dma2 semaphore(%run_scoped3A_415 : memref<!tpu.dma_semaphore, #tpu.memory_space<semaphore_mem>>) src(%dma_wait3A_427 : memref<625x16xf32, #tpu.memory_space<vmem_shared>>) dst(%dma_wait3A_423 : memref<625x16xf32, #tpu.memory_space<hbm>>)
        tpu.yield
      }) : () -> ()
    } else {
    }
    %eq3A_332 = arith.constant 4 : i32
    %eq3A_333 = arith.cmpi eq, %arg1, %eq3A_332 : i32
    %eq3A_334 = arith.constant 1 : i32
    %eq3A_335 = arith.cmpi eq, %arg0, %eq3A_334 : i32
    %and3A_336 = arith.andi %eq3A_333, %eq3A_335 : i1
    %convert_element_type3A_337 = arith.extui %and3A_336 : i1 to i32
    %cond3A_338 = arith.constant 0 : i32
    %cond3A_339 = arith.cmpi ne, %convert_element_type3A_337, %cond3A_338 : i32
    scf.if %cond3A_339 {
      %run_scoped3A_414 = arith.constant 4 : i32
      "tpu.region"() ({
        %run_scoped3A_415 = tpu.sem_alloc : memref<!tpu.dma_semaphore, #tpu.memory_space<semaphore_mem>>
        %dma_start3A = arith.constant 2500 : i32
        %dma_start3A_416 = arith.constant 0 : i32
        %dma_start3A_417 = tpu.memref_slice %arg8[%dma_start3A, %dma_start3A_416] : memref<5000x16xf32, #tpu.memory_space<hbm>> -> memref<625x16xf32, #tpu.memory_space<hbm>>
        %dma_start3A_418 = arith.constant 0 : i32
        %dma_start3A_419 = arith.constant 0 : i32
        %dma_start3A_420 = tpu.memref_slice %arg21[%run_scoped3A_414, %dma_start3A_418, %dma_start3A_419] : memref<8x625x16xf32, #tpu.memory_space<vmem_shared>> -> memref<1x625x16xf32, #tpu.memory_space<vmem_shared>>
        %dma_start3A_421 = tpu.memref_squeeze %dma_start3A_420 : memref<1x625x16xf32, #tpu.memory_space<vmem_shared>> -> memref<625x16xf32, #tpu.memory_space<vmem_shared>>
        tpu.enqueue_dma source(%dma_start3A_421 : memref<625x16xf32, #tpu.memory_space<vmem_shared>>) target(%dma_start3A_417 : memref<625x16xf32, #tpu.memory_space<hbm>>) target_semaphore(%run_scoped3A_415 : memref<!tpu.dma_semaphore, #tpu.memory_space<semaphore_mem>>)
        %dma_wait3A = arith.constant 2500 : i32
        %dma_wait3A_422 = arith.constant 0 : i32
        %dma_wait3A_423 = tpu.memref_slice %arg8[%dma_wait3A, %dma_wait3A_422] : memref<5000x16xf32, #tpu.memory_space<hbm>> -> memref<625x16xf32, #tpu.memory_space<hbm>>
        %dma_wait3A_424 = arith.constant 0 : i32
        %dma_wait3A_425 = arith.constant 0 : i32
        %dma_wait3A_426 = tpu.memref_slice %arg21[%run_scoped3A_414, %dma_wait3A_424, %dma_wait3A_425] : memref<8x625x16xf32, #tpu.memory_space<vmem_shared>> -> memref<1x625x16xf32, #tpu.memory_space<vmem_shared>>
        %dma_wait3A_427 = tpu.memref_squeeze %dma_wait3A_426 : memref<1x625x16xf32, #tpu.memory_space<vmem_shared>> -> memref<625x16xf32, #tpu.memory_space<vmem_shared>>
        tpu.wait_dma2 semaphore(%run_scoped3A_415 : memref<!tpu.dma_semaphore, #tpu.memory_space<semaphore_mem>>) src(%dma_wait3A_427 : memref<625x16xf32, #tpu.memory_space<vmem_shared>>) dst(%dma_wait3A_423 : memref<625x16xf32, #tpu.memory_space<hbm>>)
        tpu.yield
      }) : () -> ()
    } else {
    }
    %eq3A_340 = arith.constant 5 : i32
    %eq3A_341 = arith.cmpi eq, %arg1, %eq3A_340 : i32
    %eq3A_342 = arith.constant 0 : i32
    %eq3A_343 = arith.cmpi eq, %arg0, %eq3A_342 : i32
    %and3A_344 = arith.andi %eq3A_341, %eq3A_343 : i1
    %convert_element_type3A_345 = arith.extui %and3A_344 : i1 to i32
    %cond3A_346 = arith.constant 0 : i32
    %cond3A_347 = arith.cmpi ne, %convert_element_type3A_345, %cond3A_346 : i32
    scf.if %cond3A_347 {
      %run_scoped3A_414 = arith.constant 5 : i32
      "tpu.region"() ({
        %run_scoped3A_415 = tpu.sem_alloc : memref<!tpu.dma_semaphore, #tpu.memory_space<semaphore_mem>>
        %dma_start3A = arith.constant 3125 : i32
        %dma_start3A_416 = arith.constant 0 : i32
        %dma_start3A_417 = tpu.memref_slice %arg7[%dma_start3A, %dma_start3A_416] : memref<5000x16xf32, #tpu.memory_space<hbm>> -> memref<625x16xf32, #tpu.memory_space<hbm>>
        %dma_start3A_418 = arith.constant 0 : i32
        %dma_start3A_419 = arith.constant 0 : i32
        %dma_start3A_420 = tpu.memref_slice %arg21[%run_scoped3A_414, %dma_start3A_418, %dma_start3A_419] : memref<8x625x16xf32, #tpu.memory_space<vmem_shared>> -> memref<1x625x16xf32, #tpu.memory_space<vmem_shared>>
        %dma_start3A_421 = tpu.memref_squeeze %dma_start3A_420 : memref<1x625x16xf32, #tpu.memory_space<vmem_shared>> -> memref<625x16xf32, #tpu.memory_space<vmem_shared>>
        tpu.enqueue_dma source(%dma_start3A_421 : memref<625x16xf32, #tpu.memory_space<vmem_shared>>) target(%dma_start3A_417 : memref<625x16xf32, #tpu.memory_space<hbm>>) target_semaphore(%run_scoped3A_415 : memref<!tpu.dma_semaphore, #tpu.memory_space<semaphore_mem>>)
        %dma_wait3A = arith.constant 3125 : i32
        %dma_wait3A_422 = arith.constant 0 : i32
        %dma_wait3A_423 = tpu.memref_slice %arg7[%dma_wait3A, %dma_wait3A_422] : memref<5000x16xf32, #tpu.memory_space<hbm>> -> memref<625x16xf32, #tpu.memory_space<hbm>>
        %dma_wait3A_424 = arith.constant 0 : i32
        %dma_wait3A_425 = arith.constant 0 : i32
        %dma_wait3A_426 = tpu.memref_slice %arg21[%run_scoped3A_414, %dma_wait3A_424, %dma_wait3A_425] : memref<8x625x16xf32, #tpu.memory_space<vmem_shared>> -> memref<1x625x16xf32, #tpu.memory_space<vmem_shared>>
        %dma_wait3A_427 = tpu.memref_squeeze %dma_wait3A_426 : memref<1x625x16xf32, #tpu.memory_space<vmem_shared>> -> memref<625x16xf32, #tpu.memory_space<vmem_shared>>
        tpu.wait_dma2 semaphore(%run_scoped3A_415 : memref<!tpu.dma_semaphore, #tpu.memory_space<semaphore_mem>>) src(%dma_wait3A_427 : memref<625x16xf32, #tpu.memory_space<vmem_shared>>) dst(%dma_wait3A_423 : memref<625x16xf32, #tpu.memory_space<hbm>>)
        tpu.yield
      }) : () -> ()
    } else {
    }
    %eq3A_348 = arith.constant 5 : i32
    %eq3A_349 = arith.cmpi eq, %arg1, %eq3A_348 : i32
    %eq3A_350 = arith.constant 1 : i32
    %eq3A_351 = arith.cmpi eq, %arg0, %eq3A_350 : i32
    %and3A_352 = arith.andi %eq3A_349, %eq3A_351 : i1
    %convert_element_type3A_353 = arith.extui %and3A_352 : i1 to i32
    %cond3A_354 = arith.constant 0 : i32
    %cond3A_355 = arith.cmpi ne, %convert_element_type3A_353, %cond3A_354 : i32
    scf.if %cond3A_355 {
      %run_scoped3A_414 = arith.constant 5 : i32
      "tpu.region"() ({
        %run_scoped3A_415 = tpu.sem_alloc : memref<!tpu.dma_semaphore, #tpu.memory_space<semaphore_mem>>
        %dma_start3A = arith.constant 3125 : i32
        %dma_start3A_416 = arith.constant 0 : i32
        %dma_start3A_417 = tpu.memref_slice %arg8[%dma_start3A, %dma_start3A_416] : memref<5000x16xf32, #tpu.memory_space<hbm>> -> memref<625x16xf32, #tpu.memory_space<hbm>>
        %dma_start3A_418 = arith.constant 0 : i32
        %dma_start3A_419 = arith.constant 0 : i32
        %dma_start3A_420 = tpu.memref_slice %arg21[%run_scoped3A_414, %dma_start3A_418, %dma_start3A_419] : memref<8x625x16xf32, #tpu.memory_space<vmem_shared>> -> memref<1x625x16xf32, #tpu.memory_space<vmem_shared>>
        %dma_start3A_421 = tpu.memref_squeeze %dma_start3A_420 : memref<1x625x16xf32, #tpu.memory_space<vmem_shared>> -> memref<625x16xf32, #tpu.memory_space<vmem_shared>>
        tpu.enqueue_dma source(%dma_start3A_421 : memref<625x16xf32, #tpu.memory_space<vmem_shared>>) target(%dma_start3A_417 : memref<625x16xf32, #tpu.memory_space<hbm>>) target_semaphore(%run_scoped3A_415 : memref<!tpu.dma_semaphore, #tpu.memory_space<semaphore_mem>>)
        %dma_wait3A = arith.constant 3125 : i32
        %dma_wait3A_422 = arith.constant 0 : i32
        %dma_wait3A_423 = tpu.memref_slice %arg8[%dma_wait3A, %dma_wait3A_422] : memref<5000x16xf32, #tpu.memory_space<hbm>> -> memref<625x16xf32, #tpu.memory_space<hbm>>
        %dma_wait3A_424 = arith.constant 0 : i32
        %dma_wait3A_425 = arith.constant 0 : i32
        %dma_wait3A_426 = tpu.memref_slice %arg21[%run_scoped3A_414, %dma_wait3A_424, %dma_wait3A_425] : memref<8x625x16xf32, #tpu.memory_space<vmem_shared>> -> memref<1x625x16xf32, #tpu.memory_space<vmem_shared>>
        %dma_wait3A_427 = tpu.memref_squeeze %dma_wait3A_426 : memref<1x625x16xf32, #tpu.memory_space<vmem_shared>> -> memref<625x16xf32, #tpu.memory_space<vmem_shared>>
        tpu.wait_dma2 semaphore(%run_scoped3A_415 : memref<!tpu.dma_semaphore, #tpu.memory_space<semaphore_mem>>) src(%dma_wait3A_427 : memref<625x16xf32, #tpu.memory_space<vmem_shared>>) dst(%dma_wait3A_423 : memref<625x16xf32, #tpu.memory_space<hbm>>)
        tpu.yield
      }) : () -> ()
    } else {
    }
    %parallel_loop3A_356 = arith.constant 0 : i32
    %parallel_loop3A_357 = arith.constant 625 : i32
    %parallel_loop3A_358 = arith.constant 1 : i32
    scf.for %parallel_loop3A_414 = %parallel_loop3A_356 to %parallel_loop3A_357 step %parallel_loop3A_358  : i32 {
      %parallel_loop3A_415 = arith.index_cast %parallel_loop3A_414 : i32 to index
      %parallel_loop3A_416 = arith.constant 0 : index
      %parallel_loop3A_417 = tpu.vector_load %arg15[%parallel_loop3A_415, %parallel_loop3A_416] {strides = array<i32>} : memref<625x16xf32, #tpu.memory_space<vmem>>, vector<16xf32>,
      tpu.vector_store %arg15[%parallel_loop3A_415, %parallel_loop3A_416], %broadcast_in_dim3A_203 {strides = array<i32>} : memref<625x16xf32, #tpu.memory_space<vmem>>, vector<16xf32>,
      %parallel_loop3A_418 = arith.index_cast %parallel_loop3A_414 : i32 to index
      %parallel_loop3A_419 = arith.constant 0 : index
      %parallel_loop3A_420 = tpu.vector_load %arg16[%parallel_loop3A_418, %parallel_loop3A_419] {strides = array<i32>} : memref<625x16xf32, #tpu.memory_space<vmem>>, vector<16xf32>,
      tpu.vector_store %arg16[%parallel_loop3A_418, %parallel_loop3A_419], %broadcast_in_dim3A_203 {strides = array<i32>} : memref<625x16xf32, #tpu.memory_space<vmem>>, vector<16xf32>,
    } {sc.loop_unroll_factor = 1 : i64, sc.parallel_access}
    %eq3A_359 = arith.constant 3 : i32
    %eq3A_360 = arith.cmpi eq, %arg1, %eq3A_359 : i32
    %convert_element_type3A_361 = arith.extui %eq3A_360 : i1 to i32
    %cond3A_362 = arith.constant 0 : i32
    %cond3A_363 = arith.cmpi ne, %convert_element_type3A_361, %cond3A_362 : i32
    scf.if %cond3A_363 {
      %run_scoped3A_414 = arith.constant 3 : i32
      "tpu.region"() ({
        %run_scoped3A_415 = tpu.sem_alloc : memref<!tpu.dma_semaphore, #tpu.memory_space<semaphore_mem>>
        %dma_start3A = arith.constant 0 : i32
        %dma_start3A_416 = tpu.memref_slice %arg22[%run_scoped3A_414, %dma_start3A] : memref<4x10000xi32, #tpu.memory_space<vmem_shared>> -> memref<1x10000xi32, #tpu.memory_space<vmem_shared>>
        %dma_start3A_417 = tpu.memref_squeeze %dma_start3A_416 : memref<1x10000xi32, #tpu.memory_space<vmem_shared>> -> memref<10000xi32, #tpu.memory_space<vmem_shared>>
        tpu.enqueue_dma source(%arg5 : memref<10000xi32, #tpu.memory_space<hbm>>) target(%dma_start3A_417 : memref<10000xi32, #tpu.memory_space<vmem_shared>>) target_semaphore(%run_scoped3A_415 : memref<!tpu.dma_semaphore, #tpu.memory_space<semaphore_mem>>)
        %dma_wait3A = arith.constant 0 : i32
        %dma_wait3A_418 = tpu.memref_slice %arg22[%run_scoped3A_414, %dma_wait3A] : memref<4x10000xi32, #tpu.memory_space<vmem_shared>> -> memref<1x10000xi32, #tpu.memory_space<vmem_shared>>
        %dma_wait3A_419 = tpu.memref_squeeze %dma_wait3A_418 : memref<1x10000xi32, #tpu.memory_space<vmem_shared>> -> memref<10000xi32, #tpu.memory_space<vmem_shared>>
        tpu.wait_dma2 semaphore(%run_scoped3A_415 : memref<!tpu.dma_semaphore, #tpu.memory_space<semaphore_mem>>) src(%arg5 : memref<10000xi32, #tpu.memory_space<hbm>>) dst(%dma_wait3A_419 : memref<10000xi32, #tpu.memory_space<vmem_shared>>)
        tpu.yield
      }) : () -> ()
    } else {
    }
    %eq3A_364 = arith.constant 6 : i32
    %eq3A_365 = arith.cmpi eq, %arg1, %eq3A_364 : i32
    %convert_element_type3A_366 = arith.extui %eq3A_365 : i1 to i32
    %cond3A_367 = arith.constant 0 : i32
    %cond3A_368 = arith.cmpi ne, %convert_element_type3A_366, %cond3A_367 : i32
    scf.if %cond3A_368 {
      %run_scoped3A_414 = arith.constant 6 : i32
      "tpu.region"() ({
        %run_scoped3A_415 = tpu.sem_alloc : memref<!tpu.dma_semaphore, #tpu.memory_space<semaphore_mem>>
        %dma_start3A = arith.constant 0 : i32
        %dma_start3A_416 = arith.constant 0 : i32
        %dma_start3A_417 = tpu.memref_slice %arg21[%run_scoped3A_414, %dma_start3A, %dma_start3A_416] : memref<8x625x16xf32, #tpu.memory_space<vmem_shared>> -> memref<1x625x16xf32, #tpu.memory_space<vmem_shared>>
        %dma_start3A_418 = tpu.memref_squeeze %dma_start3A_417 : memref<1x625x16xf32, #tpu.memory_space<vmem_shared>> -> memref<625x16xf32, #tpu.memory_space<vmem_shared>>
        %dma_start3A_419 = arith.constant 0 : i32
        %dma_start3A_420 = arith.constant 0 : i32
        %dma_start3A_421 = tpu.memref_slice %arg21[%run_scoped3A_414, %dma_start3A_419, %dma_start3A_420] : memref<8x625x16xf32, #tpu.memory_space<vmem_shared>> -> memref<1x625x16xf32, #tpu.memory_space<vmem_shared>>
        %dma_start3A_422 = tpu.memref_squeeze %dma_start3A_421 : memref<1x625x16xf32, #tpu.memory_space<vmem_shared>> -> memref<625x16xf32, #tpu.memory_space<vmem_shared>>
        tpu.enqueue_dma source(%arg15 : memref<625x16xf32, #tpu.memory_space<vmem>>) target(%dma_start3A_422 : memref<625x16xf32, #tpu.memory_space<vmem_shared>>) target_semaphore(%run_scoped3A_415 : memref<!tpu.dma_semaphore, #tpu.memory_space<semaphore_mem>>)
        %dma_wait3A = arith.constant 0 : i32
        %dma_wait3A_423 = arith.constant 0 : i32
        %dma_wait3A_424 = tpu.memref_slice %arg21[%run_scoped3A_414, %dma_wait3A, %dma_wait3A_423] : memref<8x625x16xf32, #tpu.memory_space<vmem_shared>> -> memref<1x625x16xf32, #tpu.memory_space<vmem_shared>>
        %dma_wait3A_425 = tpu.memref_squeeze %dma_wait3A_424 : memref<1x625x16xf32, #tpu.memory_space<vmem_shared>> -> memref<625x16xf32, #tpu.memory_space<vmem_shared>>
        %dma_wait3A_426 = arith.constant 0 : i32
        %dma_wait3A_427 = arith.constant 0 : i32
        %dma_wait3A_428 = tpu.memref_slice %arg21[%run_scoped3A_414, %dma_wait3A_426, %dma_wait3A_427] : memref<8x625x16xf32, #tpu.memory_space<vmem_shared>> -> memref<1x625x16xf32, #tpu.memory_space<vmem_shared>>
        %dma_wait3A_429 = tpu.memref_squeeze %dma_wait3A_428 : memref<1x625x16xf32, #tpu.memory_space<vmem_shared>> -> memref<625x16xf32, #tpu.memory_space<vmem_shared>>
        tpu.wait_dma2 semaphore(%run_scoped3A_415 : memref<!tpu.dma_semaphore, #tpu.memory_space<semaphore_mem>>) src(%arg15 : memref<625x16xf32, #tpu.memory_space<vmem>>) dst(%dma_wait3A_429 : memref<625x16xf32, #tpu.memory_space<vmem_shared>>)
        tpu.yield
      }) : () -> ()
    } else {
    }
    %eq3A_369 = arith.constant 7 : i32
    %eq3A_370 = arith.cmpi eq, %arg1, %eq3A_369 : i32
    %convert_element_type3A_371 = arith.extui %eq3A_370 : i1 to i32
    %cond3A_372 = arith.constant 0 : i32
    %cond3A_373 = arith.cmpi ne, %convert_element_type3A_371, %cond3A_372 : i32
    scf.if %cond3A_373 {
      %run_scoped3A_414 = arith.constant 7 : i32
      "tpu.region"() ({
        %run_scoped3A_415 = tpu.sem_alloc : memref<!tpu.dma_semaphore, #tpu.memory_space<semaphore_mem>>
        %dma_start3A = arith.constant 0 : i32
        %dma_start3A_416 = arith.constant 0 : i32
        %dma_start3A_417 = tpu.memref_slice %arg21[%run_scoped3A_414, %dma_start3A, %dma_start3A_416] : memref<8x625x16xf32, #tpu.memory_space<vmem_shared>> -> memref<1x625x16xf32, #tpu.memory_space<vmem_shared>>
        %dma_start3A_418 = tpu.memref_squeeze %dma_start3A_417 : memref<1x625x16xf32, #tpu.memory_space<vmem_shared>> -> memref<625x16xf32, #tpu.memory_space<vmem_shared>>
        %dma_start3A_419 = arith.constant 0 : i32
        %dma_start3A_420 = arith.constant 0 : i32
        %dma_start3A_421 = tpu.memref_slice %arg21[%run_scoped3A_414, %dma_start3A_419, %dma_start3A_420] : memref<8x625x16xf32, #tpu.memory_space<vmem_shared>> -> memref<1x625x16xf32, #tpu.memory_space<vmem_shared>>
        %dma_start3A_422 = tpu.memref_squeeze %dma_start3A_421 : memref<1x625x16xf32, #tpu.memory_space<vmem_shared>> -> memref<625x16xf32, #tpu.memory_space<vmem_shared>>
        tpu.enqueue_dma source(%arg16 : memref<625x16xf32, #tpu.memory_space<vmem>>) target(%dma_start3A_422 : memref<625x16xf32, #tpu.memory_space<vmem_shared>>) target_semaphore(%run_scoped3A_415 : memref<!tpu.dma_semaphore, #tpu.memory_space<semaphore_mem>>)
        %dma_wait3A = arith.constant 0 : i32
        %dma_wait3A_423 = arith.constant 0 : i32
        %dma_wait3A_424 = tpu.memref_slice %arg21[%run_scoped3A_414, %dma_wait3A, %dma_wait3A_423] : memref<8x625x16xf32, #tpu.memory_space<vmem_shared>> -> memref<1x625x16xf32, #tpu.memory_space<vmem_shared>>
        %dma_wait3A_425 = tpu.memref_squeeze %dma_wait3A_424 : memref<1x625x16xf32, #tpu.memory_space<vmem_shared>> -> memref<625x16xf32, #tpu.memory_space<vmem_shared>>
        %dma_wait3A_426 = arith.constant 0 : i32
        %dma_wait3A_427 = arith.constant 0 : i32
        %dma_wait3A_428 = tpu.memref_slice %arg21[%run_scoped3A_414, %dma_wait3A_426, %dma_wait3A_427] : memref<8x625x16xf32, #tpu.memory_space<vmem_shared>> -> memref<1x625x16xf32, #tpu.memory_space<vmem_shared>>
        %dma_wait3A_429 = tpu.memref_squeeze %dma_wait3A_428 : memref<1x625x16xf32, #tpu.memory_space<vmem_shared>> -> memref<625x16xf32, #tpu.memory_space<vmem_shared>>
        tpu.wait_dma2 semaphore(%run_scoped3A_415 : memref<!tpu.dma_semaphore, #tpu.memory_space<semaphore_mem>>) src(%arg16 : memref<625x16xf32, #tpu.memory_space<vmem>>) dst(%dma_wait3A_429 : memref<625x16xf32, #tpu.memory_space<vmem_shared>>)
        tpu.yield
      }) : () -> ()
    } else {
    }
    %barrier3A_374 = arith.constant 0 : index
    tpu.barrier barrier_id(%barrier3A_374)
    %run_scoped3A_375 = arith.constant 3 : i32
    "tpu.region"() ({
      %run_scoped3A_414 = tpu.sem_alloc : memref<!tpu.dma_semaphore, #tpu.memory_space<semaphore_mem>>
      %dma_start3A = arith.constant 0 : i32
      %dma_start3A_415 = tpu.memref_slice %arg22[%run_scoped3A_375, %dma_start3A] : memref<4x10000xi32, #tpu.memory_space<vmem_shared>> -> memref<1x10000xi32, #tpu.memory_space<vmem_shared>>
      %dma_start3A_416 = tpu.memref_squeeze %dma_start3A_415 : memref<1x10000xi32, #tpu.memory_space<vmem_shared>> -> memref<10000xi32, #tpu.memory_space<vmem_shared>>
      %dma_start3A_417 = arith.constant 0 : i32
      %dma_start3A_418 = tpu.memref_slice %arg22[%run_scoped3A_375, %dma_start3A_417] : memref<4x10000xi32, #tpu.memory_space<vmem_shared>> -> memref<1x10000xi32, #tpu.memory_space<vmem_shared>>
      %dma_start3A_419 = tpu.memref_squeeze %dma_start3A_418 : memref<1x10000xi32, #tpu.memory_space<vmem_shared>> -> memref<10000xi32, #tpu.memory_space<vmem_shared>>
      tpu.enqueue_dma source(%dma_start3A_419 : memref<10000xi32, #tpu.memory_space<vmem_shared>>) target(%arg12 : memref<10000xi32, #tpu.memory_space<vmem>>) target_semaphore(%run_scoped3A_414 : memref<!tpu.dma_semaphore, #tpu.memory_space<semaphore_mem>>)
      %dma_wait3A = arith.constant 0 : i32
      %dma_wait3A_420 = tpu.memref_slice %arg22[%run_scoped3A_375, %dma_wait3A] : memref<4x10000xi32, #tpu.memory_space<vmem_shared>> -> memref<1x10000xi32, #tpu.memory_space<vmem_shared>>
      %dma_wait3A_421 = tpu.memref_squeeze %dma_wait3A_420 : memref<1x10000xi32, #tpu.memory_space<vmem_shared>> -> memref<10000xi32, #tpu.memory_space<vmem_shared>>
      %dma_wait3A_422 = arith.constant 0 : i32
      %dma_wait3A_423 = tpu.memref_slice %arg22[%run_scoped3A_375, %dma_wait3A_422] : memref<4x10000xi32, #tpu.memory_space<vmem_shared>> -> memref<1x10000xi32, #tpu.memory_space<vmem_shared>>
      %dma_wait3A_424 = tpu.memref_squeeze %dma_wait3A_423 : memref<1x10000xi32, #tpu.memory_space<vmem_shared>> -> memref<10000xi32, #tpu.memory_space<vmem_shared>>
      tpu.wait_dma2 semaphore(%run_scoped3A_414 : memref<!tpu.dma_semaphore, #tpu.memory_space<semaphore_mem>>) src(%dma_wait3A_424 : memref<10000xi32, #tpu.memory_space<vmem_shared>>) dst(%arg12 : memref<10000xi32, #tpu.memory_space<vmem>>)
      tpu.yield
    }) : () -> ()
    %parallel_loop3A_376 = arith.constant 0 : i32
    %parallel_loop3A_377 = arith.constant 625 : i32
    %parallel_loop3A_378 = arith.constant 1 : i32
    scf.for %parallel_loop3A_414 = %parallel_loop3A_376 to %parallel_loop3A_377 step %parallel_loop3A_378  : i32 {
      %parallel_loop3A_415 = arith.constant 16 : i32
      %parallel_loop3A_416 = arith.muli %parallel_loop3A_414, %parallel_loop3A_415 : i32
      %parallel_loop3A_417 = arith.index_cast %parallel_loop3A_416 : i32 to index
      %parallel_loop3A_418 = tpu.vector_load %arg9[%parallel_loop3A_417] {strides = array<i32>} : memref<10000xi32, #tpu.memory_space<vmem>>, vector<16xi32>,
      %parallel_loop3A_419 = arith.constant 16 : i32
      %parallel_loop3A_420 = arith.muli %parallel_loop3A_414, %parallel_loop3A_419 : i32
      %parallel_loop3A_421 = arith.index_cast %parallel_loop3A_420 : i32 to index
      %parallel_loop3A_422 = tpu.vector_load %arg10[%parallel_loop3A_421] {strides = array<i32>} : memref<10000xi32, #tpu.memory_space<vmem>>, vector<16xi32>,
      %parallel_loop3A_423 = arith.constant 4 : i32
      %parallel_loop3A_424 = vector.broadcast %parallel_loop3A_423 : i32 to vector<16xi32>
      %parallel_loop3A_425 = arith.shrsi %parallel_loop3A_422, %parallel_loop3A_424 : vector<16xi32>
      %parallel_loop3A_426 = arith.constant 15 : i32
      %parallel_loop3A_427 = vector.broadcast %parallel_loop3A_426 : i32 to vector<16xi32>
      %parallel_loop3A_428 = arith.andi %parallel_loop3A_422, %parallel_loop3A_427 : vector<16xi32>
      %parallel_loop3A_429 = tpu.vector_load_idx %arg12[%parallel_loop3A_418] : memref<10000xi32, #tpu.memory_space<vmem>>[vector<16xi32>], vector<16xi32>,
      %parallel_loop3A_430 = vector.bitcast %parallel_loop3A_429 : vector<16xi32> to vector<32xbf16>
      %parallel_loop3A_431 = tpu.unpack_subelements %parallel_loop3A_430, 0 {pack_format = #tpu.pack_format<interleaved>} : vector<32xbf16> -> vector<16xf32>
      %parallel_loop3A_432 = tpu.unpack_subelements %parallel_loop3A_430, 1 {pack_format = #tpu.pack_format<interleaved>} : vector<32xbf16> -> vector<16xf32>
      tpu.vector_store_idx %arg15[%parallel_loop3A_425, %parallel_loop3A_428], %parallel_loop3A_431 {add = true} : memref<625x16xf32, #tpu.memory_space<vmem>>[vector<16xi32>, vector<16xi32>], vector<16xf32>,
      tpu.vector_store_idx %arg16[%parallel_loop3A_425, %parallel_loop3A_428], %parallel_loop3A_432 {add = true} : memref<625x16xf32, #tpu.memory_space<vmem>>[vector<16xi32>, vector<16xi32>], vector<16xf32>,
    } {sc.loop_unroll_factor = 4 : i64, sc.parallel_access}
    %run_scoped3A_379 = arith.constant 6 : i32
    "tpu.region"() ({
      %run_scoped3A_414 = tpu.sem_alloc : memref<!tpu.dma_semaphore, #tpu.memory_space<semaphore_mem>>
      %dma_start3A = arith.constant 0 : i32
      %dma_start3A_415 = arith.constant 0 : i32
      %dma_start3A_416 = tpu.memref_slice %arg21[%run_scoped3A_379, %dma_start3A, %dma_start3A_415] : memref<8x625x16xf32, #tpu.memory_space<vmem_shared>> -> memref<1x625x16xf32, #tpu.memory_space<vmem_shared>>
      %dma_start3A_417 = tpu.memref_squeeze %dma_start3A_416 : memref<1x625x16xf32, #tpu.memory_space<vmem_shared>> -> memref<625x16xf32, #tpu.memory_space<vmem_shared>>
      %dma_start3A_418 = arith.constant 0 : i32
      %dma_start3A_419 = arith.constant 0 : i32
      %dma_start3A_420 = tpu.memref_slice %dma_start3A_417[%dma_start3A_418, %dma_start3A_419] : memref<625x16xf32, #tpu.memory_space<vmem_shared>> -> memref<625x16xf32, #tpu.memory_space<vmem_shared>>
      tpu.enqueue_indirect_dma source(%arg15 : memref<625x16xf32, #tpu.memory_space<vmem>>) target(%dma_start3A_420 : memref<625x16xf32, #tpu.memory_space<vmem_shared>>) offsets(%arg11 : memref<625xi32, #tpu.memory_space<vmem>>) semaphore(%run_scoped3A_414 : memref<!tpu.dma_semaphore, #tpu.memory_space<semaphore_mem>>) {add = true}
      %dma_wait3A = arith.constant 0 : i32
      %dma_wait3A_421 = arith.constant 0 : i32
      %dma_wait3A_422 = tpu.memref_slice %arg21[%run_scoped3A_379, %dma_wait3A, %dma_wait3A_421] : memref<8x625x16xf32, #tpu.memory_space<vmem_shared>> -> memref<1x625x16xf32, #tpu.memory_space<vmem_shared>>
      %dma_wait3A_423 = tpu.memref_squeeze %dma_wait3A_422 : memref<1x625x16xf32, #tpu.memory_space<vmem_shared>> -> memref<625x16xf32, #tpu.memory_space<vmem_shared>>
      %dma_wait3A_424 = arith.constant 0 : i32
      %dma_wait3A_425 = arith.constant 0 : i32
      %dma_wait3A_426 = tpu.memref_slice %dma_wait3A_423[%dma_wait3A_424, %dma_wait3A_425] : memref<625x16xf32, #tpu.memory_space<vmem_shared>> -> memref<625x16xf32, #tpu.memory_space<vmem_shared>>
      tpu.wait_indirect_dma semaphore(%run_scoped3A_414 : memref<!tpu.dma_semaphore, #tpu.memory_space<semaphore_mem>>) src(%arg15 : memref<625x16xf32, #tpu.memory_space<vmem>>) dst(%dma_wait3A_426 : memref<625x16xf32, #tpu.memory_space<vmem_shared>>)
      tpu.yield
    }) : () -> ()
    %run_scoped3A_380 = arith.constant 7 : i32
    "tpu.region"() ({
      %run_scoped3A_414 = tpu.sem_alloc : memref<!tpu.dma_semaphore, #tpu.memory_space<semaphore_mem>>
      %dma_start3A = arith.constant 0 : i32
      %dma_start3A_415 = arith.constant 0 : i32
      %dma_start3A_416 = tpu.memref_slice %arg21[%run_scoped3A_380, %dma_start3A, %dma_start3A_415] : memref<8x625x16xf32, #tpu.memory_space<vmem_shared>> -> memref<1x625x16xf32, #tpu.memory_space<vmem_shared>>
      %dma_start3A_417 = tpu.memref_squeeze %dma_start3A_416 : memref<1x625x16xf32, #tpu.memory_space<vmem_shared>> -> memref<625x16xf32, #tpu.memory_space<vmem_shared>>
      %dma_start3A_418 = arith.constant 0 : i32
      %dma_start3A_419 = arith.constant 0 : i32
      %dma_start3A_420 = tpu.memref_slice %dma_start3A_417[%dma_start3A_418, %dma_start3A_419] : memref<625x16xf32, #tpu.memory_space<vmem_shared>> -> memref<625x16xf32, #tpu.memory_space<vmem_shared>>
      tpu.enqueue_indirect_dma source(%arg16 : memref<625x16xf32, #tpu.memory_space<vmem>>) target(%dma_start3A_420 : memref<625x16xf32, #tpu.memory_space<vmem_shared>>) offsets(%arg11 : memref<625xi32, #tpu.memory_space<vmem>>) semaphore(%run_scoped3A_414 : memref<!tpu.dma_semaphore, #tpu.memory_space<semaphore_mem>>) {add = true}
      %dma_wait3A = arith.constant 0 : i32
      %dma_wait3A_421 = arith.constant 0 : i32
      %dma_wait3A_422 = tpu.memref_slice %arg21[%run_scoped3A_380, %dma_wait3A, %dma_wait3A_421] : memref<8x625x16xf32, #tpu.memory_space<vmem_shared>> -> memref<1x625x16xf32, #tpu.memory_space<vmem_shared>>
      %dma_wait3A_423 = tpu.memref_squeeze %dma_wait3A_422 : memref<1x625x16xf32, #tpu.memory_space<vmem_shared>> -> memref<625x16xf32, #tpu.memory_space<vmem_shared>>
      %dma_wait3A_424 = arith.constant 0 : i32
      %dma_wait3A_425 = arith.constant 0 : i32
      %dma_wait3A_426 = tpu.memref_slice %dma_wait3A_423[%dma_wait3A_424, %dma_wait3A_425] : memref<625x16xf32, #tpu.memory_space<vmem_shared>> -> memref<625x16xf32, #tpu.memory_space<vmem_shared>>
      tpu.wait_indirect_dma semaphore(%run_scoped3A_414 : memref<!tpu.dma_semaphore, #tpu.memory_space<semaphore_mem>>) src(%arg16 : memref<625x16xf32, #tpu.memory_space<vmem>>) dst(%dma_wait3A_426 : memref<625x16xf32, #tpu.memory_space<vmem_shared>>)
      tpu.yield
    }) : () -> ()
    %barrier3A_381 = arith.constant 0 : index
    tpu.barrier barrier_id(%barrier3A_381)
    %eq3A_382 = arith.constant 6 : i32
    %eq3A_383 = arith.cmpi eq, %arg1, %eq3A_382 : i32
    %eq3A_384 = arith.constant 0 : i32
    %eq3A_385 = arith.cmpi eq, %arg0, %eq3A_384 : i32
    %and3A_386 = arith.andi %eq3A_383, %eq3A_385 : i1
    %convert_element_type3A_387 = arith.extui %and3A_386 : i1 to i32
    %cond3A_388 = arith.constant 0 : i32
    %cond3A_389 = arith.cmpi ne, %convert_element_type3A_387, %cond3A_388 : i32
    scf.if %cond3A_389 {
      %run_scoped3A_414 = arith.constant 6 : i32
      "tpu.region"() ({
        %run_scoped3A_415 = tpu.sem_alloc : memref<!tpu.dma_semaphore, #tpu.memory_space<semaphore_mem>>
        %dma_start3A = arith.constant 3750 : i32
        %dma_start3A_416 = arith.constant 0 : i32
        %dma_start3A_417 = tpu.memref_slice %arg7[%dma_start3A, %dma_start3A_416] : memref<5000x16xf32, #tpu.memory_space<hbm>> -> memref<625x16xf32, #tpu.memory_space<hbm>>
        %dma_start3A_418 = arith.constant 0 : i32
        %dma_start3A_419 = arith.constant 0 : i32
        %dma_start3A_420 = tpu.memref_slice %arg21[%run_scoped3A_414, %dma_start3A_418, %dma_start3A_419] : memref<8x625x16xf32, #tpu.memory_space<vmem_shared>> -> memref<1x625x16xf32, #tpu.memory_space<vmem_shared>>
        %dma_start3A_421 = tpu.memref_squeeze %dma_start3A_420 : memref<1x625x16xf32, #tpu.memory_space<vmem_shared>> -> memref<625x16xf32, #tpu.memory_space<vmem_shared>>
        tpu.enqueue_dma source(%dma_start3A_421 : memref<625x16xf32, #tpu.memory_space<vmem_shared>>) target(%dma_start3A_417 : memref<625x16xf32, #tpu.memory_space<hbm>>) target_semaphore(%run_scoped3A_415 : memref<!tpu.dma_semaphore, #tpu.memory_space<semaphore_mem>>)
        %dma_wait3A = arith.constant 3750 : i32
        %dma_wait3A_422 = arith.constant 0 : i32
        %dma_wait3A_423 = tpu.memref_slice %arg7[%dma_wait3A, %dma_wait3A_422] : memref<5000x16xf32, #tpu.memory_space<hbm>> -> memref<625x16xf32, #tpu.memory_space<hbm>>
        %dma_wait3A_424 = arith.constant 0 : i32
        %dma_wait3A_425 = arith.constant 0 : i32
        %dma_wait3A_426 = tpu.memref_slice %arg21[%run_scoped3A_414, %dma_wait3A_424, %dma_wait3A_425] : memref<8x625x16xf32, #tpu.memory_space<vmem_shared>> -> memref<1x625x16xf32, #tpu.memory_space<vmem_shared>>
        %dma_wait3A_427 = tpu.memref_squeeze %dma_wait3A_426 : memref<1x625x16xf32, #tpu.memory_space<vmem_shared>> -> memref<625x16xf32, #tpu.memory_space<vmem_shared>>
        tpu.wait_dma2 semaphore(%run_scoped3A_415 : memref<!tpu.dma_semaphore, #tpu.memory_space<semaphore_mem>>) src(%dma_wait3A_427 : memref<625x16xf32, #tpu.memory_space<vmem_shared>>) dst(%dma_wait3A_423 : memref<625x16xf32, #tpu.memory_space<hbm>>)
        tpu.yield
      }) : () -> ()
    } else {
    }
    %eq3A_390 = arith.constant 6 : i32
    %eq3A_391 = arith.cmpi eq, %arg1, %eq3A_390 : i32
    %eq3A_392 = arith.constant 1 : i32
    %eq3A_393 = arith.cmpi eq, %arg0, %eq3A_392 : i32
    %and3A_394 = arith.andi %eq3A_391, %eq3A_393 : i1
    %convert_element_type3A_395 = arith.extui %and3A_394 : i1 to i32
    %cond3A_396 = arith.constant 0 : i32
    %cond3A_397 = arith.cmpi ne, %convert_element_type3A_395, %cond3A_396 : i32
    scf.if %cond3A_397 {
      %run_scoped3A_414 = arith.constant 6 : i32
      "tpu.region"() ({
        %run_scoped3A_415 = tpu.sem_alloc : memref<!tpu.dma_semaphore, #tpu.memory_space<semaphore_mem>>
        %dma_start3A = arith.constant 3750 : i32
        %dma_start3A_416 = arith.constant 0 : i32
        %dma_start3A_417 = tpu.memref_slice %arg8[%dma_start3A, %dma_start3A_416] : memref<5000x16xf32, #tpu.memory_space<hbm>> -> memref<625x16xf32, #tpu.memory_space<hbm>>
        %dma_start3A_418 = arith.constant 0 : i32
        %dma_start3A_419 = arith.constant 0 : i32
        %dma_start3A_420 = tpu.memref_slice %arg21[%run_scoped3A_414, %dma_start3A_418, %dma_start3A_419] : memref<8x625x16xf32, #tpu.memory_space<vmem_shared>> -> memref<1x625x16xf32, #tpu.memory_space<vmem_shared>>
        %dma_start3A_421 = tpu.memref_squeeze %dma_start3A_420 : memref<1x625x16xf32, #tpu.memory_space<vmem_shared>> -> memref<625x16xf32, #tpu.memory_space<vmem_shared>>
        tpu.enqueue_dma source(%dma_start3A_421 : memref<625x16xf32, #tpu.memory_space<vmem_shared>>) target(%dma_start3A_417 : memref<625x16xf32, #tpu.memory_space<hbm>>) target_semaphore(%run_scoped3A_415 : memref<!tpu.dma_semaphore, #tpu.memory_space<semaphore_mem>>)
        %dma_wait3A = arith.constant 3750 : i32
        %dma_wait3A_422 = arith.constant 0 : i32
        %dma_wait3A_423 = tpu.memref_slice %arg8[%dma_wait3A, %dma_wait3A_422] : memref<5000x16xf32, #tpu.memory_space<hbm>> -> memref<625x16xf32, #tpu.memory_space<hbm>>
        %dma_wait3A_424 = arith.constant 0 : i32
        %dma_wait3A_425 = arith.constant 0 : i32
        %dma_wait3A_426 = tpu.memref_slice %arg21[%run_scoped3A_414, %dma_wait3A_424, %dma_wait3A_425] : memref<8x625x16xf32, #tpu.memory_space<vmem_shared>> -> memref<1x625x16xf32, #tpu.memory_space<vmem_shared>>
        %dma_wait3A_427 = tpu.memref_squeeze %dma_wait3A_426 : memref<1x625x16xf32, #tpu.memory_space<vmem_shared>> -> memref<625x16xf32, #tpu.memory_space<vmem_shared>>
        tpu.wait_dma2 semaphore(%run_scoped3A_415 : memref<!tpu.dma_semaphore, #tpu.memory_space<semaphore_mem>>) src(%dma_wait3A_427 : memref<625x16xf32, #tpu.memory_space<vmem_shared>>) dst(%dma_wait3A_423 : memref<625x16xf32, #tpu.memory_space<hbm>>)
        tpu.yield
      }) : () -> ()
    } else {
    }
    %eq3A_398 = arith.constant 7 : i32
    %eq3A_399 = arith.cmpi eq, %arg1, %eq3A_398 : i32
    %eq3A_400 = arith.constant 0 : i32
    %eq3A_401 = arith.cmpi eq, %arg0, %eq3A_400 : i32
    %and3A_402 = arith.andi %eq3A_399, %eq3A_401 : i1
    %convert_element_type3A_403 = arith.extui %and3A_402 : i1 to i32
    %cond3A_404 = arith.constant 0 : i32
    %cond3A_405 = arith.cmpi ne, %convert_element_type3A_403, %cond3A_404 : i32
    scf.if %cond3A_405 {
      %run_scoped3A_414 = arith.constant 7 : i32
      "tpu.region"() ({
        %run_scoped3A_415 = tpu.sem_alloc : memref<!tpu.dma_semaphore, #tpu.memory_space<semaphore_mem>>
        %dma_start3A = arith.constant 4375 : i32
        %dma_start3A_416 = arith.constant 0 : i32
        %dma_start3A_417 = tpu.memref_slice %arg7[%dma_start3A, %dma_start3A_416] : memref<5000x16xf32, #tpu.memory_space<hbm>> -> memref<625x16xf32, #tpu.memory_space<hbm>>
        %dma_start3A_418 = arith.constant 0 : i32
        %dma_start3A_419 = arith.constant 0 : i32
        %dma_start3A_420 = tpu.memref_slice %arg21[%run_scoped3A_414, %dma_start3A_418, %dma_start3A_419] : memref<8x625x16xf32, #tpu.memory_space<vmem_shared>> -> memref<1x625x16xf32, #tpu.memory_space<vmem_shared>>
        %dma_start3A_421 = tpu.memref_squeeze %dma_start3A_420 : memref<1x625x16xf32, #tpu.memory_space<vmem_shared>> -> memref<625x16xf32, #tpu.memory_space<vmem_shared>>
        tpu.enqueue_dma source(%dma_start3A_421 : memref<625x16xf32, #tpu.memory_space<vmem_shared>>) target(%dma_start3A_417 : memref<625x16xf32, #tpu.memory_space<hbm>>) target_semaphore(%run_scoped3A_415 : memref<!tpu.dma_semaphore, #tpu.memory_space<semaphore_mem>>)
        %dma_wait3A = arith.constant 4375 : i32
        %dma_wait3A_422 = arith.constant 0 : i32
        %dma_wait3A_423 = tpu.memref_slice %arg7[%dma_wait3A, %dma_wait3A_422] : memref<5000x16xf32, #tpu.memory_space<hbm>> -> memref<625x16xf32, #tpu.memory_space<hbm>>
        %dma_wait3A_424 = arith.constant 0 : i32
        %dma_wait3A_425 = arith.constant 0 : i32
        %dma_wait3A_426 = tpu.memref_slice %arg21[%run_scoped3A_414, %dma_wait3A_424, %dma_wait3A_425] : memref<8x625x16xf32, #tpu.memory_space<vmem_shared>> -> memref<1x625x16xf32, #tpu.memory_space<vmem_shared>>
        %dma_wait3A_427 = tpu.memref_squeeze %dma_wait3A_426 : memref<1x625x16xf32, #tpu.memory_space<vmem_shared>> -> memref<625x16xf32, #tpu.memory_space<vmem_shared>>
        tpu.wait_dma2 semaphore(%run_scoped3A_415 : memref<!tpu.dma_semaphore, #tpu.memory_space<semaphore_mem>>) src(%dma_wait3A_427 : memref<625x16xf32, #tpu.memory_space<vmem_shared>>) dst(%dma_wait3A_423 : memref<625x16xf32, #tpu.memory_space<hbm>>)
        tpu.yield
      }) : () -> ()
    } else {
    }
    %eq3A_406 = arith.constant 7 : i32
    %eq3A_407 = arith.cmpi eq, %arg1, %eq3A_406 : i32
    %eq3A_408 = arith.constant 1 : i32
    %eq3A_409 = arith.cmpi eq, %arg0, %eq3A_408 : i32
    %and3A_410 = arith.andi %eq3A_407, %eq3A_409 : i1
    %convert_element_type3A_411 = arith.extui %and3A_410 : i1 to i32
    %cond3A_412 = arith.constant 0 : i32
    %cond3A_413 = arith.cmpi ne, %convert_element_type3A_411, %cond3A_412 : i32
    scf.if %cond3A_413 {
      %run_scoped3A_414 = arith.constant 7 : i32
      "tpu.region"() ({
        %run_scoped3A_415 = tpu.sem_alloc : memref<!tpu.dma_semaphore, #tpu.memory_space<semaphore_mem>>
        %dma_start3A = arith.constant 4375 : i32
        %dma_start3A_416 = arith.constant 0 : i32
        %dma_start3A_417 = tpu.memref_slice %arg8[%dma_start3A, %dma_start3A_416] : memref<5000x16xf32, #tpu.memory_space<hbm>> -> memref<625x16xf32, #tpu.memory_space<hbm>>
        %dma_start3A_418 = arith.constant 0 : i32
        %dma_start3A_419 = arith.constant 0 : i32
        %dma_start3A_420 = tpu.memref_slice %arg21[%run_scoped3A_414, %dma_start3A_418, %dma_start3A_419] : memref<8x625x16xf32, #tpu.memory_space<vmem_shared>> -> memref<1x625x16xf32, #tpu.memory_space<vmem_shared>>
        %dma_start3A_421 = tpu.memref_squeeze %dma_start3A_420 : memref<1x625x16xf32, #tpu.memory_space<vmem_shared>> -> memref<625x16xf32, #tpu.memory_space<vmem_shared>>
        tpu.enqueue_dma source(%dma_start3A_421 : memref<625x16xf32, #tpu.memory_space<vmem_shared>>) target(%dma_start3A_417 : memref<625x16xf32, #tpu.memory_space<hbm>>) target_semaphore(%run_scoped3A_415 : memref<!tpu.dma_semaphore, #tpu.memory_space<semaphore_mem>>)
        %dma_wait3A = arith.constant 4375 : i32
        %dma_wait3A_422 = arith.constant 0 : i32
        %dma_wait3A_423 = tpu.memref_slice %arg8[%dma_wait3A, %dma_wait3A_422] : memref<5000x16xf32, #tpu.memory_space<hbm>> -> memref<625x16xf32, #tpu.memory_space<hbm>>
        %dma_wait3A_424 = arith.constant 0 : i32
        %dma_wait3A_425 = arith.constant 0 : i32
        %dma_wait3A_426 = tpu.memref_slice %arg21[%run_scoped3A_414, %dma_wait3A_424, %dma_wait3A_425] : memref<8x625x16xf32, #tpu.memory_space<vmem_shared>> -> memref<1x625x16xf32, #tpu.memory_space<vmem_shared>>
        %dma_wait3A_427 = tpu.memref_squeeze %dma_wait3A_426 : memref<1x625x16xf32, #tpu.memory_space<vmem_shared>> -> memref<625x16xf32, #tpu.memory_space<vmem_shared>>
        tpu.wait_dma2 semaphore(%run_scoped3A_415 : memref<!tpu.dma_semaphore, #tpu.memory_space<semaphore_mem>>) src(%dma_wait3A_427 : memref<625x16xf32, #tpu.memory_space<vmem_shared>>) dst(%dma_wait3A_423 : memref<625x16xf32, #tpu.memory_space<hbm>>)
        tpu.yield
      }) : () -> ()
    } else {
    }
    return
  }
}

module attributes {stable_mosaic.version = 14 : i64} {
  func.func @body(%arg0: memref<10000x128xf32, #tpu.memory_space<vmem>>, %arg1: memref<128x5xf32, #tpu.memory_space<vmem>>, %arg2: memref<10000xf32, #tpu.memory_space<vmem>>, %arg3: memref<10000xf32, #tpu.memory_space<vmem>>, %arg4: memref<10000xf32, #tpu.memory_space<vmem>>, %arg5: memref<10000xf32, #tpu.memory_space<vmem>>, %arg6: memref<10000xf32, #tpu.memory_space<vmem>>) attributes {dimension_semantics = [], scalar_prefetch = 0 : i64, scratch_operands = 0 : i64, tpu.core_type = #tpu.core_type<tc>} {
    %get3A = arith.constant 0 : index
    %get3A_0 = arith.constant 0 : index
    %get3A_1 = vector.load %arg1[%get3A, %get3A_0] : memref<128x5xf32, #tpu.memory_space<vmem>>, vector<128x5xf32>
    %get3A_2 = arith.constant 0 : index
    %get3A_3 = arith.constant 0 : index
    %get3A_4 = vector.load %arg0[%get3A_2, %get3A_3] : memref<10000x128xf32, #tpu.memory_space<vmem>>, vector<10000x128xf32>
    %dot_general3A = arith.constant dense<0.000000e+00> : vector<5x10000xf32>
    %dot_general3A_5 = tpu.matmul %get3A_1, %get3A_4, %dot_general3A {dimension_numbers = #tpu.dot_dimension_numbers<[0], [1], [1], [0], [0, 1, 1, 0], [], []>, transpose_lhs_hint = false} : vector<128x5xf32>, vector<10000x128xf32>, vector<5x10000xf32> -> vector<5x10000xf32>
    %slice3A = vector.extract_strided_slice %dot_general3A_5 {offsets = [0, 0], sizes = [1, 10000], strides = [1, 1]} : vector<5x10000xf32> to vector<1x10000xf32>
    %squeeze3A = vector.shape_cast %slice3A : vector<1x10000xf32> to vector<10000xf32>
    %swap3A = arith.constant 0 : index
    %swap3A_6 = vector.load %arg2[%swap3A] : memref<10000xf32, #tpu.memory_space<vmem>>, vector<10000xf32>
    tpu.vector_store %arg2[%swap3A], %squeeze3A {strides = array<i32>} : memref<10000xf32, #tpu.memory_space<vmem>>, vector<10000xf32>,
    %slice3A_7 = vector.extract_strided_slice %dot_general3A_5 {offsets = [1, 0], sizes = [1, 10000], strides = [1, 1]} : vector<5x10000xf32> to vector<1x10000xf32>
    %squeeze3A_8 = vector.shape_cast %slice3A_7 : vector<1x10000xf32> to vector<10000xf32>
    %swap3A_9 = arith.constant 0 : index
    %swap3A_10 = vector.load %arg3[%swap3A_9] : memref<10000xf32, #tpu.memory_space<vmem>>, vector<10000xf32>
    tpu.vector_store %arg3[%swap3A_9], %squeeze3A_8 {strides = array<i32>} : memref<10000xf32, #tpu.memory_space<vmem>>, vector<10000xf32>,
    %slice3A_11 = vector.extract_strided_slice %dot_general3A_5 {offsets = [2, 0], sizes = [1, 10000], strides = [1, 1]} : vector<5x10000xf32> to vector<1x10000xf32>
    %squeeze3A_12 = vector.shape_cast %slice3A_11 : vector<1x10000xf32> to vector<10000xf32>
    %swap3A_13 = arith.constant 0 : index
    %swap3A_14 = vector.load %arg4[%swap3A_13] : memref<10000xf32, #tpu.memory_space<vmem>>, vector<10000xf32>
    tpu.vector_store %arg4[%swap3A_13], %squeeze3A_12 {strides = array<i32>} : memref<10000xf32, #tpu.memory_space<vmem>>, vector<10000xf32>,
    %slice3A_15 = vector.extract_strided_slice %dot_general3A_5 {offsets = [3, 0], sizes = [1, 10000], strides = [1, 1]} : vector<5x10000xf32> to vector<1x10000xf32>
    %squeeze3A_16 = vector.shape_cast %slice3A_15 : vector<1x10000xf32> to vector<10000xf32>
    %swap3A_17 = arith.constant 0 : index
    %swap3A_18 = vector.load %arg5[%swap3A_17] : memref<10000xf32, #tpu.memory_space<vmem>>, vector<10000xf32>
    tpu.vector_store %arg5[%swap3A_17], %squeeze3A_16 {strides = array<i32>} : memref<10000xf32, #tpu.memory_space<vmem>>, vector<10000xf32>,
    %slice3A_19 = vector.extract_strided_slice %dot_general3A_5 {offsets = [4, 0], sizes = [1, 10000], strides = [1, 1]} : vector<5x10000xf32> to vector<1x10000xf32>
    %squeeze3A_20 = vector.shape_cast %slice3A_19 : vector<1x10000xf32> to vector<10000xf32>
    %swap3A_21 = arith.constant 0 : index
    %swap3A_22 = vector.load %arg6[%swap3A_21] : memref<10000xf32, #tpu.memory_space<vmem>>, vector<10000xf32>
    tpu.vector_store %arg6[%swap3A_21], %squeeze3A_20 {strides = array<i32>} : memref<10000xf32, #tpu.memory_space<vmem>>, vector<10000xf32>,
    return
  }
}

module attributes {stable_mosaic.version = 14 : i64} {
  func.func @body(%arg0: memref<10000xf32, #tpu.memory_space<vmem>>, %arg1: memref<10000xf32, #tpu.memory_space<vmem>>, %arg2: memref<10000xf32, #tpu.memory_space<vmem>>, %arg3: memref<10000xf32, #tpu.memory_space<vmem>>, %arg4: memref<10000xf32, #tpu.memory_space<vmem>>, %arg5: memref<10000xf32, #tpu.memory_space<vmem>>, %arg6: memref<10000xf32, #tpu.memory_space<vmem>>, %arg7: memref<10000xi32, #tpu.memory_space<vmem>>, %arg8: memref<10000xi32, #tpu.memory_space<vmem>>, %arg9: memref<10000xi32, #tpu.memory_space<vmem>>, %arg10: memref<10000xf32, #tpu.memory_space<vmem>>, %arg11: memref<10000xf32, #tpu.memory_space<vmem>>, %arg12: memref<10000xf32, #tpu.memory_space<vmem>>, %arg13: memref<10000xf32, #tpu.memory_space<vmem>>, %arg14: memref<10000xf32, #tpu.memory_space<vmem>>, %arg15: memref<10000xf32, #tpu.memory_space<vmem>>) attributes {dimension_semantics = [], scalar_prefetch = 0 : i64, scratch_operands = 0 : i64, tpu.core_type = #tpu.core_type<tc>} {
    %get3A = arith.constant 0 : index
    %get3A_0 = vector.load %arg0[%get3A] : memref<10000xf32, #tpu.memory_space<vmem>>, vector<10000xf32>
    %get3A_1 = arith.constant 0 : index
    %get3A_2 = vector.load %arg1[%get3A_1] : memref<10000xf32, #tpu.memory_space<vmem>>, vector<10000xf32>
    %add3A = arith.addf %get3A_0, %get3A_2 : vector<10000xf32>
    %add3A_3 = arith.constant 1.000000e+00 : f32
    %add3A_4 = vector.broadcast %add3A_3 : f32 to vector<10000xf32>
    %add3A_5 = arith.addf %add3A, %add3A_4 : vector<10000xf32>
    %rsqrt3A = math.rsqrt %add3A_5 : vector<10000xf32>
    %get3A_6 = arith.constant 0 : index
    %get3A_7 = vector.load %arg2[%get3A_6] : memref<10000xf32, #tpu.memory_space<vmem>>, vector<10000xf32>
    %mul3A = arith.mulf %rsqrt3A, %get3A_7 : vector<10000xf32>
    %get3A_8 = arith.constant 0 : index
    %get3A_9 = vector.load %arg3[%get3A_8] : memref<10000xf32, #tpu.memory_space<vmem>>, vector<10000xf32>
    %mul3A_10 = arith.mulf %rsqrt3A, %get3A_9 : vector<10000xf32>
    %get3A_11 = arith.constant 0 : index
    %get3A_12 = vector.load %arg4[%get3A_11] : memref<10000xf32, #tpu.memory_space<vmem>>, vector<10000xf32>
    %mul3A_13 = arith.mulf %rsqrt3A, %get3A_12 : vector<10000xf32>
    %get3A_14 = arith.constant 0 : index
    %get3A_15 = vector.load %arg5[%get3A_14] : memref<10000xf32, #tpu.memory_space<vmem>>, vector<10000xf32>
    %mul3A_16 = arith.mulf %rsqrt3A, %get3A_15 : vector<10000xf32>
    %get3A_17 = arith.constant 0 : index
    %get3A_18 = vector.load %arg6[%get3A_17] : memref<10000xf32, #tpu.memory_space<vmem>>, vector<10000xf32>
    %mul3A_19 = arith.mulf %rsqrt3A, %get3A_18 : vector<10000xf32>
    %convert_element_type3A = arith.truncf %mul3A : vector<10000xf32> to vector<10000xbf16>
    %bitcast_convert_type3A = tpu.bitcast %convert_element_type3A : vector<10000xbf16> -> vector<10000xi16>
    %convert_element_type3A_20 = arith.extui %bitcast_convert_type3A : vector<10000xi16> to vector<10000xi32>
    %convert_element_type3A_21 = arith.truncf %mul3A_10 : vector<10000xf32> to vector<10000xbf16>
    %bitcast_convert_type3A_22 = tpu.bitcast %convert_element_type3A_21 : vector<10000xbf16> -> vector<10000xi16>
    %convert_element_type3A_23 = arith.extui %bitcast_convert_type3A_22 : vector<10000xi16> to vector<10000xi32>
    %shift_left3A = arith.constant 16 : i32
    %shift_left3A_24 = vector.broadcast %shift_left3A : i32 to vector<10000xi32>
    %shift_left3A_25 = arith.shli %convert_element_type3A_23, %shift_left3A_24 : vector<10000xi32>
    %or3A = arith.ori %convert_element_type3A_20, %shift_left3A_25 : vector<10000xi32>
    %bitcast_convert_type3A_26 = tpu.bitcast %or3A : vector<10000xi32> -> vector<10000xi32>
    %convert_element_type3A_27 = arith.truncf %mul3A_13 : vector<10000xf32> to vector<10000xbf16>
    %bitcast_convert_type3A_28 = tpu.bitcast %convert_element_type3A_27 : vector<10000xbf16> -> vector<10000xi16>
    %convert_element_type3A_29 = arith.extui %bitcast_convert_type3A_28 : vector<10000xi16> to vector<10000xi32>
    %convert_element_type3A_30 = arith.truncf %mul3A_16 : vector<10000xf32> to vector<10000xbf16>
    %bitcast_convert_type3A_31 = tpu.bitcast %convert_element_type3A_30 : vector<10000xbf16> -> vector<10000xi16>
    %convert_element_type3A_32 = arith.extui %bitcast_convert_type3A_31 : vector<10000xi16> to vector<10000xi32>
    %shift_left3A_33 = arith.constant 16 : i32
    %shift_left3A_34 = vector.broadcast %shift_left3A_33 : i32 to vector<10000xi32>
    %shift_left3A_35 = arith.shli %convert_element_type3A_32, %shift_left3A_34 : vector<10000xi32>
    %or3A_36 = arith.ori %convert_element_type3A_29, %shift_left3A_35 : vector<10000xi32>
    %bitcast_convert_type3A_37 = tpu.bitcast %or3A_36 : vector<10000xi32> -> vector<10000xi32>
    %bitcast_convert_type3A_38 = tpu.bitcast %mul3A_19 : vector<10000xf32> -> vector<10000xi32>
    %swap3A = arith.constant 0 : index
    %swap3A_39 = vector.load %arg7[%swap3A] : memref<10000xi32, #tpu.memory_space<vmem>>, vector<10000xi32>
    tpu.vector_store %arg7[%swap3A], %bitcast_convert_type3A_26 {strides = array<i32>} : memref<10000xi32, #tpu.memory_space<vmem>>, vector<10000xi32>,
    %swap3A_40 = arith.constant 0 : index
    %swap3A_41 = vector.load %arg8[%swap3A_40] : memref<10000xi32, #tpu.memory_space<vmem>>, vector<10000xi32>
    tpu.vector_store %arg8[%swap3A_40], %bitcast_convert_type3A_37 {strides = array<i32>} : memref<10000xi32, #tpu.memory_space<vmem>>, vector<10000xi32>,
    %swap3A_42 = arith.constant 0 : index
    %swap3A_43 = vector.load %arg9[%swap3A_42] : memref<10000xi32, #tpu.memory_space<vmem>>, vector<10000xi32>
    tpu.vector_store %arg9[%swap3A_42], %bitcast_convert_type3A_38 {strides = array<i32>} : memref<10000xi32, #tpu.memory_space<vmem>>, vector<10000xi32>,
    %swap3A_44 = arith.constant 0 : index
    %swap3A_45 = vector.load %arg10[%swap3A_44] : memref<10000xf32, #tpu.memory_space<vmem>>, vector<10000xf32>
    tpu.vector_store %arg10[%swap3A_44], %mul3A {strides = array<i32>} : memref<10000xf32, #tpu.memory_space<vmem>>, vector<10000xf32>,
    %swap3A_46 = arith.constant 0 : index
    %swap3A_47 = vector.load %arg11[%swap3A_46] : memref<10000xf32, #tpu.memory_space<vmem>>, vector<10000xf32>
    tpu.vector_store %arg11[%swap3A_46], %mul3A_10 {strides = array<i32>} : memref<10000xf32, #tpu.memory_space<vmem>>, vector<10000xf32>,
    %swap3A_48 = arith.constant 0 : index
    %swap3A_49 = vector.load %arg12[%swap3A_48] : memref<10000xf32, #tpu.memory_space<vmem>>, vector<10000xf32>
    tpu.vector_store %arg12[%swap3A_48], %mul3A_13 {strides = array<i32>} : memref<10000xf32, #tpu.memory_space<vmem>>, vector<10000xf32>,
    %swap3A_50 = arith.constant 0 : index
    %swap3A_51 = vector.load %arg13[%swap3A_50] : memref<10000xf32, #tpu.memory_space<vmem>>, vector<10000xf32>
    tpu.vector_store %arg13[%swap3A_50], %mul3A_16 {strides = array<i32>} : memref<10000xf32, #tpu.memory_space<vmem>>, vector<10000xf32>,
    %swap3A_52 = arith.constant 0 : index
    %swap3A_53 = vector.load %arg14[%swap3A_52] : memref<10000xf32, #tpu.memory_space<vmem>>, vector<10000xf32>
    tpu.vector_store %arg14[%swap3A_52], %mul3A_19 {strides = array<i32>} : memref<10000xf32, #tpu.memory_space<vmem>>, vector<10000xf32>,
    %swap3A_54 = arith.constant 0 : index
    %swap3A_55 = vector.load %arg15[%swap3A_54] : memref<10000xf32, #tpu.memory_space<vmem>>, vector<10000xf32>
    tpu.vector_store %arg15[%swap3A_54], %rsqrt3A {strides = array<i32>} : memref<10000xf32, #tpu.memory_space<vmem>>, vector<10000xf32>,
    return
  }
}

module attributes {stable_mosaic.version = 14 : i64} {
  func.func @body(%arg0: memref<50000xf32, #tpu.memory_space<vmem>>, %arg1: memref<50000xf32, #tpu.memory_space<vmem>>, %arg2: memref<10000xf32, #tpu.memory_space<vmem>>, %arg3: memref<10000xf32, #tpu.memory_space<vmem>>, %arg4: memref<10000xf32, #tpu.memory_space<vmem>>, %arg5: memref<10000xf32, #tpu.memory_space<vmem>>, %arg6: memref<10000xf32, #tpu.memory_space<vmem>>, %arg7: memref<10000xf32, #tpu.memory_space<vmem>>, %arg8: memref<5x1xf32, #tpu.memory_space<vmem>>, %arg9: memref<5x8xf32, #tpu.memory_space<vmem>>, %arg10: memref<10000xi32, #tpu.memory_space<vmem>>, %arg11: memref<10000xi32, #tpu.memory_space<vmem>>, %arg12: memref<10000xi32, #tpu.memory_space<vmem>>, %arg13: memref<10000xi32, #tpu.memory_space<vmem>>, %arg14: memref<10000xf32, #tpu.memory_space<vmem>>, %arg15: memref<10000xf32, #tpu.memory_space<vmem>>, %arg16: memref<10000xf32, #tpu.memory_space<vmem>>, %arg17: memref<10000xf32, #tpu.memory_space<vmem>>, %arg18: memref<10000xf32, #tpu.memory_space<vmem>>, %arg19: memref<10000xf32, #tpu.memory_space<vmem>>, %arg20: memref<10000xf32, #tpu.memory_space<vmem>>, %arg21: memref<10000xf32, #tpu.memory_space<vmem>>) attributes {dimension_semantics = [], scalar_prefetch = 0 : i64, scratch_operands = 0 : i64, tpu.core_type = #tpu.core_type<tc>} {
    %get3A = arith.constant 0 : index
    %get3A_0 = vector.load %arg7[%get3A] : memref<10000xf32, #tpu.memory_space<vmem>>, vector<10000xf32>
    %get3A_1 = arith.constant 0 : index
    %get3A_2 = vector.load %arg0[%get3A_1] : memref<50000xf32, #tpu.memory_space<vmem>>, vector<10000xf32>
    %get3A_3 = arith.constant 0 : index
    %get3A_4 = vector.load %arg1[%get3A_3] : memref<50000xf32, #tpu.memory_space<vmem>>, vector<10000xf32>
    %add3A = arith.addf %get3A_2, %get3A_4 : vector<10000xf32>
    %get3A_5 = arith.constant 0 : index
    %get3A_6 = vector.load %arg2[%get3A_5] : memref<10000xf32, #tpu.memory_space<vmem>>, vector<10000xf32>
    %add3A_7 = arith.addf %add3A, %get3A_6 : vector<10000xf32>
    %get3A_8 = arith.constant 10000 : index
    %get3A_9 = vector.load %arg0[%get3A_8] : memref<50000xf32, #tpu.memory_space<vmem>>, vector<10000xf32>
    %get3A_10 = arith.constant 10000 : index
    %get3A_11 = vector.load %arg1[%get3A_10] : memref<50000xf32, #tpu.memory_space<vmem>>, vector<10000xf32>
    %add3A_12 = arith.addf %get3A_9, %get3A_11 : vector<10000xf32>
    %get3A_13 = arith.constant 0 : index
    %get3A_14 = vector.load %arg3[%get3A_13] : memref<10000xf32, #tpu.memory_space<vmem>>, vector<10000xf32>
    %add3A_15 = arith.addf %add3A_12, %get3A_14 : vector<10000xf32>
    %get3A_16 = arith.constant 20000 : index
    %get3A_17 = vector.load %arg0[%get3A_16] : memref<50000xf32, #tpu.memory_space<vmem>>, vector<10000xf32>
    %get3A_18 = arith.constant 20000 : index
    %get3A_19 = vector.load %arg1[%get3A_18] : memref<50000xf32, #tpu.memory_space<vmem>>, vector<10000xf32>
    %add3A_20 = arith.addf %get3A_17, %get3A_19 : vector<10000xf32>
    %get3A_21 = arith.constant 0 : index
    %get3A_22 = vector.load %arg4[%get3A_21] : memref<10000xf32, #tpu.memory_space<vmem>>, vector<10000xf32>
    %add3A_23 = arith.addf %add3A_20, %get3A_22 : vector<10000xf32>
    %get3A_24 = arith.constant 30000 : index
    %get3A_25 = vector.load %arg0[%get3A_24] : memref<50000xf32, #tpu.memory_space<vmem>>, vector<10000xf32>
    %get3A_26 = arith.constant 30000 : index
    %get3A_27 = vector.load %arg1[%get3A_26] : memref<50000xf32, #tpu.memory_space<vmem>>, vector<10000xf32>
    %add3A_28 = arith.addf %get3A_25, %get3A_27 : vector<10000xf32>
    %get3A_29 = arith.constant 0 : index
    %get3A_30 = vector.load %arg5[%get3A_29] : memref<10000xf32, #tpu.memory_space<vmem>>, vector<10000xf32>
    %add3A_31 = arith.addf %add3A_28, %get3A_30 : vector<10000xf32>
    %get3A_32 = arith.constant 40000 : index
    %get3A_33 = vector.load %arg0[%get3A_32] : memref<50000xf32, #tpu.memory_space<vmem>>, vector<10000xf32>
    %get3A_34 = arith.constant 40000 : index
    %get3A_35 = vector.load %arg1[%get3A_34] : memref<50000xf32, #tpu.memory_space<vmem>>, vector<10000xf32>
    %add3A_36 = arith.addf %get3A_33, %get3A_35 : vector<10000xf32>
    %get3A_37 = arith.constant 0 : index
    %get3A_38 = vector.load %arg6[%get3A_37] : memref<10000xf32, #tpu.memory_space<vmem>>, vector<10000xf32>
    %add3A_39 = arith.addf %add3A_36, %get3A_38 : vector<10000xf32>
    %stack3A = vector.shape_cast %add3A_7 : vector<10000xf32> to vector<1x10000xf32>
    %stack3A_40 = vector.shape_cast %add3A_15 : vector<10000xf32> to vector<1x10000xf32>
    %stack3A_41 = vector.shape_cast %add3A_23 : vector<10000xf32> to vector<1x10000xf32>
    %stack3A_42 = vector.shape_cast %add3A_31 : vector<10000xf32> to vector<1x10000xf32>
    %stack3A_43 = vector.shape_cast %add3A_39 : vector<10000xf32> to vector<1x10000xf32>
    %stack3A_44 = tpu.concatenate %stack3A, %stack3A_40, %stack3A_41, %stack3A_42, %stack3A_43 in 0 : vector<1x10000xf32>, vector<1x10000xf32>, vector<1x10000xf32>, vector<1x10000xf32>, vector<1x10000xf32> -> vector<5x10000xf32>
    %broadcast_in_dim3A = vector.shape_cast %get3A_0 : vector<10000xf32> to vector<1x10000xf32>
    %mul3A = vector.broadcast %broadcast_in_dim3A : vector<1x10000xf32> to vector<5x10000xf32>
    %mul3A_45 = arith.mulf %mul3A, %stack3A_44 : vector<5x10000xf32>
    %get3A_46 = arith.constant 0 : index
    %get3A_47 = arith.constant 0 : index
    %get3A_48 = vector.load %arg8[%get3A_46, %get3A_47] : memref<5x1xf32, #tpu.memory_space<vmem>>, vector<5x1xf32>
    %add3A_49 = vector.broadcast %get3A_48 : vector<5x1xf32> to vector<5x10000xf32>
    %add3A_50 = arith.addf %mul3A_45, %add3A_49 : vector<5x10000xf32>
    %max3A = arith.constant 0.000000e+00 : f32
    %max3A_51 = vector.broadcast %max3A : f32 to vector<5x10000xf32>
    %max3A_52 = arith.maximumf %add3A_50, %max3A_51 : vector<5x10000xf32>
    %get3A_53 = arith.constant 0 : index
    %get3A_54 = arith.constant 0 : index
    %get3A_55 = vector.load %arg9[%get3A_53, %get3A_54] : memref<5x8xf32, #tpu.memory_space<vmem>>, vector<5x8xf32>
    %transpose3A = tpu.transpose %get3A_55, [1, 0] : vector<5x8xf32> -> vector<8x5xf32>
    %dot_general3A = arith.constant dense<0.000000e+00> : vector<8x10000xf32>
    %dot_general3A_56 = tpu.matmul %transpose3A, %max3A_52, %dot_general3A {dimension_numbers = #tpu.dot_dimension_numbers<[1], [0], [0], [1], [0, 0, 1, 1], [], []>, transpose_lhs_hint = false} : vector<8x5xf32>, vector<5x10000xf32>, vector<8x10000xf32> -> vector<8x10000xf32>
    %slice3A = vector.extract_strided_slice %dot_general3A_56 {offsets = [0, 0], sizes = [1, 10000], strides = [1, 1]} : vector<8x10000xf32> to vector<1x10000xf32>
    %squeeze3A = vector.shape_cast %slice3A : vector<1x10000xf32> to vector<10000xf32>
    %mul3A_57 = arith.mulf %get3A_0, %squeeze3A : vector<10000xf32>
    %slice3A_58 = vector.extract_strided_slice %dot_general3A_56 {offsets = [1, 0], sizes = [1, 10000], strides = [1, 1]} : vector<8x10000xf32> to vector<1x10000xf32>
    %squeeze3A_59 = vector.shape_cast %slice3A_58 : vector<1x10000xf32> to vector<10000xf32>
    %mul3A_60 = arith.mulf %get3A_0, %squeeze3A_59 : vector<10000xf32>
    %slice3A_61 = vector.extract_strided_slice %dot_general3A_56 {offsets = [2, 0], sizes = [1, 10000], strides = [1, 1]} : vector<8x10000xf32> to vector<1x10000xf32>
    %squeeze3A_62 = vector.shape_cast %slice3A_61 : vector<1x10000xf32> to vector<10000xf32>
    %mul3A_63 = arith.mulf %get3A_0, %squeeze3A_62 : vector<10000xf32>
    %slice3A_64 = vector.extract_strided_slice %dot_general3A_56 {offsets = [3, 0], sizes = [1, 10000], strides = [1, 1]} : vector<8x10000xf32> to vector<1x10000xf32>
    %squeeze3A_65 = vector.shape_cast %slice3A_64 : vector<1x10000xf32> to vector<10000xf32>
    %mul3A_66 = arith.mulf %get3A_0, %squeeze3A_65 : vector<10000xf32>
    %slice3A_67 = vector.extract_strided_slice %dot_general3A_56 {offsets = [4, 0], sizes = [1, 10000], strides = [1, 1]} : vector<8x10000xf32> to vector<1x10000xf32>
    %squeeze3A_68 = vector.shape_cast %slice3A_67 : vector<1x10000xf32> to vector<10000xf32>
    %mul3A_69 = arith.mulf %get3A_0, %squeeze3A_68 : vector<10000xf32>
    %slice3A_70 = vector.extract_strided_slice %dot_general3A_56 {offsets = [5, 0], sizes = [1, 10000], strides = [1, 1]} : vector<8x10000xf32> to vector<1x10000xf32>
    %squeeze3A_71 = vector.shape_cast %slice3A_70 : vector<1x10000xf32> to vector<10000xf32>
    %mul3A_72 = arith.mulf %get3A_0, %squeeze3A_71 : vector<10000xf32>
    %slice3A_73 = vector.extract_strided_slice %dot_general3A_56 {offsets = [6, 0], sizes = [1, 10000], strides = [1, 1]} : vector<8x10000xf32> to vector<1x10000xf32>
    %squeeze3A_74 = vector.shape_cast %slice3A_73 : vector<1x10000xf32> to vector<10000xf32>
    %mul3A_75 = arith.mulf %get3A_0, %squeeze3A_74 : vector<10000xf32>
    %slice3A_76 = vector.extract_strided_slice %dot_general3A_56 {offsets = [7, 0], sizes = [1, 10000], strides = [1, 1]} : vector<8x10000xf32> to vector<1x10000xf32>
    %squeeze3A_77 = vector.shape_cast %slice3A_76 : vector<1x10000xf32> to vector<10000xf32>
    %mul3A_78 = arith.mulf %get3A_0, %squeeze3A_77 : vector<10000xf32>
    %convert_element_type3A = arith.truncf %mul3A_57 : vector<10000xf32> to vector<10000xbf16>
    %bitcast_convert_type3A = tpu.bitcast %convert_element_type3A : vector<10000xbf16> -> vector<10000xi16>
    %convert_element_type3A_79 = arith.extui %bitcast_convert_type3A : vector<10000xi16> to vector<10000xi32>
    %convert_element_type3A_80 = arith.truncf %mul3A_60 : vector<10000xf32> to vector<10000xbf16>
    %bitcast_convert_type3A_81 = tpu.bitcast %convert_element_type3A_80 : vector<10000xbf16> -> vector<10000xi16>
    %convert_element_type3A_82 = arith.extui %bitcast_convert_type3A_81 : vector<10000xi16> to vector<10000xi32>
    %shift_left3A = arith.constant 16 : i32
    %shift_left3A_83 = vector.broadcast %shift_left3A : i32 to vector<10000xi32>
    %shift_left3A_84 = arith.shli %convert_element_type3A_82, %shift_left3A_83 : vector<10000xi32>
    %or3A = arith.ori %convert_element_type3A_79, %shift_left3A_84 : vector<10000xi32>
    %bitcast_convert_type3A_85 = tpu.bitcast %or3A : vector<10000xi32> -> vector<10000xi32>
    %convert_element_type3A_86 = arith.truncf %mul3A_63 : vector<10000xf32> to vector<10000xbf16>
    %bitcast_convert_type3A_87 = tpu.bitcast %convert_element_type3A_86 : vector<10000xbf16> -> vector<10000xi16>
    %convert_element_type3A_88 = arith.extui %bitcast_convert_type3A_87 : vector<10000xi16> to vector<10000xi32>
    %convert_element_type3A_89 = arith.truncf %mul3A_66 : vector<10000xf32> to vector<10000xbf16>
    %bitcast_convert_type3A_90 = tpu.bitcast %convert_element_type3A_89 : vector<10000xbf16> -> vector<10000xi16>
    %convert_element_type3A_91 = arith.extui %bitcast_convert_type3A_90 : vector<10000xi16> to vector<10000xi32>
    %shift_left3A_92 = arith.constant 16 : i32
    %shift_left3A_93 = vector.broadcast %shift_left3A_92 : i32 to vector<10000xi32>
    %shift_left3A_94 = arith.shli %convert_element_type3A_91, %shift_left3A_93 : vector<10000xi32>
    %or3A_95 = arith.ori %convert_element_type3A_88, %shift_left3A_94 : vector<10000xi32>
    %bitcast_convert_type3A_96 = tpu.bitcast %or3A_95 : vector<10000xi32> -> vector<10000xi32>
    %convert_element_type3A_97 = arith.truncf %mul3A_69 : vector<10000xf32> to vector<10000xbf16>
    %bitcast_convert_type3A_98 = tpu.bitcast %convert_element_type3A_97 : vector<10000xbf16> -> vector<10000xi16>
    %convert_element_type3A_99 = arith.extui %bitcast_convert_type3A_98 : vector<10000xi16> to vector<10000xi32>
    %convert_element_type3A_100 = arith.truncf %mul3A_72 : vector<10000xf32> to vector<10000xbf16>
    %bitcast_convert_type3A_101 = tpu.bitcast %convert_element_type3A_100 : vector<10000xbf16> -> vector<10000xi16>
    %convert_element_type3A_102 = arith.extui %bitcast_convert_type3A_101 : vector<10000xi16> to vector<10000xi32>
    %shift_left3A_103 = arith.constant 16 : i32
    %shift_left3A_104 = vector.broadcast %shift_left3A_103 : i32 to vector<10000xi32>
    %shift_left3A_105 = arith.shli %convert_element_type3A_102, %shift_left3A_104 : vector<10000xi32>
    %or3A_106 = arith.ori %convert_element_type3A_99, %shift_left3A_105 : vector<10000xi32>
    %bitcast_convert_type3A_107 = tpu.bitcast %or3A_106 : vector<10000xi32> -> vector<10000xi32>
    %convert_element_type3A_108 = arith.truncf %mul3A_75 : vector<10000xf32> to vector<10000xbf16>
    %bitcast_convert_type3A_109 = tpu.bitcast %convert_element_type3A_108 : vector<10000xbf16> -> vector<10000xi16>
    %convert_element_type3A_110 = arith.extui %bitcast_convert_type3A_109 : vector<10000xi16> to vector<10000xi32>
    %convert_element_type3A_111 = arith.truncf %mul3A_78 : vector<10000xf32> to vector<10000xbf16>
    %bitcast_convert_type3A_112 = tpu.bitcast %convert_element_type3A_111 : vector<10000xbf16> -> vector<10000xi16>
    %convert_element_type3A_113 = arith.extui %bitcast_convert_type3A_112 : vector<10000xi16> to vector<10000xi32>
    %shift_left3A_114 = arith.constant 16 : i32
    %shift_left3A_115 = vector.broadcast %shift_left3A_114 : i32 to vector<10000xi32>
    %shift_left3A_116 = arith.shli %convert_element_type3A_113, %shift_left3A_115 : vector<10000xi32>
    %or3A_117 = arith.ori %convert_element_type3A_110, %shift_left3A_116 : vector<10000xi32>
    %bitcast_convert_type3A_118 = tpu.bitcast %or3A_117 : vector<10000xi32> -> vector<10000xi32>
    %swap3A = arith.constant 0 : index
    %swap3A_119 = vector.load %arg10[%swap3A] : memref<10000xi32, #tpu.memory_space<vmem>>, vector<10000xi32>
    tpu.vector_store %arg10[%swap3A], %bitcast_convert_type3A_85 {strides = array<i32>} : memref<10000xi32, #tpu.memory_space<vmem>>, vector<10000xi32>,
    %swap3A_120 = arith.constant 0 : index
    %swap3A_121 = vector.load %arg11[%swap3A_120] : memref<10000xi32, #tpu.memory_space<vmem>>, vector<10000xi32>
    tpu.vector_store %arg11[%swap3A_120], %bitcast_convert_type3A_96 {strides = array<i32>} : memref<10000xi32, #tpu.memory_space<vmem>>, vector<10000xi32>,
    %swap3A_122 = arith.constant 0 : index
    %swap3A_123 = vector.load %arg12[%swap3A_122] : memref<10000xi32, #tpu.memory_space<vmem>>, vector<10000xi32>
    tpu.vector_store %arg12[%swap3A_122], %bitcast_convert_type3A_107 {strides = array<i32>} : memref<10000xi32, #tpu.memory_space<vmem>>, vector<10000xi32>,
    %swap3A_124 = arith.constant 0 : index
    %swap3A_125 = vector.load %arg13[%swap3A_124] : memref<10000xi32, #tpu.memory_space<vmem>>, vector<10000xi32>
    tpu.vector_store %arg13[%swap3A_124], %bitcast_convert_type3A_118 {strides = array<i32>} : memref<10000xi32, #tpu.memory_space<vmem>>, vector<10000xi32>,
    %swap3A_126 = arith.constant 0 : index
    %swap3A_127 = vector.load %arg14[%swap3A_126] : memref<10000xf32, #tpu.memory_space<vmem>>, vector<10000xf32>
    tpu.vector_store %arg14[%swap3A_126], %mul3A_57 {strides = array<i32>} : memref<10000xf32, #tpu.memory_space<vmem>>, vector<10000xf32>,
    %swap3A_128 = arith.constant 0 : index
    %swap3A_129 = vector.load %arg15[%swap3A_128] : memref<10000xf32, #tpu.memory_space<vmem>>, vector<10000xf32>
    tpu.vector_store %arg15[%swap3A_128], %mul3A_60 {strides = array<i32>} : memref<10000xf32, #tpu.memory_space<vmem>>, vector<10000xf32>,
    %swap3A_130 = arith.constant 0 : index
    %swap3A_131 = vector.load %arg16[%swap3A_130] : memref<10000xf32, #tpu.memory_space<vmem>>, vector<10000xf32>
    tpu.vector_store %arg16[%swap3A_130], %mul3A_63 {strides = array<i32>} : memref<10000xf32, #tpu.memory_space<vmem>>, vector<10000xf32>,
    %swap3A_132 = arith.constant 0 : index
    %swap3A_133 = vector.load %arg17[%swap3A_132] : memref<10000xf32, #tpu.memory_space<vmem>>, vector<10000xf32>
    tpu.vector_store %arg17[%swap3A_132], %mul3A_66 {strides = array<i32>} : memref<10000xf32, #tpu.memory_space<vmem>>, vector<10000xf32>,
    %swap3A_134 = arith.constant 0 : index
    %swap3A_135 = vector.load %arg18[%swap3A_134] : memref<10000xf32, #tpu.memory_space<vmem>>, vector<10000xf32>
    tpu.vector_store %arg18[%swap3A_134], %mul3A_69 {strides = array<i32>} : memref<10000xf32, #tpu.memory_space<vmem>>, vector<10000xf32>,
    %swap3A_136 = arith.constant 0 : index
    %swap3A_137 = vector.load %arg19[%swap3A_136] : memref<10000xf32, #tpu.memory_space<vmem>>, vector<10000xf32>
    tpu.vector_store %arg19[%swap3A_136], %mul3A_72 {strides = array<i32>} : memref<10000xf32, #tpu.memory_space<vmem>>, vector<10000xf32>,
    %swap3A_138 = arith.constant 0 : index
    %swap3A_139 = vector.load %arg20[%swap3A_138] : memref<10000xf32, #tpu.memory_space<vmem>>, vector<10000xf32>
    tpu.vector_store %arg20[%swap3A_138], %mul3A_75 {strides = array<i32>} : memref<10000xf32, #tpu.memory_space<vmem>>, vector<10000xf32>,
    %swap3A_140 = arith.constant 0 : index
    %swap3A_141 = vector.load %arg21[%swap3A_140] : memref<10000xf32, #tpu.memory_space<vmem>>, vector<10000xf32>
    tpu.vector_store %arg21[%swap3A_140], %mul3A_78 {strides = array<i32>} : memref<10000xf32, #tpu.memory_space<vmem>>, vector<10000xf32>,
    return
  }
}

module attributes {stable_mosaic.version = 14 : i64} {
  func.func @body(%arg0: memref<80000xf32, #tpu.memory_space<vmem>>, %arg1: memref<80000xf32, #tpu.memory_space<vmem>>, %arg2: memref<10000xf32, #tpu.memory_space<vmem>>, %arg3: memref<10000xf32, #tpu.memory_space<vmem>>, %arg4: memref<10000xf32, #tpu.memory_space<vmem>>, %arg5: memref<10000xf32, #tpu.memory_space<vmem>>, %arg6: memref<10000xf32, #tpu.memory_space<vmem>>, %arg7: memref<10000xf32, #tpu.memory_space<vmem>>, %arg8: memref<10000xf32, #tpu.memory_space<vmem>>, %arg9: memref<10000xf32, #tpu.memory_space<vmem>>, %arg10: memref<10000xf32, #tpu.memory_space<vmem>>, %arg11: memref<8x1xf32, #tpu.memory_space<vmem>>, %arg12: memref<8x10000xf32, #tpu.memory_space<vmem>>) attributes {dimension_semantics = [], scalar_prefetch = 0 : i64, scratch_operands = 0 : i64, tpu.core_type = #tpu.core_type<tc>} {
    %get3A = arith.constant 0 : index
    %get3A_0 = vector.load %arg10[%get3A] : memref<10000xf32, #tpu.memory_space<vmem>>, vector<10000xf32>
    %get3A_1 = arith.constant 0 : index
    %get3A_2 = vector.load %arg0[%get3A_1] : memref<80000xf32, #tpu.memory_space<vmem>>, vector<10000xf32>
    %get3A_3 = arith.constant 0 : index
    %get3A_4 = vector.load %arg1[%get3A_3] : memref<80000xf32, #tpu.memory_space<vmem>>, vector<10000xf32>
    %add3A = arith.addf %get3A_2, %get3A_4 : vector<10000xf32>
    %get3A_5 = arith.constant 0 : index
    %get3A_6 = vector.load %arg2[%get3A_5] : memref<10000xf32, #tpu.memory_space<vmem>>, vector<10000xf32>
    %add3A_7 = arith.addf %add3A, %get3A_6 : vector<10000xf32>
    %get3A_8 = arith.constant 10000 : index
    %get3A_9 = vector.load %arg0[%get3A_8] : memref<80000xf32, #tpu.memory_space<vmem>>, vector<10000xf32>
    %get3A_10 = arith.constant 10000 : index
    %get3A_11 = vector.load %arg1[%get3A_10] : memref<80000xf32, #tpu.memory_space<vmem>>, vector<10000xf32>
    %add3A_12 = arith.addf %get3A_9, %get3A_11 : vector<10000xf32>
    %get3A_13 = arith.constant 0 : index
    %get3A_14 = vector.load %arg3[%get3A_13] : memref<10000xf32, #tpu.memory_space<vmem>>, vector<10000xf32>
    %add3A_15 = arith.addf %add3A_12, %get3A_14 : vector<10000xf32>
    %get3A_16 = arith.constant 20000 : index
    %get3A_17 = vector.load %arg0[%get3A_16] : memref<80000xf32, #tpu.memory_space<vmem>>, vector<10000xf32>
    %get3A_18 = arith.constant 20000 : index
    %get3A_19 = vector.load %arg1[%get3A_18] : memref<80000xf32, #tpu.memory_space<vmem>>, vector<10000xf32>
    %add3A_20 = arith.addf %get3A_17, %get3A_19 : vector<10000xf32>
    %get3A_21 = arith.constant 0 : index
    %get3A_22 = vector.load %arg4[%get3A_21] : memref<10000xf32, #tpu.memory_space<vmem>>, vector<10000xf32>
    %add3A_23 = arith.addf %add3A_20, %get3A_22 : vector<10000xf32>
    %get3A_24 = arith.constant 30000 : index
    %get3A_25 = vector.load %arg0[%get3A_24] : memref<80000xf32, #tpu.memory_space<vmem>>, vector<10000xf32>
    %get3A_26 = arith.constant 30000 : index
    %get3A_27 = vector.load %arg1[%get3A_26] : memref<80000xf32, #tpu.memory_space<vmem>>, vector<10000xf32>
    %add3A_28 = arith.addf %get3A_25, %get3A_27 : vector<10000xf32>
    %get3A_29 = arith.constant 0 : index
    %get3A_30 = vector.load %arg5[%get3A_29] : memref<10000xf32, #tpu.memory_space<vmem>>, vector<10000xf32>
    %add3A_31 = arith.addf %add3A_28, %get3A_30 : vector<10000xf32>
    %get3A_32 = arith.constant 40000 : index
    %get3A_33 = vector.load %arg0[%get3A_32] : memref<80000xf32, #tpu.memory_space<vmem>>, vector<10000xf32>
    %get3A_34 = arith.constant 40000 : index
    %get3A_35 = vector.load %arg1[%get3A_34] : memref<80000xf32, #tpu.memory_space<vmem>>, vector<10000xf32>
    %add3A_36 = arith.addf %get3A_33, %get3A_35 : vector<10000xf32>
    %get3A_37 = arith.constant 0 : index
    %get3A_38 = vector.load %arg6[%get3A_37] : memref<10000xf32, #tpu.memory_space<vmem>>, vector<10000xf32>
    %add3A_39 = arith.addf %add3A_36, %get3A_38 : vector<10000xf32>
    %get3A_40 = arith.constant 50000 : index
    %get3A_41 = vector.load %arg0[%get3A_40] : memref<80000xf32, #tpu.memory_space<vmem>>, vector<10000xf32>
    %get3A_42 = arith.constant 50000 : index
    %get3A_43 = vector.load %arg1[%get3A_42] : memref<80000xf32, #tpu.memory_space<vmem>>, vector<10000xf32>
    %add3A_44 = arith.addf %get3A_41, %get3A_43 : vector<10000xf32>
    %get3A_45 = arith.constant 0 : index
    %get3A_46 = vector.load %arg7[%get3A_45] : memref<10000xf32, #tpu.memory_space<vmem>>, vector<10000xf32>
    %add3A_47 = arith.addf %add3A_44, %get3A_46 : vector<10000xf32>
    %get3A_48 = arith.constant 60000 : index
    %get3A_49 = vector.load %arg0[%get3A_48] : memref<80000xf32, #tpu.memory_space<vmem>>, vector<10000xf32>
    %get3A_50 = arith.constant 60000 : index
    %get3A_51 = vector.load %arg1[%get3A_50] : memref<80000xf32, #tpu.memory_space<vmem>>, vector<10000xf32>
    %add3A_52 = arith.addf %get3A_49, %get3A_51 : vector<10000xf32>
    %get3A_53 = arith.constant 0 : index
    %get3A_54 = vector.load %arg8[%get3A_53] : memref<10000xf32, #tpu.memory_space<vmem>>, vector<10000xf32>
    %add3A_55 = arith.addf %add3A_52, %get3A_54 : vector<10000xf32>
    %get3A_56 = arith.constant 70000 : index
    %get3A_57 = vector.load %arg0[%get3A_56] : memref<80000xf32, #tpu.memory_space<vmem>>, vector<10000xf32>
    %get3A_58 = arith.constant 70000 : index
    %get3A_59 = vector.load %arg1[%get3A_58] : memref<80000xf32, #tpu.memory_space<vmem>>, vector<10000xf32>
    %add3A_60 = arith.addf %get3A_57, %get3A_59 : vector<10000xf32>
    %get3A_61 = arith.constant 0 : index
    %get3A_62 = vector.load %arg9[%get3A_61] : memref<10000xf32, #tpu.memory_space<vmem>>, vector<10000xf32>
    %add3A_63 = arith.addf %add3A_60, %get3A_62 : vector<10000xf32>
    %stack3A = vector.shape_cast %add3A_7 : vector<10000xf32> to vector<1x10000xf32>
    %stack3A_64 = vector.shape_cast %add3A_15 : vector<10000xf32> to vector<1x10000xf32>
    %stack3A_65 = vector.shape_cast %add3A_23 : vector<10000xf32> to vector<1x10000xf32>
    %stack3A_66 = vector.shape_cast %add3A_31 : vector<10000xf32> to vector<1x10000xf32>
    %stack3A_67 = vector.shape_cast %add3A_39 : vector<10000xf32> to vector<1x10000xf32>
    %stack3A_68 = vector.shape_cast %add3A_47 : vector<10000xf32> to vector<1x10000xf32>
    %stack3A_69 = vector.shape_cast %add3A_55 : vector<10000xf32> to vector<1x10000xf32>
    %stack3A_70 = vector.shape_cast %add3A_63 : vector<10000xf32> to vector<1x10000xf32>
    %stack3A_71 = tpu.concatenate %stack3A, %stack3A_64, %stack3A_65, %stack3A_66, %stack3A_67, %stack3A_68, %stack3A_69, %stack3A_70 in 0 : vector<1x10000xf32>, vector<1x10000xf32>, vector<1x10000xf32>, vector<1x10000xf32>, vector<1x10000xf32>, vector<1x10000xf32>, vector<1x10000xf32>, vector<1x10000xf32> -> vector<8x10000xf32>
    %broadcast_in_dim3A = vector.shape_cast %get3A_0 : vector<10000xf32> to vector<1x10000xf32>
    %mul3A = vector.broadcast %broadcast_in_dim3A : vector<1x10000xf32> to vector<8x10000xf32>
    %mul3A_72 = arith.mulf %mul3A, %stack3A_71 : vector<8x10000xf32>
    %get3A_73 = arith.constant 0 : index
    %get3A_74 = arith.constant 0 : index
    %get3A_75 = vector.load %arg11[%get3A_73, %get3A_74] : memref<8x1xf32, #tpu.memory_space<vmem>>, vector<8x1xf32>
    %add3A_76 = vector.broadcast %get3A_75 : vector<8x1xf32> to vector<8x10000xf32>
    %add3A_77 = arith.addf %mul3A_72, %add3A_76 : vector<8x10000xf32>
    %reduce_max3A = arith.constant dense<0xFF800000> : vector<10000xf32>
    %reduce_max3A_78 = vector.multi_reduction <maximumf>, %add3A_77, %reduce_max3A [0] : vector<8x10000xf32> to vector<10000xf32>
    %broadcast_in_dim3A_79 = vector.shape_cast %reduce_max3A_78 : vector<10000xf32> to vector<1x10000xf32>
    %sub3A = vector.broadcast %broadcast_in_dim3A_79 : vector<1x10000xf32> to vector<8x10000xf32>
    %sub3A_80 = arith.subf %add3A_77, %sub3A : vector<8x10000xf32>
    %exp3A = math.exp %sub3A_80 : vector<8x10000xf32>
    %reduce_sum3A = arith.constant dense<0.000000e+00> : vector<10000xf32>
    %reduce_sum3A_81 = vector.multi_reduction <add>, %exp3A, %reduce_sum3A [0] : vector<8x10000xf32> to vector<10000xf32>
    %broadcast_in_dim3A_82 = vector.shape_cast %reduce_sum3A_81 : vector<10000xf32> to vector<1x10000xf32>
    %log3A = math.log %broadcast_in_dim3A_82 : vector<1x10000xf32>
    %sub3A_83 = vector.broadcast %log3A : vector<1x10000xf32> to vector<8x10000xf32>
    %sub3A_84 = arith.subf %sub3A_80, %sub3A_83 : vector<8x10000xf32>
    %swap3A = arith.constant 0 : index
    %swap3A_85 = arith.constant 0 : index
    %swap3A_86 = vector.load %arg12[%swap3A, %swap3A_85] : memref<8x10000xf32, #tpu.memory_space<vmem>>, vector<8x10000xf32>
    tpu.vector_store %arg12[%swap3A, %swap3A_85], %sub3A_84 {strides = array<i32>} : memref<8x10000xf32, #tpu.memory_space<vmem>>, vector<8x10000xf32>,
    return
  }
}

</mosaic_0001>

<sc_bundles>
// kernel: kernel.12.cloned.1.call-start
scs
__scs_entry_jumppad:
0x0: {  	(pc) =	sbr.rel $0x88, $3  }
0x1: {  	(tag) =	ssettag $0x0;
	lr =	simm.s32 $0x1  }
0x2: {  	[smem:$0x3F9B] =	sst lr;
	_ =	strace $0xD0000000  }
0x3: {  	_ = 	snop  }
0x4: {  	_ = 	snop  }
0x5: {  	_ = 	snop  }
0x6: {  	_ = 	snop  }
0x7: {  	_ = 	snop  }
__scs_overlays_trampoline_lowered:
0x8: {  	[smem:$0x3FAA] =	sst s0  }
0x9: {  	[smem:$0x3FAB] =	sst s1  }
0xa: {  	[smem:$0x3FAC] =	sst s2  }
0xb: {  	[smem:$0x3FAD] =	sst s3  }
0xc: {  	[smem:$0x3FAE] =	sst s4  }
0xd: {  	[smem:$0x3FAF] =	sst s5  }
0xe: {  	[smem:$0x3FB0] =	sst s6  }
0xf: {  	[smem:$0x3FB1] =	sst s7  }
0x10: {  	[smem:$0x3FB2] =	sst s8  }
0x11: {  	[smem:$0x3FB3] =	sst s9;
	s0 =	simm.s32 @!p0 $0x0  }
0x12: {  	s1 =	sld [smem:$0x3F99];
	s0 =	simm.s32 @p0 $0x1  }
0x13: {  	[smem:$0x3FB4] =	sst s0;
	s0 =	simm.s32 @!p1 $0x0  }
0x14: {  	s2 =	sld [smem:$0x3F98];
	s0 =	simm.s32 @p1 $0x1  }
0x15: {  	[smem:$0x3FB5] =	sst s0;
	s0 =	simm.s32 @!p2 $0x0  }
0x16: {  	s3 =	sld [smem:$0x3FDB];
	s0 =	simm.s32 @p2 $0x1  }
0x17: {  	s4 =	simm.s32 $0x1BF5;
	[smem:$0x3FB7] =	sst s0  }
0x18: {  	s0 =	sld [smem:$0x3F9A];
	_ =	swait.ge [sflag:s4], $0x0  }
0x19: {  	s7 =	sld [smem:$0x3F9B]  }
0x1a: {  	s8 =	sadd.s32 $0xFFFFE003, lr  }
0x1b: {  	s9 =	sadd.s32 $0xFFFFFEF7, lr;
	s5 =	simm.s32 $0xFFFFFFFF;
	p2 =	slt.u32 s8, $0xFFFFF086  }
0x1c: {  	p1 =	slt.u32 s9, $0xF7A;
	s5 =	simm.s32 @!p2 $0x0  }
0x1d: {  	s5 =	simm.s32 @p1 $0x1;
	p0 =	seq.s32 s7, s2  }
0x1e: {  	s7 =	smul.u32 @!p0 $0xF7A, s2;
	p2 =	seq.s32 @!p0 s5, $0x0  }
0x1f: {  	s9 =	smul.u32 $0xF7A, s1;
	s8 =	simm.s32 @!p0 $0x1BF5;
	p2 =	por !p2, p0  }
0x20: {  	[sflag:s8] =	ssyncset.s32 @!p0 $0xFFFFF086;
	s6 =	sadd.s32 @!p0 s3, s7;
	s7 =	simm.s32 @!p0 $0x108  }
0x21: {  	s3 =	sadd.s32 s3, s9;
	s6 =	sadd.s32 @!p0 $0x88, s6;
	s7 =	simm.s32 @p2 $0x1082  }
0x22: {  	[simem:s7], [sflag:s8] =	dma.local @!p0 [hbm:s6], $0xF7A  }
0x23: {  	s9 =	sor.u32 $0xD0000000, s2;
	s6 =	simm.s32 $0x108;
	_ =	swait.ge @!p0 [sflag:s8], $0x0  }
0x24: {  	s3 =	sadd.s32 $0x88, s3;
	s6 =	simm.s32 @!p1 $0x1082;
	[sflag:s4] =	ssyncset.s32 $0xFFFFF086  }
0x25: {  	[simem:s6], [sflag:s4] =	dma.local [hbm:s3], $0xF7A  }
0x26: {  	[smem:$0x3F9B] =	sst s1;
	(tag) =	ssettag s2;
	_ =	strace s9  }
0x27: {  	s1 =	sld [smem:$0x3FAB]  }
0x28: {  	s2 =	sld [smem:$0x3FAC]  }
0x29: {  	s4 =	sld [smem:$0x3FAE]  }
0x2a: {  	p0 =	seq.s32 s5, $0x0;
	s5 =	sld [smem:$0x3FAF]  }
0x2b: {  	s6 =	sld [smem:$0x3FB0]  }
0x2c: {  	s7 =	sld [smem:$0x3FB1]  }
0x2d: {  	s3 =	simm.s32 $0x108;
	s8 =	sld [smem:$0x3FB2]  }
0x2e: {  	s3 =	simm.s32 @!p0 $0x1082;
	s9 =	sld [smem:$0x3FB3]  }
0x2f: {  	lr =	sadd.s32 s0, s3;
	s0 =	sld [smem:$0x3FAA]  }
0x30: {  	s3 =	sld [smem:$0x3FAD]  }
0x31: {  	[smem:$0x3FB6] =	sst s10  }
0x32: {  	s10 =	sld [smem:$0x3FB4];
	_ =	sdelay $0x3  }
0x33: {  	p0 =	seq.s32 s10, $0x1;
	s10 =	sld [smem:$0x3FB6];
	_ =	sdelay $0x3  }
0x34: {  	[smem:$0x3FB6] =	sst s10  }
0x35: {  	s10 =	sld [smem:$0x3FB5];
	_ =	sdelay $0x3  }
0x36: {  	p1 =	seq.s32 s10, $0x1;
	s10 =	sld [smem:$0x3FB6];
	_ =	sdelay $0x3  }
0x37: {  	[smem:$0x3FB6] =	sst s10  }
0x38: {  	s10 =	sld [smem:$0x3FB7]  }
0x39: {  	_ = 	snop;
	(pc) =	sbr.ind lr, $3  }
0x3a: {  	_ = 	snop  }
0x3b: {  	_ = 	snop  }
0x3c: {  	p2 =	seq.s32 s10, $0x1;
	s10 =	sld [smem:$0x3FB6]  }
0x3d: {  	_ =	shalt  }
0x3e: {  	_ =	shalt  }
0x3f: {  	_ =	shalt  }
0x40: {  	_ =	shalt  }
0x41: {  	_ =	shalt  }
0x42: {  	_ =	shalt  }
0x43: {  	_ =	shalt  }
0x44: {  	_ =	shalt  }
0x45: {  	_ =	shalt  }
0x46: {  	_ =	shalt  }
0x47: {  	_ =	shalt  }
0x48: {  	_ =	shalt  }
0x49: {  	_ =	shalt  }
0x4a: {  	_ =	shalt  }
0x4b: {  	_ =	shalt  }
0x4c: {  	_ =	shalt  }
0x4d: {  	_ =	shalt  }
0x4e: {  	_ =	shalt  }
0x4f: {  	_ =	shalt  }
0x50: {  	_ =	shalt  }
0x51: {  	_ =	shalt  }
0x52: {  	_ =	shalt  }
0x53: {  	_ =	shalt  }
0x54: {  	_ =	shalt  }
0x55: {  	_ =	shalt  }
0x56: {  	_ =	shalt  }
0x57: {  	_ =	shalt  }
0x58: {  	_ =	shalt  }
0x59: {  	_ =	shalt  }
0x5a: {  	_ =	shalt  }
0x5b: {  	_ =	shalt  }
0x5c: {  	_ =	shalt  }
0x5d: {  	_ =	shalt  }
0x5e: {  	_ =	shalt  }
0x5f: {  	_ =	shalt  }
0x60: {  	_ =	shalt  }
0x61: {  	_ =	shalt  }
0x62: {  	_ =	shalt  }
0x63: {  	_ =	shalt  }
0x64: {  	_ =	shalt  }
0x65: {  	_ =	shalt  }
0x66: {  	_ =	shalt  }
0x67: {  	_ =	shalt  }
0x68: {  	_ =	shalt  }
0x69: {  	_ =	shalt  }
0x6a: {  	_ =	shalt  }
0x6b: {  	_ =	shalt  }
0x6c: {  	_ =	shalt  }
0x6d: {  	_ =	shalt  }
0x6e: {  	_ =	shalt  }
0x6f: {  	_ =	shalt  }
0x70: {  	_ =	shalt  }
0x71: {  	_ =	shalt  }
0x72: {  	_ =	shalt  }
0x73: {  	_ =	shalt  }
0x74: {  	_ =	shalt  }
0x75: {  	_ =	shalt  }
0x76: {  	_ =	shalt  }
0x77: {  	_ =	shalt  }
0x78: {  	_ =	shalt  }
0x79: {  	_ =	shalt  }
0x7a: {  	_ =	shalt  }
0x7b: {  	_ =	shalt  }
0x7c: {  	_ =	shalt  }
0x7d: {  	_ =	shalt  }
0x7e: {  	_ =	shalt  }
0x7f: {  	_ =	shalt  }
0x80: {  	_ =	shalt  }
0x81: {  	_ =	shalt  }
0x82: {  	_ =	shalt  }
0x83: {  	_ =	shalt  }
0x84: {  	_ =	shalt  }
0x85: {  	_ =	shalt  }
0x86: {  	_ =	shalt  }
0x87: {  	_ =	shalt  }
.Lfunc_end0:
.L_simem_size_0:
called_computation.1_lowered:
.L_overlay_start_0:
0x88: {  	s2 =	sld [smem:$0x3FD9]  }
0x89: {  	s3 =	sld [smem:$0x3FFE];
	_ =	sdelay $0x1  }
0x8a: {  	s1 =	srdreg.scid  }
0x8b: {  	s0 =	sand.u32 $0x1, s1  }
0x8c: {  	s17 =	sshll.u32 s0, $0xA;
	s2 =	sadd.s32 s3, s2  }
0x8d: {  	s2 =	sadd.s32 s2, s17  }
0x8e: {  	[smem:$0x3FC2] =	sst s2  }
0x8f: {  	_ = 	snop  }
0x90: {  	s2 =	sld [smem:$0x3FD0];
	(tm) =	ssettm $0x1  }
0x91: {  	s18 =	sld [smem:$0x3FFB];
	_ =	sdelay $0x3  }
0x92: {  	_ =	strace s18  }
0x93: {  	s3 =	sld [smem:$0x3FFC];
	_ =	sdelay $0x3  }
0x94: {  	_ =	strace s3  }
0x95: {  	s3 =	sld [smem:$0x3FFD];
	_ =	sdelay $0x3  }
0x96: {  	_ =	strace s3  }
0x97: {  	_ =	strace $0x8FFFFFFF  }
0x98: {  	s19 =	sld [smem:$0x3FDB];
	_ =	sdelay $0x1  }
0x99: {  	s4 =	simm.s32 $_scs_section_size  }
0x9a: {  	s5 =	simm.s32 $_size__tile_overlayer_lowered;
	s6 =	simm.s32 $_tile_overlayer_lowered  }
0x9b: {  	s22 =	simm.s32 $0x1BFF;
	s21 =	sshll.u32 s6, $0x1;
	s3 =	sadd.s32 s4, s19  }
0x9c: {  	s7 =	simm.s32 $0x0;
	s20 =	sshll.u32 s5, $0x1;
	s5 =	sadd.s32 s21, s3  }
0x9d: {  	[timem:s7], [sflag:s22] =	dma.local [hbm:s5], s20  }
0x9e: {  	_ =	swait.ge [sflag:s22], s20  }
0x9f: {  	s4 =	ssub.s32 $0x0, s20;
	[sflag:s22] =	ssyncset.done $0x0  }
0xa0: {  	[sflag:s22] =	ssyncadd.s32 s4;
	_ =	sdelay $0x1  }
0xa1: {  	s23 =	simm.s32 $0x1B8B  }
0xa2: {  	_ =	swait.ge [sflag:s23], $0x1  }
0xa3: {  	[sflag:s23] =	ssyncset.done $0x0  }
0xa4: {  	s25 =	simm.s32 $0x1B8E;
	s24 =	sld [smem:$0x3FFE];
	[sflag:s23] =	ssyncadd.s32 $0xFFFFFFFF  }
0xa5: {  	s26 =	simm.s32 $execute0_lowered;
	[smem:$0x3FD2] =	sst s25  }
0xa6: {  	s5 =	sshll.u32 s26, $0x1;
	_ =	strace $0x80000049;
	[dreg:$0x1] =	wrdreg $0xFFFFFFFF  }
0xa7: {  	s28 =	simm.s32 $_size_execute0_lowered;
	s3 =	sadd.s32 s3, s5;
	[dreg:$0x0] =	wrdreg $0x0  }
0xa8: {  	s5 =	sshll.u32 s28, $0x1;
	[dreg:$0x2] =	wrdreg s3  }
0xa9: {  	[dreg:$0x3] =	wrdreg s5  }
0xaa: {  	[dreg:$0x4] =	wrdreg $0xC0  }
0xab: {  	_ =	task [dreg:s7], $0x5FFFF  }
0xac: {  	[dreg:$0x1] =	wrdreg $0xFFFFFFFF  }
0xad: {  	[dreg:$0x0] =	wrdreg $0x60  }
0xae: {  	[dreg:$0x2] =	wrdreg s24  }
0xaf: {  	[dreg:$0x3] =	wrdreg s2  }
0xb0: {  	[dreg:$0x4] =	wrdreg $0x195500  }
0xb1: {  	[dreg:$0x5] =	wrdreg $0x189180  }
0xb2: {  	[dreg:$0x6] =	wrdreg $0x9  }
0xb3: {  	_ =	task.clear_ibuf [dreg:s7], $0x7FFFF;
	_ =	strace $0x90000049  }
0xb4: {  	s29 =	simm.s32 $0x9;
	_ =	strace $0x8000004B  }
0xb5: {  	_ =	swait.ge [sflag:s29], $0x1  }
0xb6: {  	[sflag:s29] =	ssyncadd.s32 $0xFFFFFFFF  }
0xb7: {  	_ =	strace $0x9000004B  }
0xb8: {  	_ =	sfence  }
0xb9: {  	s30 =	sld [smem:$0x0];
	_ =	sdelay $0x2  }
0xba: {  	s31 =	sshll.u32 s1, $0xD;
	s1 =	sshrl.u32 s1, $0x2  }
0xbb: {  	s3 =	sand.u32 $0x4000, s31;
	s1 =	sadd.s32 s1, s30  }
0xbc: {  	s0 =	sor.u32 s3, s0;
	s1 =	sshll.u32 s1, $0x11  }
0xbd: {  	s0 =	sor.u32 s1, s0  }
0xbe: {  	s0 =	sadd.s32 $0x8F2B, s0  }
0xbf: {  	[sflag:s0] =	ssyncadd.remote.s32 $0x1  }
0xc0: {  	_ =	sfence.sel $0xFFFF  }
0xc1: {  	[dreg:$0x0] =	wrdreg $0xFFFFFFFF;
	(pc) =	sbr.abs _section_cstart, $3  }
0xc2: {  	[dreg:$0x1] =	wrdreg $0xFFFFFFFF  }
0xc3: {  	_ =	task.clear_ibuf [dreg:s7], $0x2FFFF;
	_ =	strace $0x9FFFFFFF  }
0xc4: {  	(tm) =	ssettm $0x7FFFFFFF  }
0xc5: {  	_ =	shalt  }
tec
execute0_lowered:
.L_overlay_start_1:
0x0: {  	(tag) =	ssettag $0x1  }
0x1: {  	s1 =	rddreg [dreg:$0x0]  }
0x2: {  	s7 =	rddreg [dreg:$0x1]  }
0x3: {  	s8 =	rddreg [dreg:$0x2];
	s2 =	srdreg.scid  }
0x4: {  	s0 =	stileid.u32;
	s4 =	rddreg [dreg:$0x3]  }
0x5: {  	s5 =	simm.s32 $0x0;
	s28 =	simm.s32 $0x1;
	s31 =	simm.s32 $0xC5C8  }
0x6: {  	s30 =	simm.s32 $0xECD8;
	s29 =	simm.s32 $0x16208;
	s9 =	simm.s32 $0x0  }
0x7: {  	s2 =	sand.u32 $0x1, s2;
	s3 =	sshll.u32 s0, $0x1;
	[smem:$0x7FF] =	sst s5  }
0x8: {  	s19 =	sadd.s32 $0x18200, s1;
	s20 =	sadd.s32 $0x18800, s1;
	s21 =	sadd.s32 $0x18E00, s1  }
0x9: {  	s6 =	sadd.s32 $0x19400, s1;
	p0 =	seq.s32 s0, $0x0;
	s12 =	sadd.s32 $0x9C40, s4  }
0xa: {  	s13 =	sadd.s32 $0x7530, s4;
	s14 =	sadd.s32 $0x4E20, s8;
	s15 =	sadd.s32 $0x4E20, s4  }
0xb: {  	s16 =	sadd.s32 $0x2710, s8;
	_ =	strace $0x8000004A;
	[dreg:$0x5] =	wrdreg s19  }
0xc: {  	s17 =	sadd.s32 $0x2710, s4;
	s26 =	sadd.s32 $0x4E2, s7;
	[dreg:$0x6] =	wrdreg s20  }
0xd: {  	s8 =	simm.s32 $0x113E8;
	s3 =	sor.u32 s2, s3;
	[dreg:$0x7] =	wrdreg s21  }
0xe: {  	s22 =	ssub.s32 $0x2, s2;
	[dreg:$0x8] =	wrdreg s6;
	s3 =	smul.u32 $0x2710, s3  }
0xf: {  	p1 =	seq.s32 s2, $0x1;
	s25 =	sor.u32 s2, s0;
	[dreg:$0xb] =	wrdreg s26  }
0x10: {  	s19 =	sadd.s32 $0x198E2, s1;
	s20 =	sadd.s32 $0x9C4, s7;
	s3 =	sshrl.u32 s3, $0x3  }
0x11: {  	s21 =	sadd.s32 $0x19DC4, s1;
	s26 =	sadd.s32 $0x1388, s7;
	s3 =	sadd.s32 s3, s1  }
0x12: {  	s6 =	simm.s32 $0x77A8;
	s24 =	sadd.s32 $0x4800, s3;
	s3 =	sadd.s32 $0xE440, s3  }
0x13: {  	v0 =	vlaneseq.u32;
	v40 =	vimm.f32 $0.0e+00;
	s23 =	sshrl.u32 s22, $0x1;
	[dreg:$0xa] =	wrdreg s3;
	s3 =	simm.s32 @!p0 $0x0  }
0x14: {  	v1 =	vor.u32 $0x10, v0;
	v2 =	vor.u32 $0x20, v0;
	v3 =	vor.u32 $0x30, v0;
	p3 =	sne.s32 s25, $0x0;
	s3 =	simm.s32 @p0 $0x1;
	p0 =	por !p0, !p1  }
0x15: {  	v4 =	vor.u32 $0x40, v0;
	v5 =	vor.u32 $0x50, v0;
	v6 =	vor.u32 $0x60, v0;
	s5 =	ssub.s32 s22, s23;
	p2 =	por !p0, !p0;
	p0 =	sne.s32 s2, $0x0  }
0x16: {  	v7 =	vor.u32 $0x70, v0;
	v8 =	vor.u32 $0x80, v0;
	v9 =	vor.u32 $0x90, v0;
	s22 =	sadd.s32 $0xEA6, s7;
	s23 =	sadd.s32 $0x1A2A6, s1;
	s2 =	simm.s32 @!p0 $0x0  }
0x17: {  	v10 =	vor.u32 $0xA0, v0;
	v11 =	vor.u32 $0xB0, v0;
	v12 =	vor.u32 $0xC0, v0;
	s7 =	simm.s32 $0x9EB8;
	s2 =	simm.s32 @p0 $0x1;
	p0 =	sgt.s32 s0, $0x1  }
0x18: {  	v13 =	vor.u32 $0xD0, v0;
	v14 =	vor.u32 $0xE0, v0;
	v15 =	vor.u32 $0xF0, v0;
	[dreg:$0x9] =	wrdreg s24;
	s24 =	sadd.s32 $0x1A788, s1;
	s1 =	simm.s32 @!p0 $0x0  }
0x19: {  	v16 =	vor.u32 $0x100, v0;
	v17 =	vor.u32 $0x110, v0;
	v18 =	vor.u32 $0x120, v0;
	[smem:$0x7F7] =	sst s3;
	s1 =	simm.s32 @p0 $0x1;
	p0 =	seq.s32 s0, $0x1  }
0x1a: {  	v19 =	vor.u32 $0x130, v0;
	v20 =	vor.u32 $0x140, v0;
	v21 =	vor.u32 $0x150, v0;
	s25 =	smax.u32 s5, $0x1;
	[smem:$0x7FA] =	sst s1;
	s1 =	simm.s32 @!p0 $0x0  }
0x1b: {  	v22 =	vor.u32 $0x160, v0;
	v23 =	vor.u32 $0x170, v0;
	v24 =	vor.u32 $0x180, v0;
	s3 =	simm.s32 @!p1 $0x0;
	s1 =	simm.s32 @p0 $0x1;
	p0 =	seq.s32 s0, $0x2  }
0x1c: {  	v25 =	vor.u32 $0x190, v0;
	v26 =	vor.u32 $0x1A0, v0;
	v27 =	vor.u32 $0x1B0, v0;
	s3 =	simm.s32 @p1 $0x1;
	[smem:$0x7FB] =	sst s1;
	s1 =	simm.s32 @!p0 $0x0  }
0x1d: {  	v28 =	vor.u32 $0x1C0, v0;
	v29 =	vor.u32 $0x1D0, v0;
	v30 =	vor.u32 $0x1E0, v0;
	[smem:$0x7F8] =	sst s3;
	s1 =	simm.s32 @p0 $0x1;
	p0 =	seq.s32 s0, $0x3  }
0x1e: {  	v31 =	vor.u32 $0x1F0, v0;
	v32 =	vor.u32 $0x200, v0;
	v33 =	vor.u32 $0x210, v0;
	s5 =	simm.s32 $0x4E20;
	[smem:$0x7FC] =	sst s1;
	s1 =	simm.s32 @!p0 $0x0  }
0x1f: {  	v34 =	vor.u32 $0x220, v0;
	v35 =	vor.u32 $0x230, v0;
	v36 =	vor.u32 $0x240, v0;
	s3 =	simm.s32 $0x271;
	[smem:$0x7F9] =	sst s2;
	s1 =	simm.s32 @p0 $0x1  }
0x20: {  	v37 =	vor.u32 $0x250, v0;
	v38 =	vor.u32 $0x260, v0;
	v39 =	vadd.s32 $0x261, v0;
	s2 =	simm.s32 $0x5098;
	[smem:$0x7FD] =	sst s1;
	s1 =	simm.s32 $0x13AF8  }
.LBB2_1:
0x21: {  	s10 =	simm.s32 $0x0;
	s11 =	rddreg [dreg:$0x9]  }
0x22: {  	[tilespmem:s10], [sflag:$0x1] =	stream.linear.gather [hbm4b:s11+s10], $0x2710, $0x38;
	[tilespmem:$0x19CA8] =	vst v63  }
0x23: {  	_ =	swait.ge [sflag:s28], $0x2710  }
0x24: {  	[sflag:s28] =	ssyncset.done $0x0  }
0x25: {  	s18 =	simm.s32 $0x2710;
	s11 =	rddreg [dreg:$0xa];
	[sflag:s28] =	ssyncadd.s32 $0xFFFFD8F0  }
0x26: {  	[tilespmem:s18], [sflag:$0x1] =	stream.linear.gather [hbm4b:s11+s10], $0x2710, $0x38;
	[tilespmem:$0x19CA8] =	vst v63  }
0x27: {  	_ =	swait.ge [sflag:s28], $0x2710  }
0x28: {  	[sflag:s28] =	ssyncset.done $0x0  }
0x29: {  	[sflag:s28] =	ssyncadd.s32 $0xFFFFD8F0  }
0x2a: {  	[tilespmem:$0x4E20] =	vst v0  }
0x2b: {  	[tilespmem:$0x4E30] =	vst v1  }
0x2c: {  	[tilespmem:$0x4E40] =	vst v2  }
0x2d: {  	[tilespmem:$0x4E50] =	vst v3  }
0x2e: {  	[tilespmem:$0x4E60] =	vst v4  }
0x2f: {  	[tilespmem:$0x4E70] =	vst v5  }
0x30: {  	[tilespmem:$0x4E80] =	vst v6  }
0x31: {  	[tilespmem:$0x4E90] =	vst v7  }
0x32: {  	[tilespmem:$0x4EA0] =	vst v8  }
0x33: {  	[tilespmem:$0x4EB0] =	vst v9  }
0x34: {  	[tilespmem:$0x4EC0] =	vst v10  }
0x35: {  	[tilespmem:$0x4ED0] =	vst v11  }
0x36: {  	[tilespmem:$0x4EE0] =	vst v12  }
0x37: {  	[tilespmem:$0x4EF0] =	vst v13  }
0x38: {  	[tilespmem:$0x4F00] =	vst v14  }
0x39: {  	[tilespmem:$0x4F10] =	vst v15  }
0x3a: {  	[tilespmem:$0x4F20] =	vst v16  }
0x3b: {  	[tilespmem:$0x4F30] =	vst v17  }
0x3c: {  	[tilespmem:$0x4F40] =	vst v18  }
0x3d: {  	[tilespmem:$0x4F50] =	vst v19  }
0x3e: {  	[tilespmem:$0x4F60] =	vst v20  }
0x3f: {  	[tilespmem:$0x4F70] =	vst v21  }
0x40: {  	[tilespmem:$0x4F80] =	vst v22  }
0x41: {  	[tilespmem:$0x4F90] =	vst v23  }
0x42: {  	[tilespmem:$0x4FA0] =	vst v24  }
0x43: {  	[tilespmem:$0x4FB0] =	vst v25  }
0x44: {  	[tilespmem:$0x4FC0] =	vst v26  }
0x45: {  	[tilespmem:$0x4FD0] =	vst v27  }
0x46: {  	[tilespmem:$0x4FE0] =	vst v28  }
0x47: {  	[tilespmem:$0x4FF0] =	vst v29  }
0x48: {  	[tilespmem:$0x5000] =	vst v30  }
0x49: {  	[tilespmem:$0x5010] =	vst v31  }
0x4a: {  	[tilespmem:$0x5020] =	vst v32  }
0x4b: {  	[tilespmem:$0x5030] =	vst v33  }
0x4c: {  	[tilespmem:$0x5040] =	vst v34  }
0x4d: {  	[tilespmem:$0x5050] =	vst v35  }
0x4e: {  	[tilespmem:$0x5060] =	vst v36  }
0x4f: {  	[tilespmem:$0x5070] =	vst v37  }
0x50: {  	[tilespmem:$0x5080] =	vst v38  }
0x51: {  	s11 =	simm.s32 $0x40;
	s10 =	simm.s32 $0x0;
	[tilespmem:$0x5081] =	vst v39  }
.LBB2_2:
0x52: {  	p0 =	sne.s32 s11, $0x9C00;
	[tilespmem:s10+$0x16208] =	vst v40;
	s18 =	smov.u32 s11;
	s11 =	sadd.s32 $0x40, s11  }
.Ltmp0:
0x53: {  	[tilespmem:s10+$0x13AF8] =	vst v40;
	(pc) =	sbr.rel @p0 .LBB2_2-.Ltmp0, $4  }
0x54: {  	[tilespmem:s10+$0x113E8] =	vst v40  }
0x55: {  	[tilespmem:s10+$0xC5C8] =	vst v40  }
0x56: {  	[tilespmem:s10+$0xECD8] =	vst v40  }
0x57: {  	s10 =	sshra.s32 s18, $0x2  }
0x58: {  	[tilespmem:s10+$0x16208] =	vst v40  }
0x59: {  	[tilespmem:s10+$0x13AF8] =	vst v40  }
0x5a: {  	[tilespmem:s10+$0x113E8] =	vst v40  }
0x5b: {  	[tilespmem:s10+$0xC5C8] =	vst v40  }
0x5c: {  	[tilespmem:s10+$0xECD8] =	vst v40  }
0x5d: {  	s10 =	sld [smem:$0x7FA];
	_ =	sdelay $0x2  }
0x5e: {  	p0 =	seq.s32 s10, $0x1  }
.Ltmp1:
0x5f: {  	_ = 	snop;
	(pc) =	sbr.rel @!p0 .LBB2_4-.Ltmp1, $2  }
0x60: {  	_ =	sdelay $0x2  }
0x61: {  	p6 =	por $0x0, $0x0  }
0x62: {  	s10 =	sld [smem:$0x7FC];
	_ =	sdelay $0x2  }
0x63: {  	p0 =	seq.s32 s10, $0x1  }
.Ltmp2:
0x64: {  	_ = 	snop;
	(pc) =	sbr.rel @p0 .LBB2_12-.Ltmp2, $1  }
0x65: {  	_ =	sdelay $0x3  }
0x66: {  	s10 =	sld [smem:$0x7FD];
	_ =	sdelay $0x2  }
0x67: {  	p0 =	seq.s32 s10, $0x1  }
.Ltmp3:
0x68: {  	_ = 	snop;
	(pc) =	sbr.rel @p0 .LBB2_13-.Ltmp3, $1  }
0x69: {  	_ =	sdelay $0x3  }
0x6a: {  	p4 =	seq.s32 s0, $0x4  }
.Ltmp4:
0x6b: {  	_ = 	snop;
	(pc) =	sbr.rel @!p4 .LBB2_15-.Ltmp4, $4  }
0x6c: {  	p0 =	por $0x0, $0x0  }
0x6d: {  	s10 =	simm.s32 @!p0 $0x0  }
0x6e: {  	s10 =	simm.s32 @p0 $0x1  }
0x6f: {  	p1 =	por $0x0, $0x0;
	p5 =	por $0x0, $0x0;
	[smem:$0x7F6] =	sst s10  }
0x70: {  	[spmem:s12] =	stream.linear.scatter [tilespmem:s29], [sflag:$0x1], $0x2710, $0x38;
	[tilespmem:$0x19CA8] =	vst v63  }
.Ltmp5:
0x71: {  	_ = 	snop;
	(pc) =	sbr.rel .LBB2_14-.Ltmp5, $4  }
0x72: {  	p0 =	por $0x0, $0x0  }
0x73: {  	s10 =	simm.s32 @!p0 $0x0  }
0x74: {  	p1 =	por $0x0, $0x0;
	s10 =	simm.s32 @p0 $0x1  }
0x75: {  	p6 =	por $0x1, $0x1;
	p5 =	por $0x0, $0x0;
	[smem:$0x7F6] =	sst s10  }
.LBB2_4:
0x76: {  	s10 =	sld [smem:$0x7F7];
	_ =	sdelay $0x2  }
0x77: {  	p1 =	seq.s32 s10, $0x1  }
.Ltmp6:
0x78: {  	_ = 	snop;
	(pc) =	sbr.rel @p1 .LBB2_11-.Ltmp6, $1  }
0x79: {  	_ =	sdelay $0x3  }
0x7a: {  	s18 =	sld [smem:$0x7FB]  }
0x7b: {  	p0 =	por $0x0, $0x0  }
0x7c: {  	s10 =	simm.s32 @!p0 $0x0  }
0x7d: {  	s10 =	simm.s32 @p0 $0x1;
	p0 =	seq.s32 s18, $0x1  }
.Ltmp7:
0x7e: {  	_ = 	snop;
	(pc) =	sbr.rel @!p0 .LBB2_15-.Ltmp7, $2  }
0x7f: {  	_ =	sdelay $0x2  }
0x80: {  	p1 =	por $0x0, $0x0;
	p5 =	por $0x0, $0x0;
	[smem:$0x7F6] =	sst s10  }
0x81: {  	s10 =	sshrl.u32 s16, $0x3;
	s11 =	rddreg [dreg:$0x6];
	s18 =	simm.s32 $0x1C41  }
0x82: {  	[spmem:s10], [sflag:s18] =	dma.local [hbm:s11], $0x4E2  }
.Ltmp8:
0x83: {  	p0 =	por $0x0, $0x0;
	(pc) =	sbr.rel .LBB2_14-.Ltmp8, $4  }
0x84: {  	p1 =	por $0x1, $0x1;
	s10 =	simm.s32 @!p0 $0x0;
	_ =	swait.ge [sflag:s28], $0x4E2  }
0x85: {  	p6 =	por $0x0, $0x0;
	s10 =	simm.s32 @p0 $0x1;
	[sflag:s28] =	ssyncset.done $0x0  }
0x86: {  	p5 =	por $0x0, $0x0;
	[smem:$0x7F6] =	sst s10;
	[sflag:s28] =	ssyncadd.s32 $0xFFFFFB1E  }
0x87: {  	[spmem:s17] =	stream.linear.scatter [tilespmem:s30], [sflag:$0x1], $0x2710, $0x38;
	[tilespmem:$0x19CA8] =	vst v63  }
.LBB2_12:
0x88: {  	s10 =	sshrl.u32 s14, $0x3;
	s11 =	rddreg [dreg:$0x7];
	s18 =	simm.s32 $0x1C81  }
0x89: {  	[spmem:s10], [sflag:s18] =	dma.local [hbm:s11], $0x4E2  }
.Ltmp9:
0x8a: {  	p0 =	por $0x0, $0x0;
	(pc) =	sbr.rel .LBB2_14-.Ltmp9, $4  }
0x8b: {  	p5 =	por $0x1, $0x1;
	s10 =	simm.s32 @!p0 $0x0;
	_ =	swait.ge [sflag:s28], $0x4E2  }
0x8c: {  	p6 =	por $0x0, $0x0;
	s10 =	simm.s32 @p0 $0x1;
	[sflag:s28] =	ssyncset.done $0x0  }
0x8d: {  	p1 =	por $0x0, $0x0;
	[smem:$0x7F6] =	sst s10;
	[sflag:s28] =	ssyncadd.s32 $0xFFFFFB1E  }
0x8e: {  	[spmem:s15] =	stream.linear.scatter [tilespmem:s8], [sflag:$0x1], $0x2710, $0x38;
	[tilespmem:$0x19CA8] =	vst v63  }
.LBB2_13:
0x8f: {  	[spmem:s13] =	stream.linear.scatter [tilespmem:s1], [sflag:$0x1], $0x2710, $0x38;
	[tilespmem:$0x19CA8] =	vst v63  }
.Ltmp10:
0x90: {  	_ = 	snop;
	(pc) =	sbr.rel .LBB2_14-.Ltmp10, $4  }
0x91: {  	p0 =	por $0x1, $0x1  }
0x92: {  	s10 =	simm.s32 @!p0 $0x0  }
0x93: {  	p6 =	por $0x0, $0x0;
	s10 =	simm.s32 @p0 $0x1  }
0x94: {  	p1 =	por $0x0, $0x0;
	p5 =	por $0x0, $0x0;
	[smem:$0x7F6] =	sst s10  }
.LBB2_11:
0x95: {  	s10 =	rddreg [dreg:$0x2]  }
0x96: {  	s11 =	rddreg [dreg:$0x5]  }
0x97: {  	s18 =	simm.s32 $0x1C01;
	p0 =	por $0x0, $0x0;
	s10 =	sshrl.u32 s10, $0x3  }
0x98: {  	[spmem:s10], [sflag:s18] =	dma.local [hbm:s11], $0x4E2  }
0x99: {  	p6 =	por $0x0, $0x0;
	s10 =	simm.s32 @!p0 $0x0;
	_ =	swait.ge [sflag:s28], $0x4E2  }
0x9a: {  	p1 =	por $0x0, $0x0;
	s10 =	simm.s32 @p0 $0x1;
	[sflag:s28] =	ssyncset.done $0x0  }
0x9b: {  	p5 =	por $0x0, $0x0;
	[smem:$0x7F6] =	sst s10;
	[sflag:s28] =	ssyncadd.s32 $0xFFFFFB1E  }
0x9c: {  	[spmem:s4] =	stream.linear.scatter [tilespmem:s31], [sflag:$0x1], $0x2710, $0x38;
	[tilespmem:$0x19CA8] =	vst v63  }
.LBB2_14:
0x9d: {  	_ =	swait.ge [sflag:s28], $0x2710  }
0x9e: {  	[sflag:s28] =	ssyncset.done $0x0  }
0x9f: {  	[sflag:s28] =	ssyncadd.s32 $0xFFFFD8F0  }
.LBB2_15:
0xa0: {  	s10 =	simm.s32 @!p6 $0x0  }
0xa1: {  	s10 =	simm.s32 @p6 $0x1  }
0xa2: {  	[smem:$0x7F5] =	sst s10  }
0xa3: {  	[bflag:$0x0] =	sbarrier.arrive $0xFFFF  }
0xa4: {  	s18 =	rddreg [dreg:$0x2]  }
0xa5: {  	[tilespmem:s2], [sflag:$0x1] =	stream.linear.gather [spmem:s18], $0x2710, $0x38;
	[tilespmem:$0x19CA8] =	vst v63  }
0xa6: {  	_ =	swait.ge [sflag:s28], $0x2710  }
0xa7: {  	[sflag:s28] =	ssyncset.done $0x0  }
0xa8: {  	[sflag:s28] =	ssyncadd.s32 $0xFFFFD8F0  }
0xa9: {  	[tilespmem:s6], [sflag:$0x1] =	stream.linear.gather [spmem:s16], $0x2710, $0x38;
	[tilespmem:$0x19CA8] =	vst v63  }
0xaa: {  	_ =	swait.ge [sflag:s28], $0x2710  }
0xab: {  	[sflag:s28] =	ssyncset.done $0x0  }
0xac: {  	[sflag:s28] =	ssyncadd.s32 $0xFFFFD8F0  }
0xad: {  	[tilespmem:s7], [sflag:$0x1] =	stream.linear.gather [spmem:s14], $0x2710, $0x38;
	[tilespmem:$0x19CA8] =	vst v63  }
0xae: {  	_ =	swait.ge [sflag:s28], $0x2710  }
0xaf: {  	[sflag:s28] =	ssyncset.done $0x0  }
0xb0: {  	s11 =	simm.s32 $0x20;
	[sflag:s28] =	ssyncadd.s32 $0xFFFFD8F0  }
0xb1: {  	v47 =	vld [tilespmem:s11+$0x10]  }
0xb2: {  	v45 =	vld [tilespmem:s11+$0xFFFFFFE0];
	_ =	sdelay $0x2  }
0xb3: {  	v41 =	vld [tilespmem:s11+$0xFFFFFFF0]  }
0xb4: {  	s10 =	simm.s32 $0x2730;
	v42 =	vld [tilespmem:s11+$0x0]  }
0xb5: {  	v48 =	vld [tilespmem:s10+$0x10]  }
0xb6: {  	v43 =	vld [tilespmem:s10+$0xFFFFFFE0]  }
0xb7: {  	v46 =	vld.idx.msk [tilespmem:v47+s2+$0x0], $0xffff  }
0xb8: {  	v50 =	vld.idx.msk [tilespmem:v45+s2+$0x0], $0xffff;
	_ =	sdelay $0x1  }
0xb9: {  	v44 =	vld [tilespmem:s10+$0xFFFFFFF0]  }
0xba: {  	v49 =	vld.idx.msk [tilespmem:v41+s2+$0x0], $0xffff  }
0xbb: {  	v51 =	vld.idx.msk [tilespmem:v42+s2+$0x0], $0xffff;
	v52 =	vunpack.i.l.bf16.f32 v46  }
0xbc: {  	v53 =	vunpack.i.l.bf16.f32 v50;
	[tilespmem:v48+s31+$0x0] =	vst.idx.add.f32.msk $0xffff, v52  }
0xbd: {  	v46 =	vunpack.i.u.bf16.f32 v46;
	[tilespmem:v43+s31+$0x0] =	vst.idx.add.f32.msk $0xffff, v53  }
0xbe: {  	[tilespmem:v48+s30+$0x0] =	vst.idx.add.f32.msk $0xffff, v46  }
0xbf: {  	v46 =	vld [tilespmem:s10+$0x0]  }
0xc0: {  	v63 =	vunpack.i.l.bf16.f32 v49;
	v52 =	vld.idx.msk [tilespmem:v47+s6+$0x0], $0xffff  }
0xc1: {  	v50 =	vunpack.i.u.bf16.f32 v50;
	[tilespmem:v44+s31+$0x0] =	vst.idx.add.f32.msk $0xffff, v63  }
0xc2: {  	v49 =	vunpack.i.u.bf16.f32 v49;
	[tilespmem:v43+s30+$0x0] =	vst.idx.add.f32.msk $0xffff, v50  }
0xc3: {  	[tilespmem:v44+s30+$0x0] =	vst.idx.add.f32.msk $0xffff, v49  }
0xc4: {  	v57 =	vld.idx.msk [tilespmem:v45+s6+$0x0], $0xffff  }
0xc5: {  	v59 =	vld.idx.msk [tilespmem:v41+s6+$0x0], $0xffff;
	v54 =	vunpack.i.l.bf16.f32 v52  }
0xc6: {  	v55 =	vunpack.i.u.bf16.f32 v52;
	[tilespmem:v48+s8+$0x0] =	vst.idx.add.f32.msk $0xffff, v54  }
0xc7: {  	v56 =	vunpack.i.l.bf16.f32 v51;
	[tilespmem:v48+s1+$0x0] =	vst.idx.add.f32.msk $0xffff, v55  }
0xc8: {  	[tilespmem:v46+s31+$0x0] =	vst.idx.add.f32.msk $0xffff, v56  }
0xc9: {  	v58 =	vunpack.i.u.bf16.f32 v51;
	v47 =	vld.idx.msk [tilespmem:v47+s7+$0x0], $0xffff  }
0xca: {  	[tilespmem:v46+s30+$0x0] =	vst.idx.add.f32.msk $0xffff, v58  }
0xcb: {  	v60 =	vunpack.i.l.bf16.f32 v57;
	v49 =	vld.idx.msk [tilespmem:v42+s6+$0x0], $0xffff  }
0xcc: {  	v62 =	vunpack.i.l.bf16.f32 v59;
	[tilespmem:v43+s8+$0x0] =	vst.idx.add.f32.msk $0xffff, v60  }
0xcd: {  	v61 =	vunpack.i.u.bf16.f32 v57;
	[tilespmem:v44+s8+$0x0] =	vst.idx.add.f32.msk $0xffff, v62  }
0xce: {  	v63 =	vunpack.i.u.bf16.f32 v59;
	[tilespmem:v43+s1+$0x0] =	vst.idx.add.f32.msk $0xffff, v61  }
0xcf: {  	[tilespmem:v44+s1+$0x0] =	vst.idx.add.f32.msk $0xffff, v63  }
0xd0: {  	s18 =	simm.s32 $0x60;
	s11 =	simm.s32 $0x0;
	[tilespmem:v48+s29+$0x0] =	vst.idx.add.f32.msk $0xffff, v47;
	v47 =	vunpack.i.u.bf16.f32 v49;
	v48 =	vunpack.i.l.bf16.f32 v49  }
.LBB2_16:
0xd1: {  	v49 =	vld [tilespmem:s18+$0x10]  }
0xd2: {  	v50 =	vld [tilespmem:s18+$0xFFFFFFF0]  }
0xd3: {  	s11 =	sadd.s32 $0x4, s11;
	v51 =	vld [tilespmem:s18+$0x0]  }
0xd4: {  	p4 =	slt.u32 s11, $0x26C;
	v52 =	vld [tilespmem:s18+$0xFFFFFFE0]  }
0xd5: {  	[tilespmem:v46+s8+$0x0] =	vst.idx.add.f32.msk $0xffff, v48  }
0xd6: {  	[tilespmem:v46+s1+$0x0] =	vst.idx.add.f32.msk $0xffff, v47  }
0xd7: {  	s10 =	sadd.s32 $0x40, s10;
	v47 =	vld.idx.msk [tilespmem:v45+s7+$0x0], $0xffff  }
0xd8: {  	v48 =	vld [tilespmem:s10+$0x10]  }
0xd9: {  	v53 =	vld.idx.msk [tilespmem:v49+s2+$0x0], $0xffff;
	v45 =	vmov v52  }
0xda: {  	v54 =	vld.idx.msk [tilespmem:v50+s2+$0x0], $0xffff  }
0xdb: {  	v55 =	vld.idx.msk [tilespmem:v51+s2+$0x0], $0xffff  }
0xdc: {  	v52 =	vld.idx.msk [tilespmem:v52+s2+$0x0], $0xffff  }
0xdd: {  	v56 =	vld [tilespmem:s10+$0xFFFFFFE0]  }
0xde: {  	v57 =	vld [tilespmem:s10+$0xFFFFFFF0]  }
0xdf: {  	v59 =	vunpack.i.l.bf16.f32 v53;
	v58 =	vld [tilespmem:s10+$0x0]  }
0xe0: {  	v53 =	vunpack.i.u.bf16.f32 v53;
	v60 =	vunpack.i.u.bf16.f32 v54;
	v54 =	vunpack.i.l.bf16.f32 v54;
	[tilespmem:v48+s31+$0x0] =	vst.idx.add.f32.msk $0xffff, v59  }
0xe1: {  	v59 =	vunpack.i.u.bf16.f32 v55;
	v55 =	vunpack.i.l.bf16.f32 v55;
	[tilespmem:v48+s30+$0x0] =	vst.idx.add.f32.msk $0xffff, v53  }
0xe2: {  	v53 =	vunpack.i.u.bf16.f32 v52;
	v52 =	vunpack.i.l.bf16.f32 v52;
	v61 =	vld.idx.msk [tilespmem:v49+s6+$0x0], $0xffff  }
0xe3: {  	v62 =	vld.idx.msk [tilespmem:v41+s7+$0x0], $0xffff;
	v41 =	vmov v50  }
0xe4: {  	v50 =	vld.idx.msk [tilespmem:v42+s7+$0x0], $0xffff;
	v42 =	vmov v51  }
0xe5: {  	[tilespmem:v56+s31+$0x0] =	vst.idx.add.f32.msk $0xffff, v52  }
0xe6: {  	[tilespmem:v56+s30+$0x0] =	vst.idx.add.f32.msk $0xffff, v53  }
0xe7: {  	[tilespmem:v57+s31+$0x0] =	vst.idx.add.f32.msk $0xffff, v54  }
0xe8: {  	v51 =	vunpack.i.l.bf16.f32 v61;
	[tilespmem:v57+s30+$0x0] =	vst.idx.add.f32.msk $0xffff, v60  }
0xe9: {  	v52 =	vunpack.i.u.bf16.f32 v61;
	[tilespmem:v48+s8+$0x0] =	vst.idx.add.f32.msk $0xffff, v51  }
0xea: {  	[tilespmem:v48+s1+$0x0] =	vst.idx.add.f32.msk $0xffff, v52  }
0xeb: {  	v49 =	vld.idx.msk [tilespmem:v49+s7+$0x0], $0xffff  }
0xec: {  	[tilespmem:v58+s31+$0x0] =	vst.idx.add.f32.msk $0xffff, v55  }
0xed: {  	[tilespmem:v58+s30+$0x0] =	vst.idx.add.f32.msk $0xffff, v59  }
0xee: {  	v51 =	vld.idx.msk [tilespmem:v45+s6+$0x0], $0xffff  }
0xef: {  	v52 =	vld.idx.msk [tilespmem:v41+s6+$0x0], $0xffff  }
0xf0: {  	v53 =	vld.idx.msk [tilespmem:v42+s6+$0x0], $0xffff  }
0xf1: {  	[tilespmem:v48+s29+$0x0] =	vst.idx.add.f32.msk $0xffff, v49  }
0xf2: {  	[tilespmem:v43+s29+$0x0] =	vst.idx.add.f32.msk $0xffff, v47;
	v43 =	vmov v56  }
0xf3: {  	[tilespmem:v44+s29+$0x0] =	vst.idx.add.f32.msk $0xffff, v62;
	v44 =	vmov v57  }
.Ltmp11:
0xf4: {  	v47 =	vunpack.i.u.bf16.f32 v51;
	v48 =	vunpack.i.l.bf16.f32 v51;
	[tilespmem:v46+s29+$0x0] =	vst.idx.add.f32.msk $0xffff, v50;
	v46 =	vmov v58;
	(pc) =	sbr.rel @p4 .LBB2_16-.Ltmp11, $4  }
0xf5: {  	v49 =	vunpack.i.u.bf16.f32 v52;
	v50 =	vunpack.i.l.bf16.f32 v52;
	[tilespmem:v56+s8+$0x0] =	vst.idx.add.f32.msk $0xffff, v48  }
0xf6: {  	v48 =	vunpack.i.l.bf16.f32 v53;
	[tilespmem:v56+s1+$0x0] =	vst.idx.add.f32.msk $0xffff, v47;
	v47 =	vunpack.i.u.bf16.f32 v53  }
0xf7: {  	[tilespmem:v57+s8+$0x0] =	vst.idx.add.f32.msk $0xffff, v50  }
0xf8: {  	s18 =	sadd.s32 $0x40, s18;
	[tilespmem:v57+s1+$0x0] =	vst.idx.add.f32.msk $0xffff, v49  }
0xf9: {  	_ =	sdelay $0x3  }
0xfa: {  	[tilespmem:v46+s8+$0x0] =	vst.idx.add.f32.msk $0xffff, v48  }
0xfb: {  	v45 =	vld.idx.msk [tilespmem:v45+s7+$0x0], $0xffff  }
0xfc: {  	v41 =	vld.idx.msk [tilespmem:v41+s7+$0x0], $0xffff  }
0xfd: {  	[tilespmem:v46+s1+$0x0] =	vst.idx.add.f32.msk $0xffff, v47  }
0xfe: {  	v42 =	vld.idx.msk [tilespmem:v42+s7+$0x0], $0xffff;
	_ =	sdelay $0x2  }
0xff: {  	[tilespmem:v43+s29+$0x0] =	vst.idx.add.f32.msk $0xffff, v45  }
0x100: {  	[tilespmem:v44+s29+$0x0] =	vst.idx.add.f32.msk $0xffff, v41  }
0x101: {  	[tilespmem:v46+s29+$0x0] =	vst.idx.add.f32.msk $0xffff, v42  }
0x102: {  	v41 =	vld [tilespmem:$0x2700];
	_ =	sdelay $0x5  }
0x103: {  	v42 =	vld [tilespmem:$0x4E10];
	_ =	sdelay $0x1  }
0x104: {  	v43 =	vld.idx.msk [tilespmem:v41+s2+$0x0], $0xffff;
	_ =	sdelay $0x4  }
0x105: {  	v62 =	vunpack.i.l.bf16.f32 v43  }
0x106: {  	v43 =	vunpack.i.u.bf16.f32 v43;
	[tilespmem:v42+s31+$0x0] =	vst.idx.add.f32.msk $0xffff, v62  }
0x107: {  	[tilespmem:v42+s30+$0x0] =	vst.idx.add.f32.msk $0xffff, v43  }
0x108: {  	v43 =	vld.idx.msk [tilespmem:v41+s6+$0x0], $0xffff;
	_ =	sdelay $0x4  }
0x109: {  	v63 =	vunpack.i.l.bf16.f32 v43  }
0x10a: {  	v43 =	vunpack.i.u.bf16.f32 v43;
	[tilespmem:v42+s8+$0x0] =	vst.idx.add.f32.msk $0xffff, v63  }
0x10b: {  	[tilespmem:v42+s1+$0x0] =	vst.idx.add.f32.msk $0xffff, v43  }
0x10c: {  	v41 =	vld.idx.msk [tilespmem:v41+s7+$0x0], $0xffff;
	_ =	sdelay $0x4  }
0x10d: {  	[tilespmem:v42+s29+$0x0] =	vst.idx.add.f32.msk $0xffff, v41  }
0x10e: {  	[spmem:s4] =	stream.indirect.scatter.add.f32 [tilespmem:s31], [sflag:$0x1], $0x10, s5, s3, $0xb8;
	[tilespmem:$0x19CA8] =	vst v63  }
0x10f: {  	_ =	swait.ge [sflag:s28], $0x2710  }
0x110: {  	[sflag:s28] =	ssyncset.done $0x0  }
0x111: {  	[sflag:s28] =	ssyncadd.s32 $0xFFFFD8F0  }
0x112: {  	[spmem:s17] =	stream.indirect.scatter.add.f32 [tilespmem:s30], [sflag:$0x1], $0x10, s5, s3, $0xb8;
	[tilespmem:$0x19CA8] =	vst v63  }
0x113: {  	_ =	swait.ge [sflag:s28], $0x2710  }
0x114: {  	[sflag:s28] =	ssyncset.done $0x0  }
0x115: {  	[sflag:s28] =	ssyncadd.s32 $0xFFFFD8F0  }
0x116: {  	[spmem:s15] =	stream.indirect.scatter.add.f32 [tilespmem:s8], [sflag:$0x1], $0x10, s5, s3, $0xb8;
	[tilespmem:$0x19CA8] =	vst v63  }
0x117: {  	_ =	swait.ge [sflag:s28], $0x2710  }
0x118: {  	[sflag:s28] =	ssyncset.done $0x0  }
0x119: {  	[sflag:s28] =	ssyncadd.s32 $0xFFFFD8F0  }
0x11a: {  	[spmem:s13] =	stream.indirect.scatter.add.f32 [tilespmem:s1], [sflag:$0x1], $0x10, s5, s3, $0xb8;
	[tilespmem:$0x19CA8] =	vst v63  }
0x11b: {  	_ =	swait.ge [sflag:s28], $0x2710  }
0x11c: {  	[sflag:s28] =	ssyncset.done $0x0  }
0x11d: {  	[sflag:s28] =	ssyncadd.s32 $0xFFFFD8F0  }
0x11e: {  	[spmem:s12] =	stream.indirect.scatter.add.f32 [tilespmem:s29], [sflag:$0x1], $0x10, s5, s3, $0xb8;
	[tilespmem:$0x19CA8] =	vst v63  }
0x11f: {  	_ =	swait.ge [sflag:s28], $0x2710  }
0x120: {  	[sflag:s28] =	ssyncset.done $0x0  }
0x121: {  	[sflag:s28] =	ssyncadd.s32 $0xFFFFD8F0  }
0x122: {  	s10 =	sshll.u32 @!p3 s0, $0x6;
	[bflag:$0x0] =	sbarrier.arrive $0xFFFF  }
0x123: {  	s11 =	sshrl.u32 @!p3 s4, $0x3;
	s10 =	sor.u32 @!p3 $0x1C01, s10;
	s18 =	rddreg [dreg:$0x1]  }
0x124: {  	[hbm:s18], [sflag:s10] =	dma.local @!p3 [spmem:s11], $0x4E2  }
0x125: {  	s10 =	simm.s32 @!p3 $0x1  }
0x126: {  	_ =	swait.ge @!p3 [sflag:s10], $0x4E2  }
0x127: {  	s11 =	simm.s32 @p2 $0x1C01;
	[sflag:s10] =	ssyncset.done @!p3 $0x0  }
0x128: {  	s18 =	rddreg [dreg:$0x8];
	[sflag:s10] =	ssyncadd.s32 @!p3 $0xFFFFFB1E;
	s10 =	sshrl.u32 @p2 s4, $0x3  }
0x129: {  	[hbm:s18], [sflag:s11] =	dma.local @p2 [spmem:s10], $0x4E2  }
0x12a: {  	s10 =	simm.s32 @p2 $0x1  }
0x12b: {  	_ =	swait.ge @p2 [sflag:s10], $0x4E2  }
0x12c: {  	s18 =	sld [smem:$0x7F9];
	_ =	sdelay $0x2  }
0x12d: {  	p4 =	por !p1, !p1;
	p0 =	seq.s32 s18, $0x1  }
0x12e: {  	[sflag:s10] =	ssyncset.done @p2 $0x0;
	p4 =	por p0, p4  }
0x12f: {  	[sflag:s10] =	ssyncadd.s32 @p2 $0xFFFFFB1E;
	s11 =	sshll.u32 @!p4 s0, $0x6  }
0x130: {  	s18 =	rddreg [dreg:$0xb];
	s10 =	sor.u32 @!p4 $0x1C01, s11;
	s11 =	sshrl.u32 @!p4 s17, $0x3  }
0x131: {  	[hbm:s18], [sflag:s10] =	dma.local @!p4 [spmem:s11], $0x4E2  }
0x132: {  	s11 =	sld [smem:$0x7F8];
	_ =	sdelay $0x2  }
0x133: {  	p6 =	seq.s32 s11, $0x1  }
0x134: {  	s10 =	simm.s32 @!p4 $0x1;
	p1 =	por !p1, !p6  }
0x135: {  	_ =	swait.ge @!p4 [sflag:s10], $0x4E2;
	p1 =	por !p1, !p1  }
0x136: {  	[sflag:s10] =	ssyncset.done @!p4 $0x0;
	s11 =	sshll.u32 @p1 s0, $0x6  }
0x137: {  	[sflag:s10] =	ssyncadd.s32 @!p4 $0xFFFFFB1E;
	s10 =	sor.u32 @p1 $0x1C01, s11;
	s11 =	sshrl.u32 @p1 s17, $0x3  }
0x138: {  	[hbm:s19], [sflag:s10] =	dma.local @p1 [spmem:s11], $0x4E2  }
0x139: {  	p4 =	por !p5, !p5;
	s10 =	simm.s32 @p1 $0x1  }
0x13a: {  	p4 =	por p0, p4;
	_ =	swait.ge @p1 [sflag:s10], $0x4E2  }
0x13b: {  	s11 =	sshll.u32 @!p4 s0, $0x6;
	[sflag:s10] =	ssyncset.done @p1 $0x0  }
0x13c: {  	[sflag:s10] =	ssyncadd.s32 @p1 $0xFFFFFB1E;
	s10 =	sor.u32 @!p4 $0x1C01, s11;
	s11 =	sshrl.u32 @!p4 s15, $0x3  }
0x13d: {  	[hbm:s20], [sflag:s10] =	dma.local @!p4 [spmem:s11], $0x4E2  }
0x13e: {  	p5 =	por !p5, !p6;
	s10 =	simm.s32 @!p4 $0x1  }
0x13f: {  	p1 =	por !p5, !p5;
	_ =	swait.ge @!p4 [sflag:s10], $0x4E2  }
0x140: {  	s11 =	sshll.u32 @p1 s0, $0x6;
	[sflag:s10] =	ssyncset.done @!p4 $0x0  }
0x141: {  	[sflag:s10] =	ssyncadd.s32 @!p4 $0xFFFFFB1E;
	s10 =	sor.u32 @p1 $0x1C01, s11;
	s11 =	sshrl.u32 @p1 s15, $0x3  }
0x142: {  	[hbm:s21], [sflag:s10] =	dma.local @p1 [spmem:s11], $0x4E2  }
0x143: {  	s11 =	sld [smem:$0x7F6];
	_ =	sdelay $0x2  }
0x144: {  	p5 =	seq.s32 s11, $0x1  }
0x145: {  	s10 =	simm.s32 @p1 $0x1;
	p4 =	por !p5, !p5  }
0x146: {  	_ =	swait.ge @p1 [sflag:s10], $0x4E2;
	p4 =	por p0, p4  }
0x147: {  	[sflag:s10] =	ssyncset.done @p1 $0x0;
	s11 =	sshll.u32 @!p4 s0, $0x6  }
0x148: {  	[sflag:s10] =	ssyncadd.s32 @p1 $0xFFFFFB1E;
	s10 =	sor.u32 @!p4 $0x1C01, s11;
	s11 =	sshrl.u32 @!p4 s13, $0x3  }
0x149: {  	[hbm:s22], [sflag:s10] =	dma.local @!p4 [spmem:s11], $0x4E2  }
0x14a: {  	p5 =	por !p5, !p6;
	s10 =	simm.s32 @!p4 $0x1  }
0x14b: {  	p1 =	por !p5, !p5;
	_ =	swait.ge @!p4 [sflag:s10], $0x4E2  }
0x14c: {  	s11 =	sshll.u32 @p1 s0, $0x6;
	[sflag:s10] =	ssyncset.done @!p4 $0x0  }
0x14d: {  	[sflag:s10] =	ssyncadd.s32 @!p4 $0xFFFFFB1E;
	s10 =	sor.u32 @p1 $0x1C01, s11;
	s11 =	sshrl.u32 @p1 s13, $0x3  }
0x14e: {  	[hbm:s23], [sflag:s10] =	dma.local @p1 [spmem:s11], $0x4E2  }
0x14f: {  	s11 =	sld [smem:$0x7F5];
	_ =	sdelay $0x2  }
0x150: {  	p5 =	seq.s32 s11, $0x1  }
0x151: {  	s10 =	simm.s32 @p1 $0x1;
	p4 =	por !p5, !p5  }
0x152: {  	_ =	swait.ge @p1 [sflag:s10], $0x4E2;
	p4 =	por p0, p4  }
0x153: {  	[sflag:s10] =	ssyncset.done @p1 $0x0;
	s11 =	sshll.u32 @!p4 s0, $0x6  }
0x154: {  	[sflag:s10] =	ssyncadd.s32 @p1 $0xFFFFFB1E;
	s10 =	sor.u32 @!p4 $0x1C01, s11;
	s11 =	sshrl.u32 @!p4 s12, $0x3  }
0x155: {  	[hbm:s26], [sflag:s10] =	dma.local @!p4 [spmem:s11], $0x4E2  }
0x156: {  	p6 =	por !p5, !p6;
	s10 =	simm.s32 @!p4 $0x1  }
0x157: {  	s9 =	sadd.s32 $0x1, s9;
	p0 =	por !p6, !p6;
	_ =	swait.ge @!p4 [sflag:s10], $0x4E2  }
0x158: {  	p1 =	sne.s32 s9, s25;
	s11 =	sshll.u32 @p0 s0, $0x6;
	[sflag:s10] =	ssyncset.done @!p4 $0x0  }
0x159: {  	[sflag:s10] =	ssyncadd.s32 @!p4 $0xFFFFFB1E;
	s10 =	sor.u32 @p0 $0x1C01, s11;
	s11 =	sshrl.u32 @p0 s12, $0x3  }
0x15a: {  	[hbm:s24], [sflag:s10] =	dma.local @p0 [spmem:s11], $0x4E2  }
.Ltmp12:
0x15b: {  	_ = 	snop;
	(pc) =	sbr.rel @p1 .LBB2_1-.Ltmp12, $4  }
0x15c: {  	s10 =	simm.s32 @p0 $0x1  }
0x15d: {  	_ =	swait.ge @p0 [sflag:s10], $0x4E2  }
0x15e: {  	[sflag:s10] =	ssyncset.done @p0 $0x0  }
0x15f: {  	[sflag:s10] =	ssyncadd.s32 @p0 $0xFFFFFB1E  }
0x160: {  	_ =	sfence.sel $0x180000  }
0x161: {  	[bflag:$0x0] =	sbarrier.arrive $0xFFFF  }
0x162: {  	_ =	strace $0x9000004A  }
0x163: {  	[bflag:$0x2] =	sbarrier.arrive $0xFFFF  }
0x164: {  	p0 =	sne.s32 s0, $0x0;
	s0 =	rddreg [dreg:$0x4]  }
0x165: {  	s0 =	sadd.s32 @!p0 $0x100000, s0  }
0x166: {  	[sflag:s0] =	ssyncadd.tile.s32 @!p0 $0x1;
	_ =	shalt  }
.Lfunc_end2:
_tile_overlayer_lowered:
.L_overlay_start_2:
0x167: {  	(tag) =	ssettag $0x2  }
0x168: {  	s0 =	rddreg [dreg:$0x0];
	s2 =	stileid.u32  }
0x169: {  	s1 =	rddreg [dreg:$0x1];
	p0 =	sne.s32 s2, $0x0  }
0x16a: {  	s3 =	rddreg [dreg:$0x2];
	[bflag:$0x3] =	sbarrier.arrive $0xFFFF;
	s2 =	simm.s32 @!p0 $0x1C01  }
0x16b: {  	[timem:s3], [sflag:s2] =	dma.local @!p0 [hbm:s0], s1  }
0x16c: {  	s0 =	simm.s32 @!p0 $0x1  }
0x16d: {  	_ =	swait.ge @!p0 [sflag:s0], s1  }
0x16e: {  	s1 =	ssub.s32 @!p0 $0x0, s1;
	[sflag:s0] =	ssyncset.done @!p0 $0x0  }
0x16f: {  	[sflag:s0] =	ssyncadd.s32 @!p0 s1  }
0x170: {  	[bflag:$0x3] =	sbarrier.arrive $0xFFFF  }
0x171: {  	_ =	shalt  }

// kernel: kernel.15.cloned.1.call-start
scs
__scs_entry_jumppad:
0x0: {  	(pc) =	sbr.rel $0x88, $3  }
0x1: {  	(tag) =	ssettag $0x0;
	lr =	simm.s32 $0x1  }
0x2: {  	[smem:$0x3F9B] =	sst lr;
	_ =	strace $0xD0000000  }
0x3: {  	_ = 	snop  }
0x4: {  	_ = 	snop  }
0x5: {  	_ = 	snop  }
0x6: {  	_ = 	snop  }
0x7: {  	_ = 	snop  }
__scs_overlays_trampoline_lowered:
0x8: {  	[smem:$0x3FAA] =	sst s0  }
0x9: {  	[smem:$0x3FAB] =	sst s1  }
0xa: {  	[smem:$0x3FAC] =	sst s2  }
0xb: {  	[smem:$0x3FAD] =	sst s3  }
0xc: {  	[smem:$0x3FAE] =	sst s4  }
0xd: {  	[smem:$0x3FAF] =	sst s5  }
0xe: {  	[smem:$0x3FB0] =	sst s6  }
0xf: {  	[smem:$0x3FB1] =	sst s7  }
0x10: {  	[smem:$0x3FB2] =	sst s8  }
0x11: {  	[smem:$0x3FB3] =	sst s9;
	s0 =	simm.s32 @!p0 $0x0  }
0x12: {  	s1 =	sld [smem:$0x3F99];
	s0 =	simm.s32 @p0 $0x1  }
0x13: {  	[smem:$0x3FB4] =	sst s0;
	s0 =	simm.s32 @!p1 $0x0  }
0x14: {  	s2 =	sld [smem:$0x3F98];
	s0 =	simm.s32 @p1 $0x1  }
0x15: {  	[smem:$0x3FB5] =	sst s0;
	s0 =	simm.s32 @!p2 $0x0  }
0x16: {  	s3 =	sld [smem:$0x3FDB];
	s0 =	simm.s32 @p2 $0x1  }
0x17: {  	s4 =	simm.s32 $0x1BF5;
	[smem:$0x3FB7] =	sst s0  }
0x18: {  	s0 =	sld [smem:$0x3F9A];
	_ =	swait.ge [sflag:s4], $0x0  }
0x19: {  	s7 =	sld [smem:$0x3F9B]  }
0x1a: {  	s8 =	sadd.s32 $0xFFFFE003, lr  }
0x1b: {  	s9 =	sadd.s32 $0xFFFFFEF7, lr;
	s5 =	simm.s32 $0xFFFFFFFF;
	p2 =	slt.u32 s8, $0xFFFFF086  }
0x1c: {  	p1 =	slt.u32 s9, $0xF7A;
	s5 =	simm.s32 @!p2 $0x0  }
0x1d: {  	s5 =	simm.s32 @p1 $0x1;
	p0 =	seq.s32 s7, s2  }
0x1e: {  	s7 =	smul.u32 @!p0 $0xF7A, s2;
	p2 =	seq.s32 @!p0 s5, $0x0  }
0x1f: {  	s9 =	smul.u32 $0xF7A, s1;
	s8 =	simm.s32 @!p0 $0x1BF5;
	p2 =	por !p2, p0  }
0x20: {  	[sflag:s8] =	ssyncset.s32 @!p0 $0xFFFFF086;
	s6 =	sadd.s32 @!p0 s3, s7;
	s7 =	simm.s32 @!p0 $0x108  }
0x21: {  	s3 =	sadd.s32 s3, s9;
	s6 =	sadd.s32 @!p0 $0x88, s6;
	s7 =	simm.s32 @p2 $0x1082  }
0x22: {  	[simem:s7], [sflag:s8] =	dma.local @!p0 [hbm:s6], $0xF7A  }
0x23: {  	s9 =	sor.u32 $0xD0000000, s2;
	s6 =	simm.s32 $0x108;
	_ =	swait.ge @!p0 [sflag:s8], $0x0  }
0x24: {  	s3 =	sadd.s32 $0x88, s3;
	s6 =	simm.s32 @!p1 $0x1082;
	[sflag:s4] =	ssyncset.s32 $0xFFFFF086  }
0x25: {  	[simem:s6], [sflag:s4] =	dma.local [hbm:s3], $0xF7A  }
0x26: {  	[smem:$0x3F9B] =	sst s1;
	(tag) =	ssettag s2;
	_ =	strace s9  }
0x27: {  	s1 =	sld [smem:$0x3FAB]  }
0x28: {  	s2 =	sld [smem:$0x3FAC]  }
0x29: {  	s4 =	sld [smem:$0x3FAE]  }
0x2a: {  	p0 =	seq.s32 s5, $0x0;
	s5 =	sld [smem:$0x3FAF]  }
0x2b: {  	s6 =	sld [smem:$0x3FB0]  }
0x2c: {  	s7 =	sld [smem:$0x3FB1]  }
0x2d: {  	s3 =	simm.s32 $0x108;
	s8 =	sld [smem:$0x3FB2]  }
0x2e: {  	s3 =	simm.s32 @!p0 $0x1082;
	s9 =	sld [smem:$0x3FB3]  }
0x2f: {  	lr =	sadd.s32 s0, s3;
	s0 =	sld [smem:$0x3FAA]  }
0x30: {  	s3 =	sld [smem:$0x3FAD]  }
0x31: {  	[smem:$0x3FB6] =	sst s10  }
0x32: {  	s10 =	sld [smem:$0x3FB4];
	_ =	sdelay $0x3  }
0x33: {  	p0 =	seq.s32 s10, $0x1;
	s10 =	sld [smem:$0x3FB6];
	_ =	sdelay $0x3  }
0x34: {  	[smem:$0x3FB6] =	sst s10  }
0x35: {  	s10 =	sld [smem:$0x3FB5];
	_ =	sdelay $0x3  }
0x36: {  	p1 =	seq.s32 s10, $0x1;
	s10 =	sld [smem:$0x3FB6];
	_ =	sdelay $0x3  }
0x37: {  	[smem:$0x3FB6] =	sst s10  }
0x38: {  	s10 =	sld [smem:$0x3FB7]  }
0x39: {  	_ = 	snop;
	(pc) =	sbr.ind lr, $3  }
0x3a: {  	_ = 	snop  }
0x3b: {  	_ = 	snop  }
0x3c: {  	p2 =	seq.s32 s10, $0x1;
	s10 =	sld [smem:$0x3FB6]  }
0x3d: {  	_ =	shalt  }
0x3e: {  	_ =	shalt  }
0x3f: {  	_ =	shalt  }
0x40: {  	_ =	shalt  }
0x41: {  	_ =	shalt  }
0x42: {  	_ =	shalt  }
0x43: {  	_ =	shalt  }
0x44: {  	_ =	shalt  }
0x45: {  	_ =	shalt  }
0x46: {  	_ =	shalt  }
0x47: {  	_ =	shalt  }
0x48: {  	_ =	shalt  }
0x49: {  	_ =	shalt  }
0x4a: {  	_ =	shalt  }
0x4b: {  	_ =	shalt  }
0x4c: {  	_ =	shalt  }
0x4d: {  	_ =	shalt  }
0x4e: {  	_ =	shalt  }
0x4f: {  	_ =	shalt  }
0x50: {  	_ =	shalt  }
0x51: {  	_ =	shalt  }
0x52: {  	_ =	shalt  }
0x53: {  	_ =	shalt  }
0x54: {  	_ =	shalt  }
0x55: {  	_ =	shalt  }
0x56: {  	_ =	shalt  }
0x57: {  	_ =	shalt  }
0x58: {  	_ =	shalt  }
0x59: {  	_ =	shalt  }
0x5a: {  	_ =	shalt  }
0x5b: {  	_ =	shalt  }
0x5c: {  	_ =	shalt  }
0x5d: {  	_ =	shalt  }
0x5e: {  	_ =	shalt  }
0x5f: {  	_ =	shalt  }
0x60: {  	_ =	shalt  }
0x61: {  	_ =	shalt  }
0x62: {  	_ =	shalt  }
0x63: {  	_ =	shalt  }
0x64: {  	_ =	shalt  }
0x65: {  	_ =	shalt  }
0x66: {  	_ =	shalt  }
0x67: {  	_ =	shalt  }
0x68: {  	_ =	shalt  }
0x69: {  	_ =	shalt  }
0x6a: {  	_ =	shalt  }
0x6b: {  	_ =	shalt  }
0x6c: {  	_ =	shalt  }
0x6d: {  	_ =	shalt  }
0x6e: {  	_ =	shalt  }
0x6f: {  	_ =	shalt  }
0x70: {  	_ =	shalt  }
0x71: {  	_ =	shalt  }
0x72: {  	_ =	shalt  }
0x73: {  	_ =	shalt  }
0x74: {  	_ =	shalt  }
0x75: {  	_ =	shalt  }
0x76: {  	_ =	shalt  }
0x77: {  	_ =	shalt  }
0x78: {  	_ =	shalt  }
0x79: {  	_ =	shalt  }
0x7a: {  	_ =	shalt  }
0x7b: {  	_ =	shalt  }
0x7c: {  	_ =	shalt  }
0x7d: {  	_ =	shalt  }
0x7e: {  	_ =	shalt  }
0x7f: {  	_ =	shalt  }
0x80: {  	_ =	shalt  }
0x81: {  	_ =	shalt  }
0x82: {  	_ =	shalt  }
0x83: {  	_ =	shalt  }
0x84: {  	_ =	shalt  }
0x85: {  	_ =	shalt  }
0x86: {  	_ =	shalt  }
0x87: {  	_ =	shalt  }
.Lfunc_end0:
.L_simem_size_0:
called_computation.2_lowered:
.L_overlay_start_0:
0x88: {  	s2 =	sld [smem:$0x3FD9]  }
0x89: {  	s3 =	sld [smem:$0x3FFE];
	_ =	sdelay $0x1  }
0x8a: {  	s1 =	srdreg.scid  }
0x8b: {  	s0 =	sand.u32 $0x1, s1  }
0x8c: {  	s17 =	sshll.u32 s0, $0xA;
	s2 =	sadd.s32 s3, s2  }
0x8d: {  	s2 =	sadd.s32 s2, s17  }
0x8e: {  	[smem:$0x3FC2] =	sst s2  }
0x8f: {  	_ = 	snop  }
0x90: {  	s2 =	sld [smem:$0x3FD0];
	(tm) =	ssettm $0x1  }
0x91: {  	s18 =	sld [smem:$0x3FFB];
	_ =	sdelay $0x3  }
0x92: {  	_ =	strace s18  }
0x93: {  	s3 =	sld [smem:$0x3FFC];
	_ =	sdelay $0x3  }
0x94: {  	_ =	strace s3  }
0x95: {  	s3 =	sld [smem:$0x3FFD];
	_ =	sdelay $0x3  }
0x96: {  	_ =	strace s3  }
0x97: {  	_ =	strace $0x8FFFFFFF  }
0x98: {  	s19 =	sld [smem:$0x3FDB];
	_ =	sdelay $0x1  }
0x99: {  	s4 =	simm.s32 $_scs_section_size  }
0x9a: {  	s5 =	simm.s32 $_size__tile_overlayer_lowered;
	s6 =	simm.s32 $_tile_overlayer_lowered  }
0x9b: {  	s22 =	simm.s32 $0x1BFF;
	s21 =	sshll.u32 s6, $0x1;
	s3 =	sadd.s32 s4, s19  }
0x9c: {  	s7 =	simm.s32 $0x0;
	s20 =	sshll.u32 s5, $0x1;
	s5 =	sadd.s32 s21, s3  }
0x9d: {  	[timem:s7], [sflag:s22] =	dma.local [hbm:s5], s20  }
0x9e: {  	_ =	swait.ge [sflag:s22], s20  }
0x9f: {  	s4 =	ssub.s32 $0x0, s20;
	[sflag:s22] =	ssyncset.done $0x0  }
0xa0: {  	[sflag:s22] =	ssyncadd.s32 s4;
	_ =	sdelay $0x1  }
0xa1: {  	s23 =	simm.s32 $0x1B8B  }
0xa2: {  	_ =	swait.ge [sflag:s23], $0x1  }
0xa3: {  	[sflag:s23] =	ssyncset.done $0x0  }
0xa4: {  	s25 =	simm.s32 $0x1B8E;
	s24 =	sld [smem:$0x3FFE];
	[sflag:s23] =	ssyncadd.s32 $0xFFFFFFFF  }
0xa5: {  	s26 =	simm.s32 $execute0_lowered;
	[smem:$0x3FD2] =	sst s25  }
0xa6: {  	s5 =	sshll.u32 s26, $0x1;
	_ =	strace $0x8000004C;
	[dreg:$0x1] =	wrdreg $0xFFFFFFFF  }
0xa7: {  	s28 =	simm.s32 $_size_execute0_lowered;
	s3 =	sadd.s32 s3, s5;
	[dreg:$0x0] =	wrdreg $0x0  }
0xa8: {  	s5 =	sshll.u32 s28, $0x1;
	[dreg:$0x2] =	wrdreg s3  }
0xa9: {  	[dreg:$0x3] =	wrdreg s5  }
0xaa: {  	[dreg:$0x4] =	wrdreg $0xC0  }
0xab: {  	_ =	task [dreg:s7], $0x5FFFF  }
0xac: {  	[dreg:$0x1] =	wrdreg $0xFFFFFFFF  }
0xad: {  	[dreg:$0x0] =	wrdreg $0x60  }
0xae: {  	[dreg:$0x2] =	wrdreg s24  }
0xaf: {  	[dreg:$0x3] =	wrdreg s2  }
0xb0: {  	[dreg:$0x4] =	wrdreg $0x1C3B00  }
0xb1: {  	[dreg:$0x5] =	wrdreg $0x1B0280  }
0xb2: {  	[dreg:$0x6] =	wrdreg $0x9  }
0xb3: {  	_ =	task.clear_ibuf [dreg:s7], $0x7FFFF;
	_ =	strace $0x9000004C  }
0xb4: {  	s29 =	simm.s32 $0x9;
	_ =	strace $0x8000004E  }
0xb5: {  	_ =	swait.ge [sflag:s29], $0x1  }
0xb6: {  	[sflag:s29] =	ssyncadd.s32 $0xFFFFFFFF  }
0xb7: {  	_ =	strace $0x9000004E  }
0xb8: {  	_ =	sfence  }
0xb9: {  	s30 =	sld [smem:$0x0];
	_ =	sdelay $0x2  }
0xba: {  	s31 =	sshll.u32 s1, $0xD;
	s1 =	sshrl.u32 s1, $0x2  }
0xbb: {  	s3 =	sand.u32 $0x4000, s31;
	s1 =	sadd.s32 s1, s30  }
0xbc: {  	s0 =	sor.u32 s3, s0;
	s1 =	sshll.u32 s1, $0x11  }
0xbd: {  	s0 =	sor.u32 s1, s0  }
0xbe: {  	s0 =	sadd.s32 $0x8F2B, s0  }
0xbf: {  	[sflag:s0] =	ssyncadd.remote.s32 $0x1  }
0xc0: {  	_ =	sfence.sel $0xFFFF  }
0xc1: {  	[dreg:$0x0] =	wrdreg $0xFFFFFFFF;
	(pc) =	sbr.abs _section_cstart, $3  }
0xc2: {  	[dreg:$0x1] =	wrdreg $0xFFFFFFFF  }
0xc3: {  	_ =	task.clear_ibuf [dreg:s7], $0x2FFFF;
	_ =	strace $0x9FFFFFFF  }
0xc4: {  	(tm) =	ssettm $0x7FFFFFFF  }
0xc5: {  	_ =	shalt  }
tec
execute0_lowered:
.L_overlay_start_1:
0x0: {  	(tag) =	ssettag $0x1  }
0x1: {  	s1 =	rddreg [dreg:$0x0]  }
0x2: {  	s9 =	rddreg [dreg:$0x1]  }
0x3: {  	s7 =	rddreg [dreg:$0x2];
	s2 =	srdreg.scid  }
0x4: {  	s0 =	stileid.u32;
	s4 =	rddreg [dreg:$0x3]  }
0x5: {  	s5 =	simm.s32 $0x0;
	s29 =	simm.s32 $0x0;
	s2 =	sand.u32 $0x1, s2  }
0x6: {  	s3 =	sshll.u32 s0, $0x1;
	[smem:$0x7FF] =	sst s5;
	s24 =	sadd.s32 $0x18200, s1  }
0x7: {  	s25 =	sadd.s32 $0x18800, s1;
	s26 =	sadd.s32 $0x18E00, s1;
	s6 =	sadd.s32 $0x19400, s1  }
0x8: {  	s8 =	sadd.s32 $0x19A00, s1;
	_ =	strace $0x8000004D;
	[dreg:$0x5] =	wrdreg s24  }
0x9: {  	p0 =	seq.s32 s0, $0x0;
	s13 =	sadd.s32 $0xC350, s4;
	[dreg:$0x6] =	wrdreg s25  }
0xa: {  	s14 =	sadd.s32 $0x9C40, s4;
	s15 =	sadd.s32 $0x7530, s4;
	[dreg:$0x7] =	wrdreg s26  }
0xb: {  	s16 =	sadd.s32 $0x4E20, s7;
	s17 =	sadd.s32 $0x4E20, s4;
	[dreg:$0x8] =	wrdreg s6  }
0xc: {  	s12 =	sadd.s32 $0x19EE2, s1;
	s18 =	sadd.s32 $0x1A3C4, s1;
	[dreg:$0x9] =	wrdreg s8  }
0xd: {  	s19 =	sadd.s32 $0x1A8A6, s1;
	s20 =	sadd.s32 $0x1AD88, s1;
	[dreg:$0xc] =	wrdreg s12  }
0xe: {  	p6 =	seq.s32 s0, $0x6;
	s21 =	sadd.s32 $0x1B26A, s1;
	[dreg:$0xd] =	wrdreg s18  }
0xf: {  	s22 =	sadd.s32 $0x1B74C, s1;
	s28 =	sadd.s32 $0x2710, s4;
	[dreg:$0xe] =	wrdreg s19  }
0x10: {  	s3 =	sor.u32 s2, s3;
	s30 =	ssub.s32 $0x2, s2;
	[dreg:$0xf] =	wrdreg s20  }
0x11: {  	p2 =	seq.s32 s2, $0x1;
	p1 =	seq.s32 s2, $0x0;
	[dreg:$0x10] =	wrdreg s21  }
0x12: {  	s11 =	sor.u32 s2, s0;
	[dreg:$0x11] =	wrdreg s22;
	s26 =	sadd.s32 $0x2710, s7  }
0x13: {  	s24 =	sadd.s32 $0x4E2, s9;
	s25 =	sadd.s32 $0x9C4, s9;
	s7 =	sadd.s32 $0x7530, s7  }
0x14: {  	s8 =	sadd.s32 $0x11170, s4;
	s12 =	simm.s32 $0x113E8;
	s18 =	simm.s32 $0x5098  }
0x15: {  	s19 =	simm.s32 $0x77A8;
	s20 =	simm.s32 $0x9EB8;
	s3 =	smul.u32 $0x2710, s3  }
0x16: {  	s21 =	simm.s32 $0x13AF8;
	s22 =	simm.s32 $0x16208;
	s31 =	sshrl.u32 s30, $0x1  }
0x17: {  	p3 =	sne.s32 s11, $0x0;
	[dreg:$0x14] =	wrdreg s24;
	s3 =	sshrl.u32 s3, $0x3  }
0x18: {  	p1 =	por !p6, !p1;
	[dreg:$0x15] =	wrdreg s25;
	s3 =	sadd.s32 s3, s1  }
0x19: {  	s11 =	simm.s32 $0xECD8;
	s10 =	sadd.s32 $0x4800, s3;
	s3 =	sadd.s32 $0xE440, s3  }
0x1a: {  	s24 =	simm.s32 $0x271;
	[dreg:$0xb] =	wrdreg s3;
	s3 =	simm.s32 @!p0 $0x0  }
0x1b: {  	s25 =	simm.s32 $0x4E20;
	s3 =	simm.s32 @p0 $0x1;
	p0 =	por !p0, !p2  }
0x1c: {  	s5 =	ssub.s32 s30, s31;
	p1 =	por !p1, !p1;
	p0 =	por !p0, !p0  }
0x1d: {  	[smem:$0x7F4] =	sst s3;
	s3 =	simm.s32 @!p2 $0x0;
	s6 =	simm.s32 @!p0 $0x0  }
0x1e: {  	s30 =	sadd.s32 $0xEA6, s9;
	s3 =	simm.s32 @p2 $0x1;
	s6 =	simm.s32 @p0 $0x1  }
0x1f: {  	[smem:$0x7F6] =	sst s3;
	p0 =	por !p6, !p2;
	s3 =	simm.s32 @!p1 $0x0  }
0x20: {  	v0 =	vlaneseq.u32;
	v40 =	vimm.f32 $0.0e+00;
	s31 =	sadd.s32 $0x1388, s9;
	s3 =	simm.s32 @p1 $0x1;
	p0 =	por !p0, !p0  }
0x21: {  	v1 =	vor.u32 $0x10, v0;
	v2 =	vor.u32 $0x20, v0;
	v3 =	vor.u32 $0x30, v0;
	s23 =	smax.u32 s5, $0x1;
	[smem:$0x7F7] =	sst s3;
	s3 =	simm.s32 @!p0 $0x0  }
0x22: {  	v4 =	vor.u32 $0x40, v0;
	v5 =	vor.u32 $0x50, v0;
	v6 =	vor.u32 $0x60, v0;
	[dreg:$0x16] =	wrdreg s30;
	s3 =	simm.s32 @p0 $0x1;
	p0 =	sne.s32 s2, $0x0  }
0x23: {  	v7 =	vor.u32 $0x70, v0;
	v8 =	vor.u32 $0x80, v0;
	v9 =	vor.u32 $0x90, v0;
	[dreg:$0x17] =	wrdreg s31;
	s1 =	sadd.s32 $0x1BC2E, s1;
	s2 =	simm.s32 @!p0 $0x0  }
0x24: {  	v10 =	vor.u32 $0xA0, v0;
	v11 =	vor.u32 $0xB0, v0;
	v12 =	vor.u32 $0xC0, v0;
	[dreg:$0x13] =	wrdreg s23;
	s2 =	simm.s32 @p0 $0x1;
	p0 =	sne.s32 s0, $0x6  }
0x25: {  	v13 =	vor.u32 $0xD0, v0;
	v14 =	vor.u32 $0xE0, v0;
	v15 =	vor.u32 $0xF0, v0;
	s5 =	sadd.s32 $0x222E, s9;
	[dreg:$0x12] =	wrdreg s1;
	s1 =	simm.s32 @!p0 $0x0  }
0x26: {  	v16 =	vor.u32 $0x100, v0;
	v17 =	vor.u32 $0x110, v0;
	v18 =	vor.u32 $0x120, v0;
	[dreg:$0xa] =	wrdreg s10;
	s1 =	simm.s32 @p0 $0x1;
	p0 =	sgt.s32 s0, $0x2  }
0x27: {  	v19 =	vor.u32 $0x130, v0;
	v20 =	vor.u32 $0x140, v0;
	v21 =	vor.u32 $0x150, v0;
	s23 =	simm.s32 $0x18918;
	[smem:$0x7FA] =	sst s1;
	s1 =	simm.s32 @!p0 $0x0  }
0x28: {  	v22 =	vor.u32 $0x160, v0;
	v23 =	vor.u32 $0x170, v0;
	v24 =	vor.u32 $0x180, v0;
	[smem:$0x7F5] =	sst s6;
	s1 =	simm.s32 @p0 $0x1;
	p0 =	seq.s32 s0, $0x1  }
0x29: {  	v25 =	vor.u32 $0x190, v0;
	v26 =	vor.u32 $0x1A0, v0;
	v27 =	vor.u32 $0x1B0, v0;
	s10 =	simm.s32 $0xC5C8;
	[smem:$0x7FB] =	sst s1;
	s1 =	simm.s32 @!p0 $0x0  }
0x2a: {  	v28 =	vor.u32 $0x1C0, v0;
	v29 =	vor.u32 $0x1D0, v0;
	v30 =	vor.u32 $0x1E0, v0;
	[smem:$0x7F8] =	sst s3;
	s1 =	simm.s32 @p0 $0x1;
	p0 =	seq.s32 s0, $0x2  }
0x2b: {  	v31 =	vor.u32 $0x1F0, v0;
	v32 =	vor.u32 $0x200, v0;
	v33 =	vor.u32 $0x210, v0;
	s6 =	sadd.s32 $0x186A, s9;
	[smem:$0x7FC] =	sst s1;
	s1 =	simm.s32 @!p0 $0x0  }
0x2c: {  	v34 =	vor.u32 $0x220, v0;
	v35 =	vor.u32 $0x230, v0;
	v36 =	vor.u32 $0x240, v0;
	s3 =	sadd.s32 $0x1D4C, s9;
	[smem:$0x7F9] =	sst s2;
	s1 =	simm.s32 @p0 $0x1  }
0x2d: {  	v37 =	vor.u32 $0x250, v0;
	v38 =	vor.u32 $0x260, v0;
	v39 =	vadd.s32 $0x261, v0;
	s9 =	simm.s32 $0x1;
	[smem:$0x7FD] =	sst s1;
	s1 =	sadd.s32 $0xEA60, s4  }
.LBB2_1:
0x2e: {  	s2 =	simm.s32 $0x0;
	s30 =	rddreg [dreg:$0xa]  }
0x2f: {  	[tilespmem:s2], [sflag:$0x1] =	stream.linear.gather [hbm4b:s30+s2], $0x2710, $0x38;
	[tilespmem:$0x1CD78] =	vst v63  }
0x30: {  	_ =	swait.ge [sflag:s9], $0x2710  }
0x31: {  	[sflag:s9] =	ssyncset.done $0x0  }
0x32: {  	s31 =	simm.s32 $0x2710;
	s30 =	rddreg [dreg:$0xb];
	[sflag:s9] =	ssyncadd.s32 $0xFFFFD8F0  }
0x33: {  	[tilespmem:s31], [sflag:$0x1] =	stream.linear.gather [hbm4b:s30+s2], $0x2710, $0x38;
	[tilespmem:$0x1CD78] =	vst v63  }
0x34: {  	_ =	swait.ge [sflag:s9], $0x2710  }
0x35: {  	[sflag:s9] =	ssyncset.done $0x0  }
0x36: {  	[sflag:s9] =	ssyncadd.s32 $0xFFFFD8F0  }
0x37: {  	[tilespmem:$0x4E20] =	vst v0  }
0x38: {  	[tilespmem:$0x4E30] =	vst v1  }
0x39: {  	[tilespmem:$0x4E40] =	vst v2  }
0x3a: {  	[tilespmem:$0x4E50] =	vst v3  }
0x3b: {  	[tilespmem:$0x4E60] =	vst v4  }
0x3c: {  	[tilespmem:$0x4E70] =	vst v5  }
0x3d: {  	[tilespmem:$0x4E80] =	vst v6  }
0x3e: {  	[tilespmem:$0x4E90] =	vst v7  }
0x3f: {  	[tilespmem:$0x4EA0] =	vst v8  }
0x40: {  	[tilespmem:$0x4EB0] =	vst v9  }
0x41: {  	[tilespmem:$0x4EC0] =	vst v10  }
0x42: {  	[tilespmem:$0x4ED0] =	vst v11  }
0x43: {  	[tilespmem:$0x4EE0] =	vst v12  }
0x44: {  	[tilespmem:$0x4EF0] =	vst v13  }
0x45: {  	[tilespmem:$0x4F00] =	vst v14  }
0x46: {  	[tilespmem:$0x4F10] =	vst v15  }
0x47: {  	[tilespmem:$0x4F20] =	vst v16  }
0x48: {  	[tilespmem:$0x4F30] =	vst v17  }
0x49: {  	[tilespmem:$0x4F40] =	vst v18  }
0x4a: {  	[tilespmem:$0x4F50] =	vst v19  }
0x4b: {  	[tilespmem:$0x4F60] =	vst v20  }
0x4c: {  	[tilespmem:$0x4F70] =	vst v21  }
0x4d: {  	[tilespmem:$0x4F80] =	vst v22  }
0x4e: {  	[tilespmem:$0x4F90] =	vst v23  }
0x4f: {  	[tilespmem:$0x4FA0] =	vst v24  }
0x50: {  	[tilespmem:$0x4FB0] =	vst v25  }
0x51: {  	[tilespmem:$0x4FC0] =	vst v26  }
0x52: {  	[tilespmem:$0x4FD0] =	vst v27  }
0x53: {  	[tilespmem:$0x4FE0] =	vst v28  }
0x54: {  	[tilespmem:$0x4FF0] =	vst v29  }
0x55: {  	[tilespmem:$0x5000] =	vst v30  }
0x56: {  	[tilespmem:$0x5010] =	vst v31  }
0x57: {  	[tilespmem:$0x5020] =	vst v32  }
0x58: {  	[tilespmem:$0x5030] =	vst v33  }
0x59: {  	[tilespmem:$0x5040] =	vst v34  }
0x5a: {  	[tilespmem:$0x5050] =	vst v35  }
0x5b: {  	[tilespmem:$0x5060] =	vst v36  }
0x5c: {  	[tilespmem:$0x5070] =	vst v37  }
0x5d: {  	[tilespmem:$0x5080] =	vst v38  }
0x5e: {  	s2 =	simm.s32 $0x0;
	[tilespmem:$0x5081] =	vst v39  }
0x5f: {  	[tilespmem:s2+$0x18918] =	vst v40  }
0x60: {  	[tilespmem:s2+$0xC5C8] =	vst v40  }
0x61: {  	[tilespmem:s2+$0xECD8] =	vst v40  }
0x62: {  	[tilespmem:s2+$0x113E8] =	vst v40  }
0x63: {  	s30 =	simm.s32 $0x40;
	[tilespmem:s2+$0x13AF8] =	vst v40  }
.LBB2_2:
0x64: {  	p0 =	sne.s32 s30, $0x9C00;
	[tilespmem:s2+$0x16208] =	vst v40;
	s2 =	sshra.s32 s30, $0x2;
	s30 =	sadd.s32 $0x40, s30  }
.Ltmp0:
0x65: {  	[tilespmem:s2+$0x18918] =	vst v40;
	(pc) =	sbr.rel @p0 .LBB2_2-.Ltmp0, $4  }
0x66: {  	[tilespmem:s2+$0xC5C8] =	vst v40  }
0x67: {  	[tilespmem:s2+$0xECD8] =	vst v40  }
0x68: {  	[tilespmem:s2+$0x113E8] =	vst v40  }
0x69: {  	[tilespmem:s2+$0x13AF8] =	vst v40  }
0x6a: {  	[tilespmem:s2+$0x16208] =	vst v40  }
0x6b: {  	s2 =	sld [smem:$0x7FB];
	_ =	sdelay $0x2  }
0x6c: {  	p0 =	seq.s32 s2, $0x1  }
.Ltmp1:
0x6d: {  	_ = 	snop;
	(pc) =	sbr.rel @p0 .LBB2_8-.Ltmp1, $2  }
0x6e: {  	_ =	sdelay $0x2  }
0x6f: {  	p6 =	por $0x0, $0x0  }
0x70: {  	s2 =	sld [smem:$0x7F4];
	_ =	sdelay $0x2  }
0x71: {  	p0 =	seq.s32 s2, $0x1  }
.Ltmp2:
0x72: {  	_ = 	snop;
	(pc) =	sbr.rel @p0 .LBB2_13-.Ltmp2, $1  }
0x73: {  	_ =	sdelay $0x3  }
0x74: {  	s2 =	sld [smem:$0x7FC];
	_ =	sdelay $0x2  }
0x75: {  	p0 =	seq.s32 s2, $0x1  }
.Ltmp3:
0x76: {  	_ = 	snop;
	(pc) =	sbr.rel @p0 .LBB2_12-.Ltmp3, $1  }
0x77: {  	_ =	sdelay $0x3  }
0x78: {  	s31 =	sld [smem:$0x7FD]  }
0x79: {  	p1 =	por $0x0, $0x0  }
0x7a: {  	s2 =	simm.s32 @!p1 $0x0  }
0x7b: {  	s2 =	simm.s32 @p1 $0x1;
	p1 =	seq.s32 s31, $0x1  }
.Ltmp4:
0x7c: {  	_ = 	snop;
	(pc) =	sbr.rel @!p1 .LBB2_17-.Ltmp4, $3  }
0x7d: {  	_ =	sdelay $0x1  }
0x7e: {  	p0 =	por $0x0, $0x0  }
0x7f: {  	p2 =	por $0x0, $0x0;
	p4 =	por $0x0, $0x0;
	[smem:$0x7F3] =	sst s2  }
0x80: {  	s2 =	sshrl.u32 s16, $0x3;
	s30 =	rddreg [dreg:$0x7];
	s31 =	simm.s32 $0x1C81  }
0x81: {  	[spmem:s2], [sflag:s31] =	dma.local [hbm:s30], $0x4E2  }
.Ltmp5:
0x82: {  	p2 =	por $0x1, $0x1;
	p1 =	por $0x0, $0x0;
	(pc) =	sbr.rel .LBB2_16-.Ltmp5, $4  }
0x83: {  	p6 =	por $0x0, $0x0;
	s2 =	simm.s32 @!p1 $0x0;
	_ =	swait.ge [sflag:s9], $0x4E2  }
0x84: {  	p0 =	por $0x0, $0x0;
	s2 =	simm.s32 @p1 $0x1;
	[sflag:s9] =	ssyncset.done $0x0  }
0x85: {  	p4 =	por $0x0, $0x0;
	[smem:$0x7F3] =	sst s2;
	[sflag:s9] =	ssyncadd.s32 $0xFFFFFB1E  }
0x86: {  	[spmem:s17] =	stream.linear.scatter [tilespmem:s12], [sflag:$0x1], $0x2710, $0x38;
	[tilespmem:$0x1CD78] =	vst v63  }
.LBB2_8:
0x87: {  	p0 =	seq.s32 s0, $0x3  }
.Ltmp6:
0x88: {  	_ = 	snop;
	(pc) =	sbr.rel @p0 .LBB2_14-.Ltmp6, $1  }
0x89: {  	_ =	sdelay $0x3  }
0x8a: {  	p0 =	seq.s32 s0, $0x4  }
.Ltmp7:
0x8b: {  	_ = 	snop;
	(pc) =	sbr.rel @p0 .LBB2_15-.Ltmp7, $1  }
0x8c: {  	_ =	sdelay $0x3  }
0x8d: {  	p5 =	seq.s32 s0, $0x5  }
.Ltmp8:
0x8e: {  	_ = 	snop;
	(pc) =	sbr.rel @!p5 .LBB2_17-.Ltmp8, $4  }
0x8f: {  	p1 =	por $0x0, $0x0  }
0x90: {  	s2 =	simm.s32 @!p1 $0x0  }
0x91: {  	p0 =	por $0x0, $0x0;
	s2 =	simm.s32 @p1 $0x1  }
0x92: {  	p2 =	por $0x0, $0x0;
	p4 =	por $0x0, $0x0;
	[smem:$0x7F3] =	sst s2  }
0x93: {  	[spmem:s13] =	stream.linear.scatter [tilespmem:s23], [sflag:$0x1], $0x2710, $0x38;
	[tilespmem:$0x1CD78] =	vst v63  }
.Ltmp9:
0x94: {  	_ = 	snop;
	(pc) =	sbr.rel .LBB2_16-.Ltmp9, $4  }
0x95: {  	p1 =	por $0x0, $0x0  }
0x96: {  	s2 =	simm.s32 @!p1 $0x0  }
0x97: {  	p0 =	por $0x0, $0x0;
	p6 =	por $0x1, $0x1;
	s2 =	simm.s32 @p1 $0x1  }
0x98: {  	p2 =	por $0x0, $0x0;
	p4 =	por $0x0, $0x0;
	[smem:$0x7F3] =	sst s2  }
.LBB2_13:
0x99: {  	s2 =	rddreg [dreg:$0x2]  }
0x9a: {  	s30 =	rddreg [dreg:$0x5];
	s31 =	simm.s32 $0x1C01;
	s2 =	sshrl.u32 s2, $0x3  }
0x9b: {  	[spmem:s2], [sflag:s31] =	dma.local [hbm:s30], $0x4E2  }
.Ltmp10:
0x9c: {  	p6 =	por $0x0, $0x0;
	p1 =	por $0x0, $0x0;
	(pc) =	sbr.rel .LBB2_16-.Ltmp10, $4  }
0x9d: {  	p0 =	por $0x0, $0x0;
	s2 =	simm.s32 @!p1 $0x0;
	_ =	swait.ge [sflag:s9], $0x4E2  }
0x9e: {  	p2 =	por $0x0, $0x0;
	s2 =	simm.s32 @p1 $0x1;
	[sflag:s9] =	ssyncset.done $0x0  }
0x9f: {  	p4 =	por $0x0, $0x0;
	[smem:$0x7F3] =	sst s2;
	[sflag:s9] =	ssyncadd.s32 $0xFFFFFB1E  }
0xa0: {  	[spmem:s4] =	stream.linear.scatter [tilespmem:s10], [sflag:$0x1], $0x2710, $0x38;
	[tilespmem:$0x1CD78] =	vst v63  }
.LBB2_14:
0xa1: {  	[spmem:s15] =	stream.linear.scatter [tilespmem:s21], [sflag:$0x1], $0x2710, $0x38;
	[tilespmem:$0x1CD78] =	vst v63  }
.Ltmp11:
0xa2: {  	_ = 	snop;
	(pc) =	sbr.rel .LBB2_16-.Ltmp11, $4  }
0xa3: {  	p1 =	por $0x0, $0x0  }
0xa4: {  	s2 =	simm.s32 @!p1 $0x0  }
0xa5: {  	p0 =	por $0x1, $0x1;
	p6 =	por $0x0, $0x0;
	s2 =	simm.s32 @p1 $0x1  }
0xa6: {  	p2 =	por $0x0, $0x0;
	p4 =	por $0x0, $0x0;
	[smem:$0x7F3] =	sst s2  }
.LBB2_12:
0xa7: {  	s2 =	sshrl.u32 s26, $0x3;
	s30 =	rddreg [dreg:$0x6];
	s31 =	simm.s32 $0x1C41  }
0xa8: {  	[spmem:s2], [sflag:s31] =	dma.local [hbm:s30], $0x4E2  }
.Ltmp12:
0xa9: {  	p4 =	por $0x1, $0x1;
	p1 =	por $0x0, $0x0;
	(pc) =	sbr.rel .LBB2_16-.Ltmp12, $4  }
0xaa: {  	p6 =	por $0x0, $0x0;
	s2 =	simm.s32 @!p1 $0x0;
	_ =	swait.ge [sflag:s9], $0x4E2  }
0xab: {  	p0 =	por $0x0, $0x0;
	s2 =	simm.s32 @p1 $0x1;
	[sflag:s9] =	ssyncset.done $0x0  }
0xac: {  	p2 =	por $0x0, $0x0;
	[smem:$0x7F3] =	sst s2;
	[sflag:s9] =	ssyncadd.s32 $0xFFFFFB1E  }
0xad: {  	[spmem:s28] =	stream.linear.scatter [tilespmem:s11], [sflag:$0x1], $0x2710, $0x38;
	[tilespmem:$0x1CD78] =	vst v63  }
.LBB2_15:
0xae: {  	[spmem:s14] =	stream.linear.scatter [tilespmem:s22], [sflag:$0x1], $0x2710, $0x38;
	[tilespmem:$0x1CD78] =	vst v63  }
0xaf: {  	p0 =	por $0x1, $0x1  }
0xb0: {  	s2 =	simm.s32 @!p0 $0x0  }
0xb1: {  	p6 =	por $0x0, $0x0;
	p2 =	por $0x0, $0x0;
	s2 =	simm.s32 @p0 $0x1  }
0xb2: {  	p4 =	por $0x0, $0x0;
	p0 =	por $0x0, $0x0;
	[smem:$0x7F3] =	sst s2  }
.LBB2_16:
0xb3: {  	_ =	swait.ge [sflag:s9], $0x2710  }
0xb4: {  	[sflag:s9] =	ssyncset.done $0x0  }
0xb5: {  	[sflag:s9] =	ssyncadd.s32 $0xFFFFD8F0  }
.LBB2_17:
0xb6: {  	s2 =	simm.s32 @!p6 $0x0  }
0xb7: {  	s2 =	simm.s32 @p6 $0x1  }
0xb8: {  	[smem:$0x7F2] =	sst s2  }
0xb9: {  	[bflag:$0x0] =	sbarrier.arrive $0xFFFF  }
0xba: {  	s2 =	rddreg [dreg:$0x2]  }
0xbb: {  	[tilespmem:s18], [sflag:$0x1] =	stream.linear.gather [spmem:s2], $0x2710, $0x38;
	[tilespmem:$0x1CD78] =	vst v63  }
0xbc: {  	_ =	swait.ge [sflag:s9], $0x2710  }
0xbd: {  	[sflag:s9] =	ssyncset.done $0x0  }
0xbe: {  	[sflag:s9] =	ssyncadd.s32 $0xFFFFD8F0  }
0xbf: {  	[tilespmem:s19], [sflag:$0x1] =	stream.linear.gather [spmem:s26], $0x2710, $0x38;
	[tilespmem:$0x1CD78] =	vst v63  }
0xc0: {  	_ =	swait.ge [sflag:s9], $0x2710  }
0xc1: {  	[sflag:s9] =	ssyncset.done $0x0  }
0xc2: {  	[sflag:s9] =	ssyncadd.s32 $0xFFFFD8F0  }
0xc3: {  	[tilespmem:s20], [sflag:$0x1] =	stream.linear.gather [spmem:s16], $0x2710, $0x38;
	[tilespmem:$0x1CD78] =	vst v63  }
0xc4: {  	_ =	swait.ge [sflag:s9], $0x2710  }
0xc5: {  	[sflag:s9] =	ssyncset.done $0x0  }
0xc6: {  	s2 =	simm.s32 $0x20;
	[sflag:s9] =	ssyncadd.s32 $0xFFFFD8F0  }
0xc7: {  	v45 =	vld [tilespmem:s2+$0x10]  }
0xc8: {  	v46 =	vld [tilespmem:s2+$0xFFFFFFE0];
	_ =	sdelay $0x2  }
0xc9: {  	v47 =	vld [tilespmem:s2+$0xFFFFFFF0]  }
0xca: {  	s30 =	simm.s32 $0x2730;
	v43 =	vld [tilespmem:s2+$0x0]  }
0xcb: {  	v48 =	vld [tilespmem:s30+$0x10]  }
0xcc: {  	v44 =	vld [tilespmem:s30+$0xFFFFFFE0]  }
0xcd: {  	v42 =	vld.idx.msk [tilespmem:v45+s18+$0x0], $0xffff  }
0xce: {  	v50 =	vld.idx.msk [tilespmem:v46+s18+$0x0], $0xffff;
	_ =	sdelay $0x1  }
0xcf: {  	v41 =	vld [tilespmem:s30+$0xFFFFFFF0]  }
0xd0: {  	v49 =	vld.idx.msk [tilespmem:v47+s18+$0x0], $0xffff  }
0xd1: {  	v51 =	vld.idx.msk [tilespmem:v43+s18+$0x0], $0xffff;
	v52 =	vunpack.i.l.bf16.f32 v42  }
0xd2: {  	v53 =	vunpack.i.l.bf16.f32 v50;
	[tilespmem:v48+s10+$0x0] =	vst.idx.add.f32.msk $0xffff, v52  }
0xd3: {  	v42 =	vunpack.i.u.bf16.f32 v42;
	[tilespmem:v44+s10+$0x0] =	vst.idx.add.f32.msk $0xffff, v53  }
0xd4: {  	[tilespmem:v48+s11+$0x0] =	vst.idx.add.f32.msk $0xffff, v42  }
0xd5: {  	v42 =	vld [tilespmem:s30+$0x0]  }
0xd6: {  	v57 =	vunpack.i.l.bf16.f32 v49;
	v52 =	vld.idx.msk [tilespmem:v45+s19+$0x0], $0xffff  }
0xd7: {  	v50 =	vunpack.i.u.bf16.f32 v50;
	[tilespmem:v41+s10+$0x0] =	vst.idx.add.f32.msk $0xffff, v57  }
0xd8: {  	[tilespmem:v44+s11+$0x0] =	vst.idx.add.f32.msk $0xffff, v50  }
0xd9: {  	v49 =	vunpack.i.u.bf16.f32 v49;
	v62 =	vld.idx.msk [tilespmem:v46+s19+$0x0], $0xffff  }
0xda: {  	[tilespmem:v41+s11+$0x0] =	vst.idx.add.f32.msk $0xffff, v49  }
0xdb: {  	v63 =	vld.idx.msk [tilespmem:v47+s19+$0x0], $0xffff;
	v58 =	vunpack.i.l.bf16.f32 v52  }
0xdc: {  	v59 =	vunpack.i.u.bf16.f32 v52;
	[tilespmem:v48+s12+$0x0] =	vst.idx.add.f32.msk $0xffff, v58  }
0xdd: {  	v60 =	vunpack.i.l.bf16.f32 v51;
	[tilespmem:v48+s21+$0x0] =	vst.idx.add.f32.msk $0xffff, v59  }
0xde: {  	v58 =	vunpack.i.l.bf16.f32 v62;
	[tilespmem:v42+s10+$0x0] =	vst.idx.add.f32.msk $0xffff, v60  }
0xdf: {  	[tilespmem:v44+s12+$0x0] =	vst.idx.add.f32.msk $0xffff, v58  }
0xe0: {  	v61 =	vunpack.i.u.bf16.f32 v51;
	v45 =	vld.idx.msk [tilespmem:v45+s20+$0x0], $0xffff  }
0xe1: {  	v59 =	vunpack.i.u.bf16.f32 v62;
	[tilespmem:v42+s11+$0x0] =	vst.idx.add.f32.msk $0xffff, v61  }
0xe2: {  	[tilespmem:v44+s21+$0x0] =	vst.idx.add.f32.msk $0xffff, v59  }
0xe3: {  	v60 =	vunpack.i.l.bf16.f32 v63;
	v56 =	vld.idx.msk [tilespmem:v43+s19+$0x0], $0xffff  }
0xe4: {  	v61 =	vunpack.i.u.bf16.f32 v63;
	[tilespmem:v41+s12+$0x0] =	vst.idx.add.f32.msk $0xffff, v60  }
0xe5: {  	[tilespmem:v41+s21+$0x0] =	vst.idx.add.f32.msk $0xffff, v61  }
0xe6: {  	v46 =	vld.idx.msk [tilespmem:v46+s20+$0x0], $0xffff;
	v57 =	vunpack.i.l.bf16.f32 v45  }
0xe7: {  	v45 =	vunpack.i.u.bf16.f32 v45;
	[tilespmem:v48+s22+$0x0] =	vst.idx.add.f32.msk $0xffff, v57  }
0xe8: {  	v62 =	vunpack.i.l.bf16.f32 v56;
	[tilespmem:v48+s23+$0x0] =	vst.idx.add.f32.msk $0xffff, v45  }
0xe9: {  	[tilespmem:v42+s12+$0x0] =	vst.idx.add.f32.msk $0xffff, v62  }
0xea: {  	v63 =	vunpack.i.u.bf16.f32 v56;
	v45 =	vld.idx.msk [tilespmem:v47+s20+$0x0], $0xffff  }
0xeb: {  	s31 =	simm.s32 $0x0;
	s2 =	simm.s32 $0x60;
	[tilespmem:v42+s21+$0x0] =	vst.idx.add.f32.msk $0xffff, v63  }
.LBB2_18:
0xec: {  	v47 =	vld [tilespmem:s2+$0x10]  }
0xed: {  	v48 =	vld [tilespmem:s2+$0xFFFFFFF0]  }
0xee: {  	v49 =	vld [tilespmem:s2+$0x0]  }
0xef: {  	s31 =	sadd.s32 $0x4, s31;
	v50 =	vld [tilespmem:s2+$0xFFFFFFE0]  }
0xf0: {  	p5 =	slt.u32 s31, $0x26C;
	v51 =	vunpack.i.u.bf16.f32 v46;
	v46 =	vunpack.i.l.bf16.f32 v46;
	v52 =	vld.idx.msk [tilespmem:v43+s20+$0x0], $0xffff  }
0xf1: {  	[tilespmem:v44+s22+$0x0] =	vst.idx.add.f32.msk $0xffff, v46;
	v46 =	vunpack.i.u.bf16.f32 v45;
	v45 =	vunpack.i.l.bf16.f32 v45  }
0xf2: {  	s30 =	sadd.s32 $0x40, s30;
	[tilespmem:v44+s23+$0x0] =	vst.idx.add.f32.msk $0xffff, v51  }
0xf3: {  	v51 =	vld [tilespmem:s30+$0x10];
	v43 =	vmov v49  }
0xf4: {  	v53 =	vld.idx.msk [tilespmem:v47+s18+$0x0], $0xffff  }
0xf5: {  	v54 =	vld.idx.msk [tilespmem:v48+s18+$0x0], $0xffff  }
0xf6: {  	v55 =	vunpack.i.u.bf16.f32 v52;
	v52 =	vunpack.i.l.bf16.f32 v52;
	v49 =	vld.idx.msk [tilespmem:v49+s18+$0x0], $0xffff  }
0xf7: {  	v56 =	vld.idx.msk [tilespmem:v50+s18+$0x0], $0xffff  }
0xf8: {  	v44 =	vld [tilespmem:s30+$0xFFFFFFE0]  }
0xf9: {  	v57 =	vld [tilespmem:s30+$0xFFFFFFF0]  }
0xfa: {  	v59 =	vunpack.i.l.bf16.f32 v53;
	v58 =	vld [tilespmem:s30+$0x0]  }
0xfb: {  	v53 =	vunpack.i.u.bf16.f32 v53;
	v60 =	vunpack.i.u.bf16.f32 v54;
	v54 =	vunpack.i.l.bf16.f32 v54;
	[tilespmem:v51+s10+$0x0] =	vst.idx.add.f32.msk $0xffff, v59  }
0xfc: {  	v59 =	vunpack.i.u.bf16.f32 v49;
	v49 =	vunpack.i.l.bf16.f32 v49;
	[tilespmem:v51+s11+$0x0] =	vst.idx.add.f32.msk $0xffff, v53  }
0xfd: {  	v53 =	vunpack.i.u.bf16.f32 v56;
	v56 =	vunpack.i.l.bf16.f32 v56;
	v61 =	vld.idx.msk [tilespmem:v47+s19+$0x0], $0xffff  }
0xfe: {  	[tilespmem:v41+s22+$0x0] =	vst.idx.add.f32.msk $0xffff, v45  }
0xff: {  	[tilespmem:v41+s23+$0x0] =	vst.idx.add.f32.msk $0xffff, v46;
	v41 =	vmov v57  }
0x100: {  	[tilespmem:v44+s10+$0x0] =	vst.idx.add.f32.msk $0xffff, v56  }
0x101: {  	[tilespmem:v44+s11+$0x0] =	vst.idx.add.f32.msk $0xffff, v53  }
0x102: {  	[tilespmem:v57+s10+$0x0] =	vst.idx.add.f32.msk $0xffff, v54  }
0x103: {  	v45 =	vunpack.i.l.bf16.f32 v61;
	[tilespmem:v57+s11+$0x0] =	vst.idx.add.f32.msk $0xffff, v60  }
0x104: {  	v46 =	vunpack.i.u.bf16.f32 v61;
	[tilespmem:v51+s12+$0x0] =	vst.idx.add.f32.msk $0xffff, v45  }
0x105: {  	[tilespmem:v51+s21+$0x0] =	vst.idx.add.f32.msk $0xffff, v46  }
0x106: {  	v45 =	vld.idx.msk [tilespmem:v47+s20+$0x0], $0xffff  }
0x107: {  	[tilespmem:v58+s10+$0x0] =	vst.idx.add.f32.msk $0xffff, v49  }
0x108: {  	[tilespmem:v58+s11+$0x0] =	vst.idx.add.f32.msk $0xffff, v59  }
0x109: {  	v46 =	vld.idx.msk [tilespmem:v50+s19+$0x0], $0xffff  }
0x10a: {  	v47 =	vld.idx.msk [tilespmem:v48+s19+$0x0], $0xffff  }
0x10b: {  	v49 =	vld.idx.msk [tilespmem:v43+s19+$0x0], $0xffff  }
0x10c: {  	v53 =	vunpack.i.l.bf16.f32 v45;
	[tilespmem:v42+s22+$0x0] =	vst.idx.add.f32.msk $0xffff, v52  }
0x10d: {  	v45 =	vunpack.i.u.bf16.f32 v45;
	[tilespmem:v51+s22+$0x0] =	vst.idx.add.f32.msk $0xffff, v53  }
0x10e: {  	[tilespmem:v51+s23+$0x0] =	vst.idx.add.f32.msk $0xffff, v45  }
0x10f: {  	v45 =	vunpack.i.u.bf16.f32 v46;
	v46 =	vunpack.i.l.bf16.f32 v46;
	[tilespmem:v42+s23+$0x0] =	vst.idx.add.f32.msk $0xffff, v55;
	v42 =	vmov v58  }
0x110: {  	[tilespmem:v44+s12+$0x0] =	vst.idx.add.f32.msk $0xffff, v46;
	v46 =	vunpack.i.u.bf16.f32 v47;
	v47 =	vunpack.i.l.bf16.f32 v47  }
0x111: {  	[tilespmem:v44+s21+$0x0] =	vst.idx.add.f32.msk $0xffff, v45;
	v45 =	vunpack.i.u.bf16.f32 v49;
	v49 =	vunpack.i.l.bf16.f32 v49  }
0x112: {  	[tilespmem:v57+s12+$0x0] =	vst.idx.add.f32.msk $0xffff, v47  }
.Ltmp13:
0x113: {  	[tilespmem:v57+s21+$0x0] =	vst.idx.add.f32.msk $0xffff, v46;
	(pc) =	sbr.rel @p5 .LBB2_18-.Ltmp13, $4  }
0x114: {  	[tilespmem:v58+s12+$0x0] =	vst.idx.add.f32.msk $0xffff, v49  }
0x115: {  	[tilespmem:v58+s21+$0x0] =	vst.idx.add.f32.msk $0xffff, v45  }
0x116: {  	v46 =	vld.idx.msk [tilespmem:v50+s20+$0x0], $0xffff  }
0x117: {  	s2 =	sadd.s32 $0x40, s2;
	v45 =	vld.idx.msk [tilespmem:v48+s20+$0x0], $0xffff  }
0x118: {  	_ =	sdelay $0x3  }
0x119: {  	v43 =	vld.idx.msk [tilespmem:v43+s20+$0x0], $0xffff  }
0x11a: {  	v47 =	vunpack.i.l.bf16.f32 v46  }
0x11b: {  	v55 =	vunpack.i.u.bf16.f32 v46;
	[tilespmem:v44+s22+$0x0] =	vst.idx.add.f32.msk $0xffff, v47  }
0x11c: {  	v56 =	vunpack.i.l.bf16.f32 v45;
	[tilespmem:v44+s23+$0x0] =	vst.idx.add.f32.msk $0xffff, v55  }
0x11d: {  	v57 =	vunpack.i.u.bf16.f32 v45;
	[tilespmem:v41+s22+$0x0] =	vst.idx.add.f32.msk $0xffff, v56  }
0x11e: {  	v58 =	vunpack.i.l.bf16.f32 v43;
	[tilespmem:v41+s23+$0x0] =	vst.idx.add.f32.msk $0xffff, v57  }
0x11f: {  	v59 =	vunpack.i.u.bf16.f32 v43;
	[tilespmem:v42+s22+$0x0] =	vst.idx.add.f32.msk $0xffff, v58  }
0x120: {  	[tilespmem:v42+s23+$0x0] =	vst.idx.add.f32.msk $0xffff, v59  }
0x121: {  	v41 =	vld [tilespmem:$0x2700];
	_ =	sdelay $0x5  }
0x122: {  	v42 =	vld [tilespmem:$0x4E10];
	_ =	sdelay $0x1  }
0x123: {  	v60 =	vld.idx.msk [tilespmem:v41+s18+$0x0], $0xffff;
	_ =	sdelay $0x4  }
0x124: {  	v61 =	vunpack.i.l.bf16.f32 v60  }
0x125: {  	v43 =	vunpack.i.u.bf16.f32 v60;
	[tilespmem:v42+s10+$0x0] =	vst.idx.add.f32.msk $0xffff, v61  }
0x126: {  	[tilespmem:v42+s11+$0x0] =	vst.idx.add.f32.msk $0xffff, v43  }
0x127: {  	v43 =	vld.idx.msk [tilespmem:v41+s19+$0x0], $0xffff;
	_ =	sdelay $0x4  }
0x128: {  	v62 =	vunpack.i.l.bf16.f32 v43  }
0x129: {  	v43 =	vunpack.i.u.bf16.f32 v43;
	[tilespmem:v42+s12+$0x0] =	vst.idx.add.f32.msk $0xffff, v62  }
0x12a: {  	[tilespmem:v42+s21+$0x0] =	vst.idx.add.f32.msk $0xffff, v43  }
0x12b: {  	v41 =	vld.idx.msk [tilespmem:v41+s20+$0x0], $0xffff;
	_ =	sdelay $0x4  }
0x12c: {  	v63 =	vunpack.i.l.bf16.f32 v41  }
0x12d: {  	v41 =	vunpack.i.u.bf16.f32 v41;
	[tilespmem:v42+s22+$0x0] =	vst.idx.add.f32.msk $0xffff, v63  }
0x12e: {  	[tilespmem:v42+s23+$0x0] =	vst.idx.add.f32.msk $0xffff, v41  }
0x12f: {  	[spmem:s4] =	stream.indirect.scatter.add.f32 [tilespmem:s10], [sflag:$0x1], $0x10, s25, s24, $0xb8;
	[tilespmem:$0x1CD78] =	vst v63  }
0x130: {  	_ =	swait.ge [sflag:s9], $0x2710  }
0x131: {  	[sflag:s9] =	ssyncset.done $0x0  }
0x132: {  	[sflag:s9] =	ssyncadd.s32 $0xFFFFD8F0  }
0x133: {  	[spmem:s28] =	stream.indirect.scatter.add.f32 [tilespmem:s11], [sflag:$0x1], $0x10, s25, s24, $0xb8;
	[tilespmem:$0x1CD78] =	vst v63  }
0x134: {  	_ =	swait.ge [sflag:s9], $0x2710  }
0x135: {  	[sflag:s9] =	ssyncset.done $0x0  }
0x136: {  	[sflag:s9] =	ssyncadd.s32 $0xFFFFD8F0  }
0x137: {  	[spmem:s17] =	stream.indirect.scatter.add.f32 [tilespmem:s12], [sflag:$0x1], $0x10, s25, s24, $0xb8;
	[tilespmem:$0x1CD78] =	vst v63  }
0x138: {  	_ =	swait.ge [sflag:s9], $0x2710  }
0x139: {  	[sflag:s9] =	ssyncset.done $0x0  }
0x13a: {  	[sflag:s9] =	ssyncadd.s32 $0xFFFFD8F0  }
0x13b: {  	[spmem:s15] =	stream.indirect.scatter.add.f32 [tilespmem:s21], [sflag:$0x1], $0x10, s25, s24, $0xb8;
	[tilespmem:$0x1CD78] =	vst v63  }
0x13c: {  	_ =	swait.ge [sflag:s9], $0x2710  }
0x13d: {  	[sflag:s9] =	ssyncset.done $0x0  }
0x13e: {  	[sflag:s9] =	ssyncadd.s32 $0xFFFFD8F0  }
0x13f: {  	[spmem:s14] =	stream.indirect.scatter.add.f32 [tilespmem:s22], [sflag:$0x1], $0x10, s25, s24, $0xb8;
	[tilespmem:$0x1CD78] =	vst v63  }
0x140: {  	_ =	swait.ge [sflag:s9], $0x2710  }
0x141: {  	[sflag:s9] =	ssyncset.done $0x0  }
0x142: {  	[sflag:s9] =	ssyncadd.s32 $0xFFFFD8F0  }
0x143: {  	[spmem:s13] =	stream.indirect.scatter.add.f32 [tilespmem:s23], [sflag:$0x1], $0x10, s25, s24, $0xb8;
	[tilespmem:$0x1CD78] =	vst v63  }
0x144: {  	_ =	swait.ge [sflag:s9], $0x2710  }
0x145: {  	[sflag:s9] =	ssyncset.done $0x0  }
0x146: {  	[sflag:s9] =	ssyncadd.s32 $0xFFFFD8F0  }
0x147: {  	s2 =	sshll.u32 @!p3 s0, $0x6;
	[bflag:$0x0] =	sbarrier.arrive $0xFFFF  }
0x148: {  	s30 =	sshrl.u32 @!p3 s4, $0x3;
	s2 =	sor.u32 @!p3 $0x1C01, s2;
	s31 =	rddreg [dreg:$0x1]  }
0x149: {  	[hbm:s31], [sflag:s2] =	dma.local @!p3 [spmem:s30], $0x4E2  }
0x14a: {  	s2 =	simm.s32 @!p3 $0x1  }
0x14b: {  	_ =	swait.ge @!p3 [sflag:s2], $0x4E2  }
0x14c: {  	s31 =	sld [smem:$0x7F5];
	_ =	sdelay $0x1  }
0x14d: {  	[sflag:s2] =	ssyncset.done @!p3 $0x0  }
0x14e: {  	[sflag:s2] =	ssyncadd.s32 @!p3 $0xFFFFFB1E;
	p6 =	seq.s32 s31, $0x1  }
0x14f: {  	s31 =	rddreg [dreg:$0x9];
	s2 =	sshrl.u32 @p6 s4, $0x3;
	s30 =	simm.s32 @p6 $0x1C01  }
0x150: {  	[hbm:s31], [sflag:s30] =	dma.local @p6 [spmem:s2], $0x4E2  }
0x151: {  	s2 =	simm.s32 @p6 $0x1  }
0x152: {  	_ =	swait.ge @p6 [sflag:s2], $0x4E2  }
0x153: {  	s30 =	sld [smem:$0x7F9];
	_ =	sdelay $0x2  }
0x154: {  	p5 =	por !p4, !p4;
	p1 =	seq.s32 s30, $0x1  }
0x155: {  	p5 =	por p1, p5  }
0x156: {  	[sflag:s2] =	ssyncset.done @p6 $0x0;
	s31 =	rddreg [dreg:$0x14];
	s30 =	sshll.u32 @!p5 s0, $0x6  }
0x157: {  	[sflag:s2] =	ssyncadd.s32 @p6 $0xFFFFFB1E;
	s2 =	sor.u32 @!p5 $0x1C01, s30;
	s30 =	sshrl.u32 @!p5 s28, $0x3  }
0x158: {  	[hbm:s31], [sflag:s2] =	dma.local @!p5 [spmem:s30], $0x4E2  }
0x159: {  	s30 =	sld [smem:$0x7F6];
	_ =	sdelay $0x2  }
0x15a: {  	p6 =	seq.s32 s30, $0x1  }
0x15b: {  	s2 =	simm.s32 @!p5 $0x1;
	p4 =	por !p4, !p6  }
0x15c: {  	_ =	swait.ge @!p5 [sflag:s2], $0x4E2;
	p4 =	por !p4, !p4  }
0x15d: {  	[sflag:s2] =	ssyncset.done @!p5 $0x0;
	s31 =	rddreg [dreg:$0xc];
	s30 =	sshll.u32 @p4 s0, $0x6  }
0x15e: {  	[sflag:s2] =	ssyncadd.s32 @!p5 $0xFFFFFB1E;
	s2 =	sor.u32 @p4 $0x1C01, s30;
	s30 =	sshrl.u32 @p4 s28, $0x3  }
0x15f: {  	[hbm:s31], [sflag:s2] =	dma.local @p4 [spmem:s30], $0x4E2  }
0x160: {  	p5 =	por !p2, !p2;
	s2 =	simm.s32 @p4 $0x1  }
0x161: {  	p5 =	por p1, p5;
	_ =	swait.ge @p4 [sflag:s2], $0x4E2  }
0x162: {  	s30 =	sshll.u32 @!p5 s0, $0x6;
	[sflag:s2] =	ssyncset.done @p4 $0x0;
	s31 =	rddreg [dreg:$0x15]  }
0x163: {  	[sflag:s2] =	ssyncadd.s32 @p4 $0xFFFFFB1E;
	s2 =	sor.u32 @!p5 $0x1C01, s30;
	s30 =	sshrl.u32 @!p5 s17, $0x3  }
0x164: {  	[hbm:s31], [sflag:s2] =	dma.local @!p5 [spmem:s30], $0x4E2  }
0x165: {  	p4 =	por !p2, !p6;
	s2 =	simm.s32 @!p5 $0x1  }
0x166: {  	p2 =	por !p4, !p4;
	_ =	swait.ge @!p5 [sflag:s2], $0x4E2  }
0x167: {  	s30 =	sshll.u32 @p2 s0, $0x6;
	[sflag:s2] =	ssyncset.done @!p5 $0x0;
	s31 =	rddreg [dreg:$0xd]  }
0x168: {  	[sflag:s2] =	ssyncadd.s32 @!p5 $0xFFFFFB1E;
	s2 =	sor.u32 @p2 $0x1C01, s30;
	s30 =	sshrl.u32 @p2 s17, $0x3  }
0x169: {  	[hbm:s31], [sflag:s2] =	dma.local @p2 [spmem:s30], $0x4E2  }
0x16a: {  	p5 =	por !p0, !p0;
	s2 =	simm.s32 @p2 $0x1  }
0x16b: {  	p4 =	por p1, p5;
	_ =	swait.ge @p2 [sflag:s2], $0x4E2  }
0x16c: {  	s30 =	sshll.u32 @!p4 s0, $0x6;
	[sflag:s2] =	ssyncset.done @p2 $0x0;
	s31 =	rddreg [dreg:$0x16]  }
0x16d: {  	[sflag:s2] =	ssyncadd.s32 @p2 $0xFFFFFB1E;
	s2 =	sor.u32 @!p4 $0x1C01, s30;
	s30 =	sshrl.u32 @!p4 s15, $0x3  }
0x16e: {  	[hbm:s31], [sflag:s2] =	dma.local @!p4 [spmem:s30], $0x4E2  }
0x16f: {  	p5 =	por !p0, !p6;
	s2 =	simm.s32 @!p4 $0x1  }
0x170: {  	p2 =	por !p5, !p5;
	_ =	swait.ge @!p4 [sflag:s2], $0x4E2  }
0x171: {  	s30 =	sshll.u32 @p2 s0, $0x6;
	[sflag:s2] =	ssyncset.done @!p4 $0x0;
	s31 =	rddreg [dreg:$0xe]  }
0x172: {  	[sflag:s2] =	ssyncadd.s32 @!p4 $0xFFFFFB1E;
	s2 =	sor.u32 @p2 $0x1C01, s30;
	s30 =	sshrl.u32 @p2 s15, $0x3  }
0x173: {  	[hbm:s31], [sflag:s2] =	dma.local @p2 [spmem:s30], $0x4E2  }
0x174: {  	s30 =	sld [smem:$0x7F3];
	_ =	sdelay $0x2  }
0x175: {  	p5 =	seq.s32 s30, $0x1  }
0x176: {  	s2 =	simm.s32 @p2 $0x1;
	p4 =	por !p5, !p5  }
0x177: {  	_ =	swait.ge @p2 [sflag:s2], $0x4E2;
	p4 =	por p1, p4  }
0x178: {  	[sflag:s2] =	ssyncset.done @p2 $0x0;
	s31 =	rddreg [dreg:$0x17];
	s30 =	sshll.u32 @!p4 s0, $0x6  }
0x179: {  	[sflag:s2] =	ssyncadd.s32 @p2 $0xFFFFFB1E;
	s2 =	sor.u32 @!p4 $0x1C01, s30;
	s30 =	sshrl.u32 @!p4 s14, $0x3  }
0x17a: {  	[hbm:s31], [sflag:s2] =	dma.local @!p4 [spmem:s30], $0x4E2  }
0x17b: {  	p5 =	por !p5, !p6;
	s2 =	simm.s32 @!p4 $0x1  }
0x17c: {  	p2 =	por !p5, !p5;
	_ =	swait.ge @!p4 [sflag:s2], $0x4E2  }
0x17d: {  	s30 =	sshll.u32 @p2 s0, $0x6;
	[sflag:s2] =	ssyncset.done @!p4 $0x0;
	s31 =	rddreg [dreg:$0xf]  }
0x17e: {  	[sflag:s2] =	ssyncadd.s32 @!p4 $0xFFFFFB1E;
	s2 =	sor.u32 @p2 $0x1C01, s30;
	s30 =	sshrl.u32 @p2 s14, $0x3  }
0x17f: {  	[hbm:s31], [sflag:s2] =	dma.local @p2 [spmem:s30], $0x4E2  }
0x180: {  	s30 =	sld [smem:$0x7F2];
	_ =	sdelay $0x2  }
0x181: {  	p5 =	seq.s32 s30, $0x1  }
0x182: {  	s2 =	simm.s32 @p2 $0x1;
	p4 =	por !p5, !p5  }
0x183: {  	_ =	swait.ge @p2 [sflag:s2], $0x4E2;
	p4 =	por p1, p4  }
0x184: {  	[sflag:s2] =	ssyncset.done @p2 $0x0;
	s30 =	sshll.u32 @!p4 s0, $0x6  }
0x185: {  	[sflag:s2] =	ssyncadd.s32 @p2 $0xFFFFFB1E;
	s2 =	sor.u32 @!p4 $0x1C01, s30;
	s30 =	sshrl.u32 @!p4 s13, $0x3  }
0x186: {  	[hbm:s6], [sflag:s2] =	dma.local @!p4 [spmem:s30], $0x4E2  }
0x187: {  	p6 =	por !p5, !p6;
	s2 =	simm.s32 @!p4 $0x1  }
0x188: {  	p1 =	por !p6, !p6;
	_ =	swait.ge @!p4 [sflag:s2], $0x4E2  }
0x189: {  	s30 =	sshll.u32 @p1 s0, $0x6;
	[sflag:s2] =	ssyncset.done @!p4 $0x0;
	s31 =	rddreg [dreg:$0x10]  }
0x18a: {  	[sflag:s2] =	ssyncadd.s32 @!p4 $0xFFFFFB1E;
	s2 =	sor.u32 @p1 $0x1C01, s30;
	s30 =	sshrl.u32 @p1 s13, $0x3  }
0x18b: {  	[hbm:s31], [sflag:s2] =	dma.local @p1 [spmem:s30], $0x4E2  }
0x18c: {  	s2 =	simm.s32 @p1 $0x1  }
0x18d: {  	_ =	swait.ge @p1 [sflag:s2], $0x4E2  }
0x18e: {  	[sflag:s2] =	ssyncset.done @p1 $0x0  }
0x18f: {  	s30 =	simm.s32 $0x0;
	[sflag:s2] =	ssyncadd.s32 @p1 $0xFFFFFB1E;
	s2 =	simm.s32 $0x40  }
.LBB2_20:
0x190: {  	p1 =	sne.s32 s2, $0x9C00;
	[tilespmem:s30+$0xC5C8] =	vst v40;
	s31 =	smov.u32 s2;
	s2 =	sadd.s32 $0x40, s2  }
.Ltmp14:
0x191: {  	[tilespmem:s30+$0xECD8] =	vst v40;
	(pc) =	sbr.rel @p1 .LBB2_20-.Ltmp14, $2  }
0x192: {  	_ =	sdelay $0x2  }
0x193: {  	s30 =	sshra.s32 s31, $0x2  }
0x194: {  	[tilespmem:s30+$0xC5C8] =	vst v40  }
0x195: {  	s2 =	sshll.u32 @p0 s0, $0x6;
	[tilespmem:s30+$0xECD8] =	vst v40;
	s30 =	sshrl.u32 @p0 s7, $0x3  }
0x196: {  	p1 =	seq.s32 s0, $0x7;
	s2 =	sor.u32 @p0 $0x1C01, s2;
	s31 =	rddreg [dreg:$0x8]  }
0x197: {  	[spmem:s30], [sflag:s2] =	dma.local @p0 [hbm:s31], $0x4E2  }
.Ltmp15:
0x198: {  	_ = 	snop;
	(pc) =	sbr.rel @p1 .LBB2_24-.Ltmp15, $4  }
0x199: {  	s2 =	simm.s32 @p0 $0x1  }
0x19a: {  	_ =	swait.ge @p0 [sflag:s2], $0x4E2  }
0x19b: {  	[sflag:s2] =	ssyncset.done @p0 $0x0  }
0x19c: {  	[sflag:s2] =	ssyncadd.s32 @p0 $0xFFFFFB1E  }
0x19d: {  	p1 =	sne.s32 s0, $0x6  }
.Ltmp16:
0x19e: {  	_ = 	snop;
	(pc) =	sbr.rel @p1 .LBB2_26-.Ltmp16, $2  }
0x19f: {  	_ =	sdelay $0x2  }
0x1a0: {  	p0 =	por $0x0, $0x0  }
.Ltmp17:
0x1a1: {  	(pc) =	sbr.rel .LBB2_25-.Ltmp17, $2  }
0x1a2: {  	_ =	sdelay $0x2  }
0x1a3: {  	[spmem:s1] =	stream.linear.scatter [tilespmem:s10], [sflag:$0x1], $0x2710, $0x38;
	[tilespmem:$0x1CD78] =	vst v63  }
.LBB2_24:
0x1a4: {  	[spmem:s8] =	stream.linear.scatter [tilespmem:s11], [sflag:$0x1], $0x2710, $0x38;
	[tilespmem:$0x1CD78] =	vst v63  }
.LBB2_25:
0x1a5: {  	_ =	swait.ge [sflag:s9], $0x2710  }
0x1a6: {  	s2 =	sld [smem:$0x7FA];
	_ =	sdelay $0x1  }
0x1a7: {  	[sflag:s9] =	ssyncset.done $0x0  }
0x1a8: {  	[sflag:s9] =	ssyncadd.s32 $0xFFFFD8F0;
	p0 =	seq.s32 s2, $0x1  }
.LBB2_26:
0x1a9: {  	[bflag:$0x0] =	sbarrier.arrive $0xFFFF  }
0x1aa: {  	[tilespmem:s18], [sflag:$0x1] =	stream.linear.gather [spmem:s7], $0x2710, $0x38;
	[tilespmem:$0x1CD78] =	vst v63  }
0x1ab: {  	_ =	swait.ge [sflag:s9], $0x2710  }
0x1ac: {  	[sflag:s9] =	ssyncset.done $0x0  }
0x1ad: {  	s2 =	simm.s32 $0x20;
	[sflag:s9] =	ssyncadd.s32 $0xFFFFD8F0  }
0x1ae: {  	v41 =	vld [tilespmem:s2+$0x10]  }
0x1af: {  	v42 =	vld [tilespmem:s2+$0xFFFFFFF0]  }
0x1b0: {  	v43 =	vld [tilespmem:s2+$0x0]  }
0x1b1: {  	v44 =	vld [tilespmem:s2+$0xFFFFFFE0];
	_ =	sdelay $0x2  }
0x1b2: {  	s2 =	simm.s32 $0x2730  }
0x1b3: {  	v48 =	vld [tilespmem:s2+$0x10]  }
0x1b4: {  	v45 =	vld.idx.msk [tilespmem:v41+s18+$0x0], $0xffff  }
0x1b5: {  	v47 =	vld.idx.msk [tilespmem:v42+s18+$0x0], $0xffff  }
0x1b6: {  	v49 =	vld.idx.msk [tilespmem:v43+s18+$0x0], $0xffff  }
0x1b7: {  	v50 =	vld.idx.msk [tilespmem:v44+s18+$0x0], $0xffff  }
0x1b8: {  	v46 =	vld [tilespmem:s2+$0xFFFFFFE0]  }
0x1b9: {  	v42 =	vld [tilespmem:s2+$0xFFFFFFF0]  }
0x1ba: {  	v41 =	vld [tilespmem:s2+$0x0];
	v63 =	vunpack.i.l.bf16.f32 v45;
	v43 =	vunpack.i.u.bf16.f32 v47  }
0x1bb: {  	v47 =	vunpack.i.l.bf16.f32 v47;
	v51 =	vunpack.i.u.bf16.f32 v45;
	v44 =	vunpack.i.u.bf16.f32 v49;
	[tilespmem:v48+s10+$0x0] =	vst.idx.add.f32.msk $0xffff, v63  }
0x1bc: {  	s30 =	simm.s32 $0x0;
	s31 =	simm.s32 $0x60;
	v45 =	vunpack.i.l.bf16.f32 v49;
	v49 =	vunpack.i.l.bf16.f32 v50;
	[tilespmem:v48+s11+$0x0] =	vst.idx.add.f32.msk $0xffff, v51;
	v48 =	vunpack.i.u.bf16.f32 v50  }
.LBB2_27:
0x1bd: {  	v50 =	vld [tilespmem:s31+$0x10]  }
0x1be: {  	s30 =	sadd.s32 $0x4, s30;
	v51 =	vld [tilespmem:s31+$0xFFFFFFF0]  }
0x1bf: {  	p1 =	slt.u32 s30, $0x26C;
	v52 =	vld [tilespmem:s31+$0x0]  }
0x1c0: {  	v53 =	vld [tilespmem:s31+$0xFFFFFFE0]  }
0x1c1: {  	[tilespmem:v46+s10+$0x0] =	vst.idx.add.f32.msk $0xffff, v49  }
0x1c2: {  	[tilespmem:v46+s11+$0x0] =	vst.idx.add.f32.msk $0xffff, v48  }
0x1c3: {  	s2 =	sadd.s32 $0x40, s2;
	[tilespmem:v42+s10+$0x0] =	vst.idx.add.f32.msk $0xffff, v47  }
0x1c4: {  	v48 =	vld [tilespmem:s2+$0x10]  }
0x1c5: {  	v49 =	vld.idx.msk [tilespmem:v50+s18+$0x0], $0xffff  }
0x1c6: {  	v47 =	vld.idx.msk [tilespmem:v51+s18+$0x0], $0xffff  }
0x1c7: {  	v50 =	vld.idx.msk [tilespmem:v52+s18+$0x0], $0xffff  }
0x1c8: {  	v51 =	vld.idx.msk [tilespmem:v53+s18+$0x0], $0xffff  }
0x1c9: {  	v46 =	vld [tilespmem:s2+$0xFFFFFFE0]  }
0x1ca: {  	v52 =	vld [tilespmem:s2+$0xFFFFFFF0]  }
0x1cb: {  	v54 =	vunpack.i.l.bf16.f32 v49;
	v53 =	vld [tilespmem:s2+$0x0]  }
.Ltmp18:
0x1cc: {  	v49 =	vunpack.i.u.bf16.f32 v49;
	v55 =	vunpack.i.u.bf16.f32 v47;
	v47 =	vunpack.i.l.bf16.f32 v47;
	[tilespmem:v48+s10+$0x0] =	vst.idx.add.f32.msk $0xffff, v54;
	(pc) =	sbr.rel @p1 .LBB2_27-.Ltmp18, $4  }
0x1cd: {  	v54 =	vunpack.i.u.bf16.f32 v50;
	v50 =	vunpack.i.l.bf16.f32 v50;
	[tilespmem:v48+s11+$0x0] =	vst.idx.add.f32.msk $0xffff, v49  }
0x1ce: {  	v48 =	vunpack.i.u.bf16.f32 v51;
	v49 =	vunpack.i.l.bf16.f32 v51;
	[tilespmem:v42+s11+$0x0] =	vst.idx.add.f32.msk $0xffff, v43;
	v43 =	vmov v55  }
0x1cf: {  	[tilespmem:v41+s10+$0x0] =	vst.idx.add.f32.msk $0xffff, v45;
	v42 =	vmov v52;
	v45 =	vmov v50  }
0x1d0: {  	s31 =	sadd.s32 $0x40, s31;
	[tilespmem:v41+s11+$0x0] =	vst.idx.add.f32.msk $0xffff, v44;
	v41 =	vmov v53;
	v44 =	vmov v54  }
0x1d1: {  	_ =	sdelay $0x3  }
0x1d2: {  	[tilespmem:v46+s10+$0x0] =	vst.idx.add.f32.msk $0xffff, v49  }
0x1d3: {  	[tilespmem:v42+s10+$0x0] =	vst.idx.add.f32.msk $0xffff, v47  }
0x1d4: {  	[tilespmem:v41+s10+$0x0] =	vst.idx.add.f32.msk $0xffff, v45  }
0x1d5: {  	[tilespmem:v46+s11+$0x0] =	vst.idx.add.f32.msk $0xffff, v48  }
0x1d6: {  	[tilespmem:v42+s11+$0x0] =	vst.idx.add.f32.msk $0xffff, v43  }
0x1d7: {  	[tilespmem:v41+s11+$0x0] =	vst.idx.add.f32.msk $0xffff, v44  }
0x1d8: {  	v41 =	vld [tilespmem:$0x2700];
	_ =	sdelay $0x5  }
0x1d9: {  	v42 =	vld [tilespmem:$0x4E10];
	_ =	sdelay $0x1  }
0x1da: {  	v41 =	vld.idx.msk [tilespmem:v41+s18+$0x0], $0xffff;
	_ =	sdelay $0x4  }
0x1db: {  	v63 =	vunpack.i.l.bf16.f32 v41  }
0x1dc: {  	v41 =	vunpack.i.u.bf16.f32 v41;
	[tilespmem:v42+s10+$0x0] =	vst.idx.add.f32.msk $0xffff, v63  }
0x1dd: {  	[tilespmem:v42+s11+$0x0] =	vst.idx.add.f32.msk $0xffff, v41  }
0x1de: {  	[spmem:s1] =	stream.indirect.scatter.add.f32 [tilespmem:s10], [sflag:$0x1], $0x10, s25, s24, $0xb8;
	[tilespmem:$0x1CD78] =	vst v63  }
0x1df: {  	_ =	swait.ge [sflag:s9], $0x2710  }
0x1e0: {  	[sflag:s9] =	ssyncset.done $0x0  }
0x1e1: {  	[sflag:s9] =	ssyncadd.s32 $0xFFFFD8F0  }
0x1e2: {  	[spmem:s8] =	stream.indirect.scatter.add.f32 [tilespmem:s11], [sflag:$0x1], $0x10, s25, s24, $0xb8;
	[tilespmem:$0x1CD78] =	vst v63  }
0x1e3: {  	_ =	swait.ge [sflag:s9], $0x2710  }
0x1e4: {  	[sflag:s9] =	ssyncset.done $0x0  }
0x1e5: {  	[sflag:s9] =	ssyncadd.s32 $0xFFFFD8F0  }
0x1e6: {  	[bflag:$0x0] =	sbarrier.arrive $0xFFFF  }
0x1e7: {  	s2 =	sld [smem:$0x7F7];
	_ =	sdelay $0x2  }
0x1e8: {  	p1 =	seq.s32 s2, $0x1  }
0x1e9: {  	s2 =	sshrl.u32 @p1 s1, $0x3;
	s30 =	simm.s32 @p1 $0x1D81  }
0x1ea: {  	[hbm:s3], [sflag:s30] =	dma.local @p1 [spmem:s2], $0x4E2  }
0x1eb: {  	s2 =	simm.s32 @p1 $0x1  }
0x1ec: {  	_ =	swait.ge @p1 [sflag:s2], $0x4E2  }
0x1ed: {  	s30 =	sld [smem:$0x7F8];
	_ =	sdelay $0x2  }
0x1ee: {  	[sflag:s2] =	ssyncset.done @p1 $0x0;
	s31 =	rddreg [dreg:$0x11];
	p2 =	seq.s32 s30, $0x1  }
0x1ef: {  	[sflag:s2] =	ssyncadd.s32 @p1 $0xFFFFFB1E;
	s2 =	sshrl.u32 @p2 s1, $0x3;
	s30 =	simm.s32 @p2 $0x1D81  }
0x1f0: {  	[hbm:s31], [sflag:s30] =	dma.local @p2 [spmem:s2], $0x4E2  }
0x1f1: {  	s2 =	simm.s32 @p2 $0x1  }
0x1f2: {  	_ =	swait.ge @p2 [sflag:s2], $0x4E2  }
0x1f3: {  	s31 =	sld [smem:$0x7F9];
	_ =	sdelay $0x2  }
0x1f4: {  	p6 =	por !p0, !p0;
	p4 =	seq.s32 s31, $0x1  }
0x1f5: {  	p1 =	por p4, p6  }
0x1f6: {  	[sflag:s2] =	ssyncset.done @p2 $0x0;
	s30 =	sshll.u32 @!p1 s0, $0x6  }
0x1f7: {  	[sflag:s2] =	ssyncadd.s32 @p2 $0xFFFFFB1E;
	s2 =	sor.u32 @!p1 $0x1C01, s30;
	s30 =	sshrl.u32 @!p1 s8, $0x3  }
0x1f8: {  	[hbm:s5], [sflag:s2] =	dma.local @!p1 [spmem:s30], $0x4E2  }
0x1f9: {  	s30 =	sld [smem:$0x7F6];
	_ =	sdelay $0x2  }
0x1fa: {  	p5 =	seq.s32 s30, $0x1  }
0x1fb: {  	s2 =	simm.s32 @!p1 $0x1;
	p6 =	por !p0, !p5  }
0x1fc: {  	_ =	swait.ge @!p1 [sflag:s2], $0x4E2;
	p0 =	por !p6, !p6  }
0x1fd: {  	[sflag:s2] =	ssyncset.done @!p1 $0x0;
	s31 =	rddreg [dreg:$0x12];
	s30 =	sshll.u32 @p0 s0, $0x6  }
0x1fe: {  	[sflag:s2] =	ssyncadd.s32 @!p1 $0xFFFFFB1E;
	s2 =	sor.u32 @p0 $0x1C01, s30;
	s30 =	sshrl.u32 @p0 s8, $0x3  }
0x1ff: {  	[hbm:s31], [sflag:s2] =	dma.local @p0 [spmem:s30], $0x4E2  }
0x200: {  	s2 =	simm.s32 @p0 $0x1  }
0x201: {  	_ =	swait.ge @p0 [sflag:s2], $0x4E2  }
0x202: {  	s29 =	sadd.s32 $0x1, s29;
	s31 =	rddreg [dreg:$0x13]  }
0x203: {  	p1 =	sne.s32 s29, s31  }
.Ltmp19:
0x204: {  	_ = 	snop;
	(pc) =	sbr.rel @p1 .LBB2_1-.Ltmp19, $3  }
0x205: {  	_ =	sdelay $0x1  }
0x206: {  	[sflag:s2] =	ssyncset.done @p0 $0x0  }
0x207: {  	[sflag:s2] =	ssyncadd.s32 @p0 $0xFFFFFB1E  }
0x208: {  	_ =	sfence.sel $0x180000  }
0x209: {  	[bflag:$0x0] =	sbarrier.arrive $0xFFFF  }
0x20a: {  	_ =	strace $0x9000004D  }
0x20b: {  	[bflag:$0x2] =	sbarrier.arrive $0xFFFF  }
0x20c: {  	p0 =	sne.s32 s0, $0x0;
	s0 =	rddreg [dreg:$0x4]  }
0x20d: {  	s0 =	sadd.s32 @!p0 $0x100000, s0  }
0x20e: {  	[sflag:s0] =	ssyncadd.tile.s32 @!p0 $0x1;
	_ =	shalt  }
.Lfunc_end2:
_tile_overlayer_lowered:
.L_overlay_start_2:
0x20f: {  	(tag) =	ssettag $0x2  }
0x210: {  	s0 =	rddreg [dreg:$0x0];
	s2 =	stileid.u32  }
0x211: {  	s1 =	rddreg [dreg:$0x1];
	p0 =	sne.s32 s2, $0x0  }
0x212: {  	s3 =	rddreg [dreg:$0x2];
	[bflag:$0x3] =	sbarrier.arrive $0xFFFF;
	s2 =	simm.s32 @!p0 $0x1C01  }
0x213: {  	[timem:s3], [sflag:s2] =	dma.local @!p0 [hbm:s0], s1  }
0x214: {  	s0 =	simm.s32 @!p0 $0x1  }
0x215: {  	_ =	swait.ge @!p0 [sflag:s0], s1  }
0x216: {  	s1 =	ssub.s32 @!p0 $0x0, s1;
	[sflag:s0] =	ssyncset.done @!p0 $0x0  }
0x217: {  	[sflag:s0] =	ssyncadd.s32 @!p0 s1  }
0x218: {  	[bflag:$0x3] =	sbarrier.arrive $0xFFFF  }
0x219: {  	_ =	shalt  }

// kernel: kernel.9.cloned.1.call-start
scs
__scs_entry_jumppad:
0x0: {  	(pc) =	sbr.rel $0x88, $3  }
0x1: {  	(tag) =	ssettag $0x0;
	lr =	simm.s32 $0x1  }
0x2: {  	[smem:$0x3F9B] =	sst lr;
	_ =	strace $0xD0000000  }
0x3: {  	_ = 	snop  }
0x4: {  	_ = 	snop  }
0x5: {  	_ = 	snop  }
0x6: {  	_ = 	snop  }
0x7: {  	_ = 	snop  }
__scs_overlays_trampoline_lowered:
0x8: {  	[smem:$0x3FAA] =	sst s0  }
0x9: {  	[smem:$0x3FAB] =	sst s1  }
0xa: {  	[smem:$0x3FAC] =	sst s2  }
0xb: {  	[smem:$0x3FAD] =	sst s3  }
0xc: {  	[smem:$0x3FAE] =	sst s4  }
0xd: {  	[smem:$0x3FAF] =	sst s5  }
0xe: {  	[smem:$0x3FB0] =	sst s6  }
0xf: {  	[smem:$0x3FB1] =	sst s7  }
0x10: {  	[smem:$0x3FB2] =	sst s8  }
0x11: {  	[smem:$0x3FB3] =	sst s9;
	s0 =	simm.s32 @!p0 $0x0  }
0x12: {  	s1 =	sld [smem:$0x3F99];
	s0 =	simm.s32 @p0 $0x1  }
0x13: {  	[smem:$0x3FB4] =	sst s0;
	s0 =	simm.s32 @!p1 $0x0  }
0x14: {  	s2 =	sld [smem:$0x3F98];
	s0 =	simm.s32 @p1 $0x1  }
0x15: {  	[smem:$0x3FB5] =	sst s0;
	s0 =	simm.s32 @!p2 $0x0  }
0x16: {  	s3 =	sld [smem:$0x3FDB];
	s0 =	simm.s32 @p2 $0x1  }
0x17: {  	s4 =	simm.s32 $0x1BF5;
	[smem:$0x3FB7] =	sst s0  }
0x18: {  	s0 =	sld [smem:$0x3F9A];
	_ =	swait.ge [sflag:s4], $0x0  }
0x19: {  	s7 =	sld [smem:$0x3F9B]  }
0x1a: {  	s8 =	sadd.s32 $0xFFFFE003, lr  }
0x1b: {  	s9 =	sadd.s32 $0xFFFFFEF7, lr;
	s5 =	simm.s32 $0xFFFFFFFF;
	p2 =	slt.u32 s8, $0xFFFFF086  }
0x1c: {  	p1 =	slt.u32 s9, $0xF7A;
	s5 =	simm.s32 @!p2 $0x0  }
0x1d: {  	s5 =	simm.s32 @p1 $0x1;
	p0 =	seq.s32 s7, s2  }
0x1e: {  	s7 =	smul.u32 @!p0 $0xF7A, s2;
	p2 =	seq.s32 @!p0 s5, $0x0  }
0x1f: {  	s9 =	smul.u32 $0xF7A, s1;
	s8 =	simm.s32 @!p0 $0x1BF5;
	p2 =	por !p2, p0  }
0x20: {  	[sflag:s8] =	ssyncset.s32 @!p0 $0xFFFFF086;
	s6 =	sadd.s32 @!p0 s3, s7;
	s7 =	simm.s32 @!p0 $0x108  }
0x21: {  	s3 =	sadd.s32 s3, s9;
	s6 =	sadd.s32 @!p0 $0x88, s6;
	s7 =	simm.s32 @p2 $0x1082  }
0x22: {  	[simem:s7], [sflag:s8] =	dma.local @!p0 [hbm:s6], $0xF7A  }
0x23: {  	s9 =	sor.u32 $0xD0000000, s2;
	s6 =	simm.s32 $0x108;
	_ =	swait.ge @!p0 [sflag:s8], $0x0  }
0x24: {  	s3 =	sadd.s32 $0x88, s3;
	s6 =	simm.s32 @!p1 $0x1082;
	[sflag:s4] =	ssyncset.s32 $0xFFFFF086  }
0x25: {  	[simem:s6], [sflag:s4] =	dma.local [hbm:s3], $0xF7A  }
0x26: {  	[smem:$0x3F9B] =	sst s1;
	(tag) =	ssettag s2;
	_ =	strace s9  }
0x27: {  	s1 =	sld [smem:$0x3FAB]  }
0x28: {  	s2 =	sld [smem:$0x3FAC]  }
0x29: {  	s4 =	sld [smem:$0x3FAE]  }
0x2a: {  	p0 =	seq.s32 s5, $0x0;
	s5 =	sld [smem:$0x3FAF]  }
0x2b: {  	s6 =	sld [smem:$0x3FB0]  }
0x2c: {  	s7 =	sld [smem:$0x3FB1]  }
0x2d: {  	s3 =	simm.s32 $0x108;
	s8 =	sld [smem:$0x3FB2]  }
0x2e: {  	s3 =	simm.s32 @!p0 $0x1082;
	s9 =	sld [smem:$0x3FB3]  }
0x2f: {  	lr =	sadd.s32 s0, s3;
	s0 =	sld [smem:$0x3FAA]  }
0x30: {  	s3 =	sld [smem:$0x3FAD]  }
0x31: {  	[smem:$0x3FB6] =	sst s10  }
0x32: {  	s10 =	sld [smem:$0x3FB4];
	_ =	sdelay $0x3  }
0x33: {  	p0 =	seq.s32 s10, $0x1;
	s10 =	sld [smem:$0x3FB6];
	_ =	sdelay $0x3  }
0x34: {  	[smem:$0x3FB6] =	sst s10  }
0x35: {  	s10 =	sld [smem:$0x3FB5];
	_ =	sdelay $0x3  }
0x36: {  	p1 =	seq.s32 s10, $0x1;
	s10 =	sld [smem:$0x3FB6];
	_ =	sdelay $0x3  }
0x37: {  	[smem:$0x3FB6] =	sst s10  }
0x38: {  	s10 =	sld [smem:$0x3FB7]  }
0x39: {  	_ = 	snop;
	(pc) =	sbr.ind lr, $3  }
0x3a: {  	_ = 	snop  }
0x3b: {  	_ = 	snop  }
0x3c: {  	p2 =	seq.s32 s10, $0x1;
	s10 =	sld [smem:$0x3FB6]  }
0x3d: {  	_ =	shalt  }
0x3e: {  	_ =	shalt  }
0x3f: {  	_ =	shalt  }
0x40: {  	_ =	shalt  }
0x41: {  	_ =	shalt  }
0x42: {  	_ =	shalt  }
0x43: {  	_ =	shalt  }
0x44: {  	_ =	shalt  }
0x45: {  	_ =	shalt  }
0x46: {  	_ =	shalt  }
0x47: {  	_ =	shalt  }
0x48: {  	_ =	shalt  }
0x49: {  	_ =	shalt  }
0x4a: {  	_ =	shalt  }
0x4b: {  	_ =	shalt  }
0x4c: {  	_ =	shalt  }
0x4d: {  	_ =	shalt  }
0x4e: {  	_ =	shalt  }
0x4f: {  	_ =	shalt  }
0x50: {  	_ =	shalt  }
0x51: {  	_ =	shalt  }
0x52: {  	_ =	shalt  }
0x53: {  	_ =	shalt  }
0x54: {  	_ =	shalt  }
0x55: {  	_ =	shalt  }
0x56: {  	_ =	shalt  }
0x57: {  	_ =	shalt  }
0x58: {  	_ =	shalt  }
0x59: {  	_ =	shalt  }
0x5a: {  	_ =	shalt  }
0x5b: {  	_ =	shalt  }
0x5c: {  	_ =	shalt  }
0x5d: {  	_ =	shalt  }
0x5e: {  	_ =	shalt  }
0x5f: {  	_ =	shalt  }
0x60: {  	_ =	shalt  }
0x61: {  	_ =	shalt  }
0x62: {  	_ =	shalt  }
0x63: {  	_ =	shalt  }
0x64: {  	_ =	shalt  }
0x65: {  	_ =	shalt  }
0x66: {  	_ =	shalt  }
0x67: {  	_ =	shalt  }
0x68: {  	_ =	shalt  }
0x69: {  	_ =	shalt  }
0x6a: {  	_ =	shalt  }
0x6b: {  	_ =	shalt  }
0x6c: {  	_ =	shalt  }
0x6d: {  	_ =	shalt  }
0x6e: {  	_ =	shalt  }
0x6f: {  	_ =	shalt  }
0x70: {  	_ =	shalt  }
0x71: {  	_ =	shalt  }
0x72: {  	_ =	shalt  }
0x73: {  	_ =	shalt  }
0x74: {  	_ =	shalt  }
0x75: {  	_ =	shalt  }
0x76: {  	_ =	shalt  }
0x77: {  	_ =	shalt  }
0x78: {  	_ =	shalt  }
0x79: {  	_ =	shalt  }
0x7a: {  	_ =	shalt  }
0x7b: {  	_ =	shalt  }
0x7c: {  	_ =	shalt  }
0x7d: {  	_ =	shalt  }
0x7e: {  	_ =	shalt  }
0x7f: {  	_ =	shalt  }
0x80: {  	_ =	shalt  }
0x81: {  	_ =	shalt  }
0x82: {  	_ =	shalt  }
0x83: {  	_ =	shalt  }
0x84: {  	_ =	shalt  }
0x85: {  	_ =	shalt  }
0x86: {  	_ =	shalt  }
0x87: {  	_ =	shalt  }
.Lfunc_end0:
.L_simem_size_0:
called_computation_lowered:
.L_overlay_start_0:
0x88: {  	s2 =	sld [smem:$0x3FD9]  }
0x89: {  	s3 =	sld [smem:$0x3FFE];
	_ =	sdelay $0x1  }
0x8a: {  	s1 =	srdreg.scid  }
0x8b: {  	s0 =	sand.u32 $0x1, s1  }
0x8c: {  	s17 =	sshll.u32 s0, $0xA;
	s2 =	sadd.s32 s3, s2  }
0x8d: {  	s2 =	sadd.s32 s2, s17  }
0x8e: {  	[smem:$0x3FC2] =	sst s2  }
0x8f: {  	_ = 	snop  }
0x90: {  	s2 =	sld [smem:$0x3FD0];
	(tm) =	ssettm $0x1  }
0x91: {  	s18 =	sld [smem:$0x3FFB];
	_ =	sdelay $0x3  }
0x92: {  	_ =	strace s18  }
0x93: {  	s3 =	sld [smem:$0x3FFC];
	_ =	sdelay $0x3  }
0x94: {  	_ =	strace s3  }
0x95: {  	s3 =	sld [smem:$0x3FFD];
	_ =	sdelay $0x3  }
0x96: {  	_ =	strace s3  }
0x97: {  	_ =	strace $0x8FFFFFFF  }
0x98: {  	s19 =	sld [smem:$0x3FDB];
	_ =	sdelay $0x1  }
0x99: {  	s4 =	simm.s32 $_scs_section_size  }
0x9a: {  	s5 =	simm.s32 $_size__tile_overlayer_lowered;
	s6 =	simm.s32 $_tile_overlayer_lowered  }
0x9b: {  	s22 =	simm.s32 $0x1BFF;
	s21 =	sshll.u32 s6, $0x1;
	s3 =	sadd.s32 s4, s19  }
0x9c: {  	s7 =	simm.s32 $0x0;
	s20 =	sshll.u32 s5, $0x1;
	s5 =	sadd.s32 s21, s3  }
0x9d: {  	[timem:s7], [sflag:s22] =	dma.local [hbm:s5], s20  }
0x9e: {  	_ =	swait.ge [sflag:s22], s20  }
0x9f: {  	s4 =	ssub.s32 $0x0, s20;
	[sflag:s22] =	ssyncset.done $0x0  }
0xa0: {  	[sflag:s22] =	ssyncadd.s32 s4;
	_ =	sdelay $0x1  }
0xa1: {  	s23 =	simm.s32 $0x1B8B  }
0xa2: {  	_ =	swait.ge [sflag:s23], $0x1  }
0xa3: {  	[sflag:s23] =	ssyncset.done $0x0  }
0xa4: {  	s25 =	simm.s32 $0x1B8E;
	s24 =	sld [smem:$0x3FFE];
	[sflag:s23] =	ssyncadd.s32 $0xFFFFFFFF  }
0xa5: {  	s26 =	simm.s32 $execute0_lowered;
	[smem:$0x3FD2] =	sst s25  }
0xa6: {  	s5 =	sshll.u32 s26, $0x1;
	_ =	strace $0x80000046;
	[dreg:$0x1] =	wrdreg $0xFFFFFFFF  }
0xa7: {  	s28 =	simm.s32 $_size_execute0_lowered;
	s3 =	sadd.s32 s3, s5;
	[dreg:$0x0] =	wrdreg $0x0  }
0xa8: {  	s5 =	sshll.u32 s28, $0x1;
	[dreg:$0x2] =	wrdreg s3  }
0xa9: {  	[dreg:$0x3] =	wrdreg s5  }
0xaa: {  	[dreg:$0x4] =	wrdreg $0xC0  }
0xab: {  	_ =	task [dreg:s7], $0x5FFFF  }
0xac: {  	[dreg:$0x1] =	wrdreg $0xFFFFFFFF  }
0xad: {  	[dreg:$0x0] =	wrdreg $0x60  }
0xae: {  	[dreg:$0x2] =	wrdreg s24  }
0xaf: {  	[dreg:$0x3] =	wrdreg s2  }
0xb0: {  	[dreg:$0x4] =	wrdreg $0x50980  }
0xb1: {  	[dreg:$0x5] =	wrdreg $0x9  }
0xb2: {  	_ =	task.clear_ibuf [dreg:s7], $0x6FFFF;
	_ =	strace $0x90000046  }
0xb3: {  	s29 =	simm.s32 $0x9;
	_ =	strace $0x80000048  }
0xb4: {  	_ =	swait.ge [sflag:s29], $0x1  }
0xb5: {  	[sflag:s29] =	ssyncadd.s32 $0xFFFFFFFF  }
0xb6: {  	_ =	strace $0x90000048  }
0xb7: {  	_ =	sfence  }
0xb8: {  	s30 =	sld [smem:$0x0];
	_ =	sdelay $0x2  }
0xb9: {  	s31 =	sshll.u32 s1, $0xD;
	s1 =	sshrl.u32 s1, $0x2  }
0xba: {  	s3 =	sand.u32 $0x4000, s31;
	s1 =	sadd.s32 s1, s30  }
0xbb: {  	s0 =	sor.u32 s3, s0;
	s1 =	sshll.u32 s1, $0x11  }
0xbc: {  	s0 =	sor.u32 s1, s0  }
0xbd: {  	s0 =	sadd.s32 $0x8F2B, s0  }
0xbe: {  	[sflag:s0] =	ssyncadd.remote.s32 $0x1  }
0xbf: {  	_ =	sfence.sel $0xFFFF  }
0xc0: {  	[dreg:$0x0] =	wrdreg $0xFFFFFFFF;
	(pc) =	sbr.abs _section_cstart, $3  }
0xc1: {  	[dreg:$0x1] =	wrdreg $0xFFFFFFFF  }
0xc2: {  	_ =	task.clear_ibuf [dreg:s7], $0x2FFFF;
	_ =	strace $0x9FFFFFFF  }
0xc3: {  	(tm) =	ssettm $0x7FFFFFFF  }
tec
execute0_lowered:
.L_overlay_start_1:
0x0: {  	(tag) =	ssettag $0x1  }
0x1: {  	v0 =	vlaneseq.u32;
	s5 =	rddreg [dreg:$0x0];
	v40 =	vimm.f32 $0.0e+00;
	v41 =	vimm.f32 $1.000000000e+00  }
0x2: {  	s0 =	rddreg [dreg:$0x1];
	v1 =	vor.u32 $0x10, v0;
	v2 =	vor.u32 $0x20, v0;
	v3 =	vor.u32 $0x30, v0  }
0x3: {  	s2 =	srdreg.scid;
	s9 =	stileid.u32;
	v4 =	vor.u32 $0x40, v0;
	v5 =	vor.u32 $0x50, v0;
	v6 =	vor.u32 $0x60, v0  }
0x4: {  	s1 =	rddreg [dreg:$0x2];
	s3 =	simm.s32 $0x0;
	s14 =	simm.s32 $0x0;
	v7 =	vor.u32 $0x70, v0;
	v8 =	vor.u32 $0x80, v0;
	v9 =	vor.u32 $0x90, v0  }
0x5: {  	s6 =	sand.u32 $0x1, s2;
	s4 =	sshll.u32 s9, $0x1;
	v10 =	vor.u32 $0xA0, v0;
	v11 =	vor.u32 $0xB0, v0;
	s2 =	rddreg [dreg:$0x3];
	v12 =	vor.u32 $0xC0, v0  }
0x6: {  	v13 =	vor.u32 $0xD0, v0;
	v14 =	vor.u32 $0xE0, v0;
	[smem:$0x7FF] =	sst s3;
	v15 =	vor.u32 $0xF0, v0;
	p0 =	seq.s32 s9, $0x0;
	s4 =	sor.u32 s6, s4  }
0x7: {  	v16 =	vor.u32 $0x100, v0;
	v17 =	vor.u32 $0x110, v0;
	v18 =	vor.u32 $0x120, v0;
	s7 =	ssub.s32 $0x2, s6;
	_ =	strace $0x80000047;
	p1 =	seq.s32 s6, $0x1  }
0x8: {  	v19 =	vor.u32 $0x130, v0;
	v20 =	vor.u32 $0x140, v0;
	v21 =	vor.u32 $0x150, v0;
	s31 =	sor.u32 s6, s9;
	s8 =	smul.u32 $0x2710, s4;
	s4 =	sadd.s32 $0x18200, s5  }
0x9: {  	v22 =	vor.u32 $0x160, v0;
	v23 =	vor.u32 $0x170, v0;
	v24 =	vor.u32 $0x180, v0;
	s10 =	sshrl.u32 s7, $0x1;
	p0 =	por !p0, !p1;
	p2 =	sne.s32 s31, $0x0  }
0xa: {  	v25 =	vor.u32 $0x190, v0;
	v26 =	vor.u32 $0x1A0, v0;
	v27 =	vor.u32 $0x1B0, v0;
	p1 =	sne.s32 s9, $0x0;
	s7 =	ssub.s32 s7, s10;
	p0 =	por !p0, !p0  }
0xb: {  	v28 =	vor.u32 $0x1C0, v0;
	v29 =	vor.u32 $0x1D0, v0;
	v30 =	vor.u32 $0x1E0, v0;
	s11 =	sshll.u32 @!p2 s9, $0x6;
	s9 =	simm.s32 $0x271;
	s10 =	simm.s32 $0x4E20  }
0xc: {  	v31 =	vor.u32 $0x1F0, v0;
	v32 =	vor.u32 $0x200, v0;
	v33 =	vor.u32 $0x210, v0;
	s12 =	sshrl.u32 @!p2 s1, $0x3;
	s8 =	sshrl.u32 s8, $0x3;
	s6 =	smax.u32 s7, $0x1  }
0xd: {  	v34 =	vor.u32 $0x220, v0;
	v35 =	vor.u32 $0x230, v0;
	v36 =	vor.u32 $0x240, v0;
	s7 =	simm.s32 $0x1;
	s11 =	sor.u32 @!p2 $0x1C01, s11;
	s5 =	sadd.s32 s5, s8  }
0xe: {  	v37 =	vor.u32 $0x250, v0;
	v38 =	vor.u32 $0x260, v0;
	v39 =	vadd.s32 $0x261, v0;
	s13 =	sshrl.u32 @p0 s1, $0x3;
	s8 =	simm.s32 $0x2710;
	s5 =	sadd.s32 $0xE440, s5  }
.LBB2_1:
0xf: {  	[tilespmem:s3], [sflag:$0x1] =	stream.linear.gather [hbm4b:s5+s3], $0x2710, $0x38;
	[tilespmem:$0x5310] =	vst v63  }
0x10: {  	_ =	swait.ge [sflag:s7], $0x2710  }
0x11: {  	[sflag:s7] =	ssyncset.done $0x0  }
0x12: {  	[sflag:s7] =	ssyncadd.s32 $0xFFFFD8F0  }
0x13: {  	[tilespmem:$0x4E20] =	vst v0  }
0x14: {  	[tilespmem:$0x4E30] =	vst v1  }
0x15: {  	[tilespmem:$0x4E40] =	vst v2  }
0x16: {  	[tilespmem:$0x4E50] =	vst v3  }
0x17: {  	[tilespmem:$0x4E60] =	vst v4  }
0x18: {  	[tilespmem:$0x4E70] =	vst v5  }
0x19: {  	[tilespmem:$0x4E80] =	vst v6  }
0x1a: {  	[tilespmem:$0x4E90] =	vst v7  }
0x1b: {  	[tilespmem:$0x4EA0] =	vst v8  }
0x1c: {  	[tilespmem:$0x4EB0] =	vst v9  }
0x1d: {  	[tilespmem:$0x4EC0] =	vst v10  }
0x1e: {  	[tilespmem:$0x4ED0] =	vst v11  }
0x1f: {  	[tilespmem:$0x4EE0] =	vst v12  }
0x20: {  	[tilespmem:$0x4EF0] =	vst v13  }
0x21: {  	[tilespmem:$0x4F00] =	vst v14  }
0x22: {  	[tilespmem:$0x4F10] =	vst v15  }
0x23: {  	[tilespmem:$0x4F20] =	vst v16  }
0x24: {  	[tilespmem:$0x4F30] =	vst v17  }
0x25: {  	[tilespmem:$0x4F40] =	vst v18  }
0x26: {  	[tilespmem:$0x4F50] =	vst v19  }
0x27: {  	[tilespmem:$0x4F60] =	vst v20  }
0x28: {  	[tilespmem:$0x4F70] =	vst v21  }
0x29: {  	[tilespmem:$0x4F80] =	vst v22  }
0x2a: {  	[tilespmem:$0x4F90] =	vst v23  }
0x2b: {  	[tilespmem:$0x4FA0] =	vst v24  }
0x2c: {  	[tilespmem:$0x4FB0] =	vst v25  }
0x2d: {  	[tilespmem:$0x4FC0] =	vst v26  }
0x2e: {  	[tilespmem:$0x4FD0] =	vst v27  }
0x2f: {  	[tilespmem:$0x4FE0] =	vst v28  }
0x30: {  	[tilespmem:$0x4FF0] =	vst v29  }
0x31: {  	[tilespmem:$0x5000] =	vst v30  }
0x32: {  	[tilespmem:$0x5010] =	vst v31  }
0x33: {  	[tilespmem:$0x5020] =	vst v32  }
0x34: {  	[tilespmem:$0x5030] =	vst v33  }
0x35: {  	[tilespmem:$0x5040] =	vst v34  }
0x36: {  	[tilespmem:$0x5050] =	vst v35  }
0x37: {  	[tilespmem:$0x5060] =	vst v36  }
0x38: {  	[tilespmem:$0x5070] =	vst v37  }
0x39: {  	[tilespmem:$0x5080] =	vst v38  }
0x3a: {  	s15 =	simm.s32 $0x40;
	s16 =	simm.s32 $0x0;
	[tilespmem:$0x5081] =	vst v39  }
.LBB2_2:
0x3b: {  	p3 =	sne.s32 s15, $0x9C00;
	[tilespmem:s16+$0x2710] =	vst v40;
	s16 =	smov.u32 s15;
	s15 =	sadd.s32 $0x40, s15  }
.Ltmp0:
0x3c: {  	(pc) =	sbr.rel @p3 .LBB2_2-.Ltmp0, $2  }
0x3d: {  	_ =	sdelay $0x2  }
0x3e: {  	s16 =	sshra.s32 s16, $0x2  }
0x3f: {  	[tilespmem:s16+$0x2710] =	vst v40;
	s15 =	simm.s32 @!p1 $0x2710  }
0x40: {  	[spmem:s1] =	stream.linear.scatter @!p1 [tilespmem:s15], [sflag:$0x1], $0x2710, $0x38;
	[tilespmem:$0x5310] =	vst v63  }
0x41: {  	s15 =	simm.s32 @!p1 $0x1  }
0x42: {  	_ =	swait.ge @!p1 [sflag:s15], $0x2710  }
0x43: {  	[sflag:s15] =	ssyncset.done @!p1 $0x0  }
0x44: {  	[sflag:s15] =	ssyncadd.s32 @!p1 $0xFFFFD8F0  }
0x45: {  	s31 =	simm.s32 $0x20;
	[bflag:$0x0] =	sbarrier.arrive $0xFFFF  }
0x46: {  	v45 =	vld [tilespmem:s31+$0x10];
	_ =	sdelay $0x4  }
0x47: {  	v44 =	vld [tilespmem:s31+$0xFFFFFFE0]  }
0x48: {  	v42 =	vld [tilespmem:s31+$0xFFFFFFF0]  }
0x49: {  	v43 =	vld [tilespmem:s31+$0x0]  }
0x4a: {  	s16 =	simm.s32 $0x60;
	s15 =	simm.s32 $0x0;
	[tilespmem:v45+s8+$0x0] =	vst.idx.add.f32.msk $0xffff, v41  }
.LBB2_4:
0x4b: {  	v45 =	vld [tilespmem:s16+$0x10];
	s15 =	sadd.s32 $0x4, s15  }
0x4c: {  	v46 =	vld [tilespmem:s16+$0xFFFFFFF0];
	p3 =	slt.u32 s15, $0x26C  }
0x4d: {  	v47 =	vld [tilespmem:s16+$0x0]  }
0x4e: {  	v48 =	vld [tilespmem:s16+$0xFFFFFFE0]  }
.Ltmp1:
0x4f: {  	[tilespmem:v44+s8+$0x0] =	vst.idx.add.f32.msk $0xffff, v41;
	(pc) =	sbr.rel @p3 .LBB2_4-.Ltmp1, $4  }
0x50: {  	[tilespmem:v42+s8+$0x0] =	vst.idx.add.f32.msk $0xffff, v41  }
0x51: {  	[tilespmem:v43+s8+$0x0] =	vst.idx.add.f32.msk $0xffff, v41;
	v42 =	vmov v46  }
0x52: {  	v43 =	vmov v47  }
0x53: {  	s16 =	sadd.s32 $0x40, s16;
	[tilespmem:v45+s8+$0x0] =	vst.idx.add.f32.msk $0xffff, v41;
	v44 =	vmov v48  }
0x54: {  	_ =	sdelay $0x3  }
0x55: {  	[tilespmem:v44+s8+$0x0] =	vst.idx.add.f32.msk $0xffff, v41  }
0x56: {  	[tilespmem:v42+s8+$0x0] =	vst.idx.add.f32.msk $0xffff, v41  }
0x57: {  	[tilespmem:v43+s8+$0x0] =	vst.idx.add.f32.msk $0xffff, v41  }
0x58: {  	v42 =	vld [tilespmem:$0x2700];
	_ =	sdelay $0x7  }
0x59: {  	[tilespmem:v42+s8+$0x0] =	vst.idx.add.f32.msk $0xffff, v41  }
0x5a: {  	[spmem:s1] =	stream.indirect.scatter.add.f32 [tilespmem:s8], [sflag:$0x1], $0x10, s10, s9, $0xb8;
	[tilespmem:$0x5310] =	vst v63  }
0x5b: {  	_ =	swait.ge [sflag:s7], $0x2710  }
0x5c: {  	[sflag:s7] =	ssyncset.done $0x0  }
0x5d: {  	[sflag:s7] =	ssyncadd.s32 $0xFFFFD8F0  }
0x5e: {  	s15 =	simm.s32 @!p2 $0x1;
	[bflag:$0x0] =	sbarrier.arrive $0xFFFF  }
0x5f: {  	[hbm:s0], [sflag:s11] =	dma.local @!p2 [spmem:s12], $0x4E2  }
0x60: {  	_ =	swait.ge @!p2 [sflag:s15], $0x4E2  }
0x61: {  	s14 =	sadd.s32 $0x1, s14;
	[sflag:s15] =	ssyncset.done @!p2 $0x0  }
0x62: {  	p3 =	sne.s32 s14, s6;
	[sflag:s15] =	ssyncadd.s32 @!p2 $0xFFFFFB1E;
	s15 =	simm.s32 @p0 $0x1C01  }
0x63: {  	[hbm:s4], [sflag:s15] =	dma.local @p0 [spmem:s13], $0x4E2  }
.Ltmp2:
0x64: {  	_ = 	snop;
	(pc) =	sbr.rel @p3 .LBB2_1-.Ltmp2, $4  }
0x65: {  	s15 =	simm.s32 @p0 $0x1  }
0x66: {  	_ =	swait.ge @p0 [sflag:s15], $0x4E2  }
0x67: {  	[sflag:s15] =	ssyncset.done @p0 $0x0  }
0x68: {  	[sflag:s15] =	ssyncadd.s32 @p0 $0xFFFFFB1E  }
0x69: {  	_ =	sfence.sel $0x180000  }
0x6a: {  	[bflag:$0x0] =	sbarrier.arrive $0xFFFF  }
0x6b: {  	_ =	strace $0x90000047  }
0x6c: {  	s0 =	sadd.s32 @!p1 $0x100000, s2;
	[bflag:$0x2] =	sbarrier.arrive $0xFFFF  }
0x6d: {  	[sflag:s0] =	ssyncadd.tile.s32 @!p1 $0x1;
	_ =	shalt  }
.Lfunc_end2:
_tile_overlayer_lowered:
.L_overlay_start_2:
0x6e: {  	(tag) =	ssettag $0x2  }
0x6f: {  	s0 =	rddreg [dreg:$0x0];
	s2 =	stileid.u32  }
0x70: {  	s1 =	rddreg [dreg:$0x1];
	p0 =	sne.s32 s2, $0x0  }
0x71: {  	s3 =	rddreg [dreg:$0x2];
	[bflag:$0x3] =	sbarrier.arrive $0xFFFF;
	s2 =	simm.s32 @!p0 $0x1C01  }
0x72: {  	[timem:s3], [sflag:s2] =	dma.local @!p0 [hbm:s0], s1  }
0x73: {  	s0 =	simm.s32 @!p0 $0x1  }
0x74: {  	_ =	swait.ge @!p0 [sflag:s0], s1  }
0x75: {  	s1 =	ssub.s32 @!p0 $0x0, s1;
	[sflag:s0] =	ssyncset.done @!p0 $0x0  }
0x76: {  	[sflag:s0] =	ssyncadd.s32 @!p0 s1  }
0x77: {  	[bflag:$0x3] =	sbarrier.arrive $0xFFFF  }
0x78: {  	_ =	shalt  }

</sc_bundles>
